<compile_context>
chip_gen: v7x
topology: tpu7x:2x2x1
jax: 0.10.2.dev20260603
libtpu: 0.0.44.dev20260713+nightly
codegen_flags: <defaults>
</compile_context>

<pallas_src>
import functools

import jax
import jax.numpy as jnp
from jax import lax
from jax.experimental import pallas as pl
from jax.experimental.pallas import tpu as pltpu
from jax.experimental.pallas import tpu_sc as plsc

N = 10000
E = 320000
D = 128
NC = 2
NS = 16
NW = NC * NS
EW = E // NW
CH = 128
NCHUNK = 79
EWP = NCHUNK * CH
NP = 10112
RT = NP // NS

_mesh = plsc.VectorSubcoreMesh(core_axis_name="c", subcore_axis_name="s")


@functools.partial(
    pl.kernel,
    mesh=_mesh,
    out_type=jax.ShapeDtypeStruct((NC, 3, NP, D), jnp.float32),
    scratch_types=[
        pltpu.VMEM((NCHUNK * CH,), jnp.int32),
        pltpu.VMEM((2, CH), jnp.int32),
        pltpu.VMEM((CH, D), jnp.float32),
        pltpu.VMEM((CH, D), jnp.float32),
        pltpu.VMEM_SHARED((NP, D), jnp.float32),
        pltpu.SemaphoreType.DMA,
        pltpu.SemaphoreType.DMA,
        pltpu.SemaphoreType.DMA,
        pltpu.SemaphoreType.DMA,
    ],
)
def _segsum3(tab0_hbm, tab1_hbm, tab2_hbm, src_hbm, dst_hbm, z_hbm, out_hbm,
             src2_v, dstb_v, rows_a, rows_b, acc, sem_a, sem_b, dsem_a, dsem_b):
    c = lax.axis_index("c")
    s = lax.axis_index("s")
    w = c * NS + s
    r0 = s * RT
    dbase = w * EWP

    pltpu.sync_copy(src_hbm.at[pl.ds(w * EWP, EWP)], src2_v)

    rows = (rows_a, rows_b)
    gsem = (sem_a, sem_b)
    dsem = (dsem_a, dsem_b)

    def dload(j, b):
        pltpu.async_copy(dst_hbm.at[pl.ds(dbase + j * CH, CH)],
                         dstb_v.at[b], dsem[b])

    def dwait(b):
        pltpu.make_async_copy(dst_hbm.at[pl.ds(0, CH)],
                              dstb_v.at[b], dsem[b]).wait()

    for t, tab_hbm in enumerate((tab0_hbm, tab1_hbm, tab2_hbm)):
        pltpu.sync_copy(z_hbm.at[pl.ds(r0, RT)], acc.at[pl.ds(r0, RT)])
        plsc.subcore_barrier()

        def gather(j, b, tab_hbm=tab_hbm):
            pltpu.async_copy(tab_hbm.at[src2_v.at[pl.ds(j * CH, CH)]],
                             rows[b], gsem[b])

        def gwait(b, tab_hbm=tab_hbm):
            pltpu.make_async_copy(tab_hbm.at[src2_v.at[pl.ds(0, CH)]],
                                  rows[b], gsem[b]).wait()

        def scatter(b):
            pltpu.sync_copy(rows[b], acc.at[dstb_v.at[b]], add=True)

        gather(0, 0), dload(0, 0)
        gather(1, 1), dload(1, 1)

        def pair(jj, carry):
            j0 = jj * 2
            for b in range(2):
                gwait(b)
                dwait(b)
                scatter(b)
                gather(j0 + 2 + b, b)
                dload(j0 + 2 + b, b)
            return carry

        lax.fori_loop(0, (NCHUNK - 3) // 2, pair, 0)
        gwait(0)
        dwait(0)
        scatter(0)
        gather(NCHUNK - 1, 0)
        dload(NCHUNK - 1, 0)
        gwait(1)
        dwait(1)
        scatter(1)
        gwait(0)
        dwait(0)
        scatter(0)

        plsc.subcore_barrier()
        pltpu.sync_copy(acc.at[pl.ds(r0, RT)],
                        out_hbm.at[c, t, pl.ds(r0, RT)])
        plsc.subcore_barrier()


_BR = 1000


def _prep_body(x_ref, age_ref, out_ref):
    x = x_ref[...]
    age = age_ref[...]
    m1 = (age >= 1).astype(jnp.float32)
    m2 = (age >= 2).astype(jnp.float32)
    out_ref[...] = jnp.stack([x * m1, x * m2])


def _prep(x, age2d):
    return pl.pallas_call(
        _prep_body,
        grid=(N // _BR,),
        in_specs=[
            pl.BlockSpec((_BR, D), lambda i: (i, 0)),
            pl.BlockSpec((_BR, 1), lambda i: (i, 0)),
        ],
        out_specs=pl.BlockSpec((2, _BR, D), lambda i: (0, i, 0)),
        out_shape=jax.ShapeDtypeStruct((2, N, D), jnp.float32),
    )(x, age2d)


def _combine_body(p_ref, h1_ref):
    p = p_ref[...]
    h1_ref[...] = jnp.maximum(p[0] + p[1], 0.0)


def _combine(part):
    return pl.pallas_call(
        _combine_body,
        grid=(N // _BR,),
        in_specs=[pl.BlockSpec((NC, 3, _BR, D), lambda i: (0, 0, i, 0))],
        out_specs=pl.BlockSpec((3, _BR, D), lambda i: (0, i, 0)),
        out_shape=jax.ShapeDtypeStruct((3, N, D), jnp.float32),
    )(part)


def _final_body(x_ref, age_ref, h1_ref, p2_ref, out_ref):
    x = x_ref[...]
    age = age_ref[...]
    h1 = h1_ref[...]
    p2 = p2_ref[...]
    h2 = jnp.maximum(p2[0] + p2[1], 0.0)
    m1 = (age >= 1).astype(jnp.float32)
    m2 = (age >= 2).astype(jnp.float32)
    out_ref[...] = jnp.concatenate([
        x,
        h1[0],
        h2[0],
        x * (1.0 - 0.5 * (m1 + m2)),
        h1[0] - 0.5 * (h1[1] + h1[2]),
        h2[0] - 0.5 * (h2[1] + h2[2]),
    ], axis=1)


def _final(x, age2d, h1, part2):
    return pl.pallas_call(
        _final_body,
        grid=(N // _BR,),
        in_specs=[
            pl.BlockSpec((_BR, D), lambda i: (i, 0)),
            pl.BlockSpec((_BR, 1), lambda i: (i, 0)),
            pl.BlockSpec((3, _BR, D), lambda i: (0, i, 0)),
            pl.BlockSpec((NC, 3, _BR, D), lambda i: (0, 0, i, 0)),
        ],
        out_specs=pl.BlockSpec((_BR, 6 * D), lambda i: (i, 0)),
        out_shape=jax.ShapeDtypeStruct((N, 6 * D), jnp.float32),
    )(x, age2d, h1, part2)


def kernel(x, age, edge_index):
    src = edge_index[0]
    dst = edge_index[1]
    age2d = age[:, None]
    z = jnp.zeros((NP, D), jnp.float32)

    npad = EWP - EW
    pad_src = jnp.broadcast_to(jnp.arange(npad, dtype=jnp.int32), (NW, npad))
    pad_dst = jnp.broadcast_to(
        N + (jnp.arange(npad, dtype=jnp.int32) % (NP - N)), (NW, npad))
    srcp = jnp.concatenate([src.reshape(NW, EW), pad_src], axis=1)
    srcp = srcp.reshape(NW * EWP)
    dstp = jnp.concatenate([dst.reshape(NW, EW), pad_dst], axis=1)
    dstp = dstp.reshape(NW * EWP)

    xt = _prep(x, age2d)
    part1 = _segsum3(x, xt[0], xt[1], srcp, dstp, z)
    h1 = _combine(part1)
    part2 = _segsum3(h1[0], h1[1], h1[2], srcp, dstp, z)
    return _final(x, age2d, h1, part2)

# --- scband reference (transcript-rebuilt; emitter-appended) ---
"""Pipeline reference for scband-split-round-gin-noparam-29257317220550 (READ-ONLY COPY).

The authoritative reference and input builder live on the scoring server;
editing this copy changes nothing except your own understanding.
"""

import jax, jax.numpy as jnp
import numpy as np

N = 10000
E = 320000
D = 128
ROUND_WINDOW = 3
NUM_LAYERS = 2
EPS = -1.0  # init_eps=-1, so (1+eps)*h_dst == 0 in GINConv with apply_func=None


def setup_inputs(seed: int = 0):
    key = jax.random.key(seed)
    k1, k2, k3 = jax.random.split(key, 3)
    x = jax.random.normal(k1, (N, D), dtype=jnp.float32)
    age = jax.random.randint(k2, (N,), 0, 3, dtype=jnp.int32)
    edge_index = jax.random.randint(k3, (2, E), 0, N, dtype=jnp.int32)
    return {"x": x, "age": age, "edge_index": edge_index}


def _gin_conv(h, src, dst, n_nodes):
    # dgl GINConv with apply_func=None, aggregator_type='sum':
    # rst = (1 + eps) * h_dst + segment_sum(h_src by dst). With eps=-1 the self term vanishes.
    neigh = jax.ops.segment_sum(h[src], dst, num_segments=n_nodes)
    return (1.0 + EPS) * h + neigh


def reference(x, age, edge_index):
    n_nodes = x.shape[0]
    src = edge_index[0]
    dst = edge_index[1]
    h_windows = []
    for w in range(ROUND_WINDOW):
        # feat_mask: age_range (== w for this window slice) <= age, broadcast over features
        mask = (w <= age).astype(x.dtype)[:, None]
        h_layer = x * mask  # norm_name='none' -> identity normalize
        h_neigh = [h_layer]
        for _ in range(NUM_LAYERS):
            h_layer = _gin_conv(h_layer, src, dst, n_nodes)
            h_layer = jax.nn.relu(h_layer)  # normalize is identity
            h_neigh.append(h_layer)
        h_windows.append(jnp.concatenate(h_neigh, axis=1))
    h_self = h_windows[0]
    # temporal_agg == 'mean_final'
    h_temp = jnp.stack([h_windows[0] - h_windows[i] for i in range(1, ROUND_WINDOW)]).mean(axis=0)
    h_final = jnp.concatenate([h_self, h_temp], axis=1)
    return h_final

if __name__ == "__main__":
    import jax
    _d = setup_inputs()
    print(jax.jit(kernel)(*tuple(_d.values())))

</pallas_src>

<mosaic_0001>
#map = affine_map<(d0, d1) -> (0, 0)>
#map1 = affine_map<(d0, d1) -> (0)>
#map2 = affine_map<(d0, d1) -> (0, 0, 0, 0)>
module attributes {stable_mosaic.version = 14 : i64} {
  func.func @_segsum3(%arg0: i32, %arg1: i32, %arg2: memref<10000x128xf32, #tpu.memory_space<hbm>>, %arg3: memref<10000x128xf32, #tpu.memory_space<hbm>>, %arg4: memref<10000x128xf32, #tpu.memory_space<hbm>>, %arg5: memref<323584xi32, #tpu.memory_space<hbm>>, %arg6: memref<323584xi32, #tpu.memory_space<hbm>>, %arg7: memref<10112x128xf32, #tpu.memory_space<hbm>>, %arg8: memref<2x3x10112x128xf32, #tpu.memory_space<hbm>>, %arg9: memref<10112xi32, #tpu.memory_space<vmem>>, %arg10: memref<2x128xi32, #tpu.memory_space<vmem>>, %arg11: memref<128x128xf32, #tpu.memory_space<vmem>>, %arg12: memref<128x128xf32, #tpu.memory_space<vmem>>, %arg13: memref<10112x128xf32, #tpu.memory_space<vmem_shared>>, %arg14: memref<!tpu.dma_semaphore, #tpu.memory_space<semaphore_mem>>, %arg15: memref<!tpu.dma_semaphore, #tpu.memory_space<semaphore_mem>>, %arg16: memref<!tpu.dma_semaphore, #tpu.memory_space<semaphore_mem>>, %arg17: memref<!tpu.dma_semaphore, #tpu.memory_space<semaphore_mem>>) attributes {dimension_semantics = [#tpu.dimension_semantics<core_parallel>, #tpu.dimension_semantics<subcore_parallel>], iteration_bounds = array<i64: 2, 16>, scalar_prefetch = 0 : i64, scratch_operands = 9 : i64, tpu.core_type = #tpu.core_type<sc_vector_subcore>, window_params = [{transform_indices = #map}, {transform_indices = #map}, {transform_indices = #map}, {transform_indices = #map1}, {transform_indices = #map1}, {transform_indices = #map}, {transform_indices = #map2}]} {
    %mul3A = arith.constant 16 : i32
    %mul3A_0 = arith.muli %arg0, %mul3A : i32
    %add3A = arith.addi %mul3A_0, %arg1 : i32
    %mul3A_1 = arith.constant 632 : i32
    %mul3A_2 = arith.muli %arg1, %mul3A_1 : i32
    %mul3A_3 = arith.constant 10112 : i32
    %mul3A_4 = arith.muli %add3A, %mul3A_3 : i32
    %mul3A_5 = arith.constant 10112 : i32
    %mul3A_6 = arith.muli %add3A, %mul3A_5 : i32
    "tpu.region"() ({
      %run_scoped3A_329 = tpu.sem_alloc : memref<!tpu.dma_semaphore, #tpu.memory_space<semaphore_mem>>
      %dma_start3A_330 = tpu.memref_slice %arg5[%mul3A_6] : memref<323584xi32, #tpu.memory_space<hbm>> -> memref<10112xi32, #tpu.memory_space<hbm>>
      %dma_start3A_331 = tpu.memref_slice %arg5[%mul3A_6] : memref<323584xi32, #tpu.memory_space<hbm>> -> memref<10112xi32, #tpu.memory_space<hbm>>
      tpu.enqueue_dma source(%dma_start3A_331 : memref<10112xi32, #tpu.memory_space<hbm>>) target(%arg9 : memref<10112xi32, #tpu.memory_space<vmem>>) target_semaphore(%run_scoped3A_329 : memref<!tpu.dma_semaphore, #tpu.memory_space<semaphore_mem>>)
      %dma_wait3A_332 = tpu.memref_slice %arg5[%mul3A_6] : memref<323584xi32, #tpu.memory_space<hbm>> -> memref<10112xi32, #tpu.memory_space<hbm>>
      %dma_wait3A_333 = tpu.memref_slice %arg5[%mul3A_6] : memref<323584xi32, #tpu.memory_space<hbm>> -> memref<10112xi32, #tpu.memory_space<hbm>>
      tpu.wait_dma2 semaphore(%run_scoped3A_329 : memref<!tpu.dma_semaphore, #tpu.memory_space<semaphore_mem>>) src(%dma_wait3A_333 : memref<10112xi32, #tpu.memory_space<hbm>>) dst(%arg9 : memref<10112xi32, #tpu.memory_space<vmem>>)
      tpu.yield
    }) : () -> ()
    "tpu.region"() ({
      %run_scoped3A_329 = tpu.sem_alloc : memref<!tpu.dma_semaphore, #tpu.memory_space<semaphore_mem>>
      %dma_start3A_330 = arith.constant 0 : i32
      %dma_start3A_331 = tpu.memref_slice %arg13[%mul3A_2, %dma_start3A_330] : memref<10112x128xf32, #tpu.memory_space<vmem_shared>> -> memref<632x128xf32, #tpu.memory_space<vmem_shared>>
      %dma_start3A_332 = arith.constant 0 : i32
      %dma_start3A_333 = tpu.memref_slice %arg7[%mul3A_2, %dma_start3A_332] : memref<10112x128xf32, #tpu.memory_space<hbm>> -> memref<632x128xf32, #tpu.memory_space<hbm>>
      tpu.enqueue_dma source(%dma_start3A_333 : memref<632x128xf32, #tpu.memory_space<hbm>>) target(%dma_start3A_331 : memref<632x128xf32, #tpu.memory_space<vmem_shared>>) target_semaphore(%run_scoped3A_329 : memref<!tpu.dma_semaphore, #tpu.memory_space<semaphore_mem>>)
      %dma_wait3A_334 = arith.constant 0 : i32
      %dma_wait3A_335 = tpu.memref_slice %arg13[%mul3A_2, %dma_wait3A_334] : memref<10112x128xf32, #tpu.memory_space<vmem_shared>> -> memref<632x128xf32, #tpu.memory_space<vmem_shared>>
      %dma_wait3A_336 = arith.constant 0 : i32
      %dma_wait3A_337 = tpu.memref_slice %arg7[%mul3A_2, %dma_wait3A_336] : memref<10112x128xf32, #tpu.memory_space<hbm>> -> memref<632x128xf32, #tpu.memory_space<hbm>>
      tpu.wait_dma2 semaphore(%run_scoped3A_329 : memref<!tpu.dma_semaphore, #tpu.memory_space<semaphore_mem>>) src(%dma_wait3A_337 : memref<632x128xf32, #tpu.memory_space<hbm>>) dst(%dma_wait3A_335 : memref<632x128xf32, #tpu.memory_space<vmem_shared>>)
      tpu.yield
    }) : () -> ()
    %barrier3A = arith.constant 0 : index
    tpu.barrier barrier_id(%barrier3A)
    %dma_start3A = arith.constant 0 : i32
    %dma_start3A_7 = tpu.memref_slice %arg9[%dma_start3A] : memref<10112xi32, #tpu.memory_space<vmem>> -> memref<128xi32, #tpu.memory_space<vmem>>
    %dma_start3A_8 = arith.constant 0 : i32
    %dma_start3A_9 = arith.constant 0 : i32
    %dma_start3A_10 = tpu.memref_slice %arg2[%dma_start3A_8, %dma_start3A_9] : memref<10000x128xf32, #tpu.memory_space<hbm>> -> memref<10000x128xf32, #tpu.memory_space<hbm>>
    tpu.enqueue_indirect_dma source(%dma_start3A_10 : memref<10000x128xf32, #tpu.memory_space<hbm>>) target(%arg11 : memref<128x128xf32, #tpu.memory_space<vmem>>) offsets(%dma_start3A_7 : memref<128xi32, #tpu.memory_space<vmem>>) semaphore(%arg14 : memref<!tpu.dma_semaphore, #tpu.memory_space<semaphore_mem>>)
    %add3A_11 = arith.constant 0 : i32
    %add3A_12 = arith.addi %mul3A_4, %add3A_11 : i32
    %dma_start3A_13 = arith.constant 0 : i32
    %dma_start3A_14 = arith.constant 0 : i32
    %dma_start3A_15 = tpu.memref_slice %arg10[%dma_start3A_13, %dma_start3A_14] : memref<2x128xi32, #tpu.memory_space<vmem>> -> memref<1x128xi32, #tpu.memory_space<vmem>>
    %dma_start3A_16 = tpu.memref_squeeze %dma_start3A_15 : memref<1x128xi32, #tpu.memory_space<vmem>> -> memref<128xi32, #tpu.memory_space<vmem>>
    %dma_start3A_17 = tpu.memref_slice %arg6[%add3A_12] : memref<323584xi32, #tpu.memory_space<hbm>> -> memref<128xi32, #tpu.memory_space<hbm>>
    %dma_start3A_18 = arith.constant 0 : i32
    %dma_start3A_19 = tpu.memref_slice %arg10[%dma_start3A_13, %dma_start3A_18] : memref<2x128xi32, #tpu.memory_space<vmem>> -> memref<1x128xi32, #tpu.memory_space<vmem>>
    %dma_start3A_20 = tpu.memref_squeeze %dma_start3A_19 : memref<1x128xi32, #tpu.memory_space<vmem>> -> memref<128xi32, #tpu.memory_space<vmem>>
    %dma_start3A_21 = tpu.memref_slice %arg6[%add3A_12] : memref<323584xi32, #tpu.memory_space<hbm>> -> memref<128xi32, #tpu.memory_space<hbm>>
    tpu.enqueue_dma source(%dma_start3A_21 : memref<128xi32, #tpu.memory_space<hbm>>) target(%dma_start3A_20 : memref<128xi32, #tpu.memory_space<vmem>>) target_semaphore(%arg16 : memref<!tpu.dma_semaphore, #tpu.memory_space<semaphore_mem>>)
    %dma_start3A_22 = arith.constant 128 : i32
    %dma_start3A_23 = tpu.memref_slice %arg9[%dma_start3A_22] : memref<10112xi32, #tpu.memory_space<vmem>> -> memref<128xi32, #tpu.memory_space<vmem>>
    %dma_start3A_24 = arith.constant 0 : i32
    %dma_start3A_25 = arith.constant 0 : i32
    %dma_start3A_26 = tpu.memref_slice %arg2[%dma_start3A_24, %dma_start3A_25] : memref<10000x128xf32, #tpu.memory_space<hbm>> -> memref<10000x128xf32, #tpu.memory_space<hbm>>
    tpu.enqueue_indirect_dma source(%dma_start3A_26 : memref<10000x128xf32, #tpu.memory_space<hbm>>) target(%arg12 : memref<128x128xf32, #tpu.memory_space<vmem>>) offsets(%dma_start3A_23 : memref<128xi32, #tpu.memory_space<vmem>>) semaphore(%arg15 : memref<!tpu.dma_semaphore, #tpu.memory_space<semaphore_mem>>)
    %add3A_27 = arith.constant 128 : i32
    %add3A_28 = arith.addi %mul3A_4, %add3A_27 : i32
    %dma_start3A_29 = arith.constant 1 : i32
    %dma_start3A_30 = arith.constant 0 : i32
    %dma_start3A_31 = tpu.memref_slice %arg10[%dma_start3A_29, %dma_start3A_30] : memref<2x128xi32, #tpu.memory_space<vmem>> -> memref<1x128xi32, #tpu.memory_space<vmem>>
    %dma_start3A_32 = tpu.memref_squeeze %dma_start3A_31 : memref<1x128xi32, #tpu.memory_space<vmem>> -> memref<128xi32, #tpu.memory_space<vmem>>
    %dma_start3A_33 = tpu.memref_slice %arg6[%add3A_28] : memref<323584xi32, #tpu.memory_space<hbm>> -> memref<128xi32, #tpu.memory_space<hbm>>
    %dma_start3A_34 = arith.constant 0 : i32
    %dma_start3A_35 = tpu.memref_slice %arg10[%dma_start3A_29, %dma_start3A_34] : memref<2x128xi32, #tpu.memory_space<vmem>> -> memref<1x128xi32, #tpu.memory_space<vmem>>
    %dma_start3A_36 = tpu.memref_squeeze %dma_start3A_35 : memref<1x128xi32, #tpu.memory_space<vmem>> -> memref<128xi32, #tpu.memory_space<vmem>>
    %dma_start3A_37 = tpu.memref_slice %arg6[%add3A_28] : memref<323584xi32, #tpu.memory_space<hbm>> -> memref<128xi32, #tpu.memory_space<hbm>>
    tpu.enqueue_dma source(%dma_start3A_37 : memref<128xi32, #tpu.memory_space<hbm>>) target(%dma_start3A_36 : memref<128xi32, #tpu.memory_space<vmem>>) target_semaphore(%arg17 : memref<!tpu.dma_semaphore, #tpu.memory_space<semaphore_mem>>)
    %scan3A = arith.constant 0 : i32
    %scan3A_38 = arith.constant 0 : i32
    %scan3A_39 = arith.constant 38 : i32
    %scan3A_40 = arith.addi %scan3A_38, %scan3A_39 : i32
    %scan3A_41 = arith.constant 1 : i32
    scf.for %scan3A_329 = %scan3A_38 to %scan3A_40 step %scan3A_41  : i32 {
      %mul3A_330 = arith.constant 2 : i32
      %mul3A_331 = arith.muli %scan3A_329, %mul3A_330 : i32
      %dma_wait3A_332 = arith.constant 0 : i32
      %dma_wait3A_333 = tpu.memref_slice %arg9[%dma_wait3A_332] : memref<10112xi32, #tpu.memory_space<vmem>> -> memref<128xi32, #tpu.memory_space<vmem>>
      %dma_wait3A_334 = arith.constant 0 : i32
      %dma_wait3A_335 = arith.constant 0 : i32
      %dma_wait3A_336 = tpu.memref_slice %arg2[%dma_wait3A_334, %dma_wait3A_335] : memref<10000x128xf32, #tpu.memory_space<hbm>> -> memref<10000x128xf32, #tpu.memory_space<hbm>>
      tpu.wait_indirect_dma semaphore(%arg14 : memref<!tpu.dma_semaphore, #tpu.memory_space<semaphore_mem>>) src(%dma_wait3A_336 : memref<10000x128xf32, #tpu.memory_space<hbm>>) dst(%arg11 : memref<128x128xf32, #tpu.memory_space<vmem>>)
      %dma_wait3A_337 = arith.constant 0 : i32
      %dma_wait3A_338 = arith.constant 0 : i32
      %dma_wait3A_339 = tpu.memref_slice %arg10[%dma_wait3A_337, %dma_wait3A_338] : memref<2x128xi32, #tpu.memory_space<vmem>> -> memref<1x128xi32, #tpu.memory_space<vmem>>
      %dma_wait3A_340 = tpu.memref_squeeze %dma_wait3A_339 : memref<1x128xi32, #tpu.memory_space<vmem>> -> memref<128xi32, #tpu.memory_space<vmem>>
      %dma_wait3A_341 = arith.constant 0 : i32
      %dma_wait3A_342 = tpu.memref_slice %arg6[%dma_wait3A_341] : memref<323584xi32, #tpu.memory_space<hbm>> -> memref<128xi32, #tpu.memory_space<hbm>>
      %dma_wait3A_343 = arith.constant 0 : i32
      %dma_wait3A_344 = tpu.memref_slice %arg10[%dma_wait3A_337, %dma_wait3A_343] : memref<2x128xi32, #tpu.memory_space<vmem>> -> memref<1x128xi32, #tpu.memory_space<vmem>>
      %dma_wait3A_345 = tpu.memref_squeeze %dma_wait3A_344 : memref<1x128xi32, #tpu.memory_space<vmem>> -> memref<128xi32, #tpu.memory_space<vmem>>
      %dma_wait3A_346 = arith.constant 0 : i32
      %dma_wait3A_347 = tpu.memref_slice %arg6[%dma_wait3A_346] : memref<323584xi32, #tpu.memory_space<hbm>> -> memref<128xi32, #tpu.memory_space<hbm>>
      tpu.wait_dma2 semaphore(%arg16 : memref<!tpu.dma_semaphore, #tpu.memory_space<semaphore_mem>>) src(%dma_wait3A_347 : memref<128xi32, #tpu.memory_space<hbm>>) dst(%dma_wait3A_345 : memref<128xi32, #tpu.memory_space<vmem>>)
      %run_scoped3A_348 = arith.constant 0 : i32
      "tpu.region"() ({
        %run_scoped3A_418 = tpu.sem_alloc : memref<!tpu.dma_semaphore, #tpu.memory_space<semaphore_mem>>
        %dma_start3A_419 = arith.constant 0 : i32
        %dma_start3A_420 = tpu.memref_slice %arg10[%run_scoped3A_348, %dma_start3A_419] : memref<2x128xi32, #tpu.memory_space<vmem>> -> memref<1x128xi32, #tpu.memory_space<vmem>>
        %dma_start3A_421 = tpu.memref_squeeze %dma_start3A_420 : memref<1x128xi32, #tpu.memory_space<vmem>> -> memref<128xi32, #tpu.memory_space<vmem>>
        %dma_start3A_422 = arith.constant 0 : i32
        %dma_start3A_423 = arith.constant 0 : i32
        %dma_start3A_424 = tpu.memref_slice %arg13[%dma_start3A_422, %dma_start3A_423] : memref<10112x128xf32, #tpu.memory_space<vmem_shared>> -> memref<10112x128xf32, #tpu.memory_space<vmem_shared>>
        tpu.enqueue_indirect_dma source(%arg11 : memref<128x128xf32, #tpu.memory_space<vmem>>) target(%dma_start3A_424 : memref<10112x128xf32, #tpu.memory_space<vmem_shared>>) offsets(%dma_start3A_421 : memref<128xi32, #tpu.memory_space<vmem>>) semaphore(%run_scoped3A_418 : memref<!tpu.dma_semaphore, #tpu.memory_space<semaphore_mem>>) {add = true}
        %dma_wait3A_425 = arith.constant 0 : i32
        %dma_wait3A_426 = tpu.memref_slice %arg10[%run_scoped3A_348, %dma_wait3A_425] : memref<2x128xi32, #tpu.memory_space<vmem>> -> memref<1x128xi32, #tpu.memory_space<vmem>>
        %dma_wait3A_427 = tpu.memref_squeeze %dma_wait3A_426 : memref<1x128xi32, #tpu.memory_space<vmem>> -> memref<128xi32, #tpu.memory_space<vmem>>
        %dma_wait3A_428 = arith.constant 0 : i32
        %dma_wait3A_429 = arith.constant 0 : i32
        %dma_wait3A_430 = tpu.memref_slice %arg13[%dma_wait3A_428, %dma_wait3A_429] : memref<10112x128xf32, #tpu.memory_space<vmem_shared>> -> memref<10112x128xf32, #tpu.memory_space<vmem_shared>>
        tpu.wait_indirect_dma semaphore(%run_scoped3A_418 : memref<!tpu.dma_semaphore, #tpu.memory_space<semaphore_mem>>) src(%arg11 : memref<128x128xf32, #tpu.memory_space<vmem>>) dst(%dma_wait3A_430 : memref<10112x128xf32, #tpu.memory_space<vmem_shared>>)
        tpu.yield
      }) : () -> ()
      %add3A_349 = arith.constant 2 : i32
      %add3A_350 = arith.addi %mul3A_331, %add3A_349 : i32
      %add3A_351 = arith.constant 0 : i32
      %add3A_352 = arith.addi %add3A_350, %add3A_351 : i32
      %mul3A_353 = arith.constant 128 : i32
      %mul3A_354 = arith.muli %add3A_352, %mul3A_353 : i32
      %dma_start3A_355 = tpu.memref_slice %arg9[%mul3A_354] : memref<10112xi32, #tpu.memory_space<vmem>> -> memref<128xi32, #tpu.memory_space<vmem>>
      %dma_start3A_356 = arith.constant 0 : i32
      %dma_start3A_357 = arith.constant 0 : i32
      %dma_start3A_358 = tpu.memref_slice %arg2[%dma_start3A_356, %dma_start3A_357] : memref<10000x128xf32, #tpu.memory_space<hbm>> -> memref<10000x128xf32, #tpu.memory_space<hbm>>
      tpu.enqueue_indirect_dma source(%dma_start3A_358 : memref<10000x128xf32, #tpu.memory_space<hbm>>) target(%arg11 : memref<128x128xf32, #tpu.memory_space<vmem>>) offsets(%dma_start3A_355 : memref<128xi32, #tpu.memory_space<vmem>>) semaphore(%arg14 : memref<!tpu.dma_semaphore, #tpu.memory_space<semaphore_mem>>)
      %add3A_359 = arith.constant 2 : i32
      %add3A_360 = arith.addi %mul3A_331, %add3A_359 : i32
      %add3A_361 = arith.constant 0 : i32
      %add3A_362 = arith.addi %add3A_360, %add3A_361 : i32
      %mul3A_363 = arith.constant 128 : i32
      %mul3A_364 = arith.muli %add3A_362, %mul3A_363 : i32
      %add3A_365 = arith.addi %mul3A_4, %mul3A_364 : i32
      %dma_start3A_366 = arith.constant 0 : i32
      %dma_start3A_367 = arith.constant 0 : i32
      %dma_start3A_368 = tpu.memref_slice %arg10[%dma_start3A_366, %dma_start3A_367] : memref<2x128xi32, #tpu.memory_space<vmem>> -> memref<1x128xi32, #tpu.memory_space<vmem>>
      %dma_start3A_369 = tpu.memref_squeeze %dma_start3A_368 : memref<1x128xi32, #tpu.memory_space<vmem>> -> memref<128xi32, #tpu.memory_space<vmem>>
      %dma_start3A_370 = tpu.memref_slice %arg6[%add3A_365] : memref<323584xi32, #tpu.memory_space<hbm>> -> memref<128xi32, #tpu.memory_space<hbm>>
      %dma_start3A_371 = arith.constant 0 : i32
      %dma_start3A_372 = tpu.memref_slice %arg10[%dma_start3A_366, %dma_start3A_371] : memref<2x128xi32, #tpu.memory_space<vmem>> -> memref<1x128xi32, #tpu.memory_space<vmem>>
      %dma_start3A_373 = tpu.memref_squeeze %dma_start3A_372 : memref<1x128xi32, #tpu.memory_space<vmem>> -> memref<128xi32, #tpu.memory_space<vmem>>
      %dma_start3A_374 = tpu.memref_slice %arg6[%add3A_365] : memref<323584xi32, #tpu.memory_space<hbm>> -> memref<128xi32, #tpu.memory_space<hbm>>
      tpu.enqueue_dma source(%dma_start3A_374 : memref<128xi32, #tpu.memory_space<hbm>>) target(%dma_start3A_373 : memref<128xi32, #tpu.memory_space<vmem>>) target_semaphore(%arg16 : memref<!tpu.dma_semaphore, #tpu.memory_space<semaphore_mem>>)
      %dma_wait3A_375 = arith.constant 0 : i32
      %dma_wait3A_376 = tpu.memref_slice %arg9[%dma_wait3A_375] : memref<10112xi32, #tpu.memory_space<vmem>> -> memref<128xi32, #tpu.memory_space<vmem>>
      %dma_wait3A_377 = arith.constant 0 : i32
      %dma_wait3A_378 = arith.constant 0 : i32
      %dma_wait3A_379 = tpu.memref_slice %arg2[%dma_wait3A_377, %dma_wait3A_378] : memref<10000x128xf32, #tpu.memory_space<hbm>> -> memref<10000x128xf32, #tpu.memory_space<hbm>>
      tpu.wait_indirect_dma semaphore(%arg15 : memref<!tpu.dma_semaphore, #tpu.memory_space<semaphore_mem>>) src(%dma_wait3A_379 : memref<10000x128xf32, #tpu.memory_space<hbm>>) dst(%arg12 : memref<128x128xf32, #tpu.memory_space<vmem>>)
      %dma_wait3A_380 = arith.constant 1 : i32
      %dma_wait3A_381 = arith.constant 0 : i32
      %dma_wait3A_382 = tpu.memref_slice %arg10[%dma_wait3A_380, %dma_wait3A_381] : memref<2x128xi32, #tpu.memory_space<vmem>> -> memref<1x128xi32, #tpu.memory_space<vmem>>
      %dma_wait3A_383 = tpu.memref_squeeze %dma_wait3A_382 : memref<1x128xi32, #tpu.memory_space<vmem>> -> memref<128xi32, #tpu.memory_space<vmem>>
      %dma_wait3A_384 = arith.constant 0 : i32
      %dma_wait3A_385 = tpu.memref_slice %arg6[%dma_wait3A_384] : memref<323584xi32, #tpu.memory_space<hbm>> -> memref<128xi32, #tpu.memory_space<hbm>>
      %dma_wait3A_386 = arith.constant 0 : i32
      %dma_wait3A_387 = tpu.memref_slice %arg10[%dma_wait3A_380, %dma_wait3A_386] : memref<2x128xi32, #tpu.memory_space<vmem>> -> memref<1x128xi32, #tpu.memory_space<vmem>>
      %dma_wait3A_388 = tpu.memref_squeeze %dma_wait3A_387 : memref<1x128xi32, #tpu.memory_space<vmem>> -> memref<128xi32, #tpu.memory_space<vmem>>
      %dma_wait3A_389 = arith.constant 0 : i32
      %dma_wait3A_390 = tpu.memref_slice %arg6[%dma_wait3A_389] : memref<323584xi32, #tpu.memory_space<hbm>> -> memref<128xi32, #tpu.memory_space<hbm>>
      tpu.wait_dma2 semaphore(%arg17 : memref<!tpu.dma_semaphore, #tpu.memory_space<semaphore_mem>>) src(%dma_wait3A_390 : memref<128xi32, #tpu.memory_space<hbm>>) dst(%dma_wait3A_388 : memref<128xi32, #tpu.memory_space<vmem>>)
      %run_scoped3A_391 = arith.constant 1 : i32
      "tpu.region"() ({
        %run_scoped3A_418 = tpu.sem_alloc : memref<!tpu.dma_semaphore, #tpu.memory_space<semaphore_mem>>
        %dma_start3A_419 = arith.constant 0 : i32
        %dma_start3A_420 = tpu.memref_slice %arg10[%run_scoped3A_391, %dma_start3A_419] : memref<2x128xi32, #tpu.memory_space<vmem>> -> memref<1x128xi32, #tpu.memory_space<vmem>>
        %dma_start3A_421 = tpu.memref_squeeze %dma_start3A_420 : memref<1x128xi32, #tpu.memory_space<vmem>> -> memref<128xi32, #tpu.memory_space<vmem>>
        %dma_start3A_422 = arith.constant 0 : i32
        %dma_start3A_423 = arith.constant 0 : i32
        %dma_start3A_424 = tpu.memref_slice %arg13[%dma_start3A_422, %dma_start3A_423] : memref<10112x128xf32, #tpu.memory_space<vmem_shared>> -> memref<10112x128xf32, #tpu.memory_space<vmem_shared>>
        tpu.enqueue_indirect_dma source(%arg12 : memref<128x128xf32, #tpu.memory_space<vmem>>) target(%dma_start3A_424 : memref<10112x128xf32, #tpu.memory_space<vmem_shared>>) offsets(%dma_start3A_421 : memref<128xi32, #tpu.memory_space<vmem>>) semaphore(%run_scoped3A_418 : memref<!tpu.dma_semaphore, #tpu.memory_space<semaphore_mem>>) {add = true}
        %dma_wait3A_425 = arith.constant 0 : i32
        %dma_wait3A_426 = tpu.memref_slice %arg10[%run_scoped3A_391, %dma_wait3A_425] : memref<2x128xi32, #tpu.memory_space<vmem>> -> memref<1x128xi32, #tpu.memory_space<vmem>>
        %dma_wait3A_427 = tpu.memref_squeeze %dma_wait3A_426 : memref<1x128xi32, #tpu.memory_space<vmem>> -> memref<128xi32, #tpu.memory_space<vmem>>
        %dma_wait3A_428 = arith.constant 0 : i32
        %dma_wait3A_429 = arith.constant 0 : i32
        %dma_wait3A_430 = tpu.memref_slice %arg13[%dma_wait3A_428, %dma_wait3A_429] : memref<10112x128xf32, #tpu.memory_space<vmem_shared>> -> memref<10112x128xf32, #tpu.memory_space<vmem_shared>>
        tpu.wait_indirect_dma semaphore(%run_scoped3A_418 : memref<!tpu.dma_semaphore, #tpu.memory_space<semaphore_mem>>) src(%arg12 : memref<128x128xf32, #tpu.memory_space<vmem>>) dst(%dma_wait3A_430 : memref<10112x128xf32, #tpu.memory_space<vmem_shared>>)
        tpu.yield
      }) : () -> ()
      %add3A_392 = arith.constant 2 : i32
      %add3A_393 = arith.addi %mul3A_331, %add3A_392 : i32
      %add3A_394 = arith.constant 1 : i32
      %add3A_395 = arith.addi %add3A_393, %add3A_394 : i32
      %mul3A_396 = arith.constant 128 : i32
      %mul3A_397 = arith.muli %add3A_395, %mul3A_396 : i32
      %dma_start3A_398 = tpu.memref_slice %arg9[%mul3A_397] : memref<10112xi32, #tpu.memory_space<vmem>> -> memref<128xi32, #tpu.memory_space<vmem>>
      %dma_start3A_399 = arith.constant 0 : i32
      %dma_start3A_400 = arith.constant 0 : i32
      %dma_start3A_401 = tpu.memref_slice %arg2[%dma_start3A_399, %dma_start3A_400] : memref<10000x128xf32, #tpu.memory_space<hbm>> -> memref<10000x128xf32, #tpu.memory_space<hbm>>
      tpu.enqueue_indirect_dma source(%dma_start3A_401 : memref<10000x128xf32, #tpu.memory_space<hbm>>) target(%arg12 : memref<128x128xf32, #tpu.memory_space<vmem>>) offsets(%dma_start3A_398 : memref<128xi32, #tpu.memory_space<vmem>>) semaphore(%arg15 : memref<!tpu.dma_semaphore, #tpu.memory_space<semaphore_mem>>)
      %add3A_402 = arith.constant 2 : i32
      %add3A_403 = arith.addi %mul3A_331, %add3A_402 : i32
      %add3A_404 = arith.constant 1 : i32
      %add3A_405 = arith.addi %add3A_403, %add3A_404 : i32
      %mul3A_406 = arith.constant 128 : i32
      %mul3A_407 = arith.muli %add3A_405, %mul3A_406 : i32
      %add3A_408 = arith.addi %mul3A_4, %mul3A_407 : i32
      %dma_start3A_409 = arith.constant 1 : i32
      %dma_start3A_410 = arith.constant 0 : i32
      %dma_start3A_411 = tpu.memref_slice %arg10[%dma_start3A_409, %dma_start3A_410] : memref<2x128xi32, #tpu.memory_space<vmem>> -> memref<1x128xi32, #tpu.memory_space<vmem>>
      %dma_start3A_412 = tpu.memref_squeeze %dma_start3A_411 : memref<1x128xi32, #tpu.memory_space<vmem>> -> memref<128xi32, #tpu.memory_space<vmem>>
      %dma_start3A_413 = tpu.memref_slice %arg6[%add3A_408] : memref<323584xi32, #tpu.memory_space<hbm>> -> memref<128xi32, #tpu.memory_space<hbm>>
      %dma_start3A_414 = arith.constant 0 : i32
      %dma_start3A_415 = tpu.memref_slice %arg10[%dma_start3A_409, %dma_start3A_414] : memref<2x128xi32, #tpu.memory_space<vmem>> -> memref<1x128xi32, #tpu.memory_space<vmem>>
      %dma_start3A_416 = tpu.memref_squeeze %dma_start3A_415 : memref<1x128xi32, #tpu.memory_space<vmem>> -> memref<128xi32, #tpu.memory_space<vmem>>
      %dma_start3A_417 = tpu.memref_slice %arg6[%add3A_408] : memref<323584xi32, #tpu.memory_space<hbm>> -> memref<128xi32, #tpu.memory_space<hbm>>
      tpu.enqueue_dma source(%dma_start3A_417 : memref<128xi32, #tpu.memory_space<hbm>>) target(%dma_start3A_416 : memref<128xi32, #tpu.memory_space<vmem>>) target_semaphore(%arg17 : memref<!tpu.dma_semaphore, #tpu.memory_space<semaphore_mem>>)
    }
    %scan3A_42 = arith.constant 38 : i32
    %dma_wait3A = arith.constant 0 : i32
    %dma_wait3A_43 = tpu.memref_slice %arg9[%dma_wait3A] : memref<10112xi32, #tpu.memory_space<vmem>> -> memref<128xi32, #tpu.memory_space<vmem>>
    %dma_wait3A_44 = arith.constant 0 : i32
    %dma_wait3A_45 = arith.constant 0 : i32
    %dma_wait3A_46 = tpu.memref_slice %arg2[%dma_wait3A_44, %dma_wait3A_45] : memref<10000x128xf32, #tpu.memory_space<hbm>> -> memref<10000x128xf32, #tpu.memory_space<hbm>>
    tpu.wait_indirect_dma semaphore(%arg14 : memref<!tpu.dma_semaphore, #tpu.memory_space<semaphore_mem>>) src(%dma_wait3A_46 : memref<10000x128xf32, #tpu.memory_space<hbm>>) dst(%arg11 : memref<128x128xf32, #tpu.memory_space<vmem>>)
    %dma_wait3A_47 = arith.constant 0 : i32
    %dma_wait3A_48 = arith.constant 0 : i32
    %dma_wait3A_49 = tpu.memref_slice %arg10[%dma_wait3A_47, %dma_wait3A_48] : memref<2x128xi32, #tpu.memory_space<vmem>> -> memref<1x128xi32, #tpu.memory_space<vmem>>
    %dma_wait3A_50 = tpu.memref_squeeze %dma_wait3A_49 : memref<1x128xi32, #tpu.memory_space<vmem>> -> memref<128xi32, #tpu.memory_space<vmem>>
    %dma_wait3A_51 = arith.constant 0 : i32
    %dma_wait3A_52 = tpu.memref_slice %arg6[%dma_wait3A_51] : memref<323584xi32, #tpu.memory_space<hbm>> -> memref<128xi32, #tpu.memory_space<hbm>>
    %dma_wait3A_53 = arith.constant 0 : i32
    %dma_wait3A_54 = tpu.memref_slice %arg10[%dma_wait3A_47, %dma_wait3A_53] : memref<2x128xi32, #tpu.memory_space<vmem>> -> memref<1x128xi32, #tpu.memory_space<vmem>>
    %dma_wait3A_55 = tpu.memref_squeeze %dma_wait3A_54 : memref<1x128xi32, #tpu.memory_space<vmem>> -> memref<128xi32, #tpu.memory_space<vmem>>
    %dma_wait3A_56 = arith.constant 0 : i32
    %dma_wait3A_57 = tpu.memref_slice %arg6[%dma_wait3A_56] : memref<323584xi32, #tpu.memory_space<hbm>> -> memref<128xi32, #tpu.memory_space<hbm>>
    tpu.wait_dma2 semaphore(%arg16 : memref<!tpu.dma_semaphore, #tpu.memory_space<semaphore_mem>>) src(%dma_wait3A_57 : memref<128xi32, #tpu.memory_space<hbm>>) dst(%dma_wait3A_55 : memref<128xi32, #tpu.memory_space<vmem>>)
    %run_scoped3A = arith.constant 0 : i32
    "tpu.region"() ({
      %run_scoped3A_329 = tpu.sem_alloc : memref<!tpu.dma_semaphore, #tpu.memory_space<semaphore_mem>>
      %dma_start3A_330 = arith.constant 0 : i32
      %dma_start3A_331 = tpu.memref_slice %arg10[%run_scoped3A, %dma_start3A_330] : memref<2x128xi32, #tpu.memory_space<vmem>> -> memref<1x128xi32, #tpu.memory_space<vmem>>
      %dma_start3A_332 = tpu.memref_squeeze %dma_start3A_331 : memref<1x128xi32, #tpu.memory_space<vmem>> -> memref<128xi32, #tpu.memory_space<vmem>>
      %dma_start3A_333 = arith.constant 0 : i32
      %dma_start3A_334 = arith.constant 0 : i32
      %dma_start3A_335 = tpu.memref_slice %arg13[%dma_start3A_333, %dma_start3A_334] : memref<10112x128xf32, #tpu.memory_space<vmem_shared>> -> memref<10112x128xf32, #tpu.memory_space<vmem_shared>>
      tpu.enqueue_indirect_dma source(%arg11 : memref<128x128xf32, #tpu.memory_space<vmem>>) target(%dma_start3A_335 : memref<10112x128xf32, #tpu.memory_space<vmem_shared>>) offsets(%dma_start3A_332 : memref<128xi32, #tpu.memory_space<vmem>>) semaphore(%run_scoped3A_329 : memref<!tpu.dma_semaphore, #tpu.memory_space<semaphore_mem>>) {add = true}
      %dma_wait3A_336 = arith.constant 0 : i32
      %dma_wait3A_337 = tpu.memref_slice %arg10[%run_scoped3A, %dma_wait3A_336] : memref<2x128xi32, #tpu.memory_space<vmem>> -> memref<1x128xi32, #tpu.memory_space<vmem>>
      %dma_wait3A_338 = tpu.memref_squeeze %dma_wait3A_337 : memref<1x128xi32, #tpu.memory_space<vmem>> -> memref<128xi32, #tpu.memory_space<vmem>>
      %dma_wait3A_339 = arith.constant 0 : i32
      %dma_wait3A_340 = arith.constant 0 : i32
      %dma_wait3A_341 = tpu.memref_slice %arg13[%dma_wait3A_339, %dma_wait3A_340] : memref<10112x128xf32, #tpu.memory_space<vmem_shared>> -> memref<10112x128xf32, #tpu.memory_space<vmem_shared>>
      tpu.wait_indirect_dma semaphore(%run_scoped3A_329 : memref<!tpu.dma_semaphore, #tpu.memory_space<semaphore_mem>>) src(%arg11 : memref<128x128xf32, #tpu.memory_space<vmem>>) dst(%dma_wait3A_341 : memref<10112x128xf32, #tpu.memory_space<vmem_shared>>)
      tpu.yield
    }) : () -> ()
    %dma_start3A_58 = arith.constant 9984 : i32
    %dma_start3A_59 = tpu.memref_slice %arg9[%dma_start3A_58] : memref<10112xi32, #tpu.memory_space<vmem>> -> memref<128xi32, #tpu.memory_space<vmem>>
    %dma_start3A_60 = arith.constant 0 : i32
    %dma_start3A_61 = arith.constant 0 : i32
    %dma_start3A_62 = tpu.memref_slice %arg2[%dma_start3A_60, %dma_start3A_61] : memref<10000x128xf32, #tpu.memory_space<hbm>> -> memref<10000x128xf32, #tpu.memory_space<hbm>>
    tpu.enqueue_indirect_dma source(%dma_start3A_62 : memref<10000x128xf32, #tpu.memory_space<hbm>>) target(%arg11 : memref<128x128xf32, #tpu.memory_space<vmem>>) offsets(%dma_start3A_59 : memref<128xi32, #tpu.memory_space<vmem>>) semaphore(%arg14 : memref<!tpu.dma_semaphore, #tpu.memory_space<semaphore_mem>>)
    %add3A_63 = arith.constant 9984 : i32
    %add3A_64 = arith.addi %mul3A_4, %add3A_63 : i32
    %dma_start3A_65 = arith.constant 0 : i32
    %dma_start3A_66 = arith.constant 0 : i32
    %dma_start3A_67 = tpu.memref_slice %arg10[%dma_start3A_65, %dma_start3A_66] : memref<2x128xi32, #tpu.memory_space<vmem>> -> memref<1x128xi32, #tpu.memory_space<vmem>>
    %dma_start3A_68 = tpu.memref_squeeze %dma_start3A_67 : memref<1x128xi32, #tpu.memory_space<vmem>> -> memref<128xi32, #tpu.memory_space<vmem>>
    %dma_start3A_69 = tpu.memref_slice %arg6[%add3A_64] : memref<323584xi32, #tpu.memory_space<hbm>> -> memref<128xi32, #tpu.memory_space<hbm>>
    %dma_start3A_70 = arith.constant 0 : i32
    %dma_start3A_71 = tpu.memref_slice %arg10[%dma_start3A_65, %dma_start3A_70] : memref<2x128xi32, #tpu.memory_space<vmem>> -> memref<1x128xi32, #tpu.memory_space<vmem>>
    %dma_start3A_72 = tpu.memref_squeeze %dma_start3A_71 : memref<1x128xi32, #tpu.memory_space<vmem>> -> memref<128xi32, #tpu.memory_space<vmem>>
    %dma_start3A_73 = tpu.memref_slice %arg6[%add3A_64] : memref<323584xi32, #tpu.memory_space<hbm>> -> memref<128xi32, #tpu.memory_space<hbm>>
    tpu.enqueue_dma source(%dma_start3A_73 : memref<128xi32, #tpu.memory_space<hbm>>) target(%dma_start3A_72 : memref<128xi32, #tpu.memory_space<vmem>>) target_semaphore(%arg16 : memref<!tpu.dma_semaphore, #tpu.memory_space<semaphore_mem>>)
    %dma_wait3A_74 = arith.constant 0 : i32
    %dma_wait3A_75 = tpu.memref_slice %arg9[%dma_wait3A_74] : memref<10112xi32, #tpu.memory_space<vmem>> -> memref<128xi32, #tpu.memory_space<vmem>>
    %dma_wait3A_76 = arith.constant 0 : i32
    %dma_wait3A_77 = arith.constant 0 : i32
    %dma_wait3A_78 = tpu.memref_slice %arg2[%dma_wait3A_76, %dma_wait3A_77] : memref<10000x128xf32, #tpu.memory_space<hbm>> -> memref<10000x128xf32, #tpu.memory_space<hbm>>
    tpu.wait_indirect_dma semaphore(%arg15 : memref<!tpu.dma_semaphore, #tpu.memory_space<semaphore_mem>>) src(%dma_wait3A_78 : memref<10000x128xf32, #tpu.memory_space<hbm>>) dst(%arg12 : memref<128x128xf32, #tpu.memory_space<vmem>>)
    %dma_wait3A_79 = arith.constant 1 : i32
    %dma_wait3A_80 = arith.constant 0 : i32
    %dma_wait3A_81 = tpu.memref_slice %arg10[%dma_wait3A_79, %dma_wait3A_80] : memref<2x128xi32, #tpu.memory_space<vmem>> -> memref<1x128xi32, #tpu.memory_space<vmem>>
    %dma_wait3A_82 = tpu.memref_squeeze %dma_wait3A_81 : memref<1x128xi32, #tpu.memory_space<vmem>> -> memref<128xi32, #tpu.memory_space<vmem>>
    %dma_wait3A_83 = arith.constant 0 : i32
    %dma_wait3A_84 = tpu.memref_slice %arg6[%dma_wait3A_83] : memref<323584xi32, #tpu.memory_space<hbm>> -> memref<128xi32, #tpu.memory_space<hbm>>
    %dma_wait3A_85 = arith.constant 0 : i32
    %dma_wait3A_86 = tpu.memref_slice %arg10[%dma_wait3A_79, %dma_wait3A_85] : memref<2x128xi32, #tpu.memory_space<vmem>> -> memref<1x128xi32, #tpu.memory_space<vmem>>
    %dma_wait3A_87 = tpu.memref_squeeze %dma_wait3A_86 : memref<1x128xi32, #tpu.memory_space<vmem>> -> memref<128xi32, #tpu.memory_space<vmem>>
    %dma_wait3A_88 = arith.constant 0 : i32
    %dma_wait3A_89 = tpu.memref_slice %arg6[%dma_wait3A_88] : memref<323584xi32, #tpu.memory_space<hbm>> -> memref<128xi32, #tpu.memory_space<hbm>>
    tpu.wait_dma2 semaphore(%arg17 : memref<!tpu.dma_semaphore, #tpu.memory_space<semaphore_mem>>) src(%dma_wait3A_89 : memref<128xi32, #tpu.memory_space<hbm>>) dst(%dma_wait3A_87 : memref<128xi32, #tpu.memory_space<vmem>>)
    %run_scoped3A_90 = arith.constant 1 : i32
    "tpu.region"() ({
      %run_scoped3A_329 = tpu.sem_alloc : memref<!tpu.dma_semaphore, #tpu.memory_space<semaphore_mem>>
      %dma_start3A_330 = arith.constant 0 : i32
      %dma_start3A_331 = tpu.memref_slice %arg10[%run_scoped3A_90, %dma_start3A_330] : memref<2x128xi32, #tpu.memory_space<vmem>> -> memref<1x128xi32, #tpu.memory_space<vmem>>
      %dma_start3A_332 = tpu.memref_squeeze %dma_start3A_331 : memref<1x128xi32, #tpu.memory_space<vmem>> -> memref<128xi32, #tpu.memory_space<vmem>>
      %dma_start3A_333 = arith.constant 0 : i32
      %dma_start3A_334 = arith.constant 0 : i32
      %dma_start3A_335 = tpu.memref_slice %arg13[%dma_start3A_333, %dma_start3A_334] : memref<10112x128xf32, #tpu.memory_space<vmem_shared>> -> memref<10112x128xf32, #tpu.memory_space<vmem_shared>>
      tpu.enqueue_indirect_dma source(%arg12 : memref<128x128xf32, #tpu.memory_space<vmem>>) target(%dma_start3A_335 : memref<10112x128xf32, #tpu.memory_space<vmem_shared>>) offsets(%dma_start3A_332 : memref<128xi32, #tpu.memory_space<vmem>>) semaphore(%run_scoped3A_329 : memref<!tpu.dma_semaphore, #tpu.memory_space<semaphore_mem>>) {add = true}
      %dma_wait3A_336 = arith.constant 0 : i32
      %dma_wait3A_337 = tpu.memref_slice %arg10[%run_scoped3A_90, %dma_wait3A_336] : memref<2x128xi32, #tpu.memory_space<vmem>> -> memref<1x128xi32, #tpu.memory_space<vmem>>
      %dma_wait3A_338 = tpu.memref_squeeze %dma_wait3A_337 : memref<1x128xi32, #tpu.memory_space<vmem>> -> memref<128xi32, #tpu.memory_space<vmem>>
      %dma_wait3A_339 = arith.constant 0 : i32
      %dma_wait3A_340 = arith.constant 0 : i32
      %dma_wait3A_341 = tpu.memref_slice %arg13[%dma_wait3A_339, %dma_wait3A_340] : memref<10112x128xf32, #tpu.memory_space<vmem_shared>> -> memref<10112x128xf32, #tpu.memory_space<vmem_shared>>
      tpu.wait_indirect_dma semaphore(%run_scoped3A_329 : memref<!tpu.dma_semaphore, #tpu.memory_space<semaphore_mem>>) src(%arg12 : memref<128x128xf32, #tpu.memory_space<vmem>>) dst(%dma_wait3A_341 : memref<10112x128xf32, #tpu.memory_space<vmem_shared>>)
      tpu.yield
    }) : () -> ()
    %dma_wait3A_91 = arith.constant 0 : i32
    %dma_wait3A_92 = tpu.memref_slice %arg9[%dma_wait3A_91] : memref<10112xi32, #tpu.memory_space<vmem>> -> memref<128xi32, #tpu.memory_space<vmem>>
    %dma_wait3A_93 = arith.constant 0 : i32
    %dma_wait3A_94 = arith.constant 0 : i32
    %dma_wait3A_95 = tpu.memref_slice %arg2[%dma_wait3A_93, %dma_wait3A_94] : memref<10000x128xf32, #tpu.memory_space<hbm>> -> memref<10000x128xf32, #tpu.memory_space<hbm>>
    tpu.wait_indirect_dma semaphore(%arg14 : memref<!tpu.dma_semaphore, #tpu.memory_space<semaphore_mem>>) src(%dma_wait3A_95 : memref<10000x128xf32, #tpu.memory_space<hbm>>) dst(%arg11 : memref<128x128xf32, #tpu.memory_space<vmem>>)
    %dma_wait3A_96 = arith.constant 0 : i32
    %dma_wait3A_97 = arith.constant 0 : i32
    %dma_wait3A_98 = tpu.memref_slice %arg10[%dma_wait3A_96, %dma_wait3A_97] : memref<2x128xi32, #tpu.memory_space<vmem>> -> memref<1x128xi32, #tpu.memory_space<vmem>>
    %dma_wait3A_99 = tpu.memref_squeeze %dma_wait3A_98 : memref<1x128xi32, #tpu.memory_space<vmem>> -> memref<128xi32, #tpu.memory_space<vmem>>
    %dma_wait3A_100 = arith.constant 0 : i32
    %dma_wait3A_101 = tpu.memref_slice %arg6[%dma_wait3A_100] : memref<323584xi32, #tpu.memory_space<hbm>> -> memref<128xi32, #tpu.memory_space<hbm>>
    %dma_wait3A_102 = arith.constant 0 : i32
    %dma_wait3A_103 = tpu.memref_slice %arg10[%dma_wait3A_96, %dma_wait3A_102] : memref<2x128xi32, #tpu.memory_space<vmem>> -> memref<1x128xi32, #tpu.memory_space<vmem>>
    %dma_wait3A_104 = tpu.memref_squeeze %dma_wait3A_103 : memref<1x128xi32, #tpu.memory_space<vmem>> -> memref<128xi32, #tpu.memory_space<vmem>>
    %dma_wait3A_105 = arith.constant 0 : i32
    %dma_wait3A_106 = tpu.memref_slice %arg6[%dma_wait3A_105] : memref<323584xi32, #tpu.memory_space<hbm>> -> memref<128xi32, #tpu.memory_space<hbm>>
    tpu.wait_dma2 semaphore(%arg16 : memref<!tpu.dma_semaphore, #tpu.memory_space<semaphore_mem>>) src(%dma_wait3A_106 : memref<128xi32, #tpu.memory_space<hbm>>) dst(%dma_wait3A_104 : memref<128xi32, #tpu.memory_space<vmem>>)
    %run_scoped3A_107 = arith.constant 0 : i32
    "tpu.region"() ({
      %run_scoped3A_329 = tpu.sem_alloc : memref<!tpu.dma_semaphore, #tpu.memory_space<semaphore_mem>>
      %dma_start3A_330 = arith.constant 0 : i32
      %dma_start3A_331 = tpu.memref_slice %arg10[%run_scoped3A_107, %dma_start3A_330] : memref<2x128xi32, #tpu.memory_space<vmem>> -> memref<1x128xi32, #tpu.memory_space<vmem>>
      %dma_start3A_332 = tpu.memref_squeeze %dma_start3A_331 : memref<1x128xi32, #tpu.memory_space<vmem>> -> memref<128xi32, #tpu.memory_space<vmem>>
      %dma_start3A_333 = arith.constant 0 : i32
      %dma_start3A_334 = arith.constant 0 : i32
      %dma_start3A_335 = tpu.memref_slice %arg13[%dma_start3A_333, %dma_start3A_334] : memref<10112x128xf32, #tpu.memory_space<vmem_shared>> -> memref<10112x128xf32, #tpu.memory_space<vmem_shared>>
      tpu.enqueue_indirect_dma source(%arg11 : memref<128x128xf32, #tpu.memory_space<vmem>>) target(%dma_start3A_335 : memref<10112x128xf32, #tpu.memory_space<vmem_shared>>) offsets(%dma_start3A_332 : memref<128xi32, #tpu.memory_space<vmem>>) semaphore(%run_scoped3A_329 : memref<!tpu.dma_semaphore, #tpu.memory_space<semaphore_mem>>) {add = true}
      %dma_wait3A_336 = arith.constant 0 : i32
      %dma_wait3A_337 = tpu.memref_slice %arg10[%run_scoped3A_107, %dma_wait3A_336] : memref<2x128xi32, #tpu.memory_space<vmem>> -> memref<1x128xi32, #tpu.memory_space<vmem>>
      %dma_wait3A_338 = tpu.memref_squeeze %dma_wait3A_337 : memref<1x128xi32, #tpu.memory_space<vmem>> -> memref<128xi32, #tpu.memory_space<vmem>>
      %dma_wait3A_339 = arith.constant 0 : i32
      %dma_wait3A_340 = arith.constant 0 : i32
      %dma_wait3A_341 = tpu.memref_slice %arg13[%dma_wait3A_339, %dma_wait3A_340] : memref<10112x128xf32, #tpu.memory_space<vmem_shared>> -> memref<10112x128xf32, #tpu.memory_space<vmem_shared>>
      tpu.wait_indirect_dma semaphore(%run_scoped3A_329 : memref<!tpu.dma_semaphore, #tpu.memory_space<semaphore_mem>>) src(%arg11 : memref<128x128xf32, #tpu.memory_space<vmem>>) dst(%dma_wait3A_341 : memref<10112x128xf32, #tpu.memory_space<vmem_shared>>)
      tpu.yield
    }) : () -> ()
    %barrier3A_108 = arith.constant 0 : index
    tpu.barrier barrier_id(%barrier3A_108)
    %run_scoped3A_109 = arith.constant 0 : i32
    "tpu.region"() ({
      %run_scoped3A_329 = tpu.sem_alloc : memref<!tpu.dma_semaphore, #tpu.memory_space<semaphore_mem>>
      %dma_start3A_330 = arith.constant 0 : i32
      %dma_start3A_331 = tpu.memref_slice %arg8[%arg0, %run_scoped3A_109, %mul3A_2, %dma_start3A_330] : memref<2x3x10112x128xf32, #tpu.memory_space<hbm>> -> memref<1x1x632x128xf32, #tpu.memory_space<hbm>>
      %dma_start3A_332 = tpu.memref_squeeze %dma_start3A_331 : memref<1x1x632x128xf32, #tpu.memory_space<hbm>> -> memref<632x128xf32, #tpu.memory_space<hbm>>
      %dma_start3A_333 = arith.constant 0 : i32
      %dma_start3A_334 = tpu.memref_slice %arg13[%mul3A_2, %dma_start3A_333] : memref<10112x128xf32, #tpu.memory_space<vmem_shared>> -> memref<632x128xf32, #tpu.memory_space<vmem_shared>>
      tpu.enqueue_dma source(%dma_start3A_334 : memref<632x128xf32, #tpu.memory_space<vmem_shared>>) target(%dma_start3A_332 : memref<632x128xf32, #tpu.memory_space<hbm>>) target_semaphore(%run_scoped3A_329 : memref<!tpu.dma_semaphore, #tpu.memory_space<semaphore_mem>>)
      %dma_wait3A_335 = arith.constant 0 : i32
      %dma_wait3A_336 = tpu.memref_slice %arg8[%arg0, %run_scoped3A_109, %mul3A_2, %dma_wait3A_335] : memref<2x3x10112x128xf32, #tpu.memory_space<hbm>> -> memref<1x1x632x128xf32, #tpu.memory_space<hbm>>
      %dma_wait3A_337 = tpu.memref_squeeze %dma_wait3A_336 : memref<1x1x632x128xf32, #tpu.memory_space<hbm>> -> memref<632x128xf32, #tpu.memory_space<hbm>>
      %dma_wait3A_338 = arith.constant 0 : i32
      %dma_wait3A_339 = tpu.memref_slice %arg13[%mul3A_2, %dma_wait3A_338] : memref<10112x128xf32, #tpu.memory_space<vmem_shared>> -> memref<632x128xf32, #tpu.memory_space<vmem_shared>>
      tpu.wait_dma2 semaphore(%run_scoped3A_329 : memref<!tpu.dma_semaphore, #tpu.memory_space<semaphore_mem>>) src(%dma_wait3A_339 : memref<632x128xf32, #tpu.memory_space<vmem_shared>>) dst(%dma_wait3A_337 : memref<632x128xf32, #tpu.memory_space<hbm>>)
      tpu.yield
    }) : () -> ()
    %barrier3A_110 = arith.constant 0 : index
    tpu.barrier barrier_id(%barrier3A_110)
    "tpu.region"() ({
      %run_scoped3A_329 = tpu.sem_alloc : memref<!tpu.dma_semaphore, #tpu.memory_space<semaphore_mem>>
      %dma_start3A_330 = arith.constant 0 : i32
      %dma_start3A_331 = tpu.memref_slice %arg13[%mul3A_2, %dma_start3A_330] : memref<10112x128xf32, #tpu.memory_space<vmem_shared>> -> memref<632x128xf32, #tpu.memory_space<vmem_shared>>
      %dma_start3A_332 = arith.constant 0 : i32
      %dma_start3A_333 = tpu.memref_slice %arg7[%mul3A_2, %dma_start3A_332] : memref<10112x128xf32, #tpu.memory_space<hbm>> -> memref<632x128xf32, #tpu.memory_space<hbm>>
      tpu.enqueue_dma source(%dma_start3A_333 : memref<632x128xf32, #tpu.memory_space<hbm>>) target(%dma_start3A_331 : memref<632x128xf32, #tpu.memory_space<vmem_shared>>) target_semaphore(%run_scoped3A_329 : memref<!tpu.dma_semaphore, #tpu.memory_space<semaphore_mem>>)
      %dma_wait3A_334 = arith.constant 0 : i32
      %dma_wait3A_335 = tpu.memref_slice %arg13[%mul3A_2, %dma_wait3A_334] : memref<10112x128xf32, #tpu.memory_space<vmem_shared>> -> memref<632x128xf32, #tpu.memory_space<vmem_shared>>
      %dma_wait3A_336 = arith.constant 0 : i32
      %dma_wait3A_337 = tpu.memref_slice %arg7[%mul3A_2, %dma_wait3A_336] : memref<10112x128xf32, #tpu.memory_space<hbm>> -> memref<632x128xf32, #tpu.memory_space<hbm>>
      tpu.wait_dma2 semaphore(%run_scoped3A_329 : memref<!tpu.dma_semaphore, #tpu.memory_space<semaphore_mem>>) src(%dma_wait3A_337 : memref<632x128xf32, #tpu.memory_space<hbm>>) dst(%dma_wait3A_335 : memref<632x128xf32, #tpu.memory_space<vmem_shared>>)
      tpu.yield
    }) : () -> ()
    %barrier3A_111 = arith.constant 0 : index
    tpu.barrier barrier_id(%barrier3A_111)
    %dma_start3A_112 = arith.constant 0 : i32
    %dma_start3A_113 = tpu.memref_slice %arg9[%dma_start3A_112] : memref<10112xi32, #tpu.memory_space<vmem>> -> memref<128xi32, #tpu.memory_space<vmem>>
    %dma_start3A_114 = arith.constant 0 : i32
    %dma_start3A_115 = arith.constant 0 : i32
    %dma_start3A_116 = tpu.memref_slice %arg3[%dma_start3A_114, %dma_start3A_115] : memref<10000x128xf32, #tpu.memory_space<hbm>> -> memref<10000x128xf32, #tpu.memory_space<hbm>>
    tpu.enqueue_indirect_dma source(%dma_start3A_116 : memref<10000x128xf32, #tpu.memory_space<hbm>>) target(%arg11 : memref<128x128xf32, #tpu.memory_space<vmem>>) offsets(%dma_start3A_113 : memref<128xi32, #tpu.memory_space<vmem>>) semaphore(%arg14 : memref<!tpu.dma_semaphore, #tpu.memory_space<semaphore_mem>>)
    %add3A_117 = arith.constant 0 : i32
    %add3A_118 = arith.addi %mul3A_4, %add3A_117 : i32
    %dma_start3A_119 = arith.constant 0 : i32
    %dma_start3A_120 = arith.constant 0 : i32
    %dma_start3A_121 = tpu.memref_slice %arg10[%dma_start3A_119, %dma_start3A_120] : memref<2x128xi32, #tpu.memory_space<vmem>> -> memref<1x128xi32, #tpu.memory_space<vmem>>
    %dma_start3A_122 = tpu.memref_squeeze %dma_start3A_121 : memref<1x128xi32, #tpu.memory_space<vmem>> -> memref<128xi32, #tpu.memory_space<vmem>>
    %dma_start3A_123 = tpu.memref_slice %arg6[%add3A_118] : memref<323584xi32, #tpu.memory_space<hbm>> -> memref<128xi32, #tpu.memory_space<hbm>>
    %dma_start3A_124 = arith.constant 0 : i32
    %dma_start3A_125 = tpu.memref_slice %arg10[%dma_start3A_119, %dma_start3A_124] : memref<2x128xi32, #tpu.memory_space<vmem>> -> memref<1x128xi32, #tpu.memory_space<vmem>>
    %dma_start3A_126 = tpu.memref_squeeze %dma_start3A_125 : memref<1x128xi32, #tpu.memory_space<vmem>> -> memref<128xi32, #tpu.memory_space<vmem>>
    %dma_start3A_127 = tpu.memref_slice %arg6[%add3A_118] : memref<323584xi32, #tpu.memory_space<hbm>> -> memref<128xi32, #tpu.memory_space<hbm>>
    tpu.enqueue_dma source(%dma_start3A_127 : memref<128xi32, #tpu.memory_space<hbm>>) target(%dma_start3A_126 : memref<128xi32, #tpu.memory_space<vmem>>) target_semaphore(%arg16 : memref<!tpu.dma_semaphore, #tpu.memory_space<semaphore_mem>>)
    %dma_start3A_128 = arith.constant 128 : i32
    %dma_start3A_129 = tpu.memref_slice %arg9[%dma_start3A_128] : memref<10112xi32, #tpu.memory_space<vmem>> -> memref<128xi32, #tpu.memory_space<vmem>>
    %dma_start3A_130 = arith.constant 0 : i32
    %dma_start3A_131 = arith.constant 0 : i32
    %dma_start3A_132 = tpu.memref_slice %arg3[%dma_start3A_130, %dma_start3A_131] : memref<10000x128xf32, #tpu.memory_space<hbm>> -> memref<10000x128xf32, #tpu.memory_space<hbm>>
    tpu.enqueue_indirect_dma source(%dma_start3A_132 : memref<10000x128xf32, #tpu.memory_space<hbm>>) target(%arg12 : memref<128x128xf32, #tpu.memory_space<vmem>>) offsets(%dma_start3A_129 : memref<128xi32, #tpu.memory_space<vmem>>) semaphore(%arg15 : memref<!tpu.dma_semaphore, #tpu.memory_space<semaphore_mem>>)
    %add3A_133 = arith.constant 128 : i32
    %add3A_134 = arith.addi %mul3A_4, %add3A_133 : i32
    %dma_start3A_135 = arith.constant 1 : i32
    %dma_start3A_136 = arith.constant 0 : i32
    %dma_start3A_137 = tpu.memref_slice %arg10[%dma_start3A_135, %dma_start3A_136] : memref<2x128xi32, #tpu.memory_space<vmem>> -> memref<1x128xi32, #tpu.memory_space<vmem>>
    %dma_start3A_138 = tpu.memref_squeeze %dma_start3A_137 : memref<1x128xi32, #tpu.memory_space<vmem>> -> memref<128xi32, #tpu.memory_space<vmem>>
    %dma_start3A_139 = tpu.memref_slice %arg6[%add3A_134] : memref<323584xi32, #tpu.memory_space<hbm>> -> memref<128xi32, #tpu.memory_space<hbm>>
    %dma_start3A_140 = arith.constant 0 : i32
    %dma_start3A_141 = tpu.memref_slice %arg10[%dma_start3A_135, %dma_start3A_140] : memref<2x128xi32, #tpu.memory_space<vmem>> -> memref<1x128xi32, #tpu.memory_space<vmem>>
    %dma_start3A_142 = tpu.memref_squeeze %dma_start3A_141 : memref<1x128xi32, #tpu.memory_space<vmem>> -> memref<128xi32, #tpu.memory_space<vmem>>
    %dma_start3A_143 = tpu.memref_slice %arg6[%add3A_134] : memref<323584xi32, #tpu.memory_space<hbm>> -> memref<128xi32, #tpu.memory_space<hbm>>
    tpu.enqueue_dma source(%dma_start3A_143 : memref<128xi32, #tpu.memory_space<hbm>>) target(%dma_start3A_142 : memref<128xi32, #tpu.memory_space<vmem>>) target_semaphore(%arg17 : memref<!tpu.dma_semaphore, #tpu.memory_space<semaphore_mem>>)
    %scan3A_144 = arith.constant 0 : i32
    %scan3A_145 = arith.constant 0 : i32
    %scan3A_146 = arith.constant 38 : i32
    %scan3A_147 = arith.addi %scan3A_145, %scan3A_146 : i32
    %scan3A_148 = arith.constant 1 : i32
    scf.for %scan3A_329 = %scan3A_145 to %scan3A_147 step %scan3A_148  : i32 {
      %mul3A_330 = arith.constant 2 : i32
      %mul3A_331 = arith.muli %scan3A_329, %mul3A_330 : i32
      %dma_wait3A_332 = arith.constant 0 : i32
      %dma_wait3A_333 = tpu.memref_slice %arg9[%dma_wait3A_332] : memref<10112xi32, #tpu.memory_space<vmem>> -> memref<128xi32, #tpu.memory_space<vmem>>
      %dma_wait3A_334 = arith.constant 0 : i32
      %dma_wait3A_335 = arith.constant 0 : i32
      %dma_wait3A_336 = tpu.memref_slice %arg3[%dma_wait3A_334, %dma_wait3A_335] : memref<10000x128xf32, #tpu.memory_space<hbm>> -> memref<10000x128xf32, #tpu.memory_space<hbm>>
      tpu.wait_indirect_dma semaphore(%arg14 : memref<!tpu.dma_semaphore, #tpu.memory_space<semaphore_mem>>) src(%dma_wait3A_336 : memref<10000x128xf32, #tpu.memory_space<hbm>>) dst(%arg11 : memref<128x128xf32, #tpu.memory_space<vmem>>)
      %dma_wait3A_337 = arith.constant 0 : i32
      %dma_wait3A_338 = arith.constant 0 : i32
      %dma_wait3A_339 = tpu.memref_slice %arg10[%dma_wait3A_337, %dma_wait3A_338] : memref<2x128xi32, #tpu.memory_space<vmem>> -> memref<1x128xi32, #tpu.memory_space<vmem>>
      %dma_wait3A_340 = tpu.memref_squeeze %dma_wait3A_339 : memref<1x128xi32, #tpu.memory_space<vmem>> -> memref<128xi32, #tpu.memory_space<vmem>>
      %dma_wait3A_341 = arith.constant 0 : i32
      %dma_wait3A_342 = tpu.memref_slice %arg6[%dma_wait3A_341] : memref<323584xi32, #tpu.memory_space<hbm>> -> memref<128xi32, #tpu.memory_space<hbm>>
      %dma_wait3A_343 = arith.constant 0 : i32
      %dma_wait3A_344 = tpu.memref_slice %arg10[%dma_wait3A_337, %dma_wait3A_343] : memref<2x128xi32, #tpu.memory_space<vmem>> -> memref<1x128xi32, #tpu.memory_space<vmem>>
      %dma_wait3A_345 = tpu.memref_squeeze %dma_wait3A_344 : memref<1x128xi32, #tpu.memory_space<vmem>> -> memref<128xi32, #tpu.memory_space<vmem>>
      %dma_wait3A_346 = arith.constant 0 : i32
      %dma_wait3A_347 = tpu.memref_slice %arg6[%dma_wait3A_346] : memref<323584xi32, #tpu.memory_space<hbm>> -> memref<128xi32, #tpu.memory_space<hbm>>
      tpu.wait_dma2 semaphore(%arg16 : memref<!tpu.dma_semaphore, #tpu.memory_space<semaphore_mem>>) src(%dma_wait3A_347 : memref<128xi32, #tpu.memory_space<hbm>>) dst(%dma_wait3A_345 : memref<128xi32, #tpu.memory_space<vmem>>)
      %run_scoped3A_348 = arith.constant 0 : i32
      "tpu.region"() ({
        %run_scoped3A_418 = tpu.sem_alloc : memref<!tpu.dma_semaphore, #tpu.memory_space<semaphore_mem>>
        %dma_start3A_419 = arith.constant 0 : i32
        %dma_start3A_420 = tpu.memref_slice %arg10[%run_scoped3A_348, %dma_start3A_419] : memref<2x128xi32, #tpu.memory_space<vmem>> -> memref<1x128xi32, #tpu.memory_space<vmem>>
        %dma_start3A_421 = tpu.memref_squeeze %dma_start3A_420 : memref<1x128xi32, #tpu.memory_space<vmem>> -> memref<128xi32, #tpu.memory_space<vmem>>
        %dma_start3A_422 = arith.constant 0 : i32
        %dma_start3A_423 = arith.constant 0 : i32
        %dma_start3A_424 = tpu.memref_slice %arg13[%dma_start3A_422, %dma_start3A_423] : memref<10112x128xf32, #tpu.memory_space<vmem_shared>> -> memref<10112x128xf32, #tpu.memory_space<vmem_shared>>
        tpu.enqueue_indirect_dma source(%arg11 : memref<128x128xf32, #tpu.memory_space<vmem>>) target(%dma_start3A_424 : memref<10112x128xf32, #tpu.memory_space<vmem_shared>>) offsets(%dma_start3A_421 : memref<128xi32, #tpu.memory_space<vmem>>) semaphore(%run_scoped3A_418 : memref<!tpu.dma_semaphore, #tpu.memory_space<semaphore_mem>>) {add = true}
        %dma_wait3A_425 = arith.constant 0 : i32
        %dma_wait3A_426 = tpu.memref_slice %arg10[%run_scoped3A_348, %dma_wait3A_425] : memref<2x128xi32, #tpu.memory_space<vmem>> -> memref<1x128xi32, #tpu.memory_space<vmem>>
        %dma_wait3A_427 = tpu.memref_squeeze %dma_wait3A_426 : memref<1x128xi32, #tpu.memory_space<vmem>> -> memref<128xi32, #tpu.memory_space<vmem>>
        %dma_wait3A_428 = arith.constant 0 : i32
        %dma_wait3A_429 = arith.constant 0 : i32
        %dma_wait3A_430 = tpu.memref_slice %arg13[%dma_wait3A_428, %dma_wait3A_429] : memref<10112x128xf32, #tpu.memory_space<vmem_shared>> -> memref<10112x128xf32, #tpu.memory_space<vmem_shared>>
        tpu.wait_indirect_dma semaphore(%run_scoped3A_418 : memref<!tpu.dma_semaphore, #tpu.memory_space<semaphore_mem>>) src(%arg11 : memref<128x128xf32, #tpu.memory_space<vmem>>) dst(%dma_wait3A_430 : memref<10112x128xf32, #tpu.memory_space<vmem_shared>>)
        tpu.yield
      }) : () -> ()
      %add3A_349 = arith.constant 2 : i32
      %add3A_350 = arith.addi %mul3A_331, %add3A_349 : i32
      %add3A_351 = arith.constant 0 : i32
      %add3A_352 = arith.addi %add3A_350, %add3A_351 : i32
      %mul3A_353 = arith.constant 128 : i32
      %mul3A_354 = arith.muli %add3A_352, %mul3A_353 : i32
      %dma_start3A_355 = tpu.memref_slice %arg9[%mul3A_354] : memref<10112xi32, #tpu.memory_space<vmem>> -> memref<128xi32, #tpu.memory_space<vmem>>
      %dma_start3A_356 = arith.constant 0 : i32
      %dma_start3A_357 = arith.constant 0 : i32
      %dma_start3A_358 = tpu.memref_slice %arg3[%dma_start3A_356, %dma_start3A_357] : memref<10000x128xf32, #tpu.memory_space<hbm>> -> memref<10000x128xf32, #tpu.memory_space<hbm>>
      tpu.enqueue_indirect_dma source(%dma_start3A_358 : memref<10000x128xf32, #tpu.memory_space<hbm>>) target(%arg11 : memref<128x128xf32, #tpu.memory_space<vmem>>) offsets(%dma_start3A_355 : memref<128xi32, #tpu.memory_space<vmem>>) semaphore(%arg14 : memref<!tpu.dma_semaphore, #tpu.memory_space<semaphore_mem>>)
      %add3A_359 = arith.constant 2 : i32
      %add3A_360 = arith.addi %mul3A_331, %add3A_359 : i32
      %add3A_361 = arith.constant 0 : i32
      %add3A_362 = arith.addi %add3A_360, %add3A_361 : i32
      %mul3A_363 = arith.constant 128 : i32
      %mul3A_364 = arith.muli %add3A_362, %mul3A_363 : i32
      %add3A_365 = arith.addi %mul3A_4, %mul3A_364 : i32
      %dma_start3A_366 = arith.constant 0 : i32
      %dma_start3A_367 = arith.constant 0 : i32
      %dma_start3A_368 = tpu.memref_slice %arg10[%dma_start3A_366, %dma_start3A_367] : memref<2x128xi32, #tpu.memory_space<vmem>> -> memref<1x128xi32, #tpu.memory_space<vmem>>
      %dma_start3A_369 = tpu.memref_squeeze %dma_start3A_368 : memref<1x128xi32, #tpu.memory_space<vmem>> -> memref<128xi32, #tpu.memory_space<vmem>>
      %dma_start3A_370 = tpu.memref_slice %arg6[%add3A_365] : memref<323584xi32, #tpu.memory_space<hbm>> -> memref<128xi32, #tpu.memory_space<hbm>>
      %dma_start3A_371 = arith.constant 0 : i32
      %dma_start3A_372 = tpu.memref_slice %arg10[%dma_start3A_366, %dma_start3A_371] : memref<2x128xi32, #tpu.memory_space<vmem>> -> memref<1x128xi32, #tpu.memory_space<vmem>>
      %dma_start3A_373 = tpu.memref_squeeze %dma_start3A_372 : memref<1x128xi32, #tpu.memory_space<vmem>> -> memref<128xi32, #tpu.memory_space<vmem>>
      %dma_start3A_374 = tpu.memref_slice %arg6[%add3A_365] : memref<323584xi32, #tpu.memory_space<hbm>> -> memref<128xi32, #tpu.memory_space<hbm>>
      tpu.enqueue_dma source(%dma_start3A_374 : memref<128xi32, #tpu.memory_space<hbm>>) target(%dma_start3A_373 : memref<128xi32, #tpu.memory_space<vmem>>) target_semaphore(%arg16 : memref<!tpu.dma_semaphore, #tpu.memory_space<semaphore_mem>>)
      %dma_wait3A_375 = arith.constant 0 : i32
      %dma_wait3A_376 = tpu.memref_slice %arg9[%dma_wait3A_375] : memref<10112xi32, #tpu.memory_space<vmem>> -> memref<128xi32, #tpu.memory_space<vmem>>
      %dma_wait3A_377 = arith.constant 0 : i32
      %dma_wait3A_378 = arith.constant 0 : i32
      %dma_wait3A_379 = tpu.memref_slice %arg3[%dma_wait3A_377, %dma_wait3A_378] : memref<10000x128xf32, #tpu.memory_space<hbm>> -> memref<10000x128xf32, #tpu.memory_space<hbm>>
      tpu.wait_indirect_dma semaphore(%arg15 : memref<!tpu.dma_semaphore, #tpu.memory_space<semaphore_mem>>) src(%dma_wait3A_379 : memref<10000x128xf32, #tpu.memory_space<hbm>>) dst(%arg12 : memref<128x128xf32, #tpu.memory_space<vmem>>)
      %dma_wait3A_380 = arith.constant 1 : i32
      %dma_wait3A_381 = arith.constant 0 : i32
      %dma_wait3A_382 = tpu.memref_slice %arg10[%dma_wait3A_380, %dma_wait3A_381] : memref<2x128xi32, #tpu.memory_space<vmem>> -> memref<1x128xi32, #tpu.memory_space<vmem>>
      %dma_wait3A_383 = tpu.memref_squeeze %dma_wait3A_382 : memref<1x128xi32, #tpu.memory_space<vmem>> -> memref<128xi32, #tpu.memory_space<vmem>>
      %dma_wait3A_384 = arith.constant 0 : i32
      %dma_wait3A_385 = tpu.memref_slice %arg6[%dma_wait3A_384] : memref<323584xi32, #tpu.memory_space<hbm>> -> memref<128xi32, #tpu.memory_space<hbm>>
      %dma_wait3A_386 = arith.constant 0 : i32
      %dma_wait3A_387 = tpu.memref_slice %arg10[%dma_wait3A_380, %dma_wait3A_386] : memref<2x128xi32, #tpu.memory_space<vmem>> -> memref<1x128xi32, #tpu.memory_space<vmem>>
      %dma_wait3A_388 = tpu.memref_squeeze %dma_wait3A_387 : memref<1x128xi32, #tpu.memory_space<vmem>> -> memref<128xi32, #tpu.memory_space<vmem>>
      %dma_wait3A_389 = arith.constant 0 : i32
      %dma_wait3A_390 = tpu.memref_slice %arg6[%dma_wait3A_389] : memref<323584xi32, #tpu.memory_space<hbm>> -> memref<128xi32, #tpu.memory_space<hbm>>
      tpu.wait_dma2 semaphore(%arg17 : memref<!tpu.dma_semaphore, #tpu.memory_space<semaphore_mem>>) src(%dma_wait3A_390 : memref<128xi32, #tpu.memory_space<hbm>>) dst(%dma_wait3A_388 : memref<128xi32, #tpu.memory_space<vmem>>)
      %run_scoped3A_391 = arith.constant 1 : i32
      "tpu.region"() ({
        %run_scoped3A_418 = tpu.sem_alloc : memref<!tpu.dma_semaphore, #tpu.memory_space<semaphore_mem>>
        %dma_start3A_419 = arith.constant 0 : i32
        %dma_start3A_420 = tpu.memref_slice %arg10[%run_scoped3A_391, %dma_start3A_419] : memref<2x128xi32, #tpu.memory_space<vmem>> -> memref<1x128xi32, #tpu.memory_space<vmem>>
        %dma_start3A_421 = tpu.memref_squeeze %dma_start3A_420 : memref<1x128xi32, #tpu.memory_space<vmem>> -> memref<128xi32, #tpu.memory_space<vmem>>
        %dma_start3A_422 = arith.constant 0 : i32
        %dma_start3A_423 = arith.constant 0 : i32
        %dma_start3A_424 = tpu.memref_slice %arg13[%dma_start3A_422, %dma_start3A_423] : memref<10112x128xf32, #tpu.memory_space<vmem_shared>> -> memref<10112x128xf32, #tpu.memory_space<vmem_shared>>
        tpu.enqueue_indirect_dma source(%arg12 : memref<128x128xf32, #tpu.memory_space<vmem>>) target(%dma_start3A_424 : memref<10112x128xf32, #tpu.memory_space<vmem_shared>>) offsets(%dma_start3A_421 : memref<128xi32, #tpu.memory_space<vmem>>) semaphore(%run_scoped3A_418 : memref<!tpu.dma_semaphore, #tpu.memory_space<semaphore_mem>>) {add = true}
        %dma_wait3A_425 = arith.constant 0 : i32
        %dma_wait3A_426 = tpu.memref_slice %arg10[%run_scoped3A_391, %dma_wait3A_425] : memref<2x128xi32, #tpu.memory_space<vmem>> -> memref<1x128xi32, #tpu.memory_space<vmem>>
        %dma_wait3A_427 = tpu.memref_squeeze %dma_wait3A_426 : memref<1x128xi32, #tpu.memory_space<vmem>> -> memref<128xi32, #tpu.memory_space<vmem>>
        %dma_wait3A_428 = arith.constant 0 : i32
        %dma_wait3A_429 = arith.constant 0 : i32
        %dma_wait3A_430 = tpu.memref_slice %arg13[%dma_wait3A_428, %dma_wait3A_429] : memref<10112x128xf32, #tpu.memory_space<vmem_shared>> -> memref<10112x128xf32, #tpu.memory_space<vmem_shared>>
        tpu.wait_indirect_dma semaphore(%run_scoped3A_418 : memref<!tpu.dma_semaphore, #tpu.memory_space<semaphore_mem>>) src(%arg12 : memref<128x128xf32, #tpu.memory_space<vmem>>) dst(%dma_wait3A_430 : memref<10112x128xf32, #tpu.memory_space<vmem_shared>>)
        tpu.yield
      }) : () -> ()
      %add3A_392 = arith.constant 2 : i32
      %add3A_393 = arith.addi %mul3A_331, %add3A_392 : i32
      %add3A_394 = arith.constant 1 : i32
      %add3A_395 = arith.addi %add3A_393, %add3A_394 : i32
      %mul3A_396 = arith.constant 128 : i32
      %mul3A_397 = arith.muli %add3A_395, %mul3A_396 : i32
      %dma_start3A_398 = tpu.memref_slice %arg9[%mul3A_397] : memref<10112xi32, #tpu.memory_space<vmem>> -> memref<128xi32, #tpu.memory_space<vmem>>
      %dma_start3A_399 = arith.constant 0 : i32
      %dma_start3A_400 = arith.constant 0 : i32
      %dma_start3A_401 = tpu.memref_slice %arg3[%dma_start3A_399, %dma_start3A_400] : memref<10000x128xf32, #tpu.memory_space<hbm>> -> memref<10000x128xf32, #tpu.memory_space<hbm>>
      tpu.enqueue_indirect_dma source(%dma_start3A_401 : memref<10000x128xf32, #tpu.memory_space<hbm>>) target(%arg12 : memref<128x128xf32, #tpu.memory_space<vmem>>) offsets(%dma_start3A_398 : memref<128xi32, #tpu.memory_space<vmem>>) semaphore(%arg15 : memref<!tpu.dma_semaphore, #tpu.memory_space<semaphore_mem>>)
      %add3A_402 = arith.constant 2 : i32
      %add3A_403 = arith.addi %mul3A_331, %add3A_402 : i32
      %add3A_404 = arith.constant 1 : i32
      %add3A_405 = arith.addi %add3A_403, %add3A_404 : i32
      %mul3A_406 = arith.constant 128 : i32
      %mul3A_407 = arith.muli %add3A_405, %mul3A_406 : i32
      %add3A_408 = arith.addi %mul3A_4, %mul3A_407 : i32
      %dma_start3A_409 = arith.constant 1 : i32
      %dma_start3A_410 = arith.constant 0 : i32
      %dma_start3A_411 = tpu.memref_slice %arg10[%dma_start3A_409, %dma_start3A_410] : memref<2x128xi32, #tpu.memory_space<vmem>> -> memref<1x128xi32, #tpu.memory_space<vmem>>
      %dma_start3A_412 = tpu.memref_squeeze %dma_start3A_411 : memref<1x128xi32, #tpu.memory_space<vmem>> -> memref<128xi32, #tpu.memory_space<vmem>>
      %dma_start3A_413 = tpu.memref_slice %arg6[%add3A_408] : memref<323584xi32, #tpu.memory_space<hbm>> -> memref<128xi32, #tpu.memory_space<hbm>>
      %dma_start3A_414 = arith.constant 0 : i32
      %dma_start3A_415 = tpu.memref_slice %arg10[%dma_start3A_409, %dma_start3A_414] : memref<2x128xi32, #tpu.memory_space<vmem>> -> memref<1x128xi32, #tpu.memory_space<vmem>>
      %dma_start3A_416 = tpu.memref_squeeze %dma_start3A_415 : memref<1x128xi32, #tpu.memory_space<vmem>> -> memref<128xi32, #tpu.memory_space<vmem>>
      %dma_start3A_417 = tpu.memref_slice %arg6[%add3A_408] : memref<323584xi32, #tpu.memory_space<hbm>> -> memref<128xi32, #tpu.memory_space<hbm>>
      tpu.enqueue_dma source(%dma_start3A_417 : memref<128xi32, #tpu.memory_space<hbm>>) target(%dma_start3A_416 : memref<128xi32, #tpu.memory_space<vmem>>) target_semaphore(%arg17 : memref<!tpu.dma_semaphore, #tpu.memory_space<semaphore_mem>>)
    }
    %scan3A_149 = arith.constant 38 : i32
    %dma_wait3A_150 = arith.constant 0 : i32
    %dma_wait3A_151 = tpu.memref_slice %arg9[%dma_wait3A_150] : memref<10112xi32, #tpu.memory_space<vmem>> -> memref<128xi32, #tpu.memory_space<vmem>>
    %dma_wait3A_152 = arith.constant 0 : i32
    %dma_wait3A_153 = arith.constant 0 : i32
    %dma_wait3A_154 = tpu.memref_slice %arg3[%dma_wait3A_152, %dma_wait3A_153] : memref<10000x128xf32, #tpu.memory_space<hbm>> -> memref<10000x128xf32, #tpu.memory_space<hbm>>
    tpu.wait_indirect_dma semaphore(%arg14 : memref<!tpu.dma_semaphore, #tpu.memory_space<semaphore_mem>>) src(%dma_wait3A_154 : memref<10000x128xf32, #tpu.memory_space<hbm>>) dst(%arg11 : memref<128x128xf32, #tpu.memory_space<vmem>>)
    %dma_wait3A_155 = arith.constant 0 : i32
    %dma_wait3A_156 = arith.constant 0 : i32
    %dma_wait3A_157 = tpu.memref_slice %arg10[%dma_wait3A_155, %dma_wait3A_156] : memref<2x128xi32, #tpu.memory_space<vmem>> -> memref<1x128xi32, #tpu.memory_space<vmem>>
    %dma_wait3A_158 = tpu.memref_squeeze %dma_wait3A_157 : memref<1x128xi32, #tpu.memory_space<vmem>> -> memref<128xi32, #tpu.memory_space<vmem>>
    %dma_wait3A_159 = arith.constant 0 : i32
    %dma_wait3A_160 = tpu.memref_slice %arg6[%dma_wait3A_159] : memref<323584xi32, #tpu.memory_space<hbm>> -> memref<128xi32, #tpu.memory_space<hbm>>
    %dma_wait3A_161 = arith.constant 0 : i32
    %dma_wait3A_162 = tpu.memref_slice %arg10[%dma_wait3A_155, %dma_wait3A_161] : memref<2x128xi32, #tpu.memory_space<vmem>> -> memref<1x128xi32, #tpu.memory_space<vmem>>
    %dma_wait3A_163 = tpu.memref_squeeze %dma_wait3A_162 : memref<1x128xi32, #tpu.memory_space<vmem>> -> memref<128xi32, #tpu.memory_space<vmem>>
    %dma_wait3A_164 = arith.constant 0 : i32
    %dma_wait3A_165 = tpu.memref_slice %arg6[%dma_wait3A_164] : memref<323584xi32, #tpu.memory_space<hbm>> -> memref<128xi32, #tpu.memory_space<hbm>>
    tpu.wait_dma2 semaphore(%arg16 : memref<!tpu.dma_semaphore, #tpu.memory_space<semaphore_mem>>) src(%dma_wait3A_165 : memref<128xi32, #tpu.memory_space<hbm>>) dst(%dma_wait3A_163 : memref<128xi32, #tpu.memory_space<vmem>>)
    %run_scoped3A_166 = arith.constant 0 : i32
    "tpu.region"() ({
      %run_scoped3A_329 = tpu.sem_alloc : memref<!tpu.dma_semaphore, #tpu.memory_space<semaphore_mem>>
      %dma_start3A_330 = arith.constant 0 : i32
      %dma_start3A_331 = tpu.memref_slice %arg10[%run_scoped3A_166, %dma_start3A_330] : memref<2x128xi32, #tpu.memory_space<vmem>> -> memref<1x128xi32, #tpu.memory_space<vmem>>
      %dma_start3A_332 = tpu.memref_squeeze %dma_start3A_331 : memref<1x128xi32, #tpu.memory_space<vmem>> -> memref<128xi32, #tpu.memory_space<vmem>>
      %dma_start3A_333 = arith.constant 0 : i32
      %dma_start3A_334 = arith.constant 0 : i32
      %dma_start3A_335 = tpu.memref_slice %arg13[%dma_start3A_333, %dma_start3A_334] : memref<10112x128xf32, #tpu.memory_space<vmem_shared>> -> memref<10112x128xf32, #tpu.memory_space<vmem_shared>>
      tpu.enqueue_indirect_dma source(%arg11 : memref<128x128xf32, #tpu.memory_space<vmem>>) target(%dma_start3A_335 : memref<10112x128xf32, #tpu.memory_space<vmem_shared>>) offsets(%dma_start3A_332 : memref<128xi32, #tpu.memory_space<vmem>>) semaphore(%run_scoped3A_329 : memref<!tpu.dma_semaphore, #tpu.memory_space<semaphore_mem>>) {add = true}
      %dma_wait3A_336 = arith.constant 0 : i32
      %dma_wait3A_337 = tpu.memref_slice %arg10[%run_scoped3A_166, %dma_wait3A_336] : memref<2x128xi32, #tpu.memory_space<vmem>> -> memref<1x128xi32, #tpu.memory_space<vmem>>
      %dma_wait3A_338 = tpu.memref_squeeze %dma_wait3A_337 : memref<1x128xi32, #tpu.memory_space<vmem>> -> memref<128xi32, #tpu.memory_space<vmem>>
      %dma_wait3A_339 = arith.constant 0 : i32
      %dma_wait3A_340 = arith.constant 0 : i32
      %dma_wait3A_341 = tpu.memref_slice %arg13[%dma_wait3A_339, %dma_wait3A_340] : memref<10112x128xf32, #tpu.memory_space<vmem_shared>> -> memref<10112x128xf32, #tpu.memory_space<vmem_shared>>
      tpu.wait_indirect_dma semaphore(%run_scoped3A_329 : memref<!tpu.dma_semaphore, #tpu.memory_space<semaphore_mem>>) src(%arg11 : memref<128x128xf32, #tpu.memory_space<vmem>>) dst(%dma_wait3A_341 : memref<10112x128xf32, #tpu.memory_space<vmem_shared>>)
      tpu.yield
    }) : () -> ()
    %dma_start3A_167 = arith.constant 9984 : i32
    %dma_start3A_168 = tpu.memref_slice %arg9[%dma_start3A_167] : memref<10112xi32, #tpu.memory_space<vmem>> -> memref<128xi32, #tpu.memory_space<vmem>>
    %dma_start3A_169 = arith.constant 0 : i32
    %dma_start3A_170 = arith.constant 0 : i32
    %dma_start3A_171 = tpu.memref_slice %arg3[%dma_start3A_169, %dma_start3A_170] : memref<10000x128xf32, #tpu.memory_space<hbm>> -> memref<10000x128xf32, #tpu.memory_space<hbm>>
    tpu.enqueue_indirect_dma source(%dma_start3A_171 : memref<10000x128xf32, #tpu.memory_space<hbm>>) target(%arg11 : memref<128x128xf32, #tpu.memory_space<vmem>>) offsets(%dma_start3A_168 : memref<128xi32, #tpu.memory_space<vmem>>) semaphore(%arg14 : memref<!tpu.dma_semaphore, #tpu.memory_space<semaphore_mem>>)
    %add3A_172 = arith.constant 9984 : i32
    %add3A_173 = arith.addi %mul3A_4, %add3A_172 : i32
    %dma_start3A_174 = arith.constant 0 : i32
    %dma_start3A_175 = arith.constant 0 : i32
    %dma_start3A_176 = tpu.memref_slice %arg10[%dma_start3A_174, %dma_start3A_175] : memref<2x128xi32, #tpu.memory_space<vmem>> -> memref<1x128xi32, #tpu.memory_space<vmem>>
    %dma_start3A_177 = tpu.memref_squeeze %dma_start3A_176 : memref<1x128xi32, #tpu.memory_space<vmem>> -> memref<128xi32, #tpu.memory_space<vmem>>
    %dma_start3A_178 = tpu.memref_slice %arg6[%add3A_173] : memref<323584xi32, #tpu.memory_space<hbm>> -> memref<128xi32, #tpu.memory_space<hbm>>
    %dma_start3A_179 = arith.constant 0 : i32
    %dma_start3A_180 = tpu.memref_slice %arg10[%dma_start3A_174, %dma_start3A_179] : memref<2x128xi32, #tpu.memory_space<vmem>> -> memref<1x128xi32, #tpu.memory_space<vmem>>
    %dma_start3A_181 = tpu.memref_squeeze %dma_start3A_180 : memref<1x128xi32, #tpu.memory_space<vmem>> -> memref<128xi32, #tpu.memory_space<vmem>>
    %dma_start3A_182 = tpu.memref_slice %arg6[%add3A_173] : memref<323584xi32, #tpu.memory_space<hbm>> -> memref<128xi32, #tpu.memory_space<hbm>>
    tpu.enqueue_dma source(%dma_start3A_182 : memref<128xi32, #tpu.memory_space<hbm>>) target(%dma_start3A_181 : memref<128xi32, #tpu.memory_space<vmem>>) target_semaphore(%arg16 : memref<!tpu.dma_semaphore, #tpu.memory_space<semaphore_mem>>)
    %dma_wait3A_183 = arith.constant 0 : i32
    %dma_wait3A_184 = tpu.memref_slice %arg9[%dma_wait3A_183] : memref<10112xi32, #tpu.memory_space<vmem>> -> memref<128xi32, #tpu.memory_space<vmem>>
    %dma_wait3A_185 = arith.constant 0 : i32
    %dma_wait3A_186 = arith.constant 0 : i32
    %dma_wait3A_187 = tpu.memref_slice %arg3[%dma_wait3A_185, %dma_wait3A_186] : memref<10000x128xf32, #tpu.memory_space<hbm>> -> memref<10000x128xf32, #tpu.memory_space<hbm>>
    tpu.wait_indirect_dma semaphore(%arg15 : memref<!tpu.dma_semaphore, #tpu.memory_space<semaphore_mem>>) src(%dma_wait3A_187 : memref<10000x128xf32, #tpu.memory_space<hbm>>) dst(%arg12 : memref<128x128xf32, #tpu.memory_space<vmem>>)
    %dma_wait3A_188 = arith.constant 1 : i32
    %dma_wait3A_189 = arith.constant 0 : i32
    %dma_wait3A_190 = tpu.memref_slice %arg10[%dma_wait3A_188, %dma_wait3A_189] : memref<2x128xi32, #tpu.memory_space<vmem>> -> memref<1x128xi32, #tpu.memory_space<vmem>>
    %dma_wait3A_191 = tpu.memref_squeeze %dma_wait3A_190 : memref<1x128xi32, #tpu.memory_space<vmem>> -> memref<128xi32, #tpu.memory_space<vmem>>
    %dma_wait3A_192 = arith.constant 0 : i32
    %dma_wait3A_193 = tpu.memref_slice %arg6[%dma_wait3A_192] : memref<323584xi32, #tpu.memory_space<hbm>> -> memref<128xi32, #tpu.memory_space<hbm>>
    %dma_wait3A_194 = arith.constant 0 : i32
    %dma_wait3A_195 = tpu.memref_slice %arg10[%dma_wait3A_188, %dma_wait3A_194] : memref<2x128xi32, #tpu.memory_space<vmem>> -> memref<1x128xi32, #tpu.memory_space<vmem>>
    %dma_wait3A_196 = tpu.memref_squeeze %dma_wait3A_195 : memref<1x128xi32, #tpu.memory_space<vmem>> -> memref<128xi32, #tpu.memory_space<vmem>>
    %dma_wait3A_197 = arith.constant 0 : i32
    %dma_wait3A_198 = tpu.memref_slice %arg6[%dma_wait3A_197] : memref<323584xi32, #tpu.memory_space<hbm>> -> memref<128xi32, #tpu.memory_space<hbm>>
    tpu.wait_dma2 semaphore(%arg17 : memref<!tpu.dma_semaphore, #tpu.memory_space<semaphore_mem>>) src(%dma_wait3A_198 : memref<128xi32, #tpu.memory_space<hbm>>) dst(%dma_wait3A_196 : memref<128xi32, #tpu.memory_space<vmem>>)
    %run_scoped3A_199 = arith.constant 1 : i32
    "tpu.region"() ({
      %run_scoped3A_329 = tpu.sem_alloc : memref<!tpu.dma_semaphore, #tpu.memory_space<semaphore_mem>>
      %dma_start3A_330 = arith.constant 0 : i32
      %dma_start3A_331 = tpu.memref_slice %arg10[%run_scoped3A_199, %dma_start3A_330] : memref<2x128xi32, #tpu.memory_space<vmem>> -> memref<1x128xi32, #tpu.memory_space<vmem>>
      %dma_start3A_332 = tpu.memref_squeeze %dma_start3A_331 : memref<1x128xi32, #tpu.memory_space<vmem>> -> memref<128xi32, #tpu.memory_space<vmem>>
      %dma_start3A_333 = arith.constant 0 : i32
      %dma_start3A_334 = arith.constant 0 : i32
      %dma_start3A_335 = tpu.memref_slice %arg13[%dma_start3A_333, %dma_start3A_334] : memref<10112x128xf32, #tpu.memory_space<vmem_shared>> -> memref<10112x128xf32, #tpu.memory_space<vmem_shared>>
      tpu.enqueue_indirect_dma source(%arg12 : memref<128x128xf32, #tpu.memory_space<vmem>>) target(%dma_start3A_335 : memref<10112x128xf32, #tpu.memory_space<vmem_shared>>) offsets(%dma_start3A_332 : memref<128xi32, #tpu.memory_space<vmem>>) semaphore(%run_scoped3A_329 : memref<!tpu.dma_semaphore, #tpu.memory_space<semaphore_mem>>) {add = true}
      %dma_wait3A_336 = arith.constant 0 : i32
      %dma_wait3A_337 = tpu.memref_slice %arg10[%run_scoped3A_199, %dma_wait3A_336] : memref<2x128xi32, #tpu.memory_space<vmem>> -> memref<1x128xi32, #tpu.memory_space<vmem>>
      %dma_wait3A_338 = tpu.memref_squeeze %dma_wait3A_337 : memref<1x128xi32, #tpu.memory_space<vmem>> -> memref<128xi32, #tpu.memory_space<vmem>>
      %dma_wait3A_339 = arith.constant 0 : i32
      %dma_wait3A_340 = arith.constant 0 : i32
      %dma_wait3A_341 = tpu.memref_slice %arg13[%dma_wait3A_339, %dma_wait3A_340] : memref<10112x128xf32, #tpu.memory_space<vmem_shared>> -> memref<10112x128xf32, #tpu.memory_space<vmem_shared>>
      tpu.wait_indirect_dma semaphore(%run_scoped3A_329 : memref<!tpu.dma_semaphore, #tpu.memory_space<semaphore_mem>>) src(%arg12 : memref<128x128xf32, #tpu.memory_space<vmem>>) dst(%dma_wait3A_341 : memref<10112x128xf32, #tpu.memory_space<vmem_shared>>)
      tpu.yield
    }) : () -> ()
    %dma_wait3A_200 = arith.constant 0 : i32
    %dma_wait3A_201 = tpu.memref_slice %arg9[%dma_wait3A_200] : memref<10112xi32, #tpu.memory_space<vmem>> -> memref<128xi32, #tpu.memory_space<vmem>>
    %dma_wait3A_202 = arith.constant 0 : i32
    %dma_wait3A_203 = arith.constant 0 : i32
    %dma_wait3A_204 = tpu.memref_slice %arg3[%dma_wait3A_202, %dma_wait3A_203] : memref<10000x128xf32, #tpu.memory_space<hbm>> -> memref<10000x128xf32, #tpu.memory_space<hbm>>
    tpu.wait_indirect_dma semaphore(%arg14 : memref<!tpu.dma_semaphore, #tpu.memory_space<semaphore_mem>>) src(%dma_wait3A_204 : memref<10000x128xf32, #tpu.memory_space<hbm>>) dst(%arg11 : memref<128x128xf32, #tpu.memory_space<vmem>>)
    %dma_wait3A_205 = arith.constant 0 : i32
    %dma_wait3A_206 = arith.constant 0 : i32
    %dma_wait3A_207 = tpu.memref_slice %arg10[%dma_wait3A_205, %dma_wait3A_206] : memref<2x128xi32, #tpu.memory_space<vmem>> -> memref<1x128xi32, #tpu.memory_space<vmem>>
    %dma_wait3A_208 = tpu.memref_squeeze %dma_wait3A_207 : memref<1x128xi32, #tpu.memory_space<vmem>> -> memref<128xi32, #tpu.memory_space<vmem>>
    %dma_wait3A_209 = arith.constant 0 : i32
    %dma_wait3A_210 = tpu.memref_slice %arg6[%dma_wait3A_209] : memref<323584xi32, #tpu.memory_space<hbm>> -> memref<128xi32, #tpu.memory_space<hbm>>
    %dma_wait3A_211 = arith.constant 0 : i32
    %dma_wait3A_212 = tpu.memref_slice %arg10[%dma_wait3A_205, %dma_wait3A_211] : memref<2x128xi32, #tpu.memory_space<vmem>> -> memref<1x128xi32, #tpu.memory_space<vmem>>
    %dma_wait3A_213 = tpu.memref_squeeze %dma_wait3A_212 : memref<1x128xi32, #tpu.memory_space<vmem>> -> memref<128xi32, #tpu.memory_space<vmem>>
    %dma_wait3A_214 = arith.constant 0 : i32
    %dma_wait3A_215 = tpu.memref_slice %arg6[%dma_wait3A_214] : memref<323584xi32, #tpu.memory_space<hbm>> -> memref<128xi32, #tpu.memory_space<hbm>>
    tpu.wait_dma2 semaphore(%arg16 : memref<!tpu.dma_semaphore, #tpu.memory_space<semaphore_mem>>) src(%dma_wait3A_215 : memref<128xi32, #tpu.memory_space<hbm>>) dst(%dma_wait3A_213 : memref<128xi32, #tpu.memory_space<vmem>>)
    %run_scoped3A_216 = arith.constant 0 : i32
    "tpu.region"() ({
      %run_scoped3A_329 = tpu.sem_alloc : memref<!tpu.dma_semaphore, #tpu.memory_space<semaphore_mem>>
      %dma_start3A_330 = arith.constant 0 : i32
      %dma_start3A_331 = tpu.memref_slice %arg10[%run_scoped3A_216, %dma_start3A_330] : memref<2x128xi32, #tpu.memory_space<vmem>> -> memref<1x128xi32, #tpu.memory_space<vmem>>
      %dma_start3A_332 = tpu.memref_squeeze %dma_start3A_331 : memref<1x128xi32, #tpu.memory_space<vmem>> -> memref<128xi32, #tpu.memory_space<vmem>>
      %dma_start3A_333 = arith.constant 0 : i32
      %dma_start3A_334 = arith.constant 0 : i32
      %dma_start3A_335 = tpu.memref_slice %arg13[%dma_start3A_333, %dma_start3A_334] : memref<10112x128xf32, #tpu.memory_space<vmem_shared>> -> memref<10112x128xf32, #tpu.memory_space<vmem_shared>>
      tpu.enqueue_indirect_dma source(%arg11 : memref<128x128xf32, #tpu.memory_space<vmem>>) target(%dma_start3A_335 : memref<10112x128xf32, #tpu.memory_space<vmem_shared>>) offsets(%dma_start3A_332 : memref<128xi32, #tpu.memory_space<vmem>>) semaphore(%run_scoped3A_329 : memref<!tpu.dma_semaphore, #tpu.memory_space<semaphore_mem>>) {add = true}
      %dma_wait3A_336 = arith.constant 0 : i32
      %dma_wait3A_337 = tpu.memref_slice %arg10[%run_scoped3A_216, %dma_wait3A_336] : memref<2x128xi32, #tpu.memory_space<vmem>> -> memref<1x128xi32, #tpu.memory_space<vmem>>
      %dma_wait3A_338 = tpu.memref_squeeze %dma_wait3A_337 : memref<1x128xi32, #tpu.memory_space<vmem>> -> memref<128xi32, #tpu.memory_space<vmem>>
      %dma_wait3A_339 = arith.constant 0 : i32
      %dma_wait3A_340 = arith.constant 0 : i32
      %dma_wait3A_341 = tpu.memref_slice %arg13[%dma_wait3A_339, %dma_wait3A_340] : memref<10112x128xf32, #tpu.memory_space<vmem_shared>> -> memref<10112x128xf32, #tpu.memory_space<vmem_shared>>
      tpu.wait_indirect_dma semaphore(%run_scoped3A_329 : memref<!tpu.dma_semaphore, #tpu.memory_space<semaphore_mem>>) src(%arg11 : memref<128x128xf32, #tpu.memory_space<vmem>>) dst(%dma_wait3A_341 : memref<10112x128xf32, #tpu.memory_space<vmem_shared>>)
      tpu.yield
    }) : () -> ()
    %barrier3A_217 = arith.constant 0 : index
    tpu.barrier barrier_id(%barrier3A_217)
    %run_scoped3A_218 = arith.constant 1 : i32
    "tpu.region"() ({
      %run_scoped3A_329 = tpu.sem_alloc : memref<!tpu.dma_semaphore, #tpu.memory_space<semaphore_mem>>
      %dma_start3A_330 = arith.constant 0 : i32
      %dma_start3A_331 = tpu.memref_slice %arg8[%arg0, %run_scoped3A_218, %mul3A_2, %dma_start3A_330] : memref<2x3x10112x128xf32, #tpu.memory_space<hbm>> -> memref<1x1x632x128xf32, #tpu.memory_space<hbm>>
      %dma_start3A_332 = tpu.memref_squeeze %dma_start3A_331 : memref<1x1x632x128xf32, #tpu.memory_space<hbm>> -> memref<632x128xf32, #tpu.memory_space<hbm>>
      %dma_start3A_333 = arith.constant 0 : i32
      %dma_start3A_334 = tpu.memref_slice %arg13[%mul3A_2, %dma_start3A_333] : memref<10112x128xf32, #tpu.memory_space<vmem_shared>> -> memref<632x128xf32, #tpu.memory_space<vmem_shared>>
      tpu.enqueue_dma source(%dma_start3A_334 : memref<632x128xf32, #tpu.memory_space<vmem_shared>>) target(%dma_start3A_332 : memref<632x128xf32, #tpu.memory_space<hbm>>) target_semaphore(%run_scoped3A_329 : memref<!tpu.dma_semaphore, #tpu.memory_space<semaphore_mem>>)
      %dma_wait3A_335 = arith.constant 0 : i32
      %dma_wait3A_336 = tpu.memref_slice %arg8[%arg0, %run_scoped3A_218, %mul3A_2, %dma_wait3A_335] : memref<2x3x10112x128xf32, #tpu.memory_space<hbm>> -> memref<1x1x632x128xf32, #tpu.memory_space<hbm>>
      %dma_wait3A_337 = tpu.memref_squeeze %dma_wait3A_336 : memref<1x1x632x128xf32, #tpu.memory_space<hbm>> -> memref<632x128xf32, #tpu.memory_space<hbm>>
      %dma_wait3A_338 = arith.constant 0 : i32
      %dma_wait3A_339 = tpu.memref_slice %arg13[%mul3A_2, %dma_wait3A_338] : memref<10112x128xf32, #tpu.memory_space<vmem_shared>> -> memref<632x128xf32, #tpu.memory_space<vmem_shared>>
      tpu.wait_dma2 semaphore(%run_scoped3A_329 : memref<!tpu.dma_semaphore, #tpu.memory_space<semaphore_mem>>) src(%dma_wait3A_339 : memref<632x128xf32, #tpu.memory_space<vmem_shared>>) dst(%dma_wait3A_337 : memref<632x128xf32, #tpu.memory_space<hbm>>)
      tpu.yield
    }) : () -> ()
    %barrier3A_219 = arith.constant 0 : index
    tpu.barrier barrier_id(%barrier3A_219)
    "tpu.region"() ({
      %run_scoped3A_329 = tpu.sem_alloc : memref<!tpu.dma_semaphore, #tpu.memory_space<semaphore_mem>>
      %dma_start3A_330 = arith.constant 0 : i32
      %dma_start3A_331 = tpu.memref_slice %arg13[%mul3A_2, %dma_start3A_330] : memref<10112x128xf32, #tpu.memory_space<vmem_shared>> -> memref<632x128xf32, #tpu.memory_space<vmem_shared>>
      %dma_start3A_332 = arith.constant 0 : i32
      %dma_start3A_333 = tpu.memref_slice %arg7[%mul3A_2, %dma_start3A_332] : memref<10112x128xf32, #tpu.memory_space<hbm>> -> memref<632x128xf32, #tpu.memory_space<hbm>>
      tpu.enqueue_dma source(%dma_start3A_333 : memref<632x128xf32, #tpu.memory_space<hbm>>) target(%dma_start3A_331 : memref<632x128xf32, #tpu.memory_space<vmem_shared>>) target_semaphore(%run_scoped3A_329 : memref<!tpu.dma_semaphore, #tpu.memory_space<semaphore_mem>>)
      %dma_wait3A_334 = arith.constant 0 : i32
      %dma_wait3A_335 = tpu.memref_slice %arg13[%mul3A_2, %dma_wait3A_334] : memref<10112x128xf32, #tpu.memory_space<vmem_shared>> -> memref<632x128xf32, #tpu.memory_space<vmem_shared>>
      %dma_wait3A_336 = arith.constant 0 : i32
      %dma_wait3A_337 = tpu.memref_slice %arg7[%mul3A_2, %dma_wait3A_336] : memref<10112x128xf32, #tpu.memory_space<hbm>> -> memref<632x128xf32, #tpu.memory_space<hbm>>
      tpu.wait_dma2 semaphore(%run_scoped3A_329 : memref<!tpu.dma_semaphore, #tpu.memory_space<semaphore_mem>>) src(%dma_wait3A_337 : memref<632x128xf32, #tpu.memory_space<hbm>>) dst(%dma_wait3A_335 : memref<632x128xf32, #tpu.memory_space<vmem_shared>>)
      tpu.yield
    }) : () -> ()
    %barrier3A_220 = arith.constant 0 : index
    tpu.barrier barrier_id(%barrier3A_220)
    %dma_start3A_221 = arith.constant 0 : i32
    %dma_start3A_222 = tpu.memref_slice %arg9[%dma_start3A_221] : memref<10112xi32, #tpu.memory_space<vmem>> -> memref<128xi32, #tpu.memory_space<vmem>>
    %dma_start3A_223 = arith.constant 0 : i32
    %dma_start3A_224 = arith.constant 0 : i32
    %dma_start3A_225 = tpu.memref_slice %arg4[%dma_start3A_223, %dma_start3A_224] : memref<10000x128xf32, #tpu.memory_space<hbm>> -> memref<10000x128xf32, #tpu.memory_space<hbm>>
    tpu.enqueue_indirect_dma source(%dma_start3A_225 : memref<10000x128xf32, #tpu.memory_space<hbm>>) target(%arg11 : memref<128x128xf32, #tpu.memory_space<vmem>>) offsets(%dma_start3A_222 : memref<128xi32, #tpu.memory_space<vmem>>) semaphore(%arg14 : memref<!tpu.dma_semaphore, #tpu.memory_space<semaphore_mem>>)
    %add3A_226 = arith.constant 0 : i32
    %add3A_227 = arith.addi %mul3A_4, %add3A_226 : i32
    %dma_start3A_228 = arith.constant 0 : i32
    %dma_start3A_229 = arith.constant 0 : i32
    %dma_start3A_230 = tpu.memref_slice %arg10[%dma_start3A_228, %dma_start3A_229] : memref<2x128xi32, #tpu.memory_space<vmem>> -> memref<1x128xi32, #tpu.memory_space<vmem>>
    %dma_start3A_231 = tpu.memref_squeeze %dma_start3A_230 : memref<1x128xi32, #tpu.memory_space<vmem>> -> memref<128xi32, #tpu.memory_space<vmem>>
    %dma_start3A_232 = tpu.memref_slice %arg6[%add3A_227] : memref<323584xi32, #tpu.memory_space<hbm>> -> memref<128xi32, #tpu.memory_space<hbm>>
    %dma_start3A_233 = arith.constant 0 : i32
    %dma_start3A_234 = tpu.memref_slice %arg10[%dma_start3A_228, %dma_start3A_233] : memref<2x128xi32, #tpu.memory_space<vmem>> -> memref<1x128xi32, #tpu.memory_space<vmem>>
    %dma_start3A_235 = tpu.memref_squeeze %dma_start3A_234 : memref<1x128xi32, #tpu.memory_space<vmem>> -> memref<128xi32, #tpu.memory_space<vmem>>
    %dma_start3A_236 = tpu.memref_slice %arg6[%add3A_227] : memref<323584xi32, #tpu.memory_space<hbm>> -> memref<128xi32, #tpu.memory_space<hbm>>
    tpu.enqueue_dma source(%dma_start3A_236 : memref<128xi32, #tpu.memory_space<hbm>>) target(%dma_start3A_235 : memref<128xi32, #tpu.memory_space<vmem>>) target_semaphore(%arg16 : memref<!tpu.dma_semaphore, #tpu.memory_space<semaphore_mem>>)
    %dma_start3A_237 = arith.constant 128 : i32
    %dma_start3A_238 = tpu.memref_slice %arg9[%dma_start3A_237] : memref<10112xi32, #tpu.memory_space<vmem>> -> memref<128xi32, #tpu.memory_space<vmem>>
    %dma_start3A_239 = arith.constant 0 : i32
    %dma_start3A_240 = arith.constant 0 : i32
    %dma_start3A_241 = tpu.memref_slice %arg4[%dma_start3A_239, %dma_start3A_240] : memref<10000x128xf32, #tpu.memory_space<hbm>> -> memref<10000x128xf32, #tpu.memory_space<hbm>>
    tpu.enqueue_indirect_dma source(%dma_start3A_241 : memref<10000x128xf32, #tpu.memory_space<hbm>>) target(%arg12 : memref<128x128xf32, #tpu.memory_space<vmem>>) offsets(%dma_start3A_238 : memref<128xi32, #tpu.memory_space<vmem>>) semaphore(%arg15 : memref<!tpu.dma_semaphore, #tpu.memory_space<semaphore_mem>>)
    %add3A_242 = arith.constant 128 : i32
    %add3A_243 = arith.addi %mul3A_4, %add3A_242 : i32
    %dma_start3A_244 = arith.constant 1 : i32
    %dma_start3A_245 = arith.constant 0 : i32
    %dma_start3A_246 = tpu.memref_slice %arg10[%dma_start3A_244, %dma_start3A_245] : memref<2x128xi32, #tpu.memory_space<vmem>> -> memref<1x128xi32, #tpu.memory_space<vmem>>
    %dma_start3A_247 = tpu.memref_squeeze %dma_start3A_246 : memref<1x128xi32, #tpu.memory_space<vmem>> -> memref<128xi32, #tpu.memory_space<vmem>>
    %dma_start3A_248 = tpu.memref_slice %arg6[%add3A_243] : memref<323584xi32, #tpu.memory_space<hbm>> -> memref<128xi32, #tpu.memory_space<hbm>>
    %dma_start3A_249 = arith.constant 0 : i32
    %dma_start3A_250 = tpu.memref_slice %arg10[%dma_start3A_244, %dma_start3A_249] : memref<2x128xi32, #tpu.memory_space<vmem>> -> memref<1x128xi32, #tpu.memory_space<vmem>>
    %dma_start3A_251 = tpu.memref_squeeze %dma_start3A_250 : memref<1x128xi32, #tpu.memory_space<vmem>> -> memref<128xi32, #tpu.memory_space<vmem>>
    %dma_start3A_252 = tpu.memref_slice %arg6[%add3A_243] : memref<323584xi32, #tpu.memory_space<hbm>> -> memref<128xi32, #tpu.memory_space<hbm>>
    tpu.enqueue_dma source(%dma_start3A_252 : memref<128xi32, #tpu.memory_space<hbm>>) target(%dma_start3A_251 : memref<128xi32, #tpu.memory_space<vmem>>) target_semaphore(%arg17 : memref<!tpu.dma_semaphore, #tpu.memory_space<semaphore_mem>>)
    %scan3A_253 = arith.constant 0 : i32
    %scan3A_254 = arith.constant 0 : i32
    %scan3A_255 = arith.constant 38 : i32
    %scan3A_256 = arith.addi %scan3A_254, %scan3A_255 : i32
    %scan3A_257 = arith.constant 1 : i32
    scf.for %scan3A_329 = %scan3A_254 to %scan3A_256 step %scan3A_257  : i32 {
      %mul3A_330 = arith.constant 2 : i32
      %mul3A_331 = arith.muli %scan3A_329, %mul3A_330 : i32
      %dma_wait3A_332 = arith.constant 0 : i32
      %dma_wait3A_333 = tpu.memref_slice %arg9[%dma_wait3A_332] : memref<10112xi32, #tpu.memory_space<vmem>> -> memref<128xi32, #tpu.memory_space<vmem>>
      %dma_wait3A_334 = arith.constant 0 : i32
      %dma_wait3A_335 = arith.constant 0 : i32
      %dma_wait3A_336 = tpu.memref_slice %arg4[%dma_wait3A_334, %dma_wait3A_335] : memref<10000x128xf32, #tpu.memory_space<hbm>> -> memref<10000x128xf32, #tpu.memory_space<hbm>>
      tpu.wait_indirect_dma semaphore(%arg14 : memref<!tpu.dma_semaphore, #tpu.memory_space<semaphore_mem>>) src(%dma_wait3A_336 : memref<10000x128xf32, #tpu.memory_space<hbm>>) dst(%arg11 : memref<128x128xf32, #tpu.memory_space<vmem>>)
      %dma_wait3A_337 = arith.constant 0 : i32
      %dma_wait3A_338 = arith.constant 0 : i32
      %dma_wait3A_339 = tpu.memref_slice %arg10[%dma_wait3A_337, %dma_wait3A_338] : memref<2x128xi32, #tpu.memory_space<vmem>> -> memref<1x128xi32, #tpu.memory_space<vmem>>
      %dma_wait3A_340 = tpu.memref_squeeze %dma_wait3A_339 : memref<1x128xi32, #tpu.memory_space<vmem>> -> memref<128xi32, #tpu.memory_space<vmem>>
      %dma_wait3A_341 = arith.constant 0 : i32
      %dma_wait3A_342 = tpu.memref_slice %arg6[%dma_wait3A_341] : memref<323584xi32, #tpu.memory_space<hbm>> -> memref<128xi32, #tpu.memory_space<hbm>>
      %dma_wait3A_343 = arith.constant 0 : i32
      %dma_wait3A_344 = tpu.memref_slice %arg10[%dma_wait3A_337, %dma_wait3A_343] : memref<2x128xi32, #tpu.memory_space<vmem>> -> memref<1x128xi32, #tpu.memory_space<vmem>>
      %dma_wait3A_345 = tpu.memref_squeeze %dma_wait3A_344 : memref<1x128xi32, #tpu.memory_space<vmem>> -> memref<128xi32, #tpu.memory_space<vmem>>
      %dma_wait3A_346 = arith.constant 0 : i32
      %dma_wait3A_347 = tpu.memref_slice %arg6[%dma_wait3A_346] : memref<323584xi32, #tpu.memory_space<hbm>> -> memref<128xi32, #tpu.memory_space<hbm>>
      tpu.wait_dma2 semaphore(%arg16 : memref<!tpu.dma_semaphore, #tpu.memory_space<semaphore_mem>>) src(%dma_wait3A_347 : memref<128xi32, #tpu.memory_space<hbm>>) dst(%dma_wait3A_345 : memref<128xi32, #tpu.memory_space<vmem>>)
      %run_scoped3A_348 = arith.constant 0 : i32
      "tpu.region"() ({
        %run_scoped3A_418 = tpu.sem_alloc : memref<!tpu.dma_semaphore, #tpu.memory_space<semaphore_mem>>
        %dma_start3A_419 = arith.constant 0 : i32
        %dma_start3A_420 = tpu.memref_slice %arg10[%run_scoped3A_348, %dma_start3A_419] : memref<2x128xi32, #tpu.memory_space<vmem>> -> memref<1x128xi32, #tpu.memory_space<vmem>>
        %dma_start3A_421 = tpu.memref_squeeze %dma_start3A_420 : memref<1x128xi32, #tpu.memory_space<vmem>> -> memref<128xi32, #tpu.memory_space<vmem>>
        %dma_start3A_422 = arith.constant 0 : i32
        %dma_start3A_423 = arith.constant 0 : i32
        %dma_start3A_424 = tpu.memref_slice %arg13[%dma_start3A_422, %dma_start3A_423] : memref<10112x128xf32, #tpu.memory_space<vmem_shared>> -> memref<10112x128xf32, #tpu.memory_space<vmem_shared>>
        tpu.enqueue_indirect_dma source(%arg11 : memref<128x128xf32, #tpu.memory_space<vmem>>) target(%dma_start3A_424 : memref<10112x128xf32, #tpu.memory_space<vmem_shared>>) offsets(%dma_start3A_421 : memref<128xi32, #tpu.memory_space<vmem>>) semaphore(%run_scoped3A_418 : memref<!tpu.dma_semaphore, #tpu.memory_space<semaphore_mem>>) {add = true}
        %dma_wait3A_425 = arith.constant 0 : i32
        %dma_wait3A_426 = tpu.memref_slice %arg10[%run_scoped3A_348, %dma_wait3A_425] : memref<2x128xi32, #tpu.memory_space<vmem>> -> memref<1x128xi32, #tpu.memory_space<vmem>>
        %dma_wait3A_427 = tpu.memref_squeeze %dma_wait3A_426 : memref<1x128xi32, #tpu.memory_space<vmem>> -> memref<128xi32, #tpu.memory_space<vmem>>
        %dma_wait3A_428 = arith.constant 0 : i32
        %dma_wait3A_429 = arith.constant 0 : i32
        %dma_wait3A_430 = tpu.memref_slice %arg13[%dma_wait3A_428, %dma_wait3A_429] : memref<10112x128xf32, #tpu.memory_space<vmem_shared>> -> memref<10112x128xf32, #tpu.memory_space<vmem_shared>>
        tpu.wait_indirect_dma semaphore(%run_scoped3A_418 : memref<!tpu.dma_semaphore, #tpu.memory_space<semaphore_mem>>) src(%arg11 : memref<128x128xf32, #tpu.memory_space<vmem>>) dst(%dma_wait3A_430 : memref<10112x128xf32, #tpu.memory_space<vmem_shared>>)
        tpu.yield
      }) : () -> ()
      %add3A_349 = arith.constant 2 : i32
      %add3A_350 = arith.addi %mul3A_331, %add3A_349 : i32
      %add3A_351 = arith.constant 0 : i32
      %add3A_352 = arith.addi %add3A_350, %add3A_351 : i32
      %mul3A_353 = arith.constant 128 : i32
      %mul3A_354 = arith.muli %add3A_352, %mul3A_353 : i32
      %dma_start3A_355 = tpu.memref_slice %arg9[%mul3A_354] : memref<10112xi32, #tpu.memory_space<vmem>> -> memref<128xi32, #tpu.memory_space<vmem>>
      %dma_start3A_356 = arith.constant 0 : i32
      %dma_start3A_357 = arith.constant 0 : i32
      %dma_start3A_358 = tpu.memref_slice %arg4[%dma_start3A_356, %dma_start3A_357] : memref<10000x128xf32, #tpu.memory_space<hbm>> -> memref<10000x128xf32, #tpu.memory_space<hbm>>
      tpu.enqueue_indirect_dma source(%dma_start3A_358 : memref<10000x128xf32, #tpu.memory_space<hbm>>) target(%arg11 : memref<128x128xf32, #tpu.memory_space<vmem>>) offsets(%dma_start3A_355 : memref<128xi32, #tpu.memory_space<vmem>>) semaphore(%arg14 : memref<!tpu.dma_semaphore, #tpu.memory_space<semaphore_mem>>)
      %add3A_359 = arith.constant 2 : i32
      %add3A_360 = arith.addi %mul3A_331, %add3A_359 : i32
      %add3A_361 = arith.constant 0 : i32
      %add3A_362 = arith.addi %add3A_360, %add3A_361 : i32
      %mul3A_363 = arith.constant 128 : i32
      %mul3A_364 = arith.muli %add3A_362, %mul3A_363 : i32
      %add3A_365 = arith.addi %mul3A_4, %mul3A_364 : i32
      %dma_start3A_366 = arith.constant 0 : i32
      %dma_start3A_367 = arith.constant 0 : i32
      %dma_start3A_368 = tpu.memref_slice %arg10[%dma_start3A_366, %dma_start3A_367] : memref<2x128xi32, #tpu.memory_space<vmem>> -> memref<1x128xi32, #tpu.memory_space<vmem>>
      %dma_start3A_369 = tpu.memref_squeeze %dma_start3A_368 : memref<1x128xi32, #tpu.memory_space<vmem>> -> memref<128xi32, #tpu.memory_space<vmem>>
      %dma_start3A_370 = tpu.memref_slice %arg6[%add3A_365] : memref<323584xi32, #tpu.memory_space<hbm>> -> memref<128xi32, #tpu.memory_space<hbm>>
      %dma_start3A_371 = arith.constant 0 : i32
      %dma_start3A_372 = tpu.memref_slice %arg10[%dma_start3A_366, %dma_start3A_371] : memref<2x128xi32, #tpu.memory_space<vmem>> -> memref<1x128xi32, #tpu.memory_space<vmem>>
      %dma_start3A_373 = tpu.memref_squeeze %dma_start3A_372 : memref<1x128xi32, #tpu.memory_space<vmem>> -> memref<128xi32, #tpu.memory_space<vmem>>
      %dma_start3A_374 = tpu.memref_slice %arg6[%add3A_365] : memref<323584xi32, #tpu.memory_space<hbm>> -> memref<128xi32, #tpu.memory_space<hbm>>
      tpu.enqueue_dma source(%dma_start3A_374 : memref<128xi32, #tpu.memory_space<hbm>>) target(%dma_start3A_373 : memref<128xi32, #tpu.memory_space<vmem>>) target_semaphore(%arg16 : memref<!tpu.dma_semaphore, #tpu.memory_space<semaphore_mem>>)
      %dma_wait3A_375 = arith.constant 0 : i32
      %dma_wait3A_376 = tpu.memref_slice %arg9[%dma_wait3A_375] : memref<10112xi32, #tpu.memory_space<vmem>> -> memref<128xi32, #tpu.memory_space<vmem>>
      %dma_wait3A_377 = arith.constant 0 : i32
      %dma_wait3A_378 = arith.constant 0 : i32
      %dma_wait3A_379 = tpu.memref_slice %arg4[%dma_wait3A_377, %dma_wait3A_378] : memref<10000x128xf32, #tpu.memory_space<hbm>> -> memref<10000x128xf32, #tpu.memory_space<hbm>>
      tpu.wait_indirect_dma semaphore(%arg15 : memref<!tpu.dma_semaphore, #tpu.memory_space<semaphore_mem>>) src(%dma_wait3A_379 : memref<10000x128xf32, #tpu.memory_space<hbm>>) dst(%arg12 : memref<128x128xf32, #tpu.memory_space<vmem>>)
      %dma_wait3A_380 = arith.constant 1 : i32
      %dma_wait3A_381 = arith.constant 0 : i32
      %dma_wait3A_382 = tpu.memref_slice %arg10[%dma_wait3A_380, %dma_wait3A_381] : memref<2x128xi32, #tpu.memory_space<vmem>> -> memref<1x128xi32, #tpu.memory_space<vmem>>
      %dma_wait3A_383 = tpu.memref_squeeze %dma_wait3A_382 : memref<1x128xi32, #tpu.memory_space<vmem>> -> memref<128xi32, #tpu.memory_space<vmem>>
      %dma_wait3A_384 = arith.constant 0 : i32
      %dma_wait3A_385 = tpu.memref_slice %arg6[%dma_wait3A_384] : memref<323584xi32, #tpu.memory_space<hbm>> -> memref<128xi32, #tpu.memory_space<hbm>>
      %dma_wait3A_386 = arith.constant 0 : i32
      %dma_wait3A_387 = tpu.memref_slice %arg10[%dma_wait3A_380, %dma_wait3A_386] : memref<2x128xi32, #tpu.memory_space<vmem>> -> memref<1x128xi32, #tpu.memory_space<vmem>>
      %dma_wait3A_388 = tpu.memref_squeeze %dma_wait3A_387 : memref<1x128xi32, #tpu.memory_space<vmem>> -> memref<128xi32, #tpu.memory_space<vmem>>
      %dma_wait3A_389 = arith.constant 0 : i32
      %dma_wait3A_390 = tpu.memref_slice %arg6[%dma_wait3A_389] : memref<323584xi32, #tpu.memory_space<hbm>> -> memref<128xi32, #tpu.memory_space<hbm>>
      tpu.wait_dma2 semaphore(%arg17 : memref<!tpu.dma_semaphore, #tpu.memory_space<semaphore_mem>>) src(%dma_wait3A_390 : memref<128xi32, #tpu.memory_space<hbm>>) dst(%dma_wait3A_388 : memref<128xi32, #tpu.memory_space<vmem>>)
      %run_scoped3A_391 = arith.constant 1 : i32
      "tpu.region"() ({
        %run_scoped3A_418 = tpu.sem_alloc : memref<!tpu.dma_semaphore, #tpu.memory_space<semaphore_mem>>
        %dma_start3A_419 = arith.constant 0 : i32
        %dma_start3A_420 = tpu.memref_slice %arg10[%run_scoped3A_391, %dma_start3A_419] : memref<2x128xi32, #tpu.memory_space<vmem>> -> memref<1x128xi32, #tpu.memory_space<vmem>>
        %dma_start3A_421 = tpu.memref_squeeze %dma_start3A_420 : memref<1x128xi32, #tpu.memory_space<vmem>> -> memref<128xi32, #tpu.memory_space<vmem>>
        %dma_start3A_422 = arith.constant 0 : i32
        %dma_start3A_423 = arith.constant 0 : i32
        %dma_start3A_424 = tpu.memref_slice %arg13[%dma_start3A_422, %dma_start3A_423] : memref<10112x128xf32, #tpu.memory_space<vmem_shared>> -> memref<10112x128xf32, #tpu.memory_space<vmem_shared>>
        tpu.enqueue_indirect_dma source(%arg12 : memref<128x128xf32, #tpu.memory_space<vmem>>) target(%dma_start3A_424 : memref<10112x128xf32, #tpu.memory_space<vmem_shared>>) offsets(%dma_start3A_421 : memref<128xi32, #tpu.memory_space<vmem>>) semaphore(%run_scoped3A_418 : memref<!tpu.dma_semaphore, #tpu.memory_space<semaphore_mem>>) {add = true}
        %dma_wait3A_425 = arith.constant 0 : i32
        %dma_wait3A_426 = tpu.memref_slice %arg10[%run_scoped3A_391, %dma_wait3A_425] : memref<2x128xi32, #tpu.memory_space<vmem>> -> memref<1x128xi32, #tpu.memory_space<vmem>>
        %dma_wait3A_427 = tpu.memref_squeeze %dma_wait3A_426 : memref<1x128xi32, #tpu.memory_space<vmem>> -> memref<128xi32, #tpu.memory_space<vmem>>
        %dma_wait3A_428 = arith.constant 0 : i32
        %dma_wait3A_429 = arith.constant 0 : i32
        %dma_wait3A_430 = tpu.memref_slice %arg13[%dma_wait3A_428, %dma_wait3A_429] : memref<10112x128xf32, #tpu.memory_space<vmem_shared>> -> memref<10112x128xf32, #tpu.memory_space<vmem_shared>>
        tpu.wait_indirect_dma semaphore(%run_scoped3A_418 : memref<!tpu.dma_semaphore, #tpu.memory_space<semaphore_mem>>) src(%arg12 : memref<128x128xf32, #tpu.memory_space<vmem>>) dst(%dma_wait3A_430 : memref<10112x128xf32, #tpu.memory_space<vmem_shared>>)
        tpu.yield
      }) : () -> ()
      %add3A_392 = arith.constant 2 : i32
      %add3A_393 = arith.addi %mul3A_331, %add3A_392 : i32
      %add3A_394 = arith.constant 1 : i32
      %add3A_395 = arith.addi %add3A_393, %add3A_394 : i32
      %mul3A_396 = arith.constant 128 : i32
      %mul3A_397 = arith.muli %add3A_395, %mul3A_396 : i32
      %dma_start3A_398 = tpu.memref_slice %arg9[%mul3A_397] : memref<10112xi32, #tpu.memory_space<vmem>> -> memref<128xi32, #tpu.memory_space<vmem>>
      %dma_start3A_399 = arith.constant 0 : i32
      %dma_start3A_400 = arith.constant 0 : i32
      %dma_start3A_401 = tpu.memref_slice %arg4[%dma_start3A_399, %dma_start3A_400] : memref<10000x128xf32, #tpu.memory_space<hbm>> -> memref<10000x128xf32, #tpu.memory_space<hbm>>
      tpu.enqueue_indirect_dma source(%dma_start3A_401 : memref<10000x128xf32, #tpu.memory_space<hbm>>) target(%arg12 : memref<128x128xf32, #tpu.memory_space<vmem>>) offsets(%dma_start3A_398 : memref<128xi32, #tpu.memory_space<vmem>>) semaphore(%arg15 : memref<!tpu.dma_semaphore, #tpu.memory_space<semaphore_mem>>)
      %add3A_402 = arith.constant 2 : i32
      %add3A_403 = arith.addi %mul3A_331, %add3A_402 : i32
      %add3A_404 = arith.constant 1 : i32
      %add3A_405 = arith.addi %add3A_403, %add3A_404 : i32
      %mul3A_406 = arith.constant 128 : i32
      %mul3A_407 = arith.muli %add3A_405, %mul3A_406 : i32
      %add3A_408 = arith.addi %mul3A_4, %mul3A_407 : i32
      %dma_start3A_409 = arith.constant 1 : i32
      %dma_start3A_410 = arith.constant 0 : i32
      %dma_start3A_411 = tpu.memref_slice %arg10[%dma_start3A_409, %dma_start3A_410] : memref<2x128xi32, #tpu.memory_space<vmem>> -> memref<1x128xi32, #tpu.memory_space<vmem>>
      %dma_start3A_412 = tpu.memref_squeeze %dma_start3A_411 : memref<1x128xi32, #tpu.memory_space<vmem>> -> memref<128xi32, #tpu.memory_space<vmem>>
      %dma_start3A_413 = tpu.memref_slice %arg6[%add3A_408] : memref<323584xi32, #tpu.memory_space<hbm>> -> memref<128xi32, #tpu.memory_space<hbm>>
      %dma_start3A_414 = arith.constant 0 : i32
      %dma_start3A_415 = tpu.memref_slice %arg10[%dma_start3A_409, %dma_start3A_414] : memref<2x128xi32, #tpu.memory_space<vmem>> -> memref<1x128xi32, #tpu.memory_space<vmem>>
      %dma_start3A_416 = tpu.memref_squeeze %dma_start3A_415 : memref<1x128xi32, #tpu.memory_space<vmem>> -> memref<128xi32, #tpu.memory_space<vmem>>
      %dma_start3A_417 = tpu.memref_slice %arg6[%add3A_408] : memref<323584xi32, #tpu.memory_space<hbm>> -> memref<128xi32, #tpu.memory_space<hbm>>
      tpu.enqueue_dma source(%dma_start3A_417 : memref<128xi32, #tpu.memory_space<hbm>>) target(%dma_start3A_416 : memref<128xi32, #tpu.memory_space<vmem>>) target_semaphore(%arg17 : memref<!tpu.dma_semaphore, #tpu.memory_space<semaphore_mem>>)
    }
    %scan3A_258 = arith.constant 38 : i32
    %dma_wait3A_259 = arith.constant 0 : i32
    %dma_wait3A_260 = tpu.memref_slice %arg9[%dma_wait3A_259] : memref<10112xi32, #tpu.memory_space<vmem>> -> memref<128xi32, #tpu.memory_space<vmem>>
    %dma_wait3A_261 = arith.constant 0 : i32
    %dma_wait3A_262 = arith.constant 0 : i32
    %dma_wait3A_263 = tpu.memref_slice %arg4[%dma_wait3A_261, %dma_wait3A_262] : memref<10000x128xf32, #tpu.memory_space<hbm>> -> memref<10000x128xf32, #tpu.memory_space<hbm>>
    tpu.wait_indirect_dma semaphore(%arg14 : memref<!tpu.dma_semaphore, #tpu.memory_space<semaphore_mem>>) src(%dma_wait3A_263 : memref<10000x128xf32, #tpu.memory_space<hbm>>) dst(%arg11 : memref<128x128xf32, #tpu.memory_space<vmem>>)
    %dma_wait3A_264 = arith.constant 0 : i32
    %dma_wait3A_265 = arith.constant 0 : i32
    %dma_wait3A_266 = tpu.memref_slice %arg10[%dma_wait3A_264, %dma_wait3A_265] : memref<2x128xi32, #tpu.memory_space<vmem>> -> memref<1x128xi32, #tpu.memory_space<vmem>>
    %dma_wait3A_267 = tpu.memref_squeeze %dma_wait3A_266 : memref<1x128xi32, #tpu.memory_space<vmem>> -> memref<128xi32, #tpu.memory_space<vmem>>
    %dma_wait3A_268 = arith.constant 0 : i32
    %dma_wait3A_269 = tpu.memref_slice %arg6[%dma_wait3A_268] : memref<323584xi32, #tpu.memory_space<hbm>> -> memref<128xi32, #tpu.memory_space<hbm>>
    %dma_wait3A_270 = arith.constant 0 : i32
    %dma_wait3A_271 = tpu.memref_slice %arg10[%dma_wait3A_264, %dma_wait3A_270] : memref<2x128xi32, #tpu.memory_space<vmem>> -> memref<1x128xi32, #tpu.memory_space<vmem>>
    %dma_wait3A_272 = tpu.memref_squeeze %dma_wait3A_271 : memref<1x128xi32, #tpu.memory_space<vmem>> -> memref<128xi32, #tpu.memory_space<vmem>>
    %dma_wait3A_273 = arith.constant 0 : i32
    %dma_wait3A_274 = tpu.memref_slice %arg6[%dma_wait3A_273] : memref<323584xi32, #tpu.memory_space<hbm>> -> memref<128xi32, #tpu.memory_space<hbm>>
    tpu.wait_dma2 semaphore(%arg16 : memref<!tpu.dma_semaphore, #tpu.memory_space<semaphore_mem>>) src(%dma_wait3A_274 : memref<128xi32, #tpu.memory_space<hbm>>) dst(%dma_wait3A_272 : memref<128xi32, #tpu.memory_space<vmem>>)
    %run_scoped3A_275 = arith.constant 0 : i32
    "tpu.region"() ({
      %run_scoped3A_329 = tpu.sem_alloc : memref<!tpu.dma_semaphore, #tpu.memory_space<semaphore_mem>>
      %dma_start3A_330 = arith.constant 0 : i32
      %dma_start3A_331 = tpu.memref_slice %arg10[%run_scoped3A_275, %dma_start3A_330] : memref<2x128xi32, #tpu.memory_space<vmem>> -> memref<1x128xi32, #tpu.memory_space<vmem>>
      %dma_start3A_332 = tpu.memref_squeeze %dma_start3A_331 : memref<1x128xi32, #tpu.memory_space<vmem>> -> memref<128xi32, #tpu.memory_space<vmem>>
      %dma_start3A_333 = arith.constant 0 : i32
      %dma_start3A_334 = arith.constant 0 : i32
      %dma_start3A_335 = tpu.memref_slice %arg13[%dma_start3A_333, %dma_start3A_334] : memref<10112x128xf32, #tpu.memory_space<vmem_shared>> -> memref<10112x128xf32, #tpu.memory_space<vmem_shared>>
      tpu.enqueue_indirect_dma source(%arg11 : memref<128x128xf32, #tpu.memory_space<vmem>>) target(%dma_start3A_335 : memref<10112x128xf32, #tpu.memory_space<vmem_shared>>) offsets(%dma_start3A_332 : memref<128xi32, #tpu.memory_space<vmem>>) semaphore(%run_scoped3A_329 : memref<!tpu.dma_semaphore, #tpu.memory_space<semaphore_mem>>) {add = true}
      %dma_wait3A_336 = arith.constant 0 : i32
      %dma_wait3A_337 = tpu.memref_slice %arg10[%run_scoped3A_275, %dma_wait3A_336] : memref<2x128xi32, #tpu.memory_space<vmem>> -> memref<1x128xi32, #tpu.memory_space<vmem>>
      %dma_wait3A_338 = tpu.memref_squeeze %dma_wait3A_337 : memref<1x128xi32, #tpu.memory_space<vmem>> -> memref<128xi32, #tpu.memory_space<vmem>>
      %dma_wait3A_339 = arith.constant 0 : i32
      %dma_wait3A_340 = arith.constant 0 : i32
      %dma_wait3A_341 = tpu.memref_slice %arg13[%dma_wait3A_339, %dma_wait3A_340] : memref<10112x128xf32, #tpu.memory_space<vmem_shared>> -> memref<10112x128xf32, #tpu.memory_space<vmem_shared>>
      tpu.wait_indirect_dma semaphore(%run_scoped3A_329 : memref<!tpu.dma_semaphore, #tpu.memory_space<semaphore_mem>>) src(%arg11 : memref<128x128xf32, #tpu.memory_space<vmem>>) dst(%dma_wait3A_341 : memref<10112x128xf32, #tpu.memory_space<vmem_shared>>)
      tpu.yield
    }) : () -> ()
    %dma_start3A_276 = arith.constant 9984 : i32
    %dma_start3A_277 = tpu.memref_slice %arg9[%dma_start3A_276] : memref<10112xi32, #tpu.memory_space<vmem>> -> memref<128xi32, #tpu.memory_space<vmem>>
    %dma_start3A_278 = arith.constant 0 : i32
    %dma_start3A_279 = arith.constant 0 : i32
    %dma_start3A_280 = tpu.memref_slice %arg4[%dma_start3A_278, %dma_start3A_279] : memref<10000x128xf32, #tpu.memory_space<hbm>> -> memref<10000x128xf32, #tpu.memory_space<hbm>>
    tpu.enqueue_indirect_dma source(%dma_start3A_280 : memref<10000x128xf32, #tpu.memory_space<hbm>>) target(%arg11 : memref<128x128xf32, #tpu.memory_space<vmem>>) offsets(%dma_start3A_277 : memref<128xi32, #tpu.memory_space<vmem>>) semaphore(%arg14 : memref<!tpu.dma_semaphore, #tpu.memory_space<semaphore_mem>>)
    %add3A_281 = arith.constant 9984 : i32
    %add3A_282 = arith.addi %mul3A_4, %add3A_281 : i32
    %dma_start3A_283 = arith.constant 0 : i32
    %dma_start3A_284 = arith.constant 0 : i32
    %dma_start3A_285 = tpu.memref_slice %arg10[%dma_start3A_283, %dma_start3A_284] : memref<2x128xi32, #tpu.memory_space<vmem>> -> memref<1x128xi32, #tpu.memory_space<vmem>>
    %dma_start3A_286 = tpu.memref_squeeze %dma_start3A_285 : memref<1x128xi32, #tpu.memory_space<vmem>> -> memref<128xi32, #tpu.memory_space<vmem>>
    %dma_start3A_287 = tpu.memref_slice %arg6[%add3A_282] : memref<323584xi32, #tpu.memory_space<hbm>> -> memref<128xi32, #tpu.memory_space<hbm>>
    %dma_start3A_288 = arith.constant 0 : i32
    %dma_start3A_289 = tpu.memref_slice %arg10[%dma_start3A_283, %dma_start3A_288] : memref<2x128xi32, #tpu.memory_space<vmem>> -> memref<1x128xi32, #tpu.memory_space<vmem>>
    %dma_start3A_290 = tpu.memref_squeeze %dma_start3A_289 : memref<1x128xi32, #tpu.memory_space<vmem>> -> memref<128xi32, #tpu.memory_space<vmem>>
    %dma_start3A_291 = tpu.memref_slice %arg6[%add3A_282] : memref<323584xi32, #tpu.memory_space<hbm>> -> memref<128xi32, #tpu.memory_space<hbm>>
    tpu.enqueue_dma source(%dma_start3A_291 : memref<128xi32, #tpu.memory_space<hbm>>) target(%dma_start3A_290 : memref<128xi32, #tpu.memory_space<vmem>>) target_semaphore(%arg16 : memref<!tpu.dma_semaphore, #tpu.memory_space<semaphore_mem>>)
    %dma_wait3A_292 = arith.constant 0 : i32
    %dma_wait3A_293 = tpu.memref_slice %arg9[%dma_wait3A_292] : memref<10112xi32, #tpu.memory_space<vmem>> -> memref<128xi32, #tpu.memory_space<vmem>>
    %dma_wait3A_294 = arith.constant 0 : i32
    %dma_wait3A_295 = arith.constant 0 : i32
    %dma_wait3A_296 = tpu.memref_slice %arg4[%dma_wait3A_294, %dma_wait3A_295] : memref<10000x128xf32, #tpu.memory_space<hbm>> -> memref<10000x128xf32, #tpu.memory_space<hbm>>
    tpu.wait_indirect_dma semaphore(%arg15 : memref<!tpu.dma_semaphore, #tpu.memory_space<semaphore_mem>>) src(%dma_wait3A_296 : memref<10000x128xf32, #tpu.memory_space<hbm>>) dst(%arg12 : memref<128x128xf32, #tpu.memory_space<vmem>>)
    %dma_wait3A_297 = arith.constant 1 : i32
    %dma_wait3A_298 = arith.constant 0 : i32
    %dma_wait3A_299 = tpu.memref_slice %arg10[%dma_wait3A_297, %dma_wait3A_298] : memref<2x128xi32, #tpu.memory_space<vmem>> -> memref<1x128xi32, #tpu.memory_space<vmem>>
    %dma_wait3A_300 = tpu.memref_squeeze %dma_wait3A_299 : memref<1x128xi32, #tpu.memory_space<vmem>> -> memref<128xi32, #tpu.memory_space<vmem>>
    %dma_wait3A_301 = arith.constant 0 : i32
    %dma_wait3A_302 = tpu.memref_slice %arg6[%dma_wait3A_301] : memref<323584xi32, #tpu.memory_space<hbm>> -> memref<128xi32, #tpu.memory_space<hbm>>
    %dma_wait3A_303 = arith.constant 0 : i32
    %dma_wait3A_304 = tpu.memref_slice %arg10[%dma_wait3A_297, %dma_wait3A_303] : memref<2x128xi32, #tpu.memory_space<vmem>> -> memref<1x128xi32, #tpu.memory_space<vmem>>
    %dma_wait3A_305 = tpu.memref_squeeze %dma_wait3A_304 : memref<1x128xi32, #tpu.memory_space<vmem>> -> memref<128xi32, #tpu.memory_space<vmem>>
    %dma_wait3A_306 = arith.constant 0 : i32
    %dma_wait3A_307 = tpu.memref_slice %arg6[%dma_wait3A_306] : memref<323584xi32, #tpu.memory_space<hbm>> -> memref<128xi32, #tpu.memory_space<hbm>>
    tpu.wait_dma2 semaphore(%arg17 : memref<!tpu.dma_semaphore, #tpu.memory_space<semaphore_mem>>) src(%dma_wait3A_307 : memref<128xi32, #tpu.memory_space<hbm>>) dst(%dma_wait3A_305 : memref<128xi32, #tpu.memory_space<vmem>>)
    %run_scoped3A_308 = arith.constant 1 : i32
    "tpu.region"() ({
      %run_scoped3A_329 = tpu.sem_alloc : memref<!tpu.dma_semaphore, #tpu.memory_space<semaphore_mem>>
      %dma_start3A_330 = arith.constant 0 : i32
      %dma_start3A_331 = tpu.memref_slice %arg10[%run_scoped3A_308, %dma_start3A_330] : memref<2x128xi32, #tpu.memory_space<vmem>> -> memref<1x128xi32, #tpu.memory_space<vmem>>
      %dma_start3A_332 = tpu.memref_squeeze %dma_start3A_331 : memref<1x128xi32, #tpu.memory_space<vmem>> -> memref<128xi32, #tpu.memory_space<vmem>>
      %dma_start3A_333 = arith.constant 0 : i32
      %dma_start3A_334 = arith.constant 0 : i32
      %dma_start3A_335 = tpu.memref_slice %arg13[%dma_start3A_333, %dma_start3A_334] : memref<10112x128xf32, #tpu.memory_space<vmem_shared>> -> memref<10112x128xf32, #tpu.memory_space<vmem_shared>>
      tpu.enqueue_indirect_dma source(%arg12 : memref<128x128xf32, #tpu.memory_space<vmem>>) target(%dma_start3A_335 : memref<10112x128xf32, #tpu.memory_space<vmem_shared>>) offsets(%dma_start3A_332 : memref<128xi32, #tpu.memory_space<vmem>>) semaphore(%run_scoped3A_329 : memref<!tpu.dma_semaphore, #tpu.memory_space<semaphore_mem>>) {add = true}
      %dma_wait3A_336 = arith.constant 0 : i32
      %dma_wait3A_337 = tpu.memref_slice %arg10[%run_scoped3A_308, %dma_wait3A_336] : memref<2x128xi32, #tpu.memory_space<vmem>> -> memref<1x128xi32, #tpu.memory_space<vmem>>
      %dma_wait3A_338 = tpu.memref_squeeze %dma_wait3A_337 : memref<1x128xi32, #tpu.memory_space<vmem>> -> memref<128xi32, #tpu.memory_space<vmem>>
      %dma_wait3A_339 = arith.constant 0 : i32
      %dma_wait3A_340 = arith.constant 0 : i32
      %dma_wait3A_341 = tpu.memref_slice %arg13[%dma_wait3A_339, %dma_wait3A_340] : memref<10112x128xf32, #tpu.memory_space<vmem_shared>> -> memref<10112x128xf32, #tpu.memory_space<vmem_shared>>
      tpu.wait_indirect_dma semaphore(%run_scoped3A_329 : memref<!tpu.dma_semaphore, #tpu.memory_space<semaphore_mem>>) src(%arg12 : memref<128x128xf32, #tpu.memory_space<vmem>>) dst(%dma_wait3A_341 : memref<10112x128xf32, #tpu.memory_space<vmem_shared>>)
      tpu.yield
    }) : () -> ()
    %dma_wait3A_309 = arith.constant 0 : i32
    %dma_wait3A_310 = tpu.memref_slice %arg9[%dma_wait3A_309] : memref<10112xi32, #tpu.memory_space<vmem>> -> memref<128xi32, #tpu.memory_space<vmem>>
    %dma_wait3A_311 = arith.constant 0 : i32
    %dma_wait3A_312 = arith.constant 0 : i32
    %dma_wait3A_313 = tpu.memref_slice %arg4[%dma_wait3A_311, %dma_wait3A_312] : memref<10000x128xf32, #tpu.memory_space<hbm>> -> memref<10000x128xf32, #tpu.memory_space<hbm>>
    tpu.wait_indirect_dma semaphore(%arg14 : memref<!tpu.dma_semaphore, #tpu.memory_space<semaphore_mem>>) src(%dma_wait3A_313 : memref<10000x128xf32, #tpu.memory_space<hbm>>) dst(%arg11 : memref<128x128xf32, #tpu.memory_space<vmem>>)
    %dma_wait3A_314 = arith.constant 0 : i32
    %dma_wait3A_315 = arith.constant 0 : i32
    %dma_wait3A_316 = tpu.memref_slice %arg10[%dma_wait3A_314, %dma_wait3A_315] : memref<2x128xi32, #tpu.memory_space<vmem>> -> memref<1x128xi32, #tpu.memory_space<vmem>>
    %dma_wait3A_317 = tpu.memref_squeeze %dma_wait3A_316 : memref<1x128xi32, #tpu.memory_space<vmem>> -> memref<128xi32, #tpu.memory_space<vmem>>
    %dma_wait3A_318 = arith.constant 0 : i32
    %dma_wait3A_319 = tpu.memref_slice %arg6[%dma_wait3A_318] : memref<323584xi32, #tpu.memory_space<hbm>> -> memref<128xi32, #tpu.memory_space<hbm>>
    %dma_wait3A_320 = arith.constant 0 : i32
    %dma_wait3A_321 = tpu.memref_slice %arg10[%dma_wait3A_314, %dma_wait3A_320] : memref<2x128xi32, #tpu.memory_space<vmem>> -> memref<1x128xi32, #tpu.memory_space<vmem>>
    %dma_wait3A_322 = tpu.memref_squeeze %dma_wait3A_321 : memref<1x128xi32, #tpu.memory_space<vmem>> -> memref<128xi32, #tpu.memory_space<vmem>>
    %dma_wait3A_323 = arith.constant 0 : i32
    %dma_wait3A_324 = tpu.memref_slice %arg6[%dma_wait3A_323] : memref<323584xi32, #tpu.memory_space<hbm>> -> memref<128xi32, #tpu.memory_space<hbm>>
    tpu.wait_dma2 semaphore(%arg16 : memref<!tpu.dma_semaphore, #tpu.memory_space<semaphore_mem>>) src(%dma_wait3A_324 : memref<128xi32, #tpu.memory_space<hbm>>) dst(%dma_wait3A_322 : memref<128xi32, #tpu.memory_space<vmem>>)
    %run_scoped3A_325 = arith.constant 0 : i32
    "tpu.region"() ({
      %run_scoped3A_329 = tpu.sem_alloc : memref<!tpu.dma_semaphore, #tpu.memory_space<semaphore_mem>>
      %dma_start3A_330 = arith.constant 0 : i32
      %dma_start3A_331 = tpu.memref_slice %arg10[%run_scoped3A_325, %dma_start3A_330] : memref<2x128xi32, #tpu.memory_space<vmem>> -> memref<1x128xi32, #tpu.memory_space<vmem>>
      %dma_start3A_332 = tpu.memref_squeeze %dma_start3A_331 : memref<1x128xi32, #tpu.memory_space<vmem>> -> memref<128xi32, #tpu.memory_space<vmem>>
      %dma_start3A_333 = arith.constant 0 : i32
      %dma_start3A_334 = arith.constant 0 : i32
      %dma_start3A_335 = tpu.memref_slice %arg13[%dma_start3A_333, %dma_start3A_334] : memref<10112x128xf32, #tpu.memory_space<vmem_shared>> -> memref<10112x128xf32, #tpu.memory_space<vmem_shared>>
      tpu.enqueue_indirect_dma source(%arg11 : memref<128x128xf32, #tpu.memory_space<vmem>>) target(%dma_start3A_335 : memref<10112x128xf32, #tpu.memory_space<vmem_shared>>) offsets(%dma_start3A_332 : memref<128xi32, #tpu.memory_space<vmem>>) semaphore(%run_scoped3A_329 : memref<!tpu.dma_semaphore, #tpu.memory_space<semaphore_mem>>) {add = true}
      %dma_wait3A_336 = arith.constant 0 : i32
      %dma_wait3A_337 = tpu.memref_slice %arg10[%run_scoped3A_325, %dma_wait3A_336] : memref<2x128xi32, #tpu.memory_space<vmem>> -> memref<1x128xi32, #tpu.memory_space<vmem>>
      %dma_wait3A_338 = tpu.memref_squeeze %dma_wait3A_337 : memref<1x128xi32, #tpu.memory_space<vmem>> -> memref<128xi32, #tpu.memory_space<vmem>>
      %dma_wait3A_339 = arith.constant 0 : i32
      %dma_wait3A_340 = arith.constant 0 : i32
      %dma_wait3A_341 = tpu.memref_slice %arg13[%dma_wait3A_339, %dma_wait3A_340] : memref<10112x128xf32, #tpu.memory_space<vmem_shared>> -> memref<10112x128xf32, #tpu.memory_space<vmem_shared>>
      tpu.wait_indirect_dma semaphore(%run_scoped3A_329 : memref<!tpu.dma_semaphore, #tpu.memory_space<semaphore_mem>>) src(%arg11 : memref<128x128xf32, #tpu.memory_space<vmem>>) dst(%dma_wait3A_341 : memref<10112x128xf32, #tpu.memory_space<vmem_shared>>)
      tpu.yield
    }) : () -> ()
    %barrier3A_326 = arith.constant 0 : index
    tpu.barrier barrier_id(%barrier3A_326)
    %run_scoped3A_327 = arith.constant 2 : i32
    "tpu.region"() ({
      %run_scoped3A_329 = tpu.sem_alloc : memref<!tpu.dma_semaphore, #tpu.memory_space<semaphore_mem>>
      %dma_start3A_330 = arith.constant 0 : i32
      %dma_start3A_331 = tpu.memref_slice %arg8[%arg0, %run_scoped3A_327, %mul3A_2, %dma_start3A_330] : memref<2x3x10112x128xf32, #tpu.memory_space<hbm>> -> memref<1x1x632x128xf32, #tpu.memory_space<hbm>>
      %dma_start3A_332 = tpu.memref_squeeze %dma_start3A_331 : memref<1x1x632x128xf32, #tpu.memory_space<hbm>> -> memref<632x128xf32, #tpu.memory_space<hbm>>
      %dma_start3A_333 = arith.constant 0 : i32
      %dma_start3A_334 = tpu.memref_slice %arg13[%mul3A_2, %dma_start3A_333] : memref<10112x128xf32, #tpu.memory_space<vmem_shared>> -> memref<632x128xf32, #tpu.memory_space<vmem_shared>>
      tpu.enqueue_dma source(%dma_start3A_334 : memref<632x128xf32, #tpu.memory_space<vmem_shared>>) target(%dma_start3A_332 : memref<632x128xf32, #tpu.memory_space<hbm>>) target_semaphore(%run_scoped3A_329 : memref<!tpu.dma_semaphore, #tpu.memory_space<semaphore_mem>>)
      %dma_wait3A_335 = arith.constant 0 : i32
      %dma_wait3A_336 = tpu.memref_slice %arg8[%arg0, %run_scoped3A_327, %mul3A_2, %dma_wait3A_335] : memref<2x3x10112x128xf32, #tpu.memory_space<hbm>> -> memref<1x1x632x128xf32, #tpu.memory_space<hbm>>
      %dma_wait3A_337 = tpu.memref_squeeze %dma_wait3A_336 : memref<1x1x632x128xf32, #tpu.memory_space<hbm>> -> memref<632x128xf32, #tpu.memory_space<hbm>>
      %dma_wait3A_338 = arith.constant 0 : i32
      %dma_wait3A_339 = tpu.memref_slice %arg13[%mul3A_2, %dma_wait3A_338] : memref<10112x128xf32, #tpu.memory_space<vmem_shared>> -> memref<632x128xf32, #tpu.memory_space<vmem_shared>>
      tpu.wait_dma2 semaphore(%run_scoped3A_329 : memref<!tpu.dma_semaphore, #tpu.memory_space<semaphore_mem>>) src(%dma_wait3A_339 : memref<632x128xf32, #tpu.memory_space<vmem_shared>>) dst(%dma_wait3A_337 : memref<632x128xf32, #tpu.memory_space<hbm>>)
      tpu.yield
    }) : () -> ()
    %barrier3A_328 = arith.constant 0 : index
    tpu.barrier barrier_id(%barrier3A_328)
    return
  }
}

#map = affine_map<(d0, d1) -> (0, 0)>
#map1 = affine_map<(d0, d1) -> (0)>
#map2 = affine_map<(d0, d1) -> (0, 0, 0, 0)>
module attributes {stable_mosaic.version = 14 : i64} {
  func.func @_segsum3(%arg0: i32, %arg1: i32, %arg2: memref<10000x128xf32, #tpu.memory_space<hbm>>, %arg3: memref<10000x128xf32, #tpu.memory_space<hbm>>, %arg4: memref<10000x128xf32, #tpu.memory_space<hbm>>, %arg5: memref<323584xi32, #tpu.memory_space<hbm>>, %arg6: memref<323584xi32, #tpu.memory_space<hbm>>, %arg7: memref<10112x128xf32, #tpu.memory_space<hbm>>, %arg8: memref<2x3x10112x128xf32, #tpu.memory_space<hbm>>, %arg9: memref<10112xi32, #tpu.memory_space<vmem>>, %arg10: memref<2x128xi32, #tpu.memory_space<vmem>>, %arg11: memref<128x128xf32, #tpu.memory_space<vmem>>, %arg12: memref<128x128xf32, #tpu.memory_space<vmem>>, %arg13: memref<10112x128xf32, #tpu.memory_space<vmem_shared>>, %arg14: memref<!tpu.dma_semaphore, #tpu.memory_space<semaphore_mem>>, %arg15: memref<!tpu.dma_semaphore, #tpu.memory_space<semaphore_mem>>, %arg16: memref<!tpu.dma_semaphore, #tpu.memory_space<semaphore_mem>>, %arg17: memref<!tpu.dma_semaphore, #tpu.memory_space<semaphore_mem>>) attributes {dimension_semantics = [#tpu.dimension_semantics<core_parallel>, #tpu.dimension_semantics<subcore_parallel>], iteration_bounds = array<i64: 2, 16>, scalar_prefetch = 0 : i64, scratch_operands = 9 : i64, tpu.core_type = #tpu.core_type<sc_vector_subcore>, window_params = [{transform_indices = #map}, {transform_indices = #map}, {transform_indices = #map}, {transform_indices = #map1}, {transform_indices = #map1}, {transform_indices = #map}, {transform_indices = #map2}]} {
    %mul3A = arith.constant 16 : i32
    %mul3A_0 = arith.muli %arg0, %mul3A : i32
    %add3A = arith.addi %mul3A_0, %arg1 : i32
    %mul3A_1 = arith.constant 632 : i32
    %mul3A_2 = arith.muli %arg1, %mul3A_1 : i32
    %mul3A_3 = arith.constant 10112 : i32
    %mul3A_4 = arith.muli %add3A, %mul3A_3 : i32
    %mul3A_5 = arith.constant 10112 : i32
    %mul3A_6 = arith.muli %add3A, %mul3A_5 : i32
    "tpu.region"() ({
      %run_scoped3A_329 = tpu.sem_alloc : memref<!tpu.dma_semaphore, #tpu.memory_space<semaphore_mem>>
      %dma_start3A_330 = tpu.memref_slice %arg5[%mul3A_6] : memref<323584xi32, #tpu.memory_space<hbm>> -> memref<10112xi32, #tpu.memory_space<hbm>>
      %dma_start3A_331 = tpu.memref_slice %arg5[%mul3A_6] : memref<323584xi32, #tpu.memory_space<hbm>> -> memref<10112xi32, #tpu.memory_space<hbm>>
      tpu.enqueue_dma source(%dma_start3A_331 : memref<10112xi32, #tpu.memory_space<hbm>>) target(%arg9 : memref<10112xi32, #tpu.memory_space<vmem>>) target_semaphore(%run_scoped3A_329 : memref<!tpu.dma_semaphore, #tpu.memory_space<semaphore_mem>>)
      %dma_wait3A_332 = tpu.memref_slice %arg5[%mul3A_6] : memref<323584xi32, #tpu.memory_space<hbm>> -> memref<10112xi32, #tpu.memory_space<hbm>>
      %dma_wait3A_333 = tpu.memref_slice %arg5[%mul3A_6] : memref<323584xi32, #tpu.memory_space<hbm>> -> memref<10112xi32, #tpu.memory_space<hbm>>
      tpu.wait_dma2 semaphore(%run_scoped3A_329 : memref<!tpu.dma_semaphore, #tpu.memory_space<semaphore_mem>>) src(%dma_wait3A_333 : memref<10112xi32, #tpu.memory_space<hbm>>) dst(%arg9 : memref<10112xi32, #tpu.memory_space<vmem>>)
      tpu.yield
    }) : () -> ()
    "tpu.region"() ({
      %run_scoped3A_329 = tpu.sem_alloc : memref<!tpu.dma_semaphore, #tpu.memory_space<semaphore_mem>>
      %dma_start3A_330 = arith.constant 0 : i32
      %dma_start3A_331 = tpu.memref_slice %arg13[%mul3A_2, %dma_start3A_330] : memref<10112x128xf32, #tpu.memory_space<vmem_shared>> -> memref<632x128xf32, #tpu.memory_space<vmem_shared>>
      %dma_start3A_332 = arith.constant 0 : i32
      %dma_start3A_333 = tpu.memref_slice %arg7[%mul3A_2, %dma_start3A_332] : memref<10112x128xf32, #tpu.memory_space<hbm>> -> memref<632x128xf32, #tpu.memory_space<hbm>>
      tpu.enqueue_dma source(%dma_start3A_333 : memref<632x128xf32, #tpu.memory_space<hbm>>) target(%dma_start3A_331 : memref<632x128xf32, #tpu.memory_space<vmem_shared>>) target_semaphore(%run_scoped3A_329 : memref<!tpu.dma_semaphore, #tpu.memory_space<semaphore_mem>>)
      %dma_wait3A_334 = arith.constant 0 : i32
      %dma_wait3A_335 = tpu.memref_slice %arg13[%mul3A_2, %dma_wait3A_334] : memref<10112x128xf32, #tpu.memory_space<vmem_shared>> -> memref<632x128xf32, #tpu.memory_space<vmem_shared>>
      %dma_wait3A_336 = arith.constant 0 : i32
      %dma_wait3A_337 = tpu.memref_slice %arg7[%mul3A_2, %dma_wait3A_336] : memref<10112x128xf32, #tpu.memory_space<hbm>> -> memref<632x128xf32, #tpu.memory_space<hbm>>
      tpu.wait_dma2 semaphore(%run_scoped3A_329 : memref<!tpu.dma_semaphore, #tpu.memory_space<semaphore_mem>>) src(%dma_wait3A_337 : memref<632x128xf32, #tpu.memory_space<hbm>>) dst(%dma_wait3A_335 : memref<632x128xf32, #tpu.memory_space<vmem_shared>>)
      tpu.yield
    }) : () -> ()
    %barrier3A = arith.constant 0 : index
    tpu.barrier barrier_id(%barrier3A)
    %dma_start3A = arith.constant 0 : i32
    %dma_start3A_7 = tpu.memref_slice %arg9[%dma_start3A] : memref<10112xi32, #tpu.memory_space<vmem>> -> memref<128xi32, #tpu.memory_space<vmem>>
    %dma_start3A_8 = arith.constant 0 : i32
    %dma_start3A_9 = arith.constant 0 : i32
    %dma_start3A_10 = tpu.memref_slice %arg2[%dma_start3A_8, %dma_start3A_9] : memref<10000x128xf32, #tpu.memory_space<hbm>> -> memref<10000x128xf32, #tpu.memory_space<hbm>>
    tpu.enqueue_indirect_dma source(%dma_start3A_10 : memref<10000x128xf32, #tpu.memory_space<hbm>>) target(%arg11 : memref<128x128xf32, #tpu.memory_space<vmem>>) offsets(%dma_start3A_7 : memref<128xi32, #tpu.memory_space<vmem>>) semaphore(%arg14 : memref<!tpu.dma_semaphore, #tpu.memory_space<semaphore_mem>>)
    %add3A_11 = arith.constant 0 : i32
    %add3A_12 = arith.addi %mul3A_4, %add3A_11 : i32
    %dma_start3A_13 = arith.constant 0 : i32
    %dma_start3A_14 = arith.constant 0 : i32
    %dma_start3A_15 = tpu.memref_slice %arg10[%dma_start3A_13, %dma_start3A_14] : memref<2x128xi32, #tpu.memory_space<vmem>> -> memref<1x128xi32, #tpu.memory_space<vmem>>
    %dma_start3A_16 = tpu.memref_squeeze %dma_start3A_15 : memref<1x128xi32, #tpu.memory_space<vmem>> -> memref<128xi32, #tpu.memory_space<vmem>>
    %dma_start3A_17 = tpu.memref_slice %arg6[%add3A_12] : memref<323584xi32, #tpu.memory_space<hbm>> -> memref<128xi32, #tpu.memory_space<hbm>>
    %dma_start3A_18 = arith.constant 0 : i32
    %dma_start3A_19 = tpu.memref_slice %arg10[%dma_start3A_13, %dma_start3A_18] : memref<2x128xi32, #tpu.memory_space<vmem>> -> memref<1x128xi32, #tpu.memory_space<vmem>>
    %dma_start3A_20 = tpu.memref_squeeze %dma_start3A_19 : memref<1x128xi32, #tpu.memory_space<vmem>> -> memref<128xi32, #tpu.memory_space<vmem>>
    %dma_start3A_21 = tpu.memref_slice %arg6[%add3A_12] : memref<323584xi32, #tpu.memory_space<hbm>> -> memref<128xi32, #tpu.memory_space<hbm>>
    tpu.enqueue_dma source(%dma_start3A_21 : memref<128xi32, #tpu.memory_space<hbm>>) target(%dma_start3A_20 : memref<128xi32, #tpu.memory_space<vmem>>) target_semaphore(%arg16 : memref<!tpu.dma_semaphore, #tpu.memory_space<semaphore_mem>>)
    %dma_start3A_22 = arith.constant 128 : i32
    %dma_start3A_23 = tpu.memref_slice %arg9[%dma_start3A_22] : memref<10112xi32, #tpu.memory_space<vmem>> -> memref<128xi32, #tpu.memory_space<vmem>>
    %dma_start3A_24 = arith.constant 0 : i32
    %dma_start3A_25 = arith.constant 0 : i32
    %dma_start3A_26 = tpu.memref_slice %arg2[%dma_start3A_24, %dma_start3A_25] : memref<10000x128xf32, #tpu.memory_space<hbm>> -> memref<10000x128xf32, #tpu.memory_space<hbm>>
    tpu.enqueue_indirect_dma source(%dma_start3A_26 : memref<10000x128xf32, #tpu.memory_space<hbm>>) target(%arg12 : memref<128x128xf32, #tpu.memory_space<vmem>>) offsets(%dma_start3A_23 : memref<128xi32, #tpu.memory_space<vmem>>) semaphore(%arg15 : memref<!tpu.dma_semaphore, #tpu.memory_space<semaphore_mem>>)
    %add3A_27 = arith.constant 128 : i32
    %add3A_28 = arith.addi %mul3A_4, %add3A_27 : i32
    %dma_start3A_29 = arith.constant 1 : i32
    %dma_start3A_30 = arith.constant 0 : i32
    %dma_start3A_31 = tpu.memref_slice %arg10[%dma_start3A_29, %dma_start3A_30] : memref<2x128xi32, #tpu.memory_space<vmem>> -> memref<1x128xi32, #tpu.memory_space<vmem>>
    %dma_start3A_32 = tpu.memref_squeeze %dma_start3A_31 : memref<1x128xi32, #tpu.memory_space<vmem>> -> memref<128xi32, #tpu.memory_space<vmem>>
    %dma_start3A_33 = tpu.memref_slice %arg6[%add3A_28] : memref<323584xi32, #tpu.memory_space<hbm>> -> memref<128xi32, #tpu.memory_space<hbm>>
    %dma_start3A_34 = arith.constant 0 : i32
    %dma_start3A_35 = tpu.memref_slice %arg10[%dma_start3A_29, %dma_start3A_34] : memref<2x128xi32, #tpu.memory_space<vmem>> -> memref<1x128xi32, #tpu.memory_space<vmem>>
    %dma_start3A_36 = tpu.memref_squeeze %dma_start3A_35 : memref<1x128xi32, #tpu.memory_space<vmem>> -> memref<128xi32, #tpu.memory_space<vmem>>
    %dma_start3A_37 = tpu.memref_slice %arg6[%add3A_28] : memref<323584xi32, #tpu.memory_space<hbm>> -> memref<128xi32, #tpu.memory_space<hbm>>
    tpu.enqueue_dma source(%dma_start3A_37 : memref<128xi32, #tpu.memory_space<hbm>>) target(%dma_start3A_36 : memref<128xi32, #tpu.memory_space<vmem>>) target_semaphore(%arg17 : memref<!tpu.dma_semaphore, #tpu.memory_space<semaphore_mem>>)
    %scan3A = arith.constant 0 : i32
    %scan3A_38 = arith.constant 0 : i32
    %scan3A_39 = arith.constant 38 : i32
    %scan3A_40 = arith.addi %scan3A_38, %scan3A_39 : i32
    %scan3A_41 = arith.constant 1 : i32
    scf.for %scan3A_329 = %scan3A_38 to %scan3A_40 step %scan3A_41  : i32 {
      %mul3A_330 = arith.constant 2 : i32
      %mul3A_331 = arith.muli %scan3A_329, %mul3A_330 : i32
      %dma_wait3A_332 = arith.constant 0 : i32
      %dma_wait3A_333 = tpu.memref_slice %arg9[%dma_wait3A_332] : memref<10112xi32, #tpu.memory_space<vmem>> -> memref<128xi32, #tpu.memory_space<vmem>>
      %dma_wait3A_334 = arith.constant 0 : i32
      %dma_wait3A_335 = arith.constant 0 : i32
      %dma_wait3A_336 = tpu.memref_slice %arg2[%dma_wait3A_334, %dma_wait3A_335] : memref<10000x128xf32, #tpu.memory_space<hbm>> -> memref<10000x128xf32, #tpu.memory_space<hbm>>
      tpu.wait_indirect_dma semaphore(%arg14 : memref<!tpu.dma_semaphore, #tpu.memory_space<semaphore_mem>>) src(%dma_wait3A_336 : memref<10000x128xf32, #tpu.memory_space<hbm>>) dst(%arg11 : memref<128x128xf32, #tpu.memory_space<vmem>>)
      %dma_wait3A_337 = arith.constant 0 : i32
      %dma_wait3A_338 = arith.constant 0 : i32
      %dma_wait3A_339 = tpu.memref_slice %arg10[%dma_wait3A_337, %dma_wait3A_338] : memref<2x128xi32, #tpu.memory_space<vmem>> -> memref<1x128xi32, #tpu.memory_space<vmem>>
      %dma_wait3A_340 = tpu.memref_squeeze %dma_wait3A_339 : memref<1x128xi32, #tpu.memory_space<vmem>> -> memref<128xi32, #tpu.memory_space<vmem>>
      %dma_wait3A_341 = arith.constant 0 : i32
      %dma_wait3A_342 = tpu.memref_slice %arg6[%dma_wait3A_341] : memref<323584xi32, #tpu.memory_space<hbm>> -> memref<128xi32, #tpu.memory_space<hbm>>
      %dma_wait3A_343 = arith.constant 0 : i32
      %dma_wait3A_344 = tpu.memref_slice %arg10[%dma_wait3A_337, %dma_wait3A_343] : memref<2x128xi32, #tpu.memory_space<vmem>> -> memref<1x128xi32, #tpu.memory_space<vmem>>
      %dma_wait3A_345 = tpu.memref_squeeze %dma_wait3A_344 : memref<1x128xi32, #tpu.memory_space<vmem>> -> memref<128xi32, #tpu.memory_space<vmem>>
      %dma_wait3A_346 = arith.constant 0 : i32
      %dma_wait3A_347 = tpu.memref_slice %arg6[%dma_wait3A_346] : memref<323584xi32, #tpu.memory_space<hbm>> -> memref<128xi32, #tpu.memory_space<hbm>>
      tpu.wait_dma2 semaphore(%arg16 : memref<!tpu.dma_semaphore, #tpu.memory_space<semaphore_mem>>) src(%dma_wait3A_347 : memref<128xi32, #tpu.memory_space<hbm>>) dst(%dma_wait3A_345 : memref<128xi32, #tpu.memory_space<vmem>>)
      %run_scoped3A_348 = arith.constant 0 : i32
      "tpu.region"() ({
        %run_scoped3A_418 = tpu.sem_alloc : memref<!tpu.dma_semaphore, #tpu.memory_space<semaphore_mem>>
        %dma_start3A_419 = arith.constant 0 : i32
        %dma_start3A_420 = tpu.memref_slice %arg10[%run_scoped3A_348, %dma_start3A_419] : memref<2x128xi32, #tpu.memory_space<vmem>> -> memref<1x128xi32, #tpu.memory_space<vmem>>
        %dma_start3A_421 = tpu.memref_squeeze %dma_start3A_420 : memref<1x128xi32, #tpu.memory_space<vmem>> -> memref<128xi32, #tpu.memory_space<vmem>>
        %dma_start3A_422 = arith.constant 0 : i32
        %dma_start3A_423 = arith.constant 0 : i32
        %dma_start3A_424 = tpu.memref_slice %arg13[%dma_start3A_422, %dma_start3A_423] : memref<10112x128xf32, #tpu.memory_space<vmem_shared>> -> memref<10112x128xf32, #tpu.memory_space<vmem_shared>>
        tpu.enqueue_indirect_dma source(%arg11 : memref<128x128xf32, #tpu.memory_space<vmem>>) target(%dma_start3A_424 : memref<10112x128xf32, #tpu.memory_space<vmem_shared>>) offsets(%dma_start3A_421 : memref<128xi32, #tpu.memory_space<vmem>>) semaphore(%run_scoped3A_418 : memref<!tpu.dma_semaphore, #tpu.memory_space<semaphore_mem>>) {add = true}
        %dma_wait3A_425 = arith.constant 0 : i32
        %dma_wait3A_426 = tpu.memref_slice %arg10[%run_scoped3A_348, %dma_wait3A_425] : memref<2x128xi32, #tpu.memory_space<vmem>> -> memref<1x128xi32, #tpu.memory_space<vmem>>
        %dma_wait3A_427 = tpu.memref_squeeze %dma_wait3A_426 : memref<1x128xi32, #tpu.memory_space<vmem>> -> memref<128xi32, #tpu.memory_space<vmem>>
        %dma_wait3A_428 = arith.constant 0 : i32
        %dma_wait3A_429 = arith.constant 0 : i32
        %dma_wait3A_430 = tpu.memref_slice %arg13[%dma_wait3A_428, %dma_wait3A_429] : memref<10112x128xf32, #tpu.memory_space<vmem_shared>> -> memref<10112x128xf32, #tpu.memory_space<vmem_shared>>
        tpu.wait_indirect_dma semaphore(%run_scoped3A_418 : memref<!tpu.dma_semaphore, #tpu.memory_space<semaphore_mem>>) src(%arg11 : memref<128x128xf32, #tpu.memory_space<vmem>>) dst(%dma_wait3A_430 : memref<10112x128xf32, #tpu.memory_space<vmem_shared>>)
        tpu.yield
      }) : () -> ()
      %add3A_349 = arith.constant 2 : i32
      %add3A_350 = arith.addi %mul3A_331, %add3A_349 : i32
      %add3A_351 = arith.constant 0 : i32
      %add3A_352 = arith.addi %add3A_350, %add3A_351 : i32
      %mul3A_353 = arith.constant 128 : i32
      %mul3A_354 = arith.muli %add3A_352, %mul3A_353 : i32
      %dma_start3A_355 = tpu.memref_slice %arg9[%mul3A_354] : memref<10112xi32, #tpu.memory_space<vmem>> -> memref<128xi32, #tpu.memory_space<vmem>>
      %dma_start3A_356 = arith.constant 0 : i32
      %dma_start3A_357 = arith.constant 0 : i32
      %dma_start3A_358 = tpu.memref_slice %arg2[%dma_start3A_356, %dma_start3A_357] : memref<10000x128xf32, #tpu.memory_space<hbm>> -> memref<10000x128xf32, #tpu.memory_space<hbm>>
      tpu.enqueue_indirect_dma source(%dma_start3A_358 : memref<10000x128xf32, #tpu.memory_space<hbm>>) target(%arg11 : memref<128x128xf32, #tpu.memory_space<vmem>>) offsets(%dma_start3A_355 : memref<128xi32, #tpu.memory_space<vmem>>) semaphore(%arg14 : memref<!tpu.dma_semaphore, #tpu.memory_space<semaphore_mem>>)
      %add3A_359 = arith.constant 2 : i32
      %add3A_360 = arith.addi %mul3A_331, %add3A_359 : i32
      %add3A_361 = arith.constant 0 : i32
      %add3A_362 = arith.addi %add3A_360, %add3A_361 : i32
      %mul3A_363 = arith.constant 128 : i32
      %mul3A_364 = arith.muli %add3A_362, %mul3A_363 : i32
      %add3A_365 = arith.addi %mul3A_4, %mul3A_364 : i32
      %dma_start3A_366 = arith.constant 0 : i32
      %dma_start3A_367 = arith.constant 0 : i32
      %dma_start3A_368 = tpu.memref_slice %arg10[%dma_start3A_366, %dma_start3A_367] : memref<2x128xi32, #tpu.memory_space<vmem>> -> memref<1x128xi32, #tpu.memory_space<vmem>>
      %dma_start3A_369 = tpu.memref_squeeze %dma_start3A_368 : memref<1x128xi32, #tpu.memory_space<vmem>> -> memref<128xi32, #tpu.memory_space<vmem>>
      %dma_start3A_370 = tpu.memref_slice %arg6[%add3A_365] : memref<323584xi32, #tpu.memory_space<hbm>> -> memref<128xi32, #tpu.memory_space<hbm>>
      %dma_start3A_371 = arith.constant 0 : i32
      %dma_start3A_372 = tpu.memref_slice %arg10[%dma_start3A_366, %dma_start3A_371] : memref<2x128xi32, #tpu.memory_space<vmem>> -> memref<1x128xi32, #tpu.memory_space<vmem>>
      %dma_start3A_373 = tpu.memref_squeeze %dma_start3A_372 : memref<1x128xi32, #tpu.memory_space<vmem>> -> memref<128xi32, #tpu.memory_space<vmem>>
      %dma_start3A_374 = tpu.memref_slice %arg6[%add3A_365] : memref<323584xi32, #tpu.memory_space<hbm>> -> memref<128xi32, #tpu.memory_space<hbm>>
      tpu.enqueue_dma source(%dma_start3A_374 : memref<128xi32, #tpu.memory_space<hbm>>) target(%dma_start3A_373 : memref<128xi32, #tpu.memory_space<vmem>>) target_semaphore(%arg16 : memref<!tpu.dma_semaphore, #tpu.memory_space<semaphore_mem>>)
      %dma_wait3A_375 = arith.constant 0 : i32
      %dma_wait3A_376 = tpu.memref_slice %arg9[%dma_wait3A_375] : memref<10112xi32, #tpu.memory_space<vmem>> -> memref<128xi32, #tpu.memory_space<vmem>>
      %dma_wait3A_377 = arith.constant 0 : i32
      %dma_wait3A_378 = arith.constant 0 : i32
      %dma_wait3A_379 = tpu.memref_slice %arg2[%dma_wait3A_377, %dma_wait3A_378] : memref<10000x128xf32, #tpu.memory_space<hbm>> -> memref<10000x128xf32, #tpu.memory_space<hbm>>
      tpu.wait_indirect_dma semaphore(%arg15 : memref<!tpu.dma_semaphore, #tpu.memory_space<semaphore_mem>>) src(%dma_wait3A_379 : memref<10000x128xf32, #tpu.memory_space<hbm>>) dst(%arg12 : memref<128x128xf32, #tpu.memory_space<vmem>>)
      %dma_wait3A_380 = arith.constant 1 : i32
      %dma_wait3A_381 = arith.constant 0 : i32
      %dma_wait3A_382 = tpu.memref_slice %arg10[%dma_wait3A_380, %dma_wait3A_381] : memref<2x128xi32, #tpu.memory_space<vmem>> -> memref<1x128xi32, #tpu.memory_space<vmem>>
      %dma_wait3A_383 = tpu.memref_squeeze %dma_wait3A_382 : memref<1x128xi32, #tpu.memory_space<vmem>> -> memref<128xi32, #tpu.memory_space<vmem>>
      %dma_wait3A_384 = arith.constant 0 : i32
      %dma_wait3A_385 = tpu.memref_slice %arg6[%dma_wait3A_384] : memref<323584xi32, #tpu.memory_space<hbm>> -> memref<128xi32, #tpu.memory_space<hbm>>
      %dma_wait3A_386 = arith.constant 0 : i32
      %dma_wait3A_387 = tpu.memref_slice %arg10[%dma_wait3A_380, %dma_wait3A_386] : memref<2x128xi32, #tpu.memory_space<vmem>> -> memref<1x128xi32, #tpu.memory_space<vmem>>
      %dma_wait3A_388 = tpu.memref_squeeze %dma_wait3A_387 : memref<1x128xi32, #tpu.memory_space<vmem>> -> memref<128xi32, #tpu.memory_space<vmem>>
      %dma_wait3A_389 = arith.constant 0 : i32
      %dma_wait3A_390 = tpu.memref_slice %arg6[%dma_wait3A_389] : memref<323584xi32, #tpu.memory_space<hbm>> -> memref<128xi32, #tpu.memory_space<hbm>>
      tpu.wait_dma2 semaphore(%arg17 : memref<!tpu.dma_semaphore, #tpu.memory_space<semaphore_mem>>) src(%dma_wait3A_390 : memref<128xi32, #tpu.memory_space<hbm>>) dst(%dma_wait3A_388 : memref<128xi32, #tpu.memory_space<vmem>>)
      %run_scoped3A_391 = arith.constant 1 : i32
      "tpu.region"() ({
        %run_scoped3A_418 = tpu.sem_alloc : memref<!tpu.dma_semaphore, #tpu.memory_space<semaphore_mem>>
        %dma_start3A_419 = arith.constant 0 : i32
        %dma_start3A_420 = tpu.memref_slice %arg10[%run_scoped3A_391, %dma_start3A_419] : memref<2x128xi32, #tpu.memory_space<vmem>> -> memref<1x128xi32, #tpu.memory_space<vmem>>
        %dma_start3A_421 = tpu.memref_squeeze %dma_start3A_420 : memref<1x128xi32, #tpu.memory_space<vmem>> -> memref<128xi32, #tpu.memory_space<vmem>>
        %dma_start3A_422 = arith.constant 0 : i32
        %dma_start3A_423 = arith.constant 0 : i32
        %dma_start3A_424 = tpu.memref_slice %arg13[%dma_start3A_422, %dma_start3A_423] : memref<10112x128xf32, #tpu.memory_space<vmem_shared>> -> memref<10112x128xf32, #tpu.memory_space<vmem_shared>>
        tpu.enqueue_indirect_dma source(%arg12 : memref<128x128xf32, #tpu.memory_space<vmem>>) target(%dma_start3A_424 : memref<10112x128xf32, #tpu.memory_space<vmem_shared>>) offsets(%dma_start3A_421 : memref<128xi32, #tpu.memory_space<vmem>>) semaphore(%run_scoped3A_418 : memref<!tpu.dma_semaphore, #tpu.memory_space<semaphore_mem>>) {add = true}
        %dma_wait3A_425 = arith.constant 0 : i32
        %dma_wait3A_426 = tpu.memref_slice %arg10[%run_scoped3A_391, %dma_wait3A_425] : memref<2x128xi32, #tpu.memory_space<vmem>> -> memref<1x128xi32, #tpu.memory_space<vmem>>
        %dma_wait3A_427 = tpu.memref_squeeze %dma_wait3A_426 : memref<1x128xi32, #tpu.memory_space<vmem>> -> memref<128xi32, #tpu.memory_space<vmem>>
        %dma_wait3A_428 = arith.constant 0 : i32
        %dma_wait3A_429 = arith.constant 0 : i32
        %dma_wait3A_430 = tpu.memref_slice %arg13[%dma_wait3A_428, %dma_wait3A_429] : memref<10112x128xf32, #tpu.memory_space<vmem_shared>> -> memref<10112x128xf32, #tpu.memory_space<vmem_shared>>
        tpu.wait_indirect_dma semaphore(%run_scoped3A_418 : memref<!tpu.dma_semaphore, #tpu.memory_space<semaphore_mem>>) src(%arg12 : memref<128x128xf32, #tpu.memory_space<vmem>>) dst(%dma_wait3A_430 : memref<10112x128xf32, #tpu.memory_space<vmem_shared>>)
        tpu.yield
      }) : () -> ()
      %add3A_392 = arith.constant 2 : i32
      %add3A_393 = arith.addi %mul3A_331, %add3A_392 : i32
      %add3A_394 = arith.constant 1 : i32
      %add3A_395 = arith.addi %add3A_393, %add3A_394 : i32
      %mul3A_396 = arith.constant 128 : i32
      %mul3A_397 = arith.muli %add3A_395, %mul3A_396 : i32
      %dma_start3A_398 = tpu.memref_slice %arg9[%mul3A_397] : memref<10112xi32, #tpu.memory_space<vmem>> -> memref<128xi32, #tpu.memory_space<vmem>>
      %dma_start3A_399 = arith.constant 0 : i32
      %dma_start3A_400 = arith.constant 0 : i32
      %dma_start3A_401 = tpu.memref_slice %arg2[%dma_start3A_399, %dma_start3A_400] : memref<10000x128xf32, #tpu.memory_space<hbm>> -> memref<10000x128xf32, #tpu.memory_space<hbm>>
      tpu.enqueue_indirect_dma source(%dma_start3A_401 : memref<10000x128xf32, #tpu.memory_space<hbm>>) target(%arg12 : memref<128x128xf32, #tpu.memory_space<vmem>>) offsets(%dma_start3A_398 : memref<128xi32, #tpu.memory_space<vmem>>) semaphore(%arg15 : memref<!tpu.dma_semaphore, #tpu.memory_space<semaphore_mem>>)
      %add3A_402 = arith.constant 2 : i32
      %add3A_403 = arith.addi %mul3A_331, %add3A_402 : i32
      %add3A_404 = arith.constant 1 : i32
      %add3A_405 = arith.addi %add3A_403, %add3A_404 : i32
      %mul3A_406 = arith.constant 128 : i32
      %mul3A_407 = arith.muli %add3A_405, %mul3A_406 : i32
      %add3A_408 = arith.addi %mul3A_4, %mul3A_407 : i32
      %dma_start3A_409 = arith.constant 1 : i32
      %dma_start3A_410 = arith.constant 0 : i32
      %dma_start3A_411 = tpu.memref_slice %arg10[%dma_start3A_409, %dma_start3A_410] : memref<2x128xi32, #tpu.memory_space<vmem>> -> memref<1x128xi32, #tpu.memory_space<vmem>>
      %dma_start3A_412 = tpu.memref_squeeze %dma_start3A_411 : memref<1x128xi32, #tpu.memory_space<vmem>> -> memref<128xi32, #tpu.memory_space<vmem>>
      %dma_start3A_413 = tpu.memref_slice %arg6[%add3A_408] : memref<323584xi32, #tpu.memory_space<hbm>> -> memref<128xi32, #tpu.memory_space<hbm>>
      %dma_start3A_414 = arith.constant 0 : i32
      %dma_start3A_415 = tpu.memref_slice %arg10[%dma_start3A_409, %dma_start3A_414] : memref<2x128xi32, #tpu.memory_space<vmem>> -> memref<1x128xi32, #tpu.memory_space<vmem>>
      %dma_start3A_416 = tpu.memref_squeeze %dma_start3A_415 : memref<1x128xi32, #tpu.memory_space<vmem>> -> memref<128xi32, #tpu.memory_space<vmem>>
      %dma_start3A_417 = tpu.memref_slice %arg6[%add3A_408] : memref<323584xi32, #tpu.memory_space<hbm>> -> memref<128xi32, #tpu.memory_space<hbm>>
      tpu.enqueue_dma source(%dma_start3A_417 : memref<128xi32, #tpu.memory_space<hbm>>) target(%dma_start3A_416 : memref<128xi32, #tpu.memory_space<vmem>>) target_semaphore(%arg17 : memref<!tpu.dma_semaphore, #tpu.memory_space<semaphore_mem>>)
    }
    %scan3A_42 = arith.constant 38 : i32
    %dma_wait3A = arith.constant 0 : i32
    %dma_wait3A_43 = tpu.memref_slice %arg9[%dma_wait3A] : memref<10112xi32, #tpu.memory_space<vmem>> -> memref<128xi32, #tpu.memory_space<vmem>>
    %dma_wait3A_44 = arith.constant 0 : i32
    %dma_wait3A_45 = arith.constant 0 : i32
    %dma_wait3A_46 = tpu.memref_slice %arg2[%dma_wait3A_44, %dma_wait3A_45] : memref<10000x128xf32, #tpu.memory_space<hbm>> -> memref<10000x128xf32, #tpu.memory_space<hbm>>
    tpu.wait_indirect_dma semaphore(%arg14 : memref<!tpu.dma_semaphore, #tpu.memory_space<semaphore_mem>>) src(%dma_wait3A_46 : memref<10000x128xf32, #tpu.memory_space<hbm>>) dst(%arg11 : memref<128x128xf32, #tpu.memory_space<vmem>>)
    %dma_wait3A_47 = arith.constant 0 : i32
    %dma_wait3A_48 = arith.constant 0 : i32
    %dma_wait3A_49 = tpu.memref_slice %arg10[%dma_wait3A_47, %dma_wait3A_48] : memref<2x128xi32, #tpu.memory_space<vmem>> -> memref<1x128xi32, #tpu.memory_space<vmem>>
    %dma_wait3A_50 = tpu.memref_squeeze %dma_wait3A_49 : memref<1x128xi32, #tpu.memory_space<vmem>> -> memref<128xi32, #tpu.memory_space<vmem>>
    %dma_wait3A_51 = arith.constant 0 : i32
    %dma_wait3A_52 = tpu.memref_slice %arg6[%dma_wait3A_51] : memref<323584xi32, #tpu.memory_space<hbm>> -> memref<128xi32, #tpu.memory_space<hbm>>
    %dma_wait3A_53 = arith.constant 0 : i32
    %dma_wait3A_54 = tpu.memref_slice %arg10[%dma_wait3A_47, %dma_wait3A_53] : memref<2x128xi32, #tpu.memory_space<vmem>> -> memref<1x128xi32, #tpu.memory_space<vmem>>
    %dma_wait3A_55 = tpu.memref_squeeze %dma_wait3A_54 : memref<1x128xi32, #tpu.memory_space<vmem>> -> memref<128xi32, #tpu.memory_space<vmem>>
    %dma_wait3A_56 = arith.constant 0 : i32
    %dma_wait3A_57 = tpu.memref_slice %arg6[%dma_wait3A_56] : memref<323584xi32, #tpu.memory_space<hbm>> -> memref<128xi32, #tpu.memory_space<hbm>>
    tpu.wait_dma2 semaphore(%arg16 : memref<!tpu.dma_semaphore, #tpu.memory_space<semaphore_mem>>) src(%dma_wait3A_57 : memref<128xi32, #tpu.memory_space<hbm>>) dst(%dma_wait3A_55 : memref<128xi32, #tpu.memory_space<vmem>>)
    %run_scoped3A = arith.constant 0 : i32
    "tpu.region"() ({
      %run_scoped3A_329 = tpu.sem_alloc : memref<!tpu.dma_semaphore, #tpu.memory_space<semaphore_mem>>
      %dma_start3A_330 = arith.constant 0 : i32
      %dma_start3A_331 = tpu.memref_slice %arg10[%run_scoped3A, %dma_start3A_330] : memref<2x128xi32, #tpu.memory_space<vmem>> -> memref<1x128xi32, #tpu.memory_space<vmem>>
      %dma_start3A_332 = tpu.memref_squeeze %dma_start3A_331 : memref<1x128xi32, #tpu.memory_space<vmem>> -> memref<128xi32, #tpu.memory_space<vmem>>
      %dma_start3A_333 = arith.constant 0 : i32
      %dma_start3A_334 = arith.constant 0 : i32
      %dma_start3A_335 = tpu.memref_slice %arg13[%dma_start3A_333, %dma_start3A_334] : memref<10112x128xf32, #tpu.memory_space<vmem_shared>> -> memref<10112x128xf32, #tpu.memory_space<vmem_shared>>
      tpu.enqueue_indirect_dma source(%arg11 : memref<128x128xf32, #tpu.memory_space<vmem>>) target(%dma_start3A_335 : memref<10112x128xf32, #tpu.memory_space<vmem_shared>>) offsets(%dma_start3A_332 : memref<128xi32, #tpu.memory_space<vmem>>) semaphore(%run_scoped3A_329 : memref<!tpu.dma_semaphore, #tpu.memory_space<semaphore_mem>>) {add = true}
      %dma_wait3A_336 = arith.constant 0 : i32
      %dma_wait3A_337 = tpu.memref_slice %arg10[%run_scoped3A, %dma_wait3A_336] : memref<2x128xi32, #tpu.memory_space<vmem>> -> memref<1x128xi32, #tpu.memory_space<vmem>>
      %dma_wait3A_338 = tpu.memref_squeeze %dma_wait3A_337 : memref<1x128xi32, #tpu.memory_space<vmem>> -> memref<128xi32, #tpu.memory_space<vmem>>
      %dma_wait3A_339 = arith.constant 0 : i32
      %dma_wait3A_340 = arith.constant 0 : i32
      %dma_wait3A_341 = tpu.memref_slice %arg13[%dma_wait3A_339, %dma_wait3A_340] : memref<10112x128xf32, #tpu.memory_space<vmem_shared>> -> memref<10112x128xf32, #tpu.memory_space<vmem_shared>>
      tpu.wait_indirect_dma semaphore(%run_scoped3A_329 : memref<!tpu.dma_semaphore, #tpu.memory_space<semaphore_mem>>) src(%arg11 : memref<128x128xf32, #tpu.memory_space<vmem>>) dst(%dma_wait3A_341 : memref<10112x128xf32, #tpu.memory_space<vmem_shared>>)
      tpu.yield
    }) : () -> ()
    %dma_start3A_58 = arith.constant 9984 : i32
    %dma_start3A_59 = tpu.memref_slice %arg9[%dma_start3A_58] : memref<10112xi32, #tpu.memory_space<vmem>> -> memref<128xi32, #tpu.memory_space<vmem>>
    %dma_start3A_60 = arith.constant 0 : i32
    %dma_start3A_61 = arith.constant 0 : i32
    %dma_start3A_62 = tpu.memref_slice %arg2[%dma_start3A_60, %dma_start3A_61] : memref<10000x128xf32, #tpu.memory_space<hbm>> -> memref<10000x128xf32, #tpu.memory_space<hbm>>
    tpu.enqueue_indirect_dma source(%dma_start3A_62 : memref<10000x128xf32, #tpu.memory_space<hbm>>) target(%arg11 : memref<128x128xf32, #tpu.memory_space<vmem>>) offsets(%dma_start3A_59 : memref<128xi32, #tpu.memory_space<vmem>>) semaphore(%arg14 : memref<!tpu.dma_semaphore, #tpu.memory_space<semaphore_mem>>)
    %add3A_63 = arith.constant 9984 : i32
    %add3A_64 = arith.addi %mul3A_4, %add3A_63 : i32
    %dma_start3A_65 = arith.constant 0 : i32
    %dma_start3A_66 = arith.constant 0 : i32
    %dma_start3A_67 = tpu.memref_slice %arg10[%dma_start3A_65, %dma_start3A_66] : memref<2x128xi32, #tpu.memory_space<vmem>> -> memref<1x128xi32, #tpu.memory_space<vmem>>
    %dma_start3A_68 = tpu.memref_squeeze %dma_start3A_67 : memref<1x128xi32, #tpu.memory_space<vmem>> -> memref<128xi32, #tpu.memory_space<vmem>>
    %dma_start3A_69 = tpu.memref_slice %arg6[%add3A_64] : memref<323584xi32, #tpu.memory_space<hbm>> -> memref<128xi32, #tpu.memory_space<hbm>>
    %dma_start3A_70 = arith.constant 0 : i32
    %dma_start3A_71 = tpu.memref_slice %arg10[%dma_start3A_65, %dma_start3A_70] : memref<2x128xi32, #tpu.memory_space<vmem>> -> memref<1x128xi32, #tpu.memory_space<vmem>>
    %dma_start3A_72 = tpu.memref_squeeze %dma_start3A_71 : memref<1x128xi32, #tpu.memory_space<vmem>> -> memref<128xi32, #tpu.memory_space<vmem>>
    %dma_start3A_73 = tpu.memref_slice %arg6[%add3A_64] : memref<323584xi32, #tpu.memory_space<hbm>> -> memref<128xi32, #tpu.memory_space<hbm>>
    tpu.enqueue_dma source(%dma_start3A_73 : memref<128xi32, #tpu.memory_space<hbm>>) target(%dma_start3A_72 : memref<128xi32, #tpu.memory_space<vmem>>) target_semaphore(%arg16 : memref<!tpu.dma_semaphore, #tpu.memory_space<semaphore_mem>>)
    %dma_wait3A_74 = arith.constant 0 : i32
    %dma_wait3A_75 = tpu.memref_slice %arg9[%dma_wait3A_74] : memref<10112xi32, #tpu.memory_space<vmem>> -> memref<128xi32, #tpu.memory_space<vmem>>
    %dma_wait3A_76 = arith.constant 0 : i32
    %dma_wait3A_77 = arith.constant 0 : i32
    %dma_wait3A_78 = tpu.memref_slice %arg2[%dma_wait3A_76, %dma_wait3A_77] : memref<10000x128xf32, #tpu.memory_space<hbm>> -> memref<10000x128xf32, #tpu.memory_space<hbm>>
    tpu.wait_indirect_dma semaphore(%arg15 : memref<!tpu.dma_semaphore, #tpu.memory_space<semaphore_mem>>) src(%dma_wait3A_78 : memref<10000x128xf32, #tpu.memory_space<hbm>>) dst(%arg12 : memref<128x128xf32, #tpu.memory_space<vmem>>)
    %dma_wait3A_79 = arith.constant 1 : i32
    %dma_wait3A_80 = arith.constant 0 : i32
    %dma_wait3A_81 = tpu.memref_slice %arg10[%dma_wait3A_79, %dma_wait3A_80] : memref<2x128xi32, #tpu.memory_space<vmem>> -> memref<1x128xi32, #tpu.memory_space<vmem>>
    %dma_wait3A_82 = tpu.memref_squeeze %dma_wait3A_81 : memref<1x128xi32, #tpu.memory_space<vmem>> -> memref<128xi32, #tpu.memory_space<vmem>>
    %dma_wait3A_83 = arith.constant 0 : i32
    %dma_wait3A_84 = tpu.memref_slice %arg6[%dma_wait3A_83] : memref<323584xi32, #tpu.memory_space<hbm>> -> memref<128xi32, #tpu.memory_space<hbm>>
    %dma_wait3A_85 = arith.constant 0 : i32
    %dma_wait3A_86 = tpu.memref_slice %arg10[%dma_wait3A_79, %dma_wait3A_85] : memref<2x128xi32, #tpu.memory_space<vmem>> -> memref<1x128xi32, #tpu.memory_space<vmem>>
    %dma_wait3A_87 = tpu.memref_squeeze %dma_wait3A_86 : memref<1x128xi32, #tpu.memory_space<vmem>> -> memref<128xi32, #tpu.memory_space<vmem>>
    %dma_wait3A_88 = arith.constant 0 : i32
    %dma_wait3A_89 = tpu.memref_slice %arg6[%dma_wait3A_88] : memref<323584xi32, #tpu.memory_space<hbm>> -> memref<128xi32, #tpu.memory_space<hbm>>
    tpu.wait_dma2 semaphore(%arg17 : memref<!tpu.dma_semaphore, #tpu.memory_space<semaphore_mem>>) src(%dma_wait3A_89 : memref<128xi32, #tpu.memory_space<hbm>>) dst(%dma_wait3A_87 : memref<128xi32, #tpu.memory_space<vmem>>)
    %run_scoped3A_90 = arith.constant 1 : i32
    "tpu.region"() ({
      %run_scoped3A_329 = tpu.sem_alloc : memref<!tpu.dma_semaphore, #tpu.memory_space<semaphore_mem>>
      %dma_start3A_330 = arith.constant 0 : i32
      %dma_start3A_331 = tpu.memref_slice %arg10[%run_scoped3A_90, %dma_start3A_330] : memref<2x128xi32, #tpu.memory_space<vmem>> -> memref<1x128xi32, #tpu.memory_space<vmem>>
      %dma_start3A_332 = tpu.memref_squeeze %dma_start3A_331 : memref<1x128xi32, #tpu.memory_space<vmem>> -> memref<128xi32, #tpu.memory_space<vmem>>
      %dma_start3A_333 = arith.constant 0 : i32
      %dma_start3A_334 = arith.constant 0 : i32
      %dma_start3A_335 = tpu.memref_slice %arg13[%dma_start3A_333, %dma_start3A_334] : memref<10112x128xf32, #tpu.memory_space<vmem_shared>> -> memref<10112x128xf32, #tpu.memory_space<vmem_shared>>
      tpu.enqueue_indirect_dma source(%arg12 : memref<128x128xf32, #tpu.memory_space<vmem>>) target(%dma_start3A_335 : memref<10112x128xf32, #tpu.memory_space<vmem_shared>>) offsets(%dma_start3A_332 : memref<128xi32, #tpu.memory_space<vmem>>) semaphore(%run_scoped3A_329 : memref<!tpu.dma_semaphore, #tpu.memory_space<semaphore_mem>>) {add = true}
      %dma_wait3A_336 = arith.constant 0 : i32
      %dma_wait3A_337 = tpu.memref_slice %arg10[%run_scoped3A_90, %dma_wait3A_336] : memref<2x128xi32, #tpu.memory_space<vmem>> -> memref<1x128xi32, #tpu.memory_space<vmem>>
      %dma_wait3A_338 = tpu.memref_squeeze %dma_wait3A_337 : memref<1x128xi32, #tpu.memory_space<vmem>> -> memref<128xi32, #tpu.memory_space<vmem>>
      %dma_wait3A_339 = arith.constant 0 : i32
      %dma_wait3A_340 = arith.constant 0 : i32
      %dma_wait3A_341 = tpu.memref_slice %arg13[%dma_wait3A_339, %dma_wait3A_340] : memref<10112x128xf32, #tpu.memory_space<vmem_shared>> -> memref<10112x128xf32, #tpu.memory_space<vmem_shared>>
      tpu.wait_indirect_dma semaphore(%run_scoped3A_329 : memref<!tpu.dma_semaphore, #tpu.memory_space<semaphore_mem>>) src(%arg12 : memref<128x128xf32, #tpu.memory_space<vmem>>) dst(%dma_wait3A_341 : memref<10112x128xf32, #tpu.memory_space<vmem_shared>>)
      tpu.yield
    }) : () -> ()
    %dma_wait3A_91 = arith.constant 0 : i32
    %dma_wait3A_92 = tpu.memref_slice %arg9[%dma_wait3A_91] : memref<10112xi32, #tpu.memory_space<vmem>> -> memref<128xi32, #tpu.memory_space<vmem>>
    %dma_wait3A_93 = arith.constant 0 : i32
    %dma_wait3A_94 = arith.constant 0 : i32
    %dma_wait3A_95 = tpu.memref_slice %arg2[%dma_wait3A_93, %dma_wait3A_94] : memref<10000x128xf32, #tpu.memory_space<hbm>> -> memref<10000x128xf32, #tpu.memory_space<hbm>>
    tpu.wait_indirect_dma semaphore(%arg14 : memref<!tpu.dma_semaphore, #tpu.memory_space<semaphore_mem>>) src(%dma_wait3A_95 : memref<10000x128xf32, #tpu.memory_space<hbm>>) dst(%arg11 : memref<128x128xf32, #tpu.memory_space<vmem>>)
    %dma_wait3A_96 = arith.constant 0 : i32
    %dma_wait3A_97 = arith.constant 0 : i32
    %dma_wait3A_98 = tpu.memref_slice %arg10[%dma_wait3A_96, %dma_wait3A_97] : memref<2x128xi32, #tpu.memory_space<vmem>> -> memref<1x128xi32, #tpu.memory_space<vmem>>
    %dma_wait3A_99 = tpu.memref_squeeze %dma_wait3A_98 : memref<1x128xi32, #tpu.memory_space<vmem>> -> memref<128xi32, #tpu.memory_space<vmem>>
    %dma_wait3A_100 = arith.constant 0 : i32
    %dma_wait3A_101 = tpu.memref_slice %arg6[%dma_wait3A_100] : memref<323584xi32, #tpu.memory_space<hbm>> -> memref<128xi32, #tpu.memory_space<hbm>>
    %dma_wait3A_102 = arith.constant 0 : i32
    %dma_wait3A_103 = tpu.memref_slice %arg10[%dma_wait3A_96, %dma_wait3A_102] : memref<2x128xi32, #tpu.memory_space<vmem>> -> memref<1x128xi32, #tpu.memory_space<vmem>>
    %dma_wait3A_104 = tpu.memref_squeeze %dma_wait3A_103 : memref<1x128xi32, #tpu.memory_space<vmem>> -> memref<128xi32, #tpu.memory_space<vmem>>
    %dma_wait3A_105 = arith.constant 0 : i32
    %dma_wait3A_106 = tpu.memref_slice %arg6[%dma_wait3A_105] : memref<323584xi32, #tpu.memory_space<hbm>> -> memref<128xi32, #tpu.memory_space<hbm>>
    tpu.wait_dma2 semaphore(%arg16 : memref<!tpu.dma_semaphore, #tpu.memory_space<semaphore_mem>>) src(%dma_wait3A_106 : memref<128xi32, #tpu.memory_space<hbm>>) dst(%dma_wait3A_104 : memref<128xi32, #tpu.memory_space<vmem>>)
    %run_scoped3A_107 = arith.constant 0 : i32
    "tpu.region"() ({
      %run_scoped3A_329 = tpu.sem_alloc : memref<!tpu.dma_semaphore, #tpu.memory_space<semaphore_mem>>
      %dma_start3A_330 = arith.constant 0 : i32
      %dma_start3A_331 = tpu.memref_slice %arg10[%run_scoped3A_107, %dma_start3A_330] : memref<2x128xi32, #tpu.memory_space<vmem>> -> memref<1x128xi32, #tpu.memory_space<vmem>>
      %dma_start3A_332 = tpu.memref_squeeze %dma_start3A_331 : memref<1x128xi32, #tpu.memory_space<vmem>> -> memref<128xi32, #tpu.memory_space<vmem>>
      %dma_start3A_333 = arith.constant 0 : i32
      %dma_start3A_334 = arith.constant 0 : i32
      %dma_start3A_335 = tpu.memref_slice %arg13[%dma_start3A_333, %dma_start3A_334] : memref<10112x128xf32, #tpu.memory_space<vmem_shared>> -> memref<10112x128xf32, #tpu.memory_space<vmem_shared>>
      tpu.enqueue_indirect_dma source(%arg11 : memref<128x128xf32, #tpu.memory_space<vmem>>) target(%dma_start3A_335 : memref<10112x128xf32, #tpu.memory_space<vmem_shared>>) offsets(%dma_start3A_332 : memref<128xi32, #tpu.memory_space<vmem>>) semaphore(%run_scoped3A_329 : memref<!tpu.dma_semaphore, #tpu.memory_space<semaphore_mem>>) {add = true}
      %dma_wait3A_336 = arith.constant 0 : i32
      %dma_wait3A_337 = tpu.memref_slice %arg10[%run_scoped3A_107, %dma_wait3A_336] : memref<2x128xi32, #tpu.memory_space<vmem>> -> memref<1x128xi32, #tpu.memory_space<vmem>>
      %dma_wait3A_338 = tpu.memref_squeeze %dma_wait3A_337 : memref<1x128xi32, #tpu.memory_space<vmem>> -> memref<128xi32, #tpu.memory_space<vmem>>
      %dma_wait3A_339 = arith.constant 0 : i32
      %dma_wait3A_340 = arith.constant 0 : i32
      %dma_wait3A_341 = tpu.memref_slice %arg13[%dma_wait3A_339, %dma_wait3A_340] : memref<10112x128xf32, #tpu.memory_space<vmem_shared>> -> memref<10112x128xf32, #tpu.memory_space<vmem_shared>>
      tpu.wait_indirect_dma semaphore(%run_scoped3A_329 : memref<!tpu.dma_semaphore, #tpu.memory_space<semaphore_mem>>) src(%arg11 : memref<128x128xf32, #tpu.memory_space<vmem>>) dst(%dma_wait3A_341 : memref<10112x128xf32, #tpu.memory_space<vmem_shared>>)
      tpu.yield
    }) : () -> ()
    %barrier3A_108 = arith.constant 0 : index
    tpu.barrier barrier_id(%barrier3A_108)
    %run_scoped3A_109 = arith.constant 0 : i32
    "tpu.region"() ({
      %run_scoped3A_329 = tpu.sem_alloc : memref<!tpu.dma_semaphore, #tpu.memory_space<semaphore_mem>>
      %dma_start3A_330 = arith.constant 0 : i32
      %dma_start3A_331 = tpu.memref_slice %arg8[%arg0, %run_scoped3A_109, %mul3A_2, %dma_start3A_330] : memref<2x3x10112x128xf32, #tpu.memory_space<hbm>> -> memref<1x1x632x128xf32, #tpu.memory_space<hbm>>
      %dma_start3A_332 = tpu.memref_squeeze %dma_start3A_331 : memref<1x1x632x128xf32, #tpu.memory_space<hbm>> -> memref<632x128xf32, #tpu.memory_space<hbm>>
      %dma_start3A_333 = arith.constant 0 : i32
      %dma_start3A_334 = tpu.memref_slice %arg13[%mul3A_2, %dma_start3A_333] : memref<10112x128xf32, #tpu.memory_space<vmem_shared>> -> memref<632x128xf32, #tpu.memory_space<vmem_shared>>
      tpu.enqueue_dma source(%dma_start3A_334 : memref<632x128xf32, #tpu.memory_space<vmem_shared>>) target(%dma_start3A_332 : memref<632x128xf32, #tpu.memory_space<hbm>>) target_semaphore(%run_scoped3A_329 : memref<!tpu.dma_semaphore, #tpu.memory_space<semaphore_mem>>)
      %dma_wait3A_335 = arith.constant 0 : i32
      %dma_wait3A_336 = tpu.memref_slice %arg8[%arg0, %run_scoped3A_109, %mul3A_2, %dma_wait3A_335] : memref<2x3x10112x128xf32, #tpu.memory_space<hbm>> -> memref<1x1x632x128xf32, #tpu.memory_space<hbm>>
      %dma_wait3A_337 = tpu.memref_squeeze %dma_wait3A_336 : memref<1x1x632x128xf32, #tpu.memory_space<hbm>> -> memref<632x128xf32, #tpu.memory_space<hbm>>
      %dma_wait3A_338 = arith.constant 0 : i32
      %dma_wait3A_339 = tpu.memref_slice %arg13[%mul3A_2, %dma_wait3A_338] : memref<10112x128xf32, #tpu.memory_space<vmem_shared>> -> memref<632x128xf32, #tpu.memory_space<vmem_shared>>
      tpu.wait_dma2 semaphore(%run_scoped3A_329 : memref<!tpu.dma_semaphore, #tpu.memory_space<semaphore_mem>>) src(%dma_wait3A_339 : memref<632x128xf32, #tpu.memory_space<vmem_shared>>) dst(%dma_wait3A_337 : memref<632x128xf32, #tpu.memory_space<hbm>>)
      tpu.yield
    }) : () -> ()
    %barrier3A_110 = arith.constant 0 : index
    tpu.barrier barrier_id(%barrier3A_110)
    "tpu.region"() ({
      %run_scoped3A_329 = tpu.sem_alloc : memref<!tpu.dma_semaphore, #tpu.memory_space<semaphore_mem>>
      %dma_start3A_330 = arith.constant 0 : i32
      %dma_start3A_331 = tpu.memref_slice %arg13[%mul3A_2, %dma_start3A_330] : memref<10112x128xf32, #tpu.memory_space<vmem_shared>> -> memref<632x128xf32, #tpu.memory_space<vmem_shared>>
      %dma_start3A_332 = arith.constant 0 : i32
      %dma_start3A_333 = tpu.memref_slice %arg7[%mul3A_2, %dma_start3A_332] : memref<10112x128xf32, #tpu.memory_space<hbm>> -> memref<632x128xf32, #tpu.memory_space<hbm>>
      tpu.enqueue_dma source(%dma_start3A_333 : memref<632x128xf32, #tpu.memory_space<hbm>>) target(%dma_start3A_331 : memref<632x128xf32, #tpu.memory_space<vmem_shared>>) target_semaphore(%run_scoped3A_329 : memref<!tpu.dma_semaphore, #tpu.memory_space<semaphore_mem>>)
      %dma_wait3A_334 = arith.constant 0 : i32
      %dma_wait3A_335 = tpu.memref_slice %arg13[%mul3A_2, %dma_wait3A_334] : memref<10112x128xf32, #tpu.memory_space<vmem_shared>> -> memref<632x128xf32, #tpu.memory_space<vmem_shared>>
      %dma_wait3A_336 = arith.constant 0 : i32
      %dma_wait3A_337 = tpu.memref_slice %arg7[%mul3A_2, %dma_wait3A_336] : memref<10112x128xf32, #tpu.memory_space<hbm>> -> memref<632x128xf32, #tpu.memory_space<hbm>>
      tpu.wait_dma2 semaphore(%run_scoped3A_329 : memref<!tpu.dma_semaphore, #tpu.memory_space<semaphore_mem>>) src(%dma_wait3A_337 : memref<632x128xf32, #tpu.memory_space<hbm>>) dst(%dma_wait3A_335 : memref<632x128xf32, #tpu.memory_space<vmem_shared>>)
      tpu.yield
    }) : () -> ()
    %barrier3A_111 = arith.constant 0 : index
    tpu.barrier barrier_id(%barrier3A_111)
    %dma_start3A_112 = arith.constant 0 : i32
    %dma_start3A_113 = tpu.memref_slice %arg9[%dma_start3A_112] : memref<10112xi32, #tpu.memory_space<vmem>> -> memref<128xi32, #tpu.memory_space<vmem>>
    %dma_start3A_114 = arith.constant 0 : i32
    %dma_start3A_115 = arith.constant 0 : i32
    %dma_start3A_116 = tpu.memref_slice %arg3[%dma_start3A_114, %dma_start3A_115] : memref<10000x128xf32, #tpu.memory_space<hbm>> -> memref<10000x128xf32, #tpu.memory_space<hbm>>
    tpu.enqueue_indirect_dma source(%dma_start3A_116 : memref<10000x128xf32, #tpu.memory_space<hbm>>) target(%arg11 : memref<128x128xf32, #tpu.memory_space<vmem>>) offsets(%dma_start3A_113 : memref<128xi32, #tpu.memory_space<vmem>>) semaphore(%arg14 : memref<!tpu.dma_semaphore, #tpu.memory_space<semaphore_mem>>)
    %add3A_117 = arith.constant 0 : i32
    %add3A_118 = arith.addi %mul3A_4, %add3A_117 : i32
    %dma_start3A_119 = arith.constant 0 : i32
    %dma_start3A_120 = arith.constant 0 : i32
    %dma_start3A_121 = tpu.memref_slice %arg10[%dma_start3A_119, %dma_start3A_120] : memref<2x128xi32, #tpu.memory_space<vmem>> -> memref<1x128xi32, #tpu.memory_space<vmem>>
    %dma_start3A_122 = tpu.memref_squeeze %dma_start3A_121 : memref<1x128xi32, #tpu.memory_space<vmem>> -> memref<128xi32, #tpu.memory_space<vmem>>
    %dma_start3A_123 = tpu.memref_slice %arg6[%add3A_118] : memref<323584xi32, #tpu.memory_space<hbm>> -> memref<128xi32, #tpu.memory_space<hbm>>
    %dma_start3A_124 = arith.constant 0 : i32
    %dma_start3A_125 = tpu.memref_slice %arg10[%dma_start3A_119, %dma_start3A_124] : memref<2x128xi32, #tpu.memory_space<vmem>> -> memref<1x128xi32, #tpu.memory_space<vmem>>
    %dma_start3A_126 = tpu.memref_squeeze %dma_start3A_125 : memref<1x128xi32, #tpu.memory_space<vmem>> -> memref<128xi32, #tpu.memory_space<vmem>>
    %dma_start3A_127 = tpu.memref_slice %arg6[%add3A_118] : memref<323584xi32, #tpu.memory_space<hbm>> -> memref<128xi32, #tpu.memory_space<hbm>>
    tpu.enqueue_dma source(%dma_start3A_127 : memref<128xi32, #tpu.memory_space<hbm>>) target(%dma_start3A_126 : memref<128xi32, #tpu.memory_space<vmem>>) target_semaphore(%arg16 : memref<!tpu.dma_semaphore, #tpu.memory_space<semaphore_mem>>)
    %dma_start3A_128 = arith.constant 128 : i32
    %dma_start3A_129 = tpu.memref_slice %arg9[%dma_start3A_128] : memref<10112xi32, #tpu.memory_space<vmem>> -> memref<128xi32, #tpu.memory_space<vmem>>
    %dma_start3A_130 = arith.constant 0 : i32
    %dma_start3A_131 = arith.constant 0 : i32
    %dma_start3A_132 = tpu.memref_slice %arg3[%dma_start3A_130, %dma_start3A_131] : memref<10000x128xf32, #tpu.memory_space<hbm>> -> memref<10000x128xf32, #tpu.memory_space<hbm>>
    tpu.enqueue_indirect_dma source(%dma_start3A_132 : memref<10000x128xf32, #tpu.memory_space<hbm>>) target(%arg12 : memref<128x128xf32, #tpu.memory_space<vmem>>) offsets(%dma_start3A_129 : memref<128xi32, #tpu.memory_space<vmem>>) semaphore(%arg15 : memref<!tpu.dma_semaphore, #tpu.memory_space<semaphore_mem>>)
    %add3A_133 = arith.constant 128 : i32
    %add3A_134 = arith.addi %mul3A_4, %add3A_133 : i32
    %dma_start3A_135 = arith.constant 1 : i32
    %dma_start3A_136 = arith.constant 0 : i32
    %dma_start3A_137 = tpu.memref_slice %arg10[%dma_start3A_135, %dma_start3A_136] : memref<2x128xi32, #tpu.memory_space<vmem>> -> memref<1x128xi32, #tpu.memory_space<vmem>>
    %dma_start3A_138 = tpu.memref_squeeze %dma_start3A_137 : memref<1x128xi32, #tpu.memory_space<vmem>> -> memref<128xi32, #tpu.memory_space<vmem>>
    %dma_start3A_139 = tpu.memref_slice %arg6[%add3A_134] : memref<323584xi32, #tpu.memory_space<hbm>> -> memref<128xi32, #tpu.memory_space<hbm>>
    %dma_start3A_140 = arith.constant 0 : i32
    %dma_start3A_141 = tpu.memref_slice %arg10[%dma_start3A_135, %dma_start3A_140] : memref<2x128xi32, #tpu.memory_space<vmem>> -> memref<1x128xi32, #tpu.memory_space<vmem>>
    %dma_start3A_142 = tpu.memref_squeeze %dma_start3A_141 : memref<1x128xi32, #tpu.memory_space<vmem>> -> memref<128xi32, #tpu.memory_space<vmem>>
    %dma_start3A_143 = tpu.memref_slice %arg6[%add3A_134] : memref<323584xi32, #tpu.memory_space<hbm>> -> memref<128xi32, #tpu.memory_space<hbm>>
    tpu.enqueue_dma source(%dma_start3A_143 : memref<128xi32, #tpu.memory_space<hbm>>) target(%dma_start3A_142 : memref<128xi32, #tpu.memory_space<vmem>>) target_semaphore(%arg17 : memref<!tpu.dma_semaphore, #tpu.memory_space<semaphore_mem>>)
    %scan3A_144 = arith.constant 0 : i32
    %scan3A_145 = arith.constant 0 : i32
    %scan3A_146 = arith.constant 38 : i32
    %scan3A_147 = arith.addi %scan3A_145, %scan3A_146 : i32
    %scan3A_148 = arith.constant 1 : i32
    scf.for %scan3A_329 = %scan3A_145 to %scan3A_147 step %scan3A_148  : i32 {
      %mul3A_330 = arith.constant 2 : i32
      %mul3A_331 = arith.muli %scan3A_329, %mul3A_330 : i32
      %dma_wait3A_332 = arith.constant 0 : i32
      %dma_wait3A_333 = tpu.memref_slice %arg9[%dma_wait3A_332] : memref<10112xi32, #tpu.memory_space<vmem>> -> memref<128xi32, #tpu.memory_space<vmem>>
      %dma_wait3A_334 = arith.constant 0 : i32
      %dma_wait3A_335 = arith.constant 0 : i32
      %dma_wait3A_336 = tpu.memref_slice %arg3[%dma_wait3A_334, %dma_wait3A_335] : memref<10000x128xf32, #tpu.memory_space<hbm>> -> memref<10000x128xf32, #tpu.memory_space<hbm>>
      tpu.wait_indirect_dma semaphore(%arg14 : memref<!tpu.dma_semaphore, #tpu.memory_space<semaphore_mem>>) src(%dma_wait3A_336 : memref<10000x128xf32, #tpu.memory_space<hbm>>) dst(%arg11 : memref<128x128xf32, #tpu.memory_space<vmem>>)
      %dma_wait3A_337 = arith.constant 0 : i32
      %dma_wait3A_338 = arith.constant 0 : i32
      %dma_wait3A_339 = tpu.memref_slice %arg10[%dma_wait3A_337, %dma_wait3A_338] : memref<2x128xi32, #tpu.memory_space<vmem>> -> memref<1x128xi32, #tpu.memory_space<vmem>>
      %dma_wait3A_340 = tpu.memref_squeeze %dma_wait3A_339 : memref<1x128xi32, #tpu.memory_space<vmem>> -> memref<128xi32, #tpu.memory_space<vmem>>
      %dma_wait3A_341 = arith.constant 0 : i32
      %dma_wait3A_342 = tpu.memref_slice %arg6[%dma_wait3A_341] : memref<323584xi32, #tpu.memory_space<hbm>> -> memref<128xi32, #tpu.memory_space<hbm>>
      %dma_wait3A_343 = arith.constant 0 : i32
      %dma_wait3A_344 = tpu.memref_slice %arg10[%dma_wait3A_337, %dma_wait3A_343] : memref<2x128xi32, #tpu.memory_space<vmem>> -> memref<1x128xi32, #tpu.memory_space<vmem>>
      %dma_wait3A_345 = tpu.memref_squeeze %dma_wait3A_344 : memref<1x128xi32, #tpu.memory_space<vmem>> -> memref<128xi32, #tpu.memory_space<vmem>>
      %dma_wait3A_346 = arith.constant 0 : i32
      %dma_wait3A_347 = tpu.memref_slice %arg6[%dma_wait3A_346] : memref<323584xi32, #tpu.memory_space<hbm>> -> memref<128xi32, #tpu.memory_space<hbm>>
      tpu.wait_dma2 semaphore(%arg16 : memref<!tpu.dma_semaphore, #tpu.memory_space<semaphore_mem>>) src(%dma_wait3A_347 : memref<128xi32, #tpu.memory_space<hbm>>) dst(%dma_wait3A_345 : memref<128xi32, #tpu.memory_space<vmem>>)
      %run_scoped3A_348 = arith.constant 0 : i32
      "tpu.region"() ({
        %run_scoped3A_418 = tpu.sem_alloc : memref<!tpu.dma_semaphore, #tpu.memory_space<semaphore_mem>>
        %dma_start3A_419 = arith.constant 0 : i32
        %dma_start3A_420 = tpu.memref_slice %arg10[%run_scoped3A_348, %dma_start3A_419] : memref<2x128xi32, #tpu.memory_space<vmem>> -> memref<1x128xi32, #tpu.memory_space<vmem>>
        %dma_start3A_421 = tpu.memref_squeeze %dma_start3A_420 : memref<1x128xi32, #tpu.memory_space<vmem>> -> memref<128xi32, #tpu.memory_space<vmem>>
        %dma_start3A_422 = arith.constant 0 : i32
        %dma_start3A_423 = arith.constant 0 : i32
        %dma_start3A_424 = tpu.memref_slice %arg13[%dma_start3A_422, %dma_start3A_423] : memref<10112x128xf32, #tpu.memory_space<vmem_shared>> -> memref<10112x128xf32, #tpu.memory_space<vmem_shared>>
        tpu.enqueue_indirect_dma source(%arg11 : memref<128x128xf32, #tpu.memory_space<vmem>>) target(%dma_start3A_424 : memref<10112x128xf32, #tpu.memory_space<vmem_shared>>) offsets(%dma_start3A_421 : memref<128xi32, #tpu.memory_space<vmem>>) semaphore(%run_scoped3A_418 : memref<!tpu.dma_semaphore, #tpu.memory_space<semaphore_mem>>) {add = true}
        %dma_wait3A_425 = arith.constant 0 : i32
        %dma_wait3A_426 = tpu.memref_slice %arg10[%run_scoped3A_348, %dma_wait3A_425] : memref<2x128xi32, #tpu.memory_space<vmem>> -> memref<1x128xi32, #tpu.memory_space<vmem>>
        %dma_wait3A_427 = tpu.memref_squeeze %dma_wait3A_426 : memref<1x128xi32, #tpu.memory_space<vmem>> -> memref<128xi32, #tpu.memory_space<vmem>>
        %dma_wait3A_428 = arith.constant 0 : i32
        %dma_wait3A_429 = arith.constant 0 : i32
        %dma_wait3A_430 = tpu.memref_slice %arg13[%dma_wait3A_428, %dma_wait3A_429] : memref<10112x128xf32, #tpu.memory_space<vmem_shared>> -> memref<10112x128xf32, #tpu.memory_space<vmem_shared>>
        tpu.wait_indirect_dma semaphore(%run_scoped3A_418 : memref<!tpu.dma_semaphore, #tpu.memory_space<semaphore_mem>>) src(%arg11 : memref<128x128xf32, #tpu.memory_space<vmem>>) dst(%dma_wait3A_430 : memref<10112x128xf32, #tpu.memory_space<vmem_shared>>)
        tpu.yield
      }) : () -> ()
      %add3A_349 = arith.constant 2 : i32
      %add3A_350 = arith.addi %mul3A_331, %add3A_349 : i32
      %add3A_351 = arith.constant 0 : i32
      %add3A_352 = arith.addi %add3A_350, %add3A_351 : i32
      %mul3A_353 = arith.constant 128 : i32
      %mul3A_354 = arith.muli %add3A_352, %mul3A_353 : i32
      %dma_start3A_355 = tpu.memref_slice %arg9[%mul3A_354] : memref<10112xi32, #tpu.memory_space<vmem>> -> memref<128xi32, #tpu.memory_space<vmem>>
      %dma_start3A_356 = arith.constant 0 : i32
      %dma_start3A_357 = arith.constant 0 : i32
      %dma_start3A_358 = tpu.memref_slice %arg3[%dma_start3A_356, %dma_start3A_357] : memref<10000x128xf32, #tpu.memory_space<hbm>> -> memref<10000x128xf32, #tpu.memory_space<hbm>>
      tpu.enqueue_indirect_dma source(%dma_start3A_358 : memref<10000x128xf32, #tpu.memory_space<hbm>>) target(%arg11 : memref<128x128xf32, #tpu.memory_space<vmem>>) offsets(%dma_start3A_355 : memref<128xi32, #tpu.memory_space<vmem>>) semaphore(%arg14 : memref<!tpu.dma_semaphore, #tpu.memory_space<semaphore_mem>>)
      %add3A_359 = arith.constant 2 : i32
      %add3A_360 = arith.addi %mul3A_331, %add3A_359 : i32
      %add3A_361 = arith.constant 0 : i32
      %add3A_362 = arith.addi %add3A_360, %add3A_361 : i32
      %mul3A_363 = arith.constant 128 : i32
      %mul3A_364 = arith.muli %add3A_362, %mul3A_363 : i32
      %add3A_365 = arith.addi %mul3A_4, %mul3A_364 : i32
      %dma_start3A_366 = arith.constant 0 : i32
      %dma_start3A_367 = arith.constant 0 : i32
      %dma_start3A_368 = tpu.memref_slice %arg10[%dma_start3A_366, %dma_start3A_367] : memref<2x128xi32, #tpu.memory_space<vmem>> -> memref<1x128xi32, #tpu.memory_space<vmem>>
      %dma_start3A_369 = tpu.memref_squeeze %dma_start3A_368 : memref<1x128xi32, #tpu.memory_space<vmem>> -> memref<128xi32, #tpu.memory_space<vmem>>
      %dma_start3A_370 = tpu.memref_slice %arg6[%add3A_365] : memref<323584xi32, #tpu.memory_space<hbm>> -> memref<128xi32, #tpu.memory_space<hbm>>
      %dma_start3A_371 = arith.constant 0 : i32
      %dma_start3A_372 = tpu.memref_slice %arg10[%dma_start3A_366, %dma_start3A_371] : memref<2x128xi32, #tpu.memory_space<vmem>> -> memref<1x128xi32, #tpu.memory_space<vmem>>
      %dma_start3A_373 = tpu.memref_squeeze %dma_start3A_372 : memref<1x128xi32, #tpu.memory_space<vmem>> -> memref<128xi32, #tpu.memory_space<vmem>>
      %dma_start3A_374 = tpu.memref_slice %arg6[%add3A_365] : memref<323584xi32, #tpu.memory_space<hbm>> -> memref<128xi32, #tpu.memory_space<hbm>>
      tpu.enqueue_dma source(%dma_start3A_374 : memref<128xi32, #tpu.memory_space<hbm>>) target(%dma_start3A_373 : memref<128xi32, #tpu.memory_space<vmem>>) target_semaphore(%arg16 : memref<!tpu.dma_semaphore, #tpu.memory_space<semaphore_mem>>)
      %dma_wait3A_375 = arith.constant 0 : i32
      %dma_wait3A_376 = tpu.memref_slice %arg9[%dma_wait3A_375] : memref<10112xi32, #tpu.memory_space<vmem>> -> memref<128xi32, #tpu.memory_space<vmem>>
      %dma_wait3A_377 = arith.constant 0 : i32
      %dma_wait3A_378 = arith.constant 0 : i32
      %dma_wait3A_379 = tpu.memref_slice %arg3[%dma_wait3A_377, %dma_wait3A_378] : memref<10000x128xf32, #tpu.memory_space<hbm>> -> memref<10000x128xf32, #tpu.memory_space<hbm>>
      tpu.wait_indirect_dma semaphore(%arg15 : memref<!tpu.dma_semaphore, #tpu.memory_space<semaphore_mem>>) src(%dma_wait3A_379 : memref<10000x128xf32, #tpu.memory_space<hbm>>) dst(%arg12 : memref<128x128xf32, #tpu.memory_space<vmem>>)
      %dma_wait3A_380 = arith.constant 1 : i32
      %dma_wait3A_381 = arith.constant 0 : i32
      %dma_wait3A_382 = tpu.memref_slice %arg10[%dma_wait3A_380, %dma_wait3A_381] : memref<2x128xi32, #tpu.memory_space<vmem>> -> memref<1x128xi32, #tpu.memory_space<vmem>>
      %dma_wait3A_383 = tpu.memref_squeeze %dma_wait3A_382 : memref<1x128xi32, #tpu.memory_space<vmem>> -> memref<128xi32, #tpu.memory_space<vmem>>
      %dma_wait3A_384 = arith.constant 0 : i32
      %dma_wait3A_385 = tpu.memref_slice %arg6[%dma_wait3A_384] : memref<323584xi32, #tpu.memory_space<hbm>> -> memref<128xi32, #tpu.memory_space<hbm>>
      %dma_wait3A_386 = arith.constant 0 : i32
      %dma_wait3A_387 = tpu.memref_slice %arg10[%dma_wait3A_380, %dma_wait3A_386] : memref<2x128xi32, #tpu.memory_space<vmem>> -> memref<1x128xi32, #tpu.memory_space<vmem>>
      %dma_wait3A_388 = tpu.memref_squeeze %dma_wait3A_387 : memref<1x128xi32, #tpu.memory_space<vmem>> -> memref<128xi32, #tpu.memory_space<vmem>>
      %dma_wait3A_389 = arith.constant 0 : i32
      %dma_wait3A_390 = tpu.memref_slice %arg6[%dma_wait3A_389] : memref<323584xi32, #tpu.memory_space<hbm>> -> memref<128xi32, #tpu.memory_space<hbm>>
      tpu.wait_dma2 semaphore(%arg17 : memref<!tpu.dma_semaphore, #tpu.memory_space<semaphore_mem>>) src(%dma_wait3A_390 : memref<128xi32, #tpu.memory_space<hbm>>) dst(%dma_wait3A_388 : memref<128xi32, #tpu.memory_space<vmem>>)
      %run_scoped3A_391 = arith.constant 1 : i32
      "tpu.region"() ({
        %run_scoped3A_418 = tpu.sem_alloc : memref<!tpu.dma_semaphore, #tpu.memory_space<semaphore_mem>>
        %dma_start3A_419 = arith.constant 0 : i32
        %dma_start3A_420 = tpu.memref_slice %arg10[%run_scoped3A_391, %dma_start3A_419] : memref<2x128xi32, #tpu.memory_space<vmem>> -> memref<1x128xi32, #tpu.memory_space<vmem>>
        %dma_start3A_421 = tpu.memref_squeeze %dma_start3A_420 : memref<1x128xi32, #tpu.memory_space<vmem>> -> memref<128xi32, #tpu.memory_space<vmem>>
        %dma_start3A_422 = arith.constant 0 : i32
        %dma_start3A_423 = arith.constant 0 : i32
        %dma_start3A_424 = tpu.memref_slice %arg13[%dma_start3A_422, %dma_start3A_423] : memref<10112x128xf32, #tpu.memory_space<vmem_shared>> -> memref<10112x128xf32, #tpu.memory_space<vmem_shared>>
        tpu.enqueue_indirect_dma source(%arg12 : memref<128x128xf32, #tpu.memory_space<vmem>>) target(%dma_start3A_424 : memref<10112x128xf32, #tpu.memory_space<vmem_shared>>) offsets(%dma_start3A_421 : memref<128xi32, #tpu.memory_space<vmem>>) semaphore(%run_scoped3A_418 : memref<!tpu.dma_semaphore, #tpu.memory_space<semaphore_mem>>) {add = true}
        %dma_wait3A_425 = arith.constant 0 : i32
        %dma_wait3A_426 = tpu.memref_slice %arg10[%run_scoped3A_391, %dma_wait3A_425] : memref<2x128xi32, #tpu.memory_space<vmem>> -> memref<1x128xi32, #tpu.memory_space<vmem>>
        %dma_wait3A_427 = tpu.memref_squeeze %dma_wait3A_426 : memref<1x128xi32, #tpu.memory_space<vmem>> -> memref<128xi32, #tpu.memory_space<vmem>>
        %dma_wait3A_428 = arith.constant 0 : i32
        %dma_wait3A_429 = arith.constant 0 : i32
        %dma_wait3A_430 = tpu.memref_slice %arg13[%dma_wait3A_428, %dma_wait3A_429] : memref<10112x128xf32, #tpu.memory_space<vmem_shared>> -> memref<10112x128xf32, #tpu.memory_space<vmem_shared>>
        tpu.wait_indirect_dma semaphore(%run_scoped3A_418 : memref<!tpu.dma_semaphore, #tpu.memory_space<semaphore_mem>>) src(%arg12 : memref<128x128xf32, #tpu.memory_space<vmem>>) dst(%dma_wait3A_430 : memref<10112x128xf32, #tpu.memory_space<vmem_shared>>)
        tpu.yield
      }) : () -> ()
      %add3A_392 = arith.constant 2 : i32
      %add3A_393 = arith.addi %mul3A_331, %add3A_392 : i32
      %add3A_394 = arith.constant 1 : i32
      %add3A_395 = arith.addi %add3A_393, %add3A_394 : i32
      %mul3A_396 = arith.constant 128 : i32
      %mul3A_397 = arith.muli %add3A_395, %mul3A_396 : i32
      %dma_start3A_398 = tpu.memref_slice %arg9[%mul3A_397] : memref<10112xi32, #tpu.memory_space<vmem>> -> memref<128xi32, #tpu.memory_space<vmem>>
      %dma_start3A_399 = arith.constant 0 : i32
      %dma_start3A_400 = arith.constant 0 : i32
      %dma_start3A_401 = tpu.memref_slice %arg3[%dma_start3A_399, %dma_start3A_400] : memref<10000x128xf32, #tpu.memory_space<hbm>> -> memref<10000x128xf32, #tpu.memory_space<hbm>>
      tpu.enqueue_indirect_dma source(%dma_start3A_401 : memref<10000x128xf32, #tpu.memory_space<hbm>>) target(%arg12 : memref<128x128xf32, #tpu.memory_space<vmem>>) offsets(%dma_start3A_398 : memref<128xi32, #tpu.memory_space<vmem>>) semaphore(%arg15 : memref<!tpu.dma_semaphore, #tpu.memory_space<semaphore_mem>>)
      %add3A_402 = arith.constant 2 : i32
      %add3A_403 = arith.addi %mul3A_331, %add3A_402 : i32
      %add3A_404 = arith.constant 1 : i32
      %add3A_405 = arith.addi %add3A_403, %add3A_404 : i32
      %mul3A_406 = arith.constant 128 : i32
      %mul3A_407 = arith.muli %add3A_405, %mul3A_406 : i32
      %add3A_408 = arith.addi %mul3A_4, %mul3A_407 : i32
      %dma_start3A_409 = arith.constant 1 : i32
      %dma_start3A_410 = arith.constant 0 : i32
      %dma_start3A_411 = tpu.memref_slice %arg10[%dma_start3A_409, %dma_start3A_410] : memref<2x128xi32, #tpu.memory_space<vmem>> -> memref<1x128xi32, #tpu.memory_space<vmem>>
      %dma_start3A_412 = tpu.memref_squeeze %dma_start3A_411 : memref<1x128xi32, #tpu.memory_space<vmem>> -> memref<128xi32, #tpu.memory_space<vmem>>
      %dma_start3A_413 = tpu.memref_slice %arg6[%add3A_408] : memref<323584xi32, #tpu.memory_space<hbm>> -> memref<128xi32, #tpu.memory_space<hbm>>
      %dma_start3A_414 = arith.constant 0 : i32
      %dma_start3A_415 = tpu.memref_slice %arg10[%dma_start3A_409, %dma_start3A_414] : memref<2x128xi32, #tpu.memory_space<vmem>> -> memref<1x128xi32, #tpu.memory_space<vmem>>
      %dma_start3A_416 = tpu.memref_squeeze %dma_start3A_415 : memref<1x128xi32, #tpu.memory_space<vmem>> -> memref<128xi32, #tpu.memory_space<vmem>>
      %dma_start3A_417 = tpu.memref_slice %arg6[%add3A_408] : memref<323584xi32, #tpu.memory_space<hbm>> -> memref<128xi32, #tpu.memory_space<hbm>>
      tpu.enqueue_dma source(%dma_start3A_417 : memref<128xi32, #tpu.memory_space<hbm>>) target(%dma_start3A_416 : memref<128xi32, #tpu.memory_space<vmem>>) target_semaphore(%arg17 : memref<!tpu.dma_semaphore, #tpu.memory_space<semaphore_mem>>)
    }
    %scan3A_149 = arith.constant 38 : i32
    %dma_wait3A_150 = arith.constant 0 : i32
    %dma_wait3A_151 = tpu.memref_slice %arg9[%dma_wait3A_150] : memref<10112xi32, #tpu.memory_space<vmem>> -> memref<128xi32, #tpu.memory_space<vmem>>
    %dma_wait3A_152 = arith.constant 0 : i32
    %dma_wait3A_153 = arith.constant 0 : i32
    %dma_wait3A_154 = tpu.memref_slice %arg3[%dma_wait3A_152, %dma_wait3A_153] : memref<10000x128xf32, #tpu.memory_space<hbm>> -> memref<10000x128xf32, #tpu.memory_space<hbm>>
    tpu.wait_indirect_dma semaphore(%arg14 : memref<!tpu.dma_semaphore, #tpu.memory_space<semaphore_mem>>) src(%dma_wait3A_154 : memref<10000x128xf32, #tpu.memory_space<hbm>>) dst(%arg11 : memref<128x128xf32, #tpu.memory_space<vmem>>)
    %dma_wait3A_155 = arith.constant 0 : i32
    %dma_wait3A_156 = arith.constant 0 : i32
    %dma_wait3A_157 = tpu.memref_slice %arg10[%dma_wait3A_155, %dma_wait3A_156] : memref<2x128xi32, #tpu.memory_space<vmem>> -> memref<1x128xi32, #tpu.memory_space<vmem>>
    %dma_wait3A_158 = tpu.memref_squeeze %dma_wait3A_157 : memref<1x128xi32, #tpu.memory_space<vmem>> -> memref<128xi32, #tpu.memory_space<vmem>>
    %dma_wait3A_159 = arith.constant 0 : i32
    %dma_wait3A_160 = tpu.memref_slice %arg6[%dma_wait3A_159] : memref<323584xi32, #tpu.memory_space<hbm>> -> memref<128xi32, #tpu.memory_space<hbm>>
    %dma_wait3A_161 = arith.constant 0 : i32
    %dma_wait3A_162 = tpu.memref_slice %arg10[%dma_wait3A_155, %dma_wait3A_161] : memref<2x128xi32, #tpu.memory_space<vmem>> -> memref<1x128xi32, #tpu.memory_space<vmem>>
    %dma_wait3A_163 = tpu.memref_squeeze %dma_wait3A_162 : memref<1x128xi32, #tpu.memory_space<vmem>> -> memref<128xi32, #tpu.memory_space<vmem>>
    %dma_wait3A_164 = arith.constant 0 : i32
    %dma_wait3A_165 = tpu.memref_slice %arg6[%dma_wait3A_164] : memref<323584xi32, #tpu.memory_space<hbm>> -> memref<128xi32, #tpu.memory_space<hbm>>
    tpu.wait_dma2 semaphore(%arg16 : memref<!tpu.dma_semaphore, #tpu.memory_space<semaphore_mem>>) src(%dma_wait3A_165 : memref<128xi32, #tpu.memory_space<hbm>>) dst(%dma_wait3A_163 : memref<128xi32, #tpu.memory_space<vmem>>)
    %run_scoped3A_166 = arith.constant 0 : i32
    "tpu.region"() ({
      %run_scoped3A_329 = tpu.sem_alloc : memref<!tpu.dma_semaphore, #tpu.memory_space<semaphore_mem>>
      %dma_start3A_330 = arith.constant 0 : i32
      %dma_start3A_331 = tpu.memref_slice %arg10[%run_scoped3A_166, %dma_start3A_330] : memref<2x128xi32, #tpu.memory_space<vmem>> -> memref<1x128xi32, #tpu.memory_space<vmem>>
      %dma_start3A_332 = tpu.memref_squeeze %dma_start3A_331 : memref<1x128xi32, #tpu.memory_space<vmem>> -> memref<128xi32, #tpu.memory_space<vmem>>
      %dma_start3A_333 = arith.constant 0 : i32
      %dma_start3A_334 = arith.constant 0 : i32
      %dma_start3A_335 = tpu.memref_slice %arg13[%dma_start3A_333, %dma_start3A_334] : memref<10112x128xf32, #tpu.memory_space<vmem_shared>> -> memref<10112x128xf32, #tpu.memory_space<vmem_shared>>
      tpu.enqueue_indirect_dma source(%arg11 : memref<128x128xf32, #tpu.memory_space<vmem>>) target(%dma_start3A_335 : memref<10112x128xf32, #tpu.memory_space<vmem_shared>>) offsets(%dma_start3A_332 : memref<128xi32, #tpu.memory_space<vmem>>) semaphore(%run_scoped3A_329 : memref<!tpu.dma_semaphore, #tpu.memory_space<semaphore_mem>>) {add = true}
      %dma_wait3A_336 = arith.constant 0 : i32
      %dma_wait3A_337 = tpu.memref_slice %arg10[%run_scoped3A_166, %dma_wait3A_336] : memref<2x128xi32, #tpu.memory_space<vmem>> -> memref<1x128xi32, #tpu.memory_space<vmem>>
      %dma_wait3A_338 = tpu.memref_squeeze %dma_wait3A_337 : memref<1x128xi32, #tpu.memory_space<vmem>> -> memref<128xi32, #tpu.memory_space<vmem>>
      %dma_wait3A_339 = arith.constant 0 : i32
      %dma_wait3A_340 = arith.constant 0 : i32
      %dma_wait3A_341 = tpu.memref_slice %arg13[%dma_wait3A_339, %dma_wait3A_340] : memref<10112x128xf32, #tpu.memory_space<vmem_shared>> -> memref<10112x128xf32, #tpu.memory_space<vmem_shared>>
      tpu.wait_indirect_dma semaphore(%run_scoped3A_329 : memref<!tpu.dma_semaphore, #tpu.memory_space<semaphore_mem>>) src(%arg11 : memref<128x128xf32, #tpu.memory_space<vmem>>) dst(%dma_wait3A_341 : memref<10112x128xf32, #tpu.memory_space<vmem_shared>>)
      tpu.yield
    }) : () -> ()
    %dma_start3A_167 = arith.constant 9984 : i32
    %dma_start3A_168 = tpu.memref_slice %arg9[%dma_start3A_167] : memref<10112xi32, #tpu.memory_space<vmem>> -> memref<128xi32, #tpu.memory_space<vmem>>
    %dma_start3A_169 = arith.constant 0 : i32
    %dma_start3A_170 = arith.constant 0 : i32
    %dma_start3A_171 = tpu.memref_slice %arg3[%dma_start3A_169, %dma_start3A_170] : memref<10000x128xf32, #tpu.memory_space<hbm>> -> memref<10000x128xf32, #tpu.memory_space<hbm>>
    tpu.enqueue_indirect_dma source(%dma_start3A_171 : memref<10000x128xf32, #tpu.memory_space<hbm>>) target(%arg11 : memref<128x128xf32, #tpu.memory_space<vmem>>) offsets(%dma_start3A_168 : memref<128xi32, #tpu.memory_space<vmem>>) semaphore(%arg14 : memref<!tpu.dma_semaphore, #tpu.memory_space<semaphore_mem>>)
    %add3A_172 = arith.constant 9984 : i32
    %add3A_173 = arith.addi %mul3A_4, %add3A_172 : i32
    %dma_start3A_174 = arith.constant 0 : i32
    %dma_start3A_175 = arith.constant 0 : i32
    %dma_start3A_176 = tpu.memref_slice %arg10[%dma_start3A_174, %dma_start3A_175] : memref<2x128xi32, #tpu.memory_space<vmem>> -> memref<1x128xi32, #tpu.memory_space<vmem>>
    %dma_start3A_177 = tpu.memref_squeeze %dma_start3A_176 : memref<1x128xi32, #tpu.memory_space<vmem>> -> memref<128xi32, #tpu.memory_space<vmem>>
    %dma_start3A_178 = tpu.memref_slice %arg6[%add3A_173] : memref<323584xi32, #tpu.memory_space<hbm>> -> memref<128xi32, #tpu.memory_space<hbm>>
    %dma_start3A_179 = arith.constant 0 : i32
    %dma_start3A_180 = tpu.memref_slice %arg10[%dma_start3A_174, %dma_start3A_179] : memref<2x128xi32, #tpu.memory_space<vmem>> -> memref<1x128xi32, #tpu.memory_space<vmem>>
    %dma_start3A_181 = tpu.memref_squeeze %dma_start3A_180 : memref<1x128xi32, #tpu.memory_space<vmem>> -> memref<128xi32, #tpu.memory_space<vmem>>
    %dma_start3A_182 = tpu.memref_slice %arg6[%add3A_173] : memref<323584xi32, #tpu.memory_space<hbm>> -> memref<128xi32, #tpu.memory_space<hbm>>
    tpu.enqueue_dma source(%dma_start3A_182 : memref<128xi32, #tpu.memory_space<hbm>>) target(%dma_start3A_181 : memref<128xi32, #tpu.memory_space<vmem>>) target_semaphore(%arg16 : memref<!tpu.dma_semaphore, #tpu.memory_space<semaphore_mem>>)
    %dma_wait3A_183 = arith.constant 0 : i32
    %dma_wait3A_184 = tpu.memref_slice %arg9[%dma_wait3A_183] : memref<10112xi32, #tpu.memory_space<vmem>> -> memref<128xi32, #tpu.memory_space<vmem>>
    %dma_wait3A_185 = arith.constant 0 : i32
    %dma_wait3A_186 = arith.constant 0 : i32
    %dma_wait3A_187 = tpu.memref_slice %arg3[%dma_wait3A_185, %dma_wait3A_186] : memref<10000x128xf32, #tpu.memory_space<hbm>> -> memref<10000x128xf32, #tpu.memory_space<hbm>>
    tpu.wait_indirect_dma semaphore(%arg15 : memref<!tpu.dma_semaphore, #tpu.memory_space<semaphore_mem>>) src(%dma_wait3A_187 : memref<10000x128xf32, #tpu.memory_space<hbm>>) dst(%arg12 : memref<128x128xf32, #tpu.memory_space<vmem>>)
    %dma_wait3A_188 = arith.constant 1 : i32
    %dma_wait3A_189 = arith.constant 0 : i32
    %dma_wait3A_190 = tpu.memref_slice %arg10[%dma_wait3A_188, %dma_wait3A_189] : memref<2x128xi32, #tpu.memory_space<vmem>> -> memref<1x128xi32, #tpu.memory_space<vmem>>
    %dma_wait3A_191 = tpu.memref_squeeze %dma_wait3A_190 : memref<1x128xi32, #tpu.memory_space<vmem>> -> memref<128xi32, #tpu.memory_space<vmem>>
    %dma_wait3A_192 = arith.constant 0 : i32
    %dma_wait3A_193 = tpu.memref_slice %arg6[%dma_wait3A_192] : memref<323584xi32, #tpu.memory_space<hbm>> -> memref<128xi32, #tpu.memory_space<hbm>>
    %dma_wait3A_194 = arith.constant 0 : i32
    %dma_wait3A_195 = tpu.memref_slice %arg10[%dma_wait3A_188, %dma_wait3A_194] : memref<2x128xi32, #tpu.memory_space<vmem>> -> memref<1x128xi32, #tpu.memory_space<vmem>>
    %dma_wait3A_196 = tpu.memref_squeeze %dma_wait3A_195 : memref<1x128xi32, #tpu.memory_space<vmem>> -> memref<128xi32, #tpu.memory_space<vmem>>
    %dma_wait3A_197 = arith.constant 0 : i32
    %dma_wait3A_198 = tpu.memref_slice %arg6[%dma_wait3A_197] : memref<323584xi32, #tpu.memory_space<hbm>> -> memref<128xi32, #tpu.memory_space<hbm>>
    tpu.wait_dma2 semaphore(%arg17 : memref<!tpu.dma_semaphore, #tpu.memory_space<semaphore_mem>>) src(%dma_wait3A_198 : memref<128xi32, #tpu.memory_space<hbm>>) dst(%dma_wait3A_196 : memref<128xi32, #tpu.memory_space<vmem>>)
    %run_scoped3A_199 = arith.constant 1 : i32
    "tpu.region"() ({
      %run_scoped3A_329 = tpu.sem_alloc : memref<!tpu.dma_semaphore, #tpu.memory_space<semaphore_mem>>
      %dma_start3A_330 = arith.constant 0 : i32
      %dma_start3A_331 = tpu.memref_slice %arg10[%run_scoped3A_199, %dma_start3A_330] : memref<2x128xi32, #tpu.memory_space<vmem>> -> memref<1x128xi32, #tpu.memory_space<vmem>>
      %dma_start3A_332 = tpu.memref_squeeze %dma_start3A_331 : memref<1x128xi32, #tpu.memory_space<vmem>> -> memref<128xi32, #tpu.memory_space<vmem>>
      %dma_start3A_333 = arith.constant 0 : i32
      %dma_start3A_334 = arith.constant 0 : i32
      %dma_start3A_335 = tpu.memref_slice %arg13[%dma_start3A_333, %dma_start3A_334] : memref<10112x128xf32, #tpu.memory_space<vmem_shared>> -> memref<10112x128xf32, #tpu.memory_space<vmem_shared>>
      tpu.enqueue_indirect_dma source(%arg12 : memref<128x128xf32, #tpu.memory_space<vmem>>) target(%dma_start3A_335 : memref<10112x128xf32, #tpu.memory_space<vmem_shared>>) offsets(%dma_start3A_332 : memref<128xi32, #tpu.memory_space<vmem>>) semaphore(%run_scoped3A_329 : memref<!tpu.dma_semaphore, #tpu.memory_space<semaphore_mem>>) {add = true}
      %dma_wait3A_336 = arith.constant 0 : i32
      %dma_wait3A_337 = tpu.memref_slice %arg10[%run_scoped3A_199, %dma_wait3A_336] : memref<2x128xi32, #tpu.memory_space<vmem>> -> memref<1x128xi32, #tpu.memory_space<vmem>>
      %dma_wait3A_338 = tpu.memref_squeeze %dma_wait3A_337 : memref<1x128xi32, #tpu.memory_space<vmem>> -> memref<128xi32, #tpu.memory_space<vmem>>
      %dma_wait3A_339 = arith.constant 0 : i32
      %dma_wait3A_340 = arith.constant 0 : i32
      %dma_wait3A_341 = tpu.memref_slice %arg13[%dma_wait3A_339, %dma_wait3A_340] : memref<10112x128xf32, #tpu.memory_space<vmem_shared>> -> memref<10112x128xf32, #tpu.memory_space<vmem_shared>>
      tpu.wait_indirect_dma semaphore(%run_scoped3A_329 : memref<!tpu.dma_semaphore, #tpu.memory_space<semaphore_mem>>) src(%arg12 : memref<128x128xf32, #tpu.memory_space<vmem>>) dst(%dma_wait3A_341 : memref<10112x128xf32, #tpu.memory_space<vmem_shared>>)
      tpu.yield
    }) : () -> ()
    %dma_wait3A_200 = arith.constant 0 : i32
    %dma_wait3A_201 = tpu.memref_slice %arg9[%dma_wait3A_200] : memref<10112xi32, #tpu.memory_space<vmem>> -> memref<128xi32, #tpu.memory_space<vmem>>
    %dma_wait3A_202 = arith.constant 0 : i32
    %dma_wait3A_203 = arith.constant 0 : i32
    %dma_wait3A_204 = tpu.memref_slice %arg3[%dma_wait3A_202, %dma_wait3A_203] : memref<10000x128xf32, #tpu.memory_space<hbm>> -> memref<10000x128xf32, #tpu.memory_space<hbm>>
    tpu.wait_indirect_dma semaphore(%arg14 : memref<!tpu.dma_semaphore, #tpu.memory_space<semaphore_mem>>) src(%dma_wait3A_204 : memref<10000x128xf32, #tpu.memory_space<hbm>>) dst(%arg11 : memref<128x128xf32, #tpu.memory_space<vmem>>)
    %dma_wait3A_205 = arith.constant 0 : i32
    %dma_wait3A_206 = arith.constant 0 : i32
    %dma_wait3A_207 = tpu.memref_slice %arg10[%dma_wait3A_205, %dma_wait3A_206] : memref<2x128xi32, #tpu.memory_space<vmem>> -> memref<1x128xi32, #tpu.memory_space<vmem>>
    %dma_wait3A_208 = tpu.memref_squeeze %dma_wait3A_207 : memref<1x128xi32, #tpu.memory_space<vmem>> -> memref<128xi32, #tpu.memory_space<vmem>>
    %dma_wait3A_209 = arith.constant 0 : i32
    %dma_wait3A_210 = tpu.memref_slice %arg6[%dma_wait3A_209] : memref<323584xi32, #tpu.memory_space<hbm>> -> memref<128xi32, #tpu.memory_space<hbm>>
    %dma_wait3A_211 = arith.constant 0 : i32
    %dma_wait3A_212 = tpu.memref_slice %arg10[%dma_wait3A_205, %dma_wait3A_211] : memref<2x128xi32, #tpu.memory_space<vmem>> -> memref<1x128xi32, #tpu.memory_space<vmem>>
    %dma_wait3A_213 = tpu.memref_squeeze %dma_wait3A_212 : memref<1x128xi32, #tpu.memory_space<vmem>> -> memref<128xi32, #tpu.memory_space<vmem>>
    %dma_wait3A_214 = arith.constant 0 : i32
    %dma_wait3A_215 = tpu.memref_slice %arg6[%dma_wait3A_214] : memref<323584xi32, #tpu.memory_space<hbm>> -> memref<128xi32, #tpu.memory_space<hbm>>
    tpu.wait_dma2 semaphore(%arg16 : memref<!tpu.dma_semaphore, #tpu.memory_space<semaphore_mem>>) src(%dma_wait3A_215 : memref<128xi32, #tpu.memory_space<hbm>>) dst(%dma_wait3A_213 : memref<128xi32, #tpu.memory_space<vmem>>)
    %run_scoped3A_216 = arith.constant 0 : i32
    "tpu.region"() ({
      %run_scoped3A_329 = tpu.sem_alloc : memref<!tpu.dma_semaphore, #tpu.memory_space<semaphore_mem>>
      %dma_start3A_330 = arith.constant 0 : i32
      %dma_start3A_331 = tpu.memref_slice %arg10[%run_scoped3A_216, %dma_start3A_330] : memref<2x128xi32, #tpu.memory_space<vmem>> -> memref<1x128xi32, #tpu.memory_space<vmem>>
      %dma_start3A_332 = tpu.memref_squeeze %dma_start3A_331 : memref<1x128xi32, #tpu.memory_space<vmem>> -> memref<128xi32, #tpu.memory_space<vmem>>
      %dma_start3A_333 = arith.constant 0 : i32
      %dma_start3A_334 = arith.constant 0 : i32
      %dma_start3A_335 = tpu.memref_slice %arg13[%dma_start3A_333, %dma_start3A_334] : memref<10112x128xf32, #tpu.memory_space<vmem_shared>> -> memref<10112x128xf32, #tpu.memory_space<vmem_shared>>
      tpu.enqueue_indirect_dma source(%arg11 : memref<128x128xf32, #tpu.memory_space<vmem>>) target(%dma_start3A_335 : memref<10112x128xf32, #tpu.memory_space<vmem_shared>>) offsets(%dma_start3A_332 : memref<128xi32, #tpu.memory_space<vmem>>) semaphore(%run_scoped3A_329 : memref<!tpu.dma_semaphore, #tpu.memory_space<semaphore_mem>>) {add = true}
      %dma_wait3A_336 = arith.constant 0 : i32
      %dma_wait3A_337 = tpu.memref_slice %arg10[%run_scoped3A_216, %dma_wait3A_336] : memref<2x128xi32, #tpu.memory_space<vmem>> -> memref<1x128xi32, #tpu.memory_space<vmem>>
      %dma_wait3A_338 = tpu.memref_squeeze %dma_wait3A_337 : memref<1x128xi32, #tpu.memory_space<vmem>> -> memref<128xi32, #tpu.memory_space<vmem>>
      %dma_wait3A_339 = arith.constant 0 : i32
      %dma_wait3A_340 = arith.constant 0 : i32
      %dma_wait3A_341 = tpu.memref_slice %arg13[%dma_wait3A_339, %dma_wait3A_340] : memref<10112x128xf32, #tpu.memory_space<vmem_shared>> -> memref<10112x128xf32, #tpu.memory_space<vmem_shared>>
      tpu.wait_indirect_dma semaphore(%run_scoped3A_329 : memref<!tpu.dma_semaphore, #tpu.memory_space<semaphore_mem>>) src(%arg11 : memref<128x128xf32, #tpu.memory_space<vmem>>) dst(%dma_wait3A_341 : memref<10112x128xf32, #tpu.memory_space<vmem_shared>>)
      tpu.yield
    }) : () -> ()
    %barrier3A_217 = arith.constant 0 : index
    tpu.barrier barrier_id(%barrier3A_217)
    %run_scoped3A_218 = arith.constant 1 : i32
    "tpu.region"() ({
      %run_scoped3A_329 = tpu.sem_alloc : memref<!tpu.dma_semaphore, #tpu.memory_space<semaphore_mem>>
      %dma_start3A_330 = arith.constant 0 : i32
      %dma_start3A_331 = tpu.memref_slice %arg8[%arg0, %run_scoped3A_218, %mul3A_2, %dma_start3A_330] : memref<2x3x10112x128xf32, #tpu.memory_space<hbm>> -> memref<1x1x632x128xf32, #tpu.memory_space<hbm>>
      %dma_start3A_332 = tpu.memref_squeeze %dma_start3A_331 : memref<1x1x632x128xf32, #tpu.memory_space<hbm>> -> memref<632x128xf32, #tpu.memory_space<hbm>>
      %dma_start3A_333 = arith.constant 0 : i32
      %dma_start3A_334 = tpu.memref_slice %arg13[%mul3A_2, %dma_start3A_333] : memref<10112x128xf32, #tpu.memory_space<vmem_shared>> -> memref<632x128xf32, #tpu.memory_space<vmem_shared>>
      tpu.enqueue_dma source(%dma_start3A_334 : memref<632x128xf32, #tpu.memory_space<vmem_shared>>) target(%dma_start3A_332 : memref<632x128xf32, #tpu.memory_space<hbm>>) target_semaphore(%run_scoped3A_329 : memref<!tpu.dma_semaphore, #tpu.memory_space<semaphore_mem>>)
      %dma_wait3A_335 = arith.constant 0 : i32
      %dma_wait3A_336 = tpu.memref_slice %arg8[%arg0, %run_scoped3A_218, %mul3A_2, %dma_wait3A_335] : memref<2x3x10112x128xf32, #tpu.memory_space<hbm>> -> memref<1x1x632x128xf32, #tpu.memory_space<hbm>>
      %dma_wait3A_337 = tpu.memref_squeeze %dma_wait3A_336 : memref<1x1x632x128xf32, #tpu.memory_space<hbm>> -> memref<632x128xf32, #tpu.memory_space<hbm>>
      %dma_wait3A_338 = arith.constant 0 : i32
      %dma_wait3A_339 = tpu.memref_slice %arg13[%mul3A_2, %dma_wait3A_338] : memref<10112x128xf32, #tpu.memory_space<vmem_shared>> -> memref<632x128xf32, #tpu.memory_space<vmem_shared>>
      tpu.wait_dma2 semaphore(%run_scoped3A_329 : memref<!tpu.dma_semaphore, #tpu.memory_space<semaphore_mem>>) src(%dma_wait3A_339 : memref<632x128xf32, #tpu.memory_space<vmem_shared>>) dst(%dma_wait3A_337 : memref<632x128xf32, #tpu.memory_space<hbm>>)
      tpu.yield
    }) : () -> ()
    %barrier3A_219 = arith.constant 0 : index
    tpu.barrier barrier_id(%barrier3A_219)
    "tpu.region"() ({
      %run_scoped3A_329 = tpu.sem_alloc : memref<!tpu.dma_semaphore, #tpu.memory_space<semaphore_mem>>
      %dma_start3A_330 = arith.constant 0 : i32
      %dma_start3A_331 = tpu.memref_slice %arg13[%mul3A_2, %dma_start3A_330] : memref<10112x128xf32, #tpu.memory_space<vmem_shared>> -> memref<632x128xf32, #tpu.memory_space<vmem_shared>>
      %dma_start3A_332 = arith.constant 0 : i32
      %dma_start3A_333 = tpu.memref_slice %arg7[%mul3A_2, %dma_start3A_332] : memref<10112x128xf32, #tpu.memory_space<hbm>> -> memref<632x128xf32, #tpu.memory_space<hbm>>
      tpu.enqueue_dma source(%dma_start3A_333 : memref<632x128xf32, #tpu.memory_space<hbm>>) target(%dma_start3A_331 : memref<632x128xf32, #tpu.memory_space<vmem_shared>>) target_semaphore(%run_scoped3A_329 : memref<!tpu.dma_semaphore, #tpu.memory_space<semaphore_mem>>)
      %dma_wait3A_334 = arith.constant 0 : i32
      %dma_wait3A_335 = tpu.memref_slice %arg13[%mul3A_2, %dma_wait3A_334] : memref<10112x128xf32, #tpu.memory_space<vmem_shared>> -> memref<632x128xf32, #tpu.memory_space<vmem_shared>>
      %dma_wait3A_336 = arith.constant 0 : i32
      %dma_wait3A_337 = tpu.memref_slice %arg7[%mul3A_2, %dma_wait3A_336] : memref<10112x128xf32, #tpu.memory_space<hbm>> -> memref<632x128xf32, #tpu.memory_space<hbm>>
      tpu.wait_dma2 semaphore(%run_scoped3A_329 : memref<!tpu.dma_semaphore, #tpu.memory_space<semaphore_mem>>) src(%dma_wait3A_337 : memref<632x128xf32, #tpu.memory_space<hbm>>) dst(%dma_wait3A_335 : memref<632x128xf32, #tpu.memory_space<vmem_shared>>)
      tpu.yield
    }) : () -> ()
    %barrier3A_220 = arith.constant 0 : index
    tpu.barrier barrier_id(%barrier3A_220)
    %dma_start3A_221 = arith.constant 0 : i32
    %dma_start3A_222 = tpu.memref_slice %arg9[%dma_start3A_221] : memref<10112xi32, #tpu.memory_space<vmem>> -> memref<128xi32, #tpu.memory_space<vmem>>
    %dma_start3A_223 = arith.constant 0 : i32
    %dma_start3A_224 = arith.constant 0 : i32
    %dma_start3A_225 = tpu.memref_slice %arg4[%dma_start3A_223, %dma_start3A_224] : memref<10000x128xf32, #tpu.memory_space<hbm>> -> memref<10000x128xf32, #tpu.memory_space<hbm>>
    tpu.enqueue_indirect_dma source(%dma_start3A_225 : memref<10000x128xf32, #tpu.memory_space<hbm>>) target(%arg11 : memref<128x128xf32, #tpu.memory_space<vmem>>) offsets(%dma_start3A_222 : memref<128xi32, #tpu.memory_space<vmem>>) semaphore(%arg14 : memref<!tpu.dma_semaphore, #tpu.memory_space<semaphore_mem>>)
    %add3A_226 = arith.constant 0 : i32
    %add3A_227 = arith.addi %mul3A_4, %add3A_226 : i32
    %dma_start3A_228 = arith.constant 0 : i32
    %dma_start3A_229 = arith.constant 0 : i32
    %dma_start3A_230 = tpu.memref_slice %arg10[%dma_start3A_228, %dma_start3A_229] : memref<2x128xi32, #tpu.memory_space<vmem>> -> memref<1x128xi32, #tpu.memory_space<vmem>>
    %dma_start3A_231 = tpu.memref_squeeze %dma_start3A_230 : memref<1x128xi32, #tpu.memory_space<vmem>> -> memref<128xi32, #tpu.memory_space<vmem>>
    %dma_start3A_232 = tpu.memref_slice %arg6[%add3A_227] : memref<323584xi32, #tpu.memory_space<hbm>> -> memref<128xi32, #tpu.memory_space<hbm>>
    %dma_start3A_233 = arith.constant 0 : i32
    %dma_start3A_234 = tpu.memref_slice %arg10[%dma_start3A_228, %dma_start3A_233] : memref<2x128xi32, #tpu.memory_space<vmem>> -> memref<1x128xi32, #tpu.memory_space<vmem>>
    %dma_start3A_235 = tpu.memref_squeeze %dma_start3A_234 : memref<1x128xi32, #tpu.memory_space<vmem>> -> memref<128xi32, #tpu.memory_space<vmem>>
    %dma_start3A_236 = tpu.memref_slice %arg6[%add3A_227] : memref<323584xi32, #tpu.memory_space<hbm>> -> memref<128xi32, #tpu.memory_space<hbm>>
    tpu.enqueue_dma source(%dma_start3A_236 : memref<128xi32, #tpu.memory_space<hbm>>) target(%dma_start3A_235 : memref<128xi32, #tpu.memory_space<vmem>>) target_semaphore(%arg16 : memref<!tpu.dma_semaphore, #tpu.memory_space<semaphore_mem>>)
    %dma_start3A_237 = arith.constant 128 : i32
    %dma_start3A_238 = tpu.memref_slice %arg9[%dma_start3A_237] : memref<10112xi32, #tpu.memory_space<vmem>> -> memref<128xi32, #tpu.memory_space<vmem>>
    %dma_start3A_239 = arith.constant 0 : i32
    %dma_start3A_240 = arith.constant 0 : i32
    %dma_start3A_241 = tpu.memref_slice %arg4[%dma_start3A_239, %dma_start3A_240] : memref<10000x128xf32, #tpu.memory_space<hbm>> -> memref<10000x128xf32, #tpu.memory_space<hbm>>
    tpu.enqueue_indirect_dma source(%dma_start3A_241 : memref<10000x128xf32, #tpu.memory_space<hbm>>) target(%arg12 : memref<128x128xf32, #tpu.memory_space<vmem>>) offsets(%dma_start3A_238 : memref<128xi32, #tpu.memory_space<vmem>>) semaphore(%arg15 : memref<!tpu.dma_semaphore, #tpu.memory_space<semaphore_mem>>)
    %add3A_242 = arith.constant 128 : i32
    %add3A_243 = arith.addi %mul3A_4, %add3A_242 : i32
    %dma_start3A_244 = arith.constant 1 : i32
    %dma_start3A_245 = arith.constant 0 : i32
    %dma_start3A_246 = tpu.memref_slice %arg10[%dma_start3A_244, %dma_start3A_245] : memref<2x128xi32, #tpu.memory_space<vmem>> -> memref<1x128xi32, #tpu.memory_space<vmem>>
    %dma_start3A_247 = tpu.memref_squeeze %dma_start3A_246 : memref<1x128xi32, #tpu.memory_space<vmem>> -> memref<128xi32, #tpu.memory_space<vmem>>
    %dma_start3A_248 = tpu.memref_slice %arg6[%add3A_243] : memref<323584xi32, #tpu.memory_space<hbm>> -> memref<128xi32, #tpu.memory_space<hbm>>
    %dma_start3A_249 = arith.constant 0 : i32
    %dma_start3A_250 = tpu.memref_slice %arg10[%dma_start3A_244, %dma_start3A_249] : memref<2x128xi32, #tpu.memory_space<vmem>> -> memref<1x128xi32, #tpu.memory_space<vmem>>
    %dma_start3A_251 = tpu.memref_squeeze %dma_start3A_250 : memref<1x128xi32, #tpu.memory_space<vmem>> -> memref<128xi32, #tpu.memory_space<vmem>>
    %dma_start3A_252 = tpu.memref_slice %arg6[%add3A_243] : memref<323584xi32, #tpu.memory_space<hbm>> -> memref<128xi32, #tpu.memory_space<hbm>>
    tpu.enqueue_dma source(%dma_start3A_252 : memref<128xi32, #tpu.memory_space<hbm>>) target(%dma_start3A_251 : memref<128xi32, #tpu.memory_space<vmem>>) target_semaphore(%arg17 : memref<!tpu.dma_semaphore, #tpu.memory_space<semaphore_mem>>)
    %scan3A_253 = arith.constant 0 : i32
    %scan3A_254 = arith.constant 0 : i32
    %scan3A_255 = arith.constant 38 : i32
    %scan3A_256 = arith.addi %scan3A_254, %scan3A_255 : i32
    %scan3A_257 = arith.constant 1 : i32
    scf.for %scan3A_329 = %scan3A_254 to %scan3A_256 step %scan3A_257  : i32 {
      %mul3A_330 = arith.constant 2 : i32
      %mul3A_331 = arith.muli %scan3A_329, %mul3A_330 : i32
      %dma_wait3A_332 = arith.constant 0 : i32
      %dma_wait3A_333 = tpu.memref_slice %arg9[%dma_wait3A_332] : memref<10112xi32, #tpu.memory_space<vmem>> -> memref<128xi32, #tpu.memory_space<vmem>>
      %dma_wait3A_334 = arith.constant 0 : i32
      %dma_wait3A_335 = arith.constant 0 : i32
      %dma_wait3A_336 = tpu.memref_slice %arg4[%dma_wait3A_334, %dma_wait3A_335] : memref<10000x128xf32, #tpu.memory_space<hbm>> -> memref<10000x128xf32, #tpu.memory_space<hbm>>
      tpu.wait_indirect_dma semaphore(%arg14 : memref<!tpu.dma_semaphore, #tpu.memory_space<semaphore_mem>>) src(%dma_wait3A_336 : memref<10000x128xf32, #tpu.memory_space<hbm>>) dst(%arg11 : memref<128x128xf32, #tpu.memory_space<vmem>>)
      %dma_wait3A_337 = arith.constant 0 : i32
      %dma_wait3A_338 = arith.constant 0 : i32
      %dma_wait3A_339 = tpu.memref_slice %arg10[%dma_wait3A_337, %dma_wait3A_338] : memref<2x128xi32, #tpu.memory_space<vmem>> -> memref<1x128xi32, #tpu.memory_space<vmem>>
      %dma_wait3A_340 = tpu.memref_squeeze %dma_wait3A_339 : memref<1x128xi32, #tpu.memory_space<vmem>> -> memref<128xi32, #tpu.memory_space<vmem>>
      %dma_wait3A_341 = arith.constant 0 : i32
      %dma_wait3A_342 = tpu.memref_slice %arg6[%dma_wait3A_341] : memref<323584xi32, #tpu.memory_space<hbm>> -> memref<128xi32, #tpu.memory_space<hbm>>
      %dma_wait3A_343 = arith.constant 0 : i32
      %dma_wait3A_344 = tpu.memref_slice %arg10[%dma_wait3A_337, %dma_wait3A_343] : memref<2x128xi32, #tpu.memory_space<vmem>> -> memref<1x128xi32, #tpu.memory_space<vmem>>
      %dma_wait3A_345 = tpu.memref_squeeze %dma_wait3A_344 : memref<1x128xi32, #tpu.memory_space<vmem>> -> memref<128xi32, #tpu.memory_space<vmem>>
      %dma_wait3A_346 = arith.constant 0 : i32
      %dma_wait3A_347 = tpu.memref_slice %arg6[%dma_wait3A_346] : memref<323584xi32, #tpu.memory_space<hbm>> -> memref<128xi32, #tpu.memory_space<hbm>>
      tpu.wait_dma2 semaphore(%arg16 : memref<!tpu.dma_semaphore, #tpu.memory_space<semaphore_mem>>) src(%dma_wait3A_347 : memref<128xi32, #tpu.memory_space<hbm>>) dst(%dma_wait3A_345 : memref<128xi32, #tpu.memory_space<vmem>>)
      %run_scoped3A_348 = arith.constant 0 : i32
      "tpu.region"() ({
        %run_scoped3A_418 = tpu.sem_alloc : memref<!tpu.dma_semaphore, #tpu.memory_space<semaphore_mem>>
        %dma_start3A_419 = arith.constant 0 : i32
        %dma_start3A_420 = tpu.memref_slice %arg10[%run_scoped3A_348, %dma_start3A_419] : memref<2x128xi32, #tpu.memory_space<vmem>> -> memref<1x128xi32, #tpu.memory_space<vmem>>
        %dma_start3A_421 = tpu.memref_squeeze %dma_start3A_420 : memref<1x128xi32, #tpu.memory_space<vmem>> -> memref<128xi32, #tpu.memory_space<vmem>>
        %dma_start3A_422 = arith.constant 0 : i32
        %dma_start3A_423 = arith.constant 0 : i32
        %dma_start3A_424 = tpu.memref_slice %arg13[%dma_start3A_422, %dma_start3A_423] : memref<10112x128xf32, #tpu.memory_space<vmem_shared>> -> memref<10112x128xf32, #tpu.memory_space<vmem_shared>>
        tpu.enqueue_indirect_dma source(%arg11 : memref<128x128xf32, #tpu.memory_space<vmem>>) target(%dma_start3A_424 : memref<10112x128xf32, #tpu.memory_space<vmem_shared>>) offsets(%dma_start3A_421 : memref<128xi32, #tpu.memory_space<vmem>>) semaphore(%run_scoped3A_418 : memref<!tpu.dma_semaphore, #tpu.memory_space<semaphore_mem>>) {add = true}
        %dma_wait3A_425 = arith.constant 0 : i32
        %dma_wait3A_426 = tpu.memref_slice %arg10[%run_scoped3A_348, %dma_wait3A_425] : memref<2x128xi32, #tpu.memory_space<vmem>> -> memref<1x128xi32, #tpu.memory_space<vmem>>
        %dma_wait3A_427 = tpu.memref_squeeze %dma_wait3A_426 : memref<1x128xi32, #tpu.memory_space<vmem>> -> memref<128xi32, #tpu.memory_space<vmem>>
        %dma_wait3A_428 = arith.constant 0 : i32
        %dma_wait3A_429 = arith.constant 0 : i32
        %dma_wait3A_430 = tpu.memref_slice %arg13[%dma_wait3A_428, %dma_wait3A_429] : memref<10112x128xf32, #tpu.memory_space<vmem_shared>> -> memref<10112x128xf32, #tpu.memory_space<vmem_shared>>
        tpu.wait_indirect_dma semaphore(%run_scoped3A_418 : memref<!tpu.dma_semaphore, #tpu.memory_space<semaphore_mem>>) src(%arg11 : memref<128x128xf32, #tpu.memory_space<vmem>>) dst(%dma_wait3A_430 : memref<10112x128xf32, #tpu.memory_space<vmem_shared>>)
        tpu.yield
      }) : () -> ()
      %add3A_349 = arith.constant 2 : i32
      %add3A_350 = arith.addi %mul3A_331, %add3A_349 : i32
      %add3A_351 = arith.constant 0 : i32
      %add3A_352 = arith.addi %add3A_350, %add3A_351 : i32
      %mul3A_353 = arith.constant 128 : i32
      %mul3A_354 = arith.muli %add3A_352, %mul3A_353 : i32
      %dma_start3A_355 = tpu.memref_slice %arg9[%mul3A_354] : memref<10112xi32, #tpu.memory_space<vmem>> -> memref<128xi32, #tpu.memory_space<vmem>>
      %dma_start3A_356 = arith.constant 0 : i32
      %dma_start3A_357 = arith.constant 0 : i32
      %dma_start3A_358 = tpu.memref_slice %arg4[%dma_start3A_356, %dma_start3A_357] : memref<10000x128xf32, #tpu.memory_space<hbm>> -> memref<10000x128xf32, #tpu.memory_space<hbm>>
      tpu.enqueue_indirect_dma source(%dma_start3A_358 : memref<10000x128xf32, #tpu.memory_space<hbm>>) target(%arg11 : memref<128x128xf32, #tpu.memory_space<vmem>>) offsets(%dma_start3A_355 : memref<128xi32, #tpu.memory_space<vmem>>) semaphore(%arg14 : memref<!tpu.dma_semaphore, #tpu.memory_space<semaphore_mem>>)
      %add3A_359 = arith.constant 2 : i32
      %add3A_360 = arith.addi %mul3A_331, %add3A_359 : i32
      %add3A_361 = arith.constant 0 : i32
      %add3A_362 = arith.addi %add3A_360, %add3A_361 : i32
      %mul3A_363 = arith.constant 128 : i32
      %mul3A_364 = arith.muli %add3A_362, %mul3A_363 : i32
      %add3A_365 = arith.addi %mul3A_4, %mul3A_364 : i32
      %dma_start3A_366 = arith.constant 0 : i32
      %dma_start3A_367 = arith.constant 0 : i32
      %dma_start3A_368 = tpu.memref_slice %arg10[%dma_start3A_366, %dma_start3A_367] : memref<2x128xi32, #tpu.memory_space<vmem>> -> memref<1x128xi32, #tpu.memory_space<vmem>>
      %dma_start3A_369 = tpu.memref_squeeze %dma_start3A_368 : memref<1x128xi32, #tpu.memory_space<vmem>> -> memref<128xi32, #tpu.memory_space<vmem>>
      %dma_start3A_370 = tpu.memref_slice %arg6[%add3A_365] : memref<323584xi32, #tpu.memory_space<hbm>> -> memref<128xi32, #tpu.memory_space<hbm>>
      %dma_start3A_371 = arith.constant 0 : i32
      %dma_start3A_372 = tpu.memref_slice %arg10[%dma_start3A_366, %dma_start3A_371] : memref<2x128xi32, #tpu.memory_space<vmem>> -> memref<1x128xi32, #tpu.memory_space<vmem>>
      %dma_start3A_373 = tpu.memref_squeeze %dma_start3A_372 : memref<1x128xi32, #tpu.memory_space<vmem>> -> memref<128xi32, #tpu.memory_space<vmem>>
      %dma_start3A_374 = tpu.memref_slice %arg6[%add3A_365] : memref<323584xi32, #tpu.memory_space<hbm>> -> memref<128xi32, #tpu.memory_space<hbm>>
      tpu.enqueue_dma source(%dma_start3A_374 : memref<128xi32, #tpu.memory_space<hbm>>) target(%dma_start3A_373 : memref<128xi32, #tpu.memory_space<vmem>>) target_semaphore(%arg16 : memref<!tpu.dma_semaphore, #tpu.memory_space<semaphore_mem>>)
      %dma_wait3A_375 = arith.constant 0 : i32
      %dma_wait3A_376 = tpu.memref_slice %arg9[%dma_wait3A_375] : memref<10112xi32, #tpu.memory_space<vmem>> -> memref<128xi32, #tpu.memory_space<vmem>>
      %dma_wait3A_377 = arith.constant 0 : i32
      %dma_wait3A_378 = arith.constant 0 : i32
      %dma_wait3A_379 = tpu.memref_slice %arg4[%dma_wait3A_377, %dma_wait3A_378] : memref<10000x128xf32, #tpu.memory_space<hbm>> -> memref<10000x128xf32, #tpu.memory_space<hbm>>
      tpu.wait_indirect_dma semaphore(%arg15 : memref<!tpu.dma_semaphore, #tpu.memory_space<semaphore_mem>>) src(%dma_wait3A_379 : memref<10000x128xf32, #tpu.memory_space<hbm>>) dst(%arg12 : memref<128x128xf32, #tpu.memory_space<vmem>>)
      %dma_wait3A_380 = arith.constant 1 : i32
      %dma_wait3A_381 = arith.constant 0 : i32
      %dma_wait3A_382 = tpu.memref_slice %arg10[%dma_wait3A_380, %dma_wait3A_381] : memref<2x128xi32, #tpu.memory_space<vmem>> -> memref<1x128xi32, #tpu.memory_space<vmem>>
      %dma_wait3A_383 = tpu.memref_squeeze %dma_wait3A_382 : memref<1x128xi32, #tpu.memory_space<vmem>> -> memref<128xi32, #tpu.memory_space<vmem>>
      %dma_wait3A_384 = arith.constant 0 : i32
      %dma_wait3A_385 = tpu.memref_slice %arg6[%dma_wait3A_384] : memref<323584xi32, #tpu.memory_space<hbm>> -> memref<128xi32, #tpu.memory_space<hbm>>
      %dma_wait3A_386 = arith.constant 0 : i32
      %dma_wait3A_387 = tpu.memref_slice %arg10[%dma_wait3A_380, %dma_wait3A_386] : memref<2x128xi32, #tpu.memory_space<vmem>> -> memref<1x128xi32, #tpu.memory_space<vmem>>
      %dma_wait3A_388 = tpu.memref_squeeze %dma_wait3A_387 : memref<1x128xi32, #tpu.memory_space<vmem>> -> memref<128xi32, #tpu.memory_space<vmem>>
      %dma_wait3A_389 = arith.constant 0 : i32
      %dma_wait3A_390 = tpu.memref_slice %arg6[%dma_wait3A_389] : memref<323584xi32, #tpu.memory_space<hbm>> -> memref<128xi32, #tpu.memory_space<hbm>>
      tpu.wait_dma2 semaphore(%arg17 : memref<!tpu.dma_semaphore, #tpu.memory_space<semaphore_mem>>) src(%dma_wait3A_390 : memref<128xi32, #tpu.memory_space<hbm>>) dst(%dma_wait3A_388 : memref<128xi32, #tpu.memory_space<vmem>>)
      %run_scoped3A_391 = arith.constant 1 : i32
      "tpu.region"() ({
        %run_scoped3A_418 = tpu.sem_alloc : memref<!tpu.dma_semaphore, #tpu.memory_space<semaphore_mem>>
        %dma_start3A_419 = arith.constant 0 : i32
        %dma_start3A_420 = tpu.memref_slice %arg10[%run_scoped3A_391, %dma_start3A_419] : memref<2x128xi32, #tpu.memory_space<vmem>> -> memref<1x128xi32, #tpu.memory_space<vmem>>
        %dma_start3A_421 = tpu.memref_squeeze %dma_start3A_420 : memref<1x128xi32, #tpu.memory_space<vmem>> -> memref<128xi32, #tpu.memory_space<vmem>>
        %dma_start3A_422 = arith.constant 0 : i32
        %dma_start3A_423 = arith.constant 0 : i32
        %dma_start3A_424 = tpu.memref_slice %arg13[%dma_start3A_422, %dma_start3A_423] : memref<10112x128xf32, #tpu.memory_space<vmem_shared>> -> memref<10112x128xf32, #tpu.memory_space<vmem_shared>>
        tpu.enqueue_indirect_dma source(%arg12 : memref<128x128xf32, #tpu.memory_space<vmem>>) target(%dma_start3A_424 : memref<10112x128xf32, #tpu.memory_space<vmem_shared>>) offsets(%dma_start3A_421 : memref<128xi32, #tpu.memory_space<vmem>>) semaphore(%run_scoped3A_418 : memref<!tpu.dma_semaphore, #tpu.memory_space<semaphore_mem>>) {add = true}
        %dma_wait3A_425 = arith.constant 0 : i32
        %dma_wait3A_426 = tpu.memref_slice %arg10[%run_scoped3A_391, %dma_wait3A_425] : memref<2x128xi32, #tpu.memory_space<vmem>> -> memref<1x128xi32, #tpu.memory_space<vmem>>
        %dma_wait3A_427 = tpu.memref_squeeze %dma_wait3A_426 : memref<1x128xi32, #tpu.memory_space<vmem>> -> memref<128xi32, #tpu.memory_space<vmem>>
        %dma_wait3A_428 = arith.constant 0 : i32
        %dma_wait3A_429 = arith.constant 0 : i32
        %dma_wait3A_430 = tpu.memref_slice %arg13[%dma_wait3A_428, %dma_wait3A_429] : memref<10112x128xf32, #tpu.memory_space<vmem_shared>> -> memref<10112x128xf32, #tpu.memory_space<vmem_shared>>
        tpu.wait_indirect_dma semaphore(%run_scoped3A_418 : memref<!tpu.dma_semaphore, #tpu.memory_space<semaphore_mem>>) src(%arg12 : memref<128x128xf32, #tpu.memory_space<vmem>>) dst(%dma_wait3A_430 : memref<10112x128xf32, #tpu.memory_space<vmem_shared>>)
        tpu.yield
      }) : () -> ()
      %add3A_392 = arith.constant 2 : i32
      %add3A_393 = arith.addi %mul3A_331, %add3A_392 : i32
      %add3A_394 = arith.constant 1 : i32
      %add3A_395 = arith.addi %add3A_393, %add3A_394 : i32
      %mul3A_396 = arith.constant 128 : i32
      %mul3A_397 = arith.muli %add3A_395, %mul3A_396 : i32
      %dma_start3A_398 = tpu.memref_slice %arg9[%mul3A_397] : memref<10112xi32, #tpu.memory_space<vmem>> -> memref<128xi32, #tpu.memory_space<vmem>>
      %dma_start3A_399 = arith.constant 0 : i32
      %dma_start3A_400 = arith.constant 0 : i32
      %dma_start3A_401 = tpu.memref_slice %arg4[%dma_start3A_399, %dma_start3A_400] : memref<10000x128xf32, #tpu.memory_space<hbm>> -> memref<10000x128xf32, #tpu.memory_space<hbm>>
      tpu.enqueue_indirect_dma source(%dma_start3A_401 : memref<10000x128xf32, #tpu.memory_space<hbm>>) target(%arg12 : memref<128x128xf32, #tpu.memory_space<vmem>>) offsets(%dma_start3A_398 : memref<128xi32, #tpu.memory_space<vmem>>) semaphore(%arg15 : memref<!tpu.dma_semaphore, #tpu.memory_space<semaphore_mem>>)
      %add3A_402 = arith.constant 2 : i32
      %add3A_403 = arith.addi %mul3A_331, %add3A_402 : i32
      %add3A_404 = arith.constant 1 : i32
      %add3A_405 = arith.addi %add3A_403, %add3A_404 : i32
      %mul3A_406 = arith.constant 128 : i32
      %mul3A_407 = arith.muli %add3A_405, %mul3A_406 : i32
      %add3A_408 = arith.addi %mul3A_4, %mul3A_407 : i32
      %dma_start3A_409 = arith.constant 1 : i32
      %dma_start3A_410 = arith.constant 0 : i32
      %dma_start3A_411 = tpu.memref_slice %arg10[%dma_start3A_409, %dma_start3A_410] : memref<2x128xi32, #tpu.memory_space<vmem>> -> memref<1x128xi32, #tpu.memory_space<vmem>>
      %dma_start3A_412 = tpu.memref_squeeze %dma_start3A_411 : memref<1x128xi32, #tpu.memory_space<vmem>> -> memref<128xi32, #tpu.memory_space<vmem>>
      %dma_start3A_413 = tpu.memref_slice %arg6[%add3A_408] : memref<323584xi32, #tpu.memory_space<hbm>> -> memref<128xi32, #tpu.memory_space<hbm>>
      %dma_start3A_414 = arith.constant 0 : i32
      %dma_start3A_415 = tpu.memref_slice %arg10[%dma_start3A_409, %dma_start3A_414] : memref<2x128xi32, #tpu.memory_space<vmem>> -> memref<1x128xi32, #tpu.memory_space<vmem>>
      %dma_start3A_416 = tpu.memref_squeeze %dma_start3A_415 : memref<1x128xi32, #tpu.memory_space<vmem>> -> memref<128xi32, #tpu.memory_space<vmem>>
      %dma_start3A_417 = tpu.memref_slice %arg6[%add3A_408] : memref<323584xi32, #tpu.memory_space<hbm>> -> memref<128xi32, #tpu.memory_space<hbm>>
      tpu.enqueue_dma source(%dma_start3A_417 : memref<128xi32, #tpu.memory_space<hbm>>) target(%dma_start3A_416 : memref<128xi32, #tpu.memory_space<vmem>>) target_semaphore(%arg17 : memref<!tpu.dma_semaphore, #tpu.memory_space<semaphore_mem>>)
    }
    %scan3A_258 = arith.constant 38 : i32
    %dma_wait3A_259 = arith.constant 0 : i32
    %dma_wait3A_260 = tpu.memref_slice %arg9[%dma_wait3A_259] : memref<10112xi32, #tpu.memory_space<vmem>> -> memref<128xi32, #tpu.memory_space<vmem>>
    %dma_wait3A_261 = arith.constant 0 : i32
    %dma_wait3A_262 = arith.constant 0 : i32
    %dma_wait3A_263 = tpu.memref_slice %arg4[%dma_wait3A_261, %dma_wait3A_262] : memref<10000x128xf32, #tpu.memory_space<hbm>> -> memref<10000x128xf32, #tpu.memory_space<hbm>>
    tpu.wait_indirect_dma semaphore(%arg14 : memref<!tpu.dma_semaphore, #tpu.memory_space<semaphore_mem>>) src(%dma_wait3A_263 : memref<10000x128xf32, #tpu.memory_space<hbm>>) dst(%arg11 : memref<128x128xf32, #tpu.memory_space<vmem>>)
    %dma_wait3A_264 = arith.constant 0 : i32
    %dma_wait3A_265 = arith.constant 0 : i32
    %dma_wait3A_266 = tpu.memref_slice %arg10[%dma_wait3A_264, %dma_wait3A_265] : memref<2x128xi32, #tpu.memory_space<vmem>> -> memref<1x128xi32, #tpu.memory_space<vmem>>
    %dma_wait3A_267 = tpu.memref_squeeze %dma_wait3A_266 : memref<1x128xi32, #tpu.memory_space<vmem>> -> memref<128xi32, #tpu.memory_space<vmem>>
    %dma_wait3A_268 = arith.constant 0 : i32
    %dma_wait3A_269 = tpu.memref_slice %arg6[%dma_wait3A_268] : memref<323584xi32, #tpu.memory_space<hbm>> -> memref<128xi32, #tpu.memory_space<hbm>>
    %dma_wait3A_270 = arith.constant 0 : i32
    %dma_wait3A_271 = tpu.memref_slice %arg10[%dma_wait3A_264, %dma_wait3A_270] : memref<2x128xi32, #tpu.memory_space<vmem>> -> memref<1x128xi32, #tpu.memory_space<vmem>>
    %dma_wait3A_272 = tpu.memref_squeeze %dma_wait3A_271 : memref<1x128xi32, #tpu.memory_space<vmem>> -> memref<128xi32, #tpu.memory_space<vmem>>
    %dma_wait3A_273 = arith.constant 0 : i32
    %dma_wait3A_274 = tpu.memref_slice %arg6[%dma_wait3A_273] : memref<323584xi32, #tpu.memory_space<hbm>> -> memref<128xi32, #tpu.memory_space<hbm>>
    tpu.wait_dma2 semaphore(%arg16 : memref<!tpu.dma_semaphore, #tpu.memory_space<semaphore_mem>>) src(%dma_wait3A_274 : memref<128xi32, #tpu.memory_space<hbm>>) dst(%dma_wait3A_272 : memref<128xi32, #tpu.memory_space<vmem>>)
    %run_scoped3A_275 = arith.constant 0 : i32
    "tpu.region"() ({
      %run_scoped3A_329 = tpu.sem_alloc : memref<!tpu.dma_semaphore, #tpu.memory_space<semaphore_mem>>
      %dma_start3A_330 = arith.constant 0 : i32
      %dma_start3A_331 = tpu.memref_slice %arg10[%run_scoped3A_275, %dma_start3A_330] : memref<2x128xi32, #tpu.memory_space<vmem>> -> memref<1x128xi32, #tpu.memory_space<vmem>>
      %dma_start3A_332 = tpu.memref_squeeze %dma_start3A_331 : memref<1x128xi32, #tpu.memory_space<vmem>> -> memref<128xi32, #tpu.memory_space<vmem>>
      %dma_start3A_333 = arith.constant 0 : i32
      %dma_start3A_334 = arith.constant 0 : i32
      %dma_start3A_335 = tpu.memref_slice %arg13[%dma_start3A_333, %dma_start3A_334] : memref<10112x128xf32, #tpu.memory_space<vmem_shared>> -> memref<10112x128xf32, #tpu.memory_space<vmem_shared>>
      tpu.enqueue_indirect_dma source(%arg11 : memref<128x128xf32, #tpu.memory_space<vmem>>) target(%dma_start3A_335 : memref<10112x128xf32, #tpu.memory_space<vmem_shared>>) offsets(%dma_start3A_332 : memref<128xi32, #tpu.memory_space<vmem>>) semaphore(%run_scoped3A_329 : memref<!tpu.dma_semaphore, #tpu.memory_space<semaphore_mem>>) {add = true}
      %dma_wait3A_336 = arith.constant 0 : i32
      %dma_wait3A_337 = tpu.memref_slice %arg10[%run_scoped3A_275, %dma_wait3A_336] : memref<2x128xi32, #tpu.memory_space<vmem>> -> memref<1x128xi32, #tpu.memory_space<vmem>>
      %dma_wait3A_338 = tpu.memref_squeeze %dma_wait3A_337 : memref<1x128xi32, #tpu.memory_space<vmem>> -> memref<128xi32, #tpu.memory_space<vmem>>
      %dma_wait3A_339 = arith.constant 0 : i32
      %dma_wait3A_340 = arith.constant 0 : i32
      %dma_wait3A_341 = tpu.memref_slice %arg13[%dma_wait3A_339, %dma_wait3A_340] : memref<10112x128xf32, #tpu.memory_space<vmem_shared>> -> memref<10112x128xf32, #tpu.memory_space<vmem_shared>>
      tpu.wait_indirect_dma semaphore(%run_scoped3A_329 : memref<!tpu.dma_semaphore, #tpu.memory_space<semaphore_mem>>) src(%arg11 : memref<128x128xf32, #tpu.memory_space<vmem>>) dst(%dma_wait3A_341 : memref<10112x128xf32, #tpu.memory_space<vmem_shared>>)
      tpu.yield
    }) : () -> ()
    %dma_start3A_276 = arith.constant 9984 : i32
    %dma_start3A_277 = tpu.memref_slice %arg9[%dma_start3A_276] : memref<10112xi32, #tpu.memory_space<vmem>> -> memref<128xi32, #tpu.memory_space<vmem>>
    %dma_start3A_278 = arith.constant 0 : i32
    %dma_start3A_279 = arith.constant 0 : i32
    %dma_start3A_280 = tpu.memref_slice %arg4[%dma_start3A_278, %dma_start3A_279] : memref<10000x128xf32, #tpu.memory_space<hbm>> -> memref<10000x128xf32, #tpu.memory_space<hbm>>
    tpu.enqueue_indirect_dma source(%dma_start3A_280 : memref<10000x128xf32, #tpu.memory_space<hbm>>) target(%arg11 : memref<128x128xf32, #tpu.memory_space<vmem>>) offsets(%dma_start3A_277 : memref<128xi32, #tpu.memory_space<vmem>>) semaphore(%arg14 : memref<!tpu.dma_semaphore, #tpu.memory_space<semaphore_mem>>)
    %add3A_281 = arith.constant 9984 : i32
    %add3A_282 = arith.addi %mul3A_4, %add3A_281 : i32
    %dma_start3A_283 = arith.constant 0 : i32
    %dma_start3A_284 = arith.constant 0 : i32
    %dma_start3A_285 = tpu.memref_slice %arg10[%dma_start3A_283, %dma_start3A_284] : memref<2x128xi32, #tpu.memory_space<vmem>> -> memref<1x128xi32, #tpu.memory_space<vmem>>
    %dma_start3A_286 = tpu.memref_squeeze %dma_start3A_285 : memref<1x128xi32, #tpu.memory_space<vmem>> -> memref<128xi32, #tpu.memory_space<vmem>>
    %dma_start3A_287 = tpu.memref_slice %arg6[%add3A_282] : memref<323584xi32, #tpu.memory_space<hbm>> -> memref<128xi32, #tpu.memory_space<hbm>>
    %dma_start3A_288 = arith.constant 0 : i32
    %dma_start3A_289 = tpu.memref_slice %arg10[%dma_start3A_283, %dma_start3A_288] : memref<2x128xi32, #tpu.memory_space<vmem>> -> memref<1x128xi32, #tpu.memory_space<vmem>>
    %dma_start3A_290 = tpu.memref_squeeze %dma_start3A_289 : memref<1x128xi32, #tpu.memory_space<vmem>> -> memref<128xi32, #tpu.memory_space<vmem>>
    %dma_start3A_291 = tpu.memref_slice %arg6[%add3A_282] : memref<323584xi32, #tpu.memory_space<hbm>> -> memref<128xi32, #tpu.memory_space<hbm>>
    tpu.enqueue_dma source(%dma_start3A_291 : memref<128xi32, #tpu.memory_space<hbm>>) target(%dma_start3A_290 : memref<128xi32, #tpu.memory_space<vmem>>) target_semaphore(%arg16 : memref<!tpu.dma_semaphore, #tpu.memory_space<semaphore_mem>>)
    %dma_wait3A_292 = arith.constant 0 : i32
    %dma_wait3A_293 = tpu.memref_slice %arg9[%dma_wait3A_292] : memref<10112xi32, #tpu.memory_space<vmem>> -> memref<128xi32, #tpu.memory_space<vmem>>
    %dma_wait3A_294 = arith.constant 0 : i32
    %dma_wait3A_295 = arith.constant 0 : i32
    %dma_wait3A_296 = tpu.memref_slice %arg4[%dma_wait3A_294, %dma_wait3A_295] : memref<10000x128xf32, #tpu.memory_space<hbm>> -> memref<10000x128xf32, #tpu.memory_space<hbm>>
    tpu.wait_indirect_dma semaphore(%arg15 : memref<!tpu.dma_semaphore, #tpu.memory_space<semaphore_mem>>) src(%dma_wait3A_296 : memref<10000x128xf32, #tpu.memory_space<hbm>>) dst(%arg12 : memref<128x128xf32, #tpu.memory_space<vmem>>)
    %dma_wait3A_297 = arith.constant 1 : i32
    %dma_wait3A_298 = arith.constant 0 : i32
    %dma_wait3A_299 = tpu.memref_slice %arg10[%dma_wait3A_297, %dma_wait3A_298] : memref<2x128xi32, #tpu.memory_space<vmem>> -> memref<1x128xi32, #tpu.memory_space<vmem>>
    %dma_wait3A_300 = tpu.memref_squeeze %dma_wait3A_299 : memref<1x128xi32, #tpu.memory_space<vmem>> -> memref<128xi32, #tpu.memory_space<vmem>>
    %dma_wait3A_301 = arith.constant 0 : i32
    %dma_wait3A_302 = tpu.memref_slice %arg6[%dma_wait3A_301] : memref<323584xi32, #tpu.memory_space<hbm>> -> memref<128xi32, #tpu.memory_space<hbm>>
    %dma_wait3A_303 = arith.constant 0 : i32
    %dma_wait3A_304 = tpu.memref_slice %arg10[%dma_wait3A_297, %dma_wait3A_303] : memref<2x128xi32, #tpu.memory_space<vmem>> -> memref<1x128xi32, #tpu.memory_space<vmem>>
    %dma_wait3A_305 = tpu.memref_squeeze %dma_wait3A_304 : memref<1x128xi32, #tpu.memory_space<vmem>> -> memref<128xi32, #tpu.memory_space<vmem>>
    %dma_wait3A_306 = arith.constant 0 : i32
    %dma_wait3A_307 = tpu.memref_slice %arg6[%dma_wait3A_306] : memref<323584xi32, #tpu.memory_space<hbm>> -> memref<128xi32, #tpu.memory_space<hbm>>
    tpu.wait_dma2 semaphore(%arg17 : memref<!tpu.dma_semaphore, #tpu.memory_space<semaphore_mem>>) src(%dma_wait3A_307 : memref<128xi32, #tpu.memory_space<hbm>>) dst(%dma_wait3A_305 : memref<128xi32, #tpu.memory_space<vmem>>)
    %run_scoped3A_308 = arith.constant 1 : i32
    "tpu.region"() ({
      %run_scoped3A_329 = tpu.sem_alloc : memref<!tpu.dma_semaphore, #tpu.memory_space<semaphore_mem>>
      %dma_start3A_330 = arith.constant 0 : i32
      %dma_start3A_331 = tpu.memref_slice %arg10[%run_scoped3A_308, %dma_start3A_330] : memref<2x128xi32, #tpu.memory_space<vmem>> -> memref<1x128xi32, #tpu.memory_space<vmem>>
      %dma_start3A_332 = tpu.memref_squeeze %dma_start3A_331 : memref<1x128xi32, #tpu.memory_space<vmem>> -> memref<128xi32, #tpu.memory_space<vmem>>
      %dma_start3A_333 = arith.constant 0 : i32
      %dma_start3A_334 = arith.constant 0 : i32
      %dma_start3A_335 = tpu.memref_slice %arg13[%dma_start3A_333, %dma_start3A_334] : memref<10112x128xf32, #tpu.memory_space<vmem_shared>> -> memref<10112x128xf32, #tpu.memory_space<vmem_shared>>
      tpu.enqueue_indirect_dma source(%arg12 : memref<128x128xf32, #tpu.memory_space<vmem>>) target(%dma_start3A_335 : memref<10112x128xf32, #tpu.memory_space<vmem_shared>>) offsets(%dma_start3A_332 : memref<128xi32, #tpu.memory_space<vmem>>) semaphore(%run_scoped3A_329 : memref<!tpu.dma_semaphore, #tpu.memory_space<semaphore_mem>>) {add = true}
      %dma_wait3A_336 = arith.constant 0 : i32
      %dma_wait3A_337 = tpu.memref_slice %arg10[%run_scoped3A_308, %dma_wait3A_336] : memref<2x128xi32, #tpu.memory_space<vmem>> -> memref<1x128xi32, #tpu.memory_space<vmem>>
      %dma_wait3A_338 = tpu.memref_squeeze %dma_wait3A_337 : memref<1x128xi32, #tpu.memory_space<vmem>> -> memref<128xi32, #tpu.memory_space<vmem>>
      %dma_wait3A_339 = arith.constant 0 : i32
      %dma_wait3A_340 = arith.constant 0 : i32
      %dma_wait3A_341 = tpu.memref_slice %arg13[%dma_wait3A_339, %dma_wait3A_340] : memref<10112x128xf32, #tpu.memory_space<vmem_shared>> -> memref<10112x128xf32, #tpu.memory_space<vmem_shared>>
      tpu.wait_indirect_dma semaphore(%run_scoped3A_329 : memref<!tpu.dma_semaphore, #tpu.memory_space<semaphore_mem>>) src(%arg12 : memref<128x128xf32, #tpu.memory_space<vmem>>) dst(%dma_wait3A_341 : memref<10112x128xf32, #tpu.memory_space<vmem_shared>>)
      tpu.yield
    }) : () -> ()
    %dma_wait3A_309 = arith.constant 0 : i32
    %dma_wait3A_310 = tpu.memref_slice %arg9[%dma_wait3A_309] : memref<10112xi32, #tpu.memory_space<vmem>> -> memref<128xi32, #tpu.memory_space<vmem>>
    %dma_wait3A_311 = arith.constant 0 : i32
    %dma_wait3A_312 = arith.constant 0 : i32
    %dma_wait3A_313 = tpu.memref_slice %arg4[%dma_wait3A_311, %dma_wait3A_312] : memref<10000x128xf32, #tpu.memory_space<hbm>> -> memref<10000x128xf32, #tpu.memory_space<hbm>>
    tpu.wait_indirect_dma semaphore(%arg14 : memref<!tpu.dma_semaphore, #tpu.memory_space<semaphore_mem>>) src(%dma_wait3A_313 : memref<10000x128xf32, #tpu.memory_space<hbm>>) dst(%arg11 : memref<128x128xf32, #tpu.memory_space<vmem>>)
    %dma_wait3A_314 = arith.constant 0 : i32
    %dma_wait3A_315 = arith.constant 0 : i32
    %dma_wait3A_316 = tpu.memref_slice %arg10[%dma_wait3A_314, %dma_wait3A_315] : memref<2x128xi32, #tpu.memory_space<vmem>> -> memref<1x128xi32, #tpu.memory_space<vmem>>
    %dma_wait3A_317 = tpu.memref_squeeze %dma_wait3A_316 : memref<1x128xi32, #tpu.memory_space<vmem>> -> memref<128xi32, #tpu.memory_space<vmem>>
    %dma_wait3A_318 = arith.constant 0 : i32
    %dma_wait3A_319 = tpu.memref_slice %arg6[%dma_wait3A_318] : memref<323584xi32, #tpu.memory_space<hbm>> -> memref<128xi32, #tpu.memory_space<hbm>>
    %dma_wait3A_320 = arith.constant 0 : i32
    %dma_wait3A_321 = tpu.memref_slice %arg10[%dma_wait3A_314, %dma_wait3A_320] : memref<2x128xi32, #tpu.memory_space<vmem>> -> memref<1x128xi32, #tpu.memory_space<vmem>>
    %dma_wait3A_322 = tpu.memref_squeeze %dma_wait3A_321 : memref<1x128xi32, #tpu.memory_space<vmem>> -> memref<128xi32, #tpu.memory_space<vmem>>
    %dma_wait3A_323 = arith.constant 0 : i32
    %dma_wait3A_324 = tpu.memref_slice %arg6[%dma_wait3A_323] : memref<323584xi32, #tpu.memory_space<hbm>> -> memref<128xi32, #tpu.memory_space<hbm>>
    tpu.wait_dma2 semaphore(%arg16 : memref<!tpu.dma_semaphore, #tpu.memory_space<semaphore_mem>>) src(%dma_wait3A_324 : memref<128xi32, #tpu.memory_space<hbm>>) dst(%dma_wait3A_322 : memref<128xi32, #tpu.memory_space<vmem>>)
    %run_scoped3A_325 = arith.constant 0 : i32
    "tpu.region"() ({
      %run_scoped3A_329 = tpu.sem_alloc : memref<!tpu.dma_semaphore, #tpu.memory_space<semaphore_mem>>
      %dma_start3A_330 = arith.constant 0 : i32
      %dma_start3A_331 = tpu.memref_slice %arg10[%run_scoped3A_325, %dma_start3A_330] : memref<2x128xi32, #tpu.memory_space<vmem>> -> memref<1x128xi32, #tpu.memory_space<vmem>>
      %dma_start3A_332 = tpu.memref_squeeze %dma_start3A_331 : memref<1x128xi32, #tpu.memory_space<vmem>> -> memref<128xi32, #tpu.memory_space<vmem>>
      %dma_start3A_333 = arith.constant 0 : i32
      %dma_start3A_334 = arith.constant 0 : i32
      %dma_start3A_335 = tpu.memref_slice %arg13[%dma_start3A_333, %dma_start3A_334] : memref<10112x128xf32, #tpu.memory_space<vmem_shared>> -> memref<10112x128xf32, #tpu.memory_space<vmem_shared>>
      tpu.enqueue_indirect_dma source(%arg11 : memref<128x128xf32, #tpu.memory_space<vmem>>) target(%dma_start3A_335 : memref<10112x128xf32, #tpu.memory_space<vmem_shared>>) offsets(%dma_start3A_332 : memref<128xi32, #tpu.memory_space<vmem>>) semaphore(%run_scoped3A_329 : memref<!tpu.dma_semaphore, #tpu.memory_space<semaphore_mem>>) {add = true}
      %dma_wait3A_336 = arith.constant 0 : i32
      %dma_wait3A_337 = tpu.memref_slice %arg10[%run_scoped3A_325, %dma_wait3A_336] : memref<2x128xi32, #tpu.memory_space<vmem>> -> memref<1x128xi32, #tpu.memory_space<vmem>>
      %dma_wait3A_338 = tpu.memref_squeeze %dma_wait3A_337 : memref<1x128xi32, #tpu.memory_space<vmem>> -> memref<128xi32, #tpu.memory_space<vmem>>
      %dma_wait3A_339 = arith.constant 0 : i32
      %dma_wait3A_340 = arith.constant 0 : i32
      %dma_wait3A_341 = tpu.memref_slice %arg13[%dma_wait3A_339, %dma_wait3A_340] : memref<10112x128xf32, #tpu.memory_space<vmem_shared>> -> memref<10112x128xf32, #tpu.memory_space<vmem_shared>>
      tpu.wait_indirect_dma semaphore(%run_scoped3A_329 : memref<!tpu.dma_semaphore, #tpu.memory_space<semaphore_mem>>) src(%arg11 : memref<128x128xf32, #tpu.memory_space<vmem>>) dst(%dma_wait3A_341 : memref<10112x128xf32, #tpu.memory_space<vmem_shared>>)
      tpu.yield
    }) : () -> ()
    %barrier3A_326 = arith.constant 0 : index
    tpu.barrier barrier_id(%barrier3A_326)
    %run_scoped3A_327 = arith.constant 2 : i32
    "tpu.region"() ({
      %run_scoped3A_329 = tpu.sem_alloc : memref<!tpu.dma_semaphore, #tpu.memory_space<semaphore_mem>>
      %dma_start3A_330 = arith.constant 0 : i32
      %dma_start3A_331 = tpu.memref_slice %arg8[%arg0, %run_scoped3A_327, %mul3A_2, %dma_start3A_330] : memref<2x3x10112x128xf32, #tpu.memory_space<hbm>> -> memref<1x1x632x128xf32, #tpu.memory_space<hbm>>
      %dma_start3A_332 = tpu.memref_squeeze %dma_start3A_331 : memref<1x1x632x128xf32, #tpu.memory_space<hbm>> -> memref<632x128xf32, #tpu.memory_space<hbm>>
      %dma_start3A_333 = arith.constant 0 : i32
      %dma_start3A_334 = tpu.memref_slice %arg13[%mul3A_2, %dma_start3A_333] : memref<10112x128xf32, #tpu.memory_space<vmem_shared>> -> memref<632x128xf32, #tpu.memory_space<vmem_shared>>
      tpu.enqueue_dma source(%dma_start3A_334 : memref<632x128xf32, #tpu.memory_space<vmem_shared>>) target(%dma_start3A_332 : memref<632x128xf32, #tpu.memory_space<hbm>>) target_semaphore(%run_scoped3A_329 : memref<!tpu.dma_semaphore, #tpu.memory_space<semaphore_mem>>)
      %dma_wait3A_335 = arith.constant 0 : i32
      %dma_wait3A_336 = tpu.memref_slice %arg8[%arg0, %run_scoped3A_327, %mul3A_2, %dma_wait3A_335] : memref<2x3x10112x128xf32, #tpu.memory_space<hbm>> -> memref<1x1x632x128xf32, #tpu.memory_space<hbm>>
      %dma_wait3A_337 = tpu.memref_squeeze %dma_wait3A_336 : memref<1x1x632x128xf32, #tpu.memory_space<hbm>> -> memref<632x128xf32, #tpu.memory_space<hbm>>
      %dma_wait3A_338 = arith.constant 0 : i32
      %dma_wait3A_339 = tpu.memref_slice %arg13[%mul3A_2, %dma_wait3A_338] : memref<10112x128xf32, #tpu.memory_space<vmem_shared>> -> memref<632x128xf32, #tpu.memory_space<vmem_shared>>
      tpu.wait_dma2 semaphore(%run_scoped3A_329 : memref<!tpu.dma_semaphore, #tpu.memory_space<semaphore_mem>>) src(%dma_wait3A_339 : memref<632x128xf32, #tpu.memory_space<vmem_shared>>) dst(%dma_wait3A_337 : memref<632x128xf32, #tpu.memory_space<hbm>>)
      tpu.yield
    }) : () -> ()
    %barrier3A_328 = arith.constant 0 : index
    tpu.barrier barrier_id(%barrier3A_328)
    return
  }
}

module attributes {stable_mosaic.version = 14 : i64} {
  func.func @_prep_body(%arg0: i32, %arg1: memref<1000x128xf32, #tpu.memory_space<vmem>>, %arg2: memref<1000x1xi32, #tpu.memory_space<vmem>>, %arg3: memref<2x1000x128xf32, #tpu.memory_space<vmem>>) attributes {dimension_semantics = [#tpu.dimension_semantics<arbitrary>], iteration_bounds = array<i64: 10>, scalar_prefetch = 0 : i64, scratch_operands = 0 : i64, tpu.core_type = #tpu.core_type<tc>, window_params = [{transform_indices = @transform_0, window_bounds = array<i64: 1000, 128>}, {transform_indices = @transform_1, window_bounds = array<i64: 1000, 1>}, {transform_indices = @transform_2, window_bounds = array<i64: 2, 1000, 128>}]} {
    %get3A = arith.constant 0 : index
    %get3A_0 = arith.constant 0 : index
    %get3A_1 = vector.load %arg1[%get3A, %get3A_0] : memref<1000x128xf32, #tpu.memory_space<vmem>>, vector<1000x128xf32>
    %get3A_2 = arith.constant 0 : index
    %get3A_3 = arith.constant 0 : index
    %get3A_4 = vector.load %arg2[%get3A_2, %get3A_3] : memref<1000x1xi32, #tpu.memory_space<vmem>>, vector<1000x1xi32>
    %ge3A = arith.constant 1 : i32
    %ge3A_5 = vector.broadcast %ge3A : i32 to vector<1000x1xi32>
    %ge3A_6 = arith.cmpi sge, %get3A_4, %ge3A_5 : vector<1000x1xi32>
    %convert_element_type3A = arith.extui %ge3A_6 : vector<1000x1xi1> to vector<1000x1xi32>
    %convert_element_type3A_7 = arith.sitofp %convert_element_type3A : vector<1000x1xi32> to vector<1000x1xf32>
    %ge3A_8 = arith.constant 2 : i32
    %ge3A_9 = vector.broadcast %ge3A_8 : i32 to vector<1000x1xi32>
    %ge3A_10 = arith.cmpi sge, %get3A_4, %ge3A_9 : vector<1000x1xi32>
    %convert_element_type3A_11 = arith.extui %ge3A_10 : vector<1000x1xi1> to vector<1000x1xi32>
    %convert_element_type3A_12 = arith.sitofp %convert_element_type3A_11 : vector<1000x1xi32> to vector<1000x1xf32>
    %mul3A = vector.broadcast %convert_element_type3A_7 : vector<1000x1xf32> to vector<1000x128xf32>
    %mul3A_13 = arith.mulf %get3A_1, %mul3A : vector<1000x128xf32>
    %mul3A_14 = vector.broadcast %convert_element_type3A_12 : vector<1000x1xf32> to vector<1000x128xf32>
    %mul3A_15 = arith.mulf %get3A_1, %mul3A_14 : vector<1000x128xf32>
    %stack3A = vector.shape_cast %mul3A_13 : vector<1000x128xf32> to vector<1x1000x128xf32>
    %stack3A_16 = vector.shape_cast %mul3A_15 : vector<1000x128xf32> to vector<1x1000x128xf32>
    %stack3A_17 = tpu.concatenate %stack3A, %stack3A_16 in 0 : vector<1x1000x128xf32>, vector<1x1000x128xf32> -> vector<2x1000x128xf32>
    %swap3A = arith.constant 0 : index
    %swap3A_18 = arith.constant 0 : index
    %swap3A_19 = arith.constant 0 : index
    %swap3A_20 = vector.load %arg3[%swap3A, %swap3A_18, %swap3A_19] : memref<2x1000x128xf32, #tpu.memory_space<vmem>>, vector<2x1000x128xf32>
    tpu.vector_store %arg3[%swap3A, %swap3A_18, %swap3A_19], %stack3A_17 {strides = array<i32>} : memref<2x1000x128xf32, #tpu.memory_space<vmem>>, vector<2x1000x128xf32>,
    return
  }
  func.func @transform_0(%arg0: i32) -> (i32, i32) {
    %c0_i32 = arith.constant 0 : i32
    %c0_i32_0 = arith.constant 0 : i32
    return %arg0, %c0_i32 : i32, i32
  }
  func.func @transform_1(%arg0: i32) -> (i32, i32) {
    %c0_i32 = arith.constant 0 : i32
    %c0_i32_0 = arith.constant 0 : i32
    return %arg0, %c0_i32 : i32, i32
  }
  func.func @transform_2(%arg0: i32) -> (i32, i32, i32) {
    %c0_i32 = arith.constant 0 : i32
    %c0_i32_0 = arith.constant 0 : i32
    %c0_i32_1 = arith.constant 0 : i32
    return %c0_i32, %arg0, %c0_i32_0 : i32, i32, i32
  }
}

module attributes {stable_mosaic.version = 14 : i64} {
  func.func @_combine_body(%arg0: i32, %arg1: memref<2x3x1000x128xf32, #tpu.memory_space<vmem>>, %arg2: memref<3x1000x128xf32, #tpu.memory_space<vmem>>) attributes {dimension_semantics = [#tpu.dimension_semantics<arbitrary>], iteration_bounds = array<i64: 10>, scalar_prefetch = 0 : i64, scratch_operands = 0 : i64, tpu.core_type = #tpu.core_type<tc>, window_params = [{transform_indices = @transform_0, window_bounds = array<i64: 2, 3, 1000, 128>}, {transform_indices = @transform_1, window_bounds = array<i64: 3, 1000, 128>}]} {
    %get3A = arith.constant 0 : index
    %get3A_0 = arith.constant 0 : index
    %get3A_1 = arith.constant 0 : index
    %get3A_2 = arith.constant 0 : index
    %get3A_3 = vector.load %arg1[%get3A, %get3A_0, %get3A_1, %get3A_2] : memref<2x3x1000x128xf32, #tpu.memory_space<vmem>>, vector<2x3x1000x128xf32>
    %slice3A = vector.extract_strided_slice %get3A_3 {offsets = [0, 0, 0, 0], sizes = [1, 3, 1000, 128], strides = [1, 1, 1, 1]} : vector<2x3x1000x128xf32> to vector<1x3x1000x128xf32>
    %squeeze3A = vector.shape_cast %slice3A : vector<1x3x1000x128xf32> to vector<3x1000x128xf32>
    %slice3A_4 = vector.extract_strided_slice %get3A_3 {offsets = [1, 0, 0, 0], sizes = [1, 3, 1000, 128], strides = [1, 1, 1, 1]} : vector<2x3x1000x128xf32> to vector<1x3x1000x128xf32>
    %squeeze3A_5 = vector.shape_cast %slice3A_4 : vector<1x3x1000x128xf32> to vector<3x1000x128xf32>
    %add3A = arith.addf %squeeze3A, %squeeze3A_5 : vector<3x1000x128xf32>
    %max3A = arith.constant 0.000000e+00 : f32
    %max3A_6 = vector.broadcast %max3A : f32 to vector<3x1000x128xf32>
    %max3A_7 = arith.maximumf %add3A, %max3A_6 : vector<3x1000x128xf32>
    %swap3A = arith.constant 0 : index
    %swap3A_8 = arith.constant 0 : index
    %swap3A_9 = arith.constant 0 : index
    %swap3A_10 = vector.load %arg2[%swap3A, %swap3A_8, %swap3A_9] : memref<3x1000x128xf32, #tpu.memory_space<vmem>>, vector<3x1000x128xf32>
    tpu.vector_store %arg2[%swap3A, %swap3A_8, %swap3A_9], %max3A_7 {strides = array<i32>} : memref<3x1000x128xf32, #tpu.memory_space<vmem>>, vector<3x1000x128xf32>,
    return
  }
  func.func @transform_0(%arg0: i32) -> (i32, i32, i32, i32) {
    %c0_i32 = arith.constant 0 : i32
    %c0_i32_0 = arith.constant 0 : i32
    %c0_i32_1 = arith.constant 0 : i32
    %c0_i32_2 = arith.constant 0 : i32
    return %c0_i32, %c0_i32_0, %arg0, %c0_i32_1 : i32, i32, i32, i32
  }
  func.func @transform_1(%arg0: i32) -> (i32, i32, i32) {
    %c0_i32 = arith.constant 0 : i32
    %c0_i32_0 = arith.constant 0 : i32
    %c0_i32_1 = arith.constant 0 : i32
    return %c0_i32, %arg0, %c0_i32_0 : i32, i32, i32
  }
}

module attributes {stable_mosaic.version = 14 : i64} {
  func.func @_final_body(%arg0: i32, %arg1: memref<1000x128xf32, #tpu.memory_space<vmem>>, %arg2: memref<1000x1xi32, #tpu.memory_space<vmem>>, %arg3: memref<3x1000x128xf32, #tpu.memory_space<vmem>>, %arg4: memref<2x3x1000x128xf32, #tpu.memory_space<vmem>>, %arg5: memref<1000x768xf32, #tpu.memory_space<vmem>>) attributes {dimension_semantics = [#tpu.dimension_semantics<arbitrary>], iteration_bounds = array<i64: 10>, scalar_prefetch = 0 : i64, scratch_operands = 0 : i64, tpu.core_type = #tpu.core_type<tc>, window_params = [{transform_indices = @transform_0, window_bounds = array<i64: 1000, 128>}, {transform_indices = @transform_1, window_bounds = array<i64: 1000, 1>}, {transform_indices = @transform_2, window_bounds = array<i64: 3, 1000, 128>}, {transform_indices = @transform_3, window_bounds = array<i64: 2, 3, 1000, 128>}, {transform_indices = @transform_4, window_bounds = array<i64: 1000, 768>}]} {
    %get3A = arith.constant 0 : index
    %get3A_0 = arith.constant 0 : index
    %get3A_1 = vector.load %arg1[%get3A, %get3A_0] : memref<1000x128xf32, #tpu.memory_space<vmem>>, vector<1000x128xf32>
    %get3A_2 = arith.constant 0 : index
    %get3A_3 = arith.constant 0 : index
    %get3A_4 = vector.load %arg2[%get3A_2, %get3A_3] : memref<1000x1xi32, #tpu.memory_space<vmem>>, vector<1000x1xi32>
    %get3A_5 = arith.constant 0 : index
    %get3A_6 = arith.constant 0 : index
    %get3A_7 = arith.constant 0 : index
    %get3A_8 = vector.load %arg3[%get3A_5, %get3A_6, %get3A_7] : memref<3x1000x128xf32, #tpu.memory_space<vmem>>, vector<3x1000x128xf32>
    %get3A_9 = arith.constant 0 : index
    %get3A_10 = arith.constant 0 : index
    %get3A_11 = arith.constant 0 : index
    %get3A_12 = arith.constant 0 : index
    %get3A_13 = vector.load %arg4[%get3A_9, %get3A_10, %get3A_11, %get3A_12] : memref<2x3x1000x128xf32, #tpu.memory_space<vmem>>, vector<2x3x1000x128xf32>
    %slice3A = vector.extract_strided_slice %get3A_13 {offsets = [0, 0, 0, 0], sizes = [1, 3, 1000, 128], strides = [1, 1, 1, 1]} : vector<2x3x1000x128xf32> to vector<1x3x1000x128xf32>
    %squeeze3A = vector.shape_cast %slice3A : vector<1x3x1000x128xf32> to vector<3x1000x128xf32>
    %slice3A_14 = vector.extract_strided_slice %get3A_13 {offsets = [1, 0, 0, 0], sizes = [1, 3, 1000, 128], strides = [1, 1, 1, 1]} : vector<2x3x1000x128xf32> to vector<1x3x1000x128xf32>
    %squeeze3A_15 = vector.shape_cast %slice3A_14 : vector<1x3x1000x128xf32> to vector<3x1000x128xf32>
    %add3A = arith.addf %squeeze3A, %squeeze3A_15 : vector<3x1000x128xf32>
    %max3A = arith.constant 0.000000e+00 : f32
    %max3A_16 = vector.broadcast %max3A : f32 to vector<3x1000x128xf32>
    %max3A_17 = arith.maximumf %add3A, %max3A_16 : vector<3x1000x128xf32>
    %ge3A = arith.constant 1 : i32
    %ge3A_18 = vector.broadcast %ge3A : i32 to vector<1000x1xi32>
    %ge3A_19 = arith.cmpi sge, %get3A_4, %ge3A_18 : vector<1000x1xi32>
    %convert_element_type3A = arith.extui %ge3A_19 : vector<1000x1xi1> to vector<1000x1xi32>
    %convert_element_type3A_20 = arith.sitofp %convert_element_type3A : vector<1000x1xi32> to vector<1000x1xf32>
    %ge3A_21 = arith.constant 2 : i32
    %ge3A_22 = vector.broadcast %ge3A_21 : i32 to vector<1000x1xi32>
    %ge3A_23 = arith.cmpi sge, %get3A_4, %ge3A_22 : vector<1000x1xi32>
    %convert_element_type3A_24 = arith.extui %ge3A_23 : vector<1000x1xi1> to vector<1000x1xi32>
    %convert_element_type3A_25 = arith.sitofp %convert_element_type3A_24 : vector<1000x1xi32> to vector<1000x1xf32>
    %slice3A_26 = vector.extract_strided_slice %get3A_8 {offsets = [0, 0, 0], sizes = [1, 1000, 128], strides = [1, 1, 1]} : vector<3x1000x128xf32> to vector<1x1000x128xf32>
    %squeeze3A_27 = vector.shape_cast %slice3A_26 : vector<1x1000x128xf32> to vector<1000x128xf32>
    %slice3A_28 = vector.extract_strided_slice %max3A_17 {offsets = [0, 0, 0], sizes = [1, 1000, 128], strides = [1, 1, 1]} : vector<3x1000x128xf32> to vector<1x1000x128xf32>
    %squeeze3A_29 = vector.shape_cast %slice3A_28 : vector<1x1000x128xf32> to vector<1000x128xf32>
    %add3A_30 = arith.addf %convert_element_type3A_20, %convert_element_type3A_25 : vector<1000x1xf32>
    %mul3A = arith.constant 5.000000e-01 : f32
    %mul3A_31 = vector.broadcast %mul3A : f32 to vector<1000x1xf32>
    %mul3A_32 = arith.mulf %mul3A_31, %add3A_30 : vector<1000x1xf32>
    %sub3A = arith.constant 1.000000e+00 : f32
    %sub3A_33 = vector.broadcast %sub3A : f32 to vector<1000x1xf32>
    %sub3A_34 = arith.subf %sub3A_33, %mul3A_32 : vector<1000x1xf32>
    %mul3A_35 = vector.broadcast %sub3A_34 : vector<1000x1xf32> to vector<1000x128xf32>
    %mul3A_36 = arith.mulf %get3A_1, %mul3A_35 : vector<1000x128xf32>
    %slice3A_37 = vector.extract_strided_slice %get3A_8 {offsets = [0, 0, 0], sizes = [1, 1000, 128], strides = [1, 1, 1]} : vector<3x1000x128xf32> to vector<1x1000x128xf32>
    %squeeze3A_38 = vector.shape_cast %slice3A_37 : vector<1x1000x128xf32> to vector<1000x128xf32>
    %slice3A_39 = vector.extract_strided_slice %get3A_8 {offsets = [1, 0, 0], sizes = [1, 1000, 128], strides = [1, 1, 1]} : vector<3x1000x128xf32> to vector<1x1000x128xf32>
    %squeeze3A_40 = vector.shape_cast %slice3A_39 : vector<1x1000x128xf32> to vector<1000x128xf32>
    %slice3A_41 = vector.extract_strided_slice %get3A_8 {offsets = [2, 0, 0], sizes = [1, 1000, 128], strides = [1, 1, 1]} : vector<3x1000x128xf32> to vector<1x1000x128xf32>
    %squeeze3A_42 = vector.shape_cast %slice3A_41 : vector<1x1000x128xf32> to vector<1000x128xf32>
    %add3A_43 = arith.addf %squeeze3A_40, %squeeze3A_42 : vector<1000x128xf32>
    %mul3A_44 = arith.constant 5.000000e-01 : f32
    %mul3A_45 = vector.broadcast %mul3A_44 : f32 to vector<1000x128xf32>
    %mul3A_46 = arith.mulf %mul3A_45, %add3A_43 : vector<1000x128xf32>
    %sub3A_47 = arith.subf %squeeze3A_38, %mul3A_46 : vector<1000x128xf32>
    %slice3A_48 = vector.extract_strided_slice %max3A_17 {offsets = [0, 0, 0], sizes = [1, 1000, 128], strides = [1, 1, 1]} : vector<3x1000x128xf32> to vector<1x1000x128xf32>
    %squeeze3A_49 = vector.shape_cast %slice3A_48 : vector<1x1000x128xf32> to vector<1000x128xf32>
    %slice3A_50 = vector.extract_strided_slice %max3A_17 {offsets = [1, 0, 0], sizes = [1, 1000, 128], strides = [1, 1, 1]} : vector<3x1000x128xf32> to vector<1x1000x128xf32>
    %squeeze3A_51 = vector.shape_cast %slice3A_50 : vector<1x1000x128xf32> to vector<1000x128xf32>
    %slice3A_52 = vector.extract_strided_slice %max3A_17 {offsets = [2, 0, 0], sizes = [1, 1000, 128], strides = [1, 1, 1]} : vector<3x1000x128xf32> to vector<1x1000x128xf32>
    %squeeze3A_53 = vector.shape_cast %slice3A_52 : vector<1x1000x128xf32> to vector<1000x128xf32>
    %add3A_54 = arith.addf %squeeze3A_51, %squeeze3A_53 : vector<1000x128xf32>
    %mul3A_55 = arith.constant 5.000000e-01 : f32
    %mul3A_56 = vector.broadcast %mul3A_55 : f32 to vector<1000x128xf32>
    %mul3A_57 = arith.mulf %mul3A_56, %add3A_54 : vector<1000x128xf32>
    %sub3A_58 = arith.subf %squeeze3A_49, %mul3A_57 : vector<1000x128xf32>
    %concatenate3A = tpu.concatenate %get3A_1, %squeeze3A_27, %squeeze3A_29, %mul3A_36, %sub3A_47, %sub3A_58 in 1 : vector<1000x128xf32>, vector<1000x128xf32>, vector<1000x128xf32>, vector<1000x128xf32>, vector<1000x128xf32>, vector<1000x128xf32> -> vector<1000x768xf32>
    %swap3A = arith.constant 0 : index
    %swap3A_59 = arith.constant 0 : index
    %swap3A_60 = vector.load %arg5[%swap3A, %swap3A_59] : memref<1000x768xf32, #tpu.memory_space<vmem>>, vector<1000x768xf32>
    tpu.vector_store %arg5[%swap3A, %swap3A_59], %concatenate3A {strides = array<i32>} : memref<1000x768xf32, #tpu.memory_space<vmem>>, vector<1000x768xf32>,
    return
  }
  func.func @transform_0(%arg0: i32) -> (i32, i32) {
    %c0_i32 = arith.constant 0 : i32
    %c0_i32_0 = arith.constant 0 : i32
    return %arg0, %c0_i32 : i32, i32
  }
  func.func @transform_1(%arg0: i32) -> (i32, i32) {
    %c0_i32 = arith.constant 0 : i32
    %c0_i32_0 = arith.constant 0 : i32
    return %arg0, %c0_i32 : i32, i32
  }
  func.func @transform_2(%arg0: i32) -> (i32, i32, i32) {
    %c0_i32 = arith.constant 0 : i32
    %c0_i32_0 = arith.constant 0 : i32
    %c0_i32_1 = arith.constant 0 : i32
    return %c0_i32, %arg0, %c0_i32_0 : i32, i32, i32
  }
  func.func @transform_3(%arg0: i32) -> (i32, i32, i32, i32) {
    %c0_i32 = arith.constant 0 : i32
    %c0_i32_0 = arith.constant 0 : i32
    %c0_i32_1 = arith.constant 0 : i32
    %c0_i32_2 = arith.constant 0 : i32
    return %c0_i32, %c0_i32_0, %arg0, %c0_i32_1 : i32, i32, i32, i32
  }
  func.func @transform_4(%arg0: i32) -> (i32, i32) {
    %c0_i32 = arith.constant 0 : i32
    %c0_i32_0 = arith.constant 0 : i32
    return %arg0, %c0_i32 : i32, i32
  }
}

</mosaic_0001>

<sc_bundles>
// kernel: kernel.10.cloned.1.call-start
scs
__scs_entry_jumppad:
0x0: {  	(pc) =	sbr.rel $0x88, $3  }
0x1: {  	(tag) =	ssettag $0x0;
	lr =	simm.s32 $0x1  }
0x2: {  	[smem:$0x3F9E] =	sst lr;
	_ =	strace $0xD0000000  }
0x3: {  	_ = 	snop  }
0x4: {  	_ = 	snop  }
0x5: {  	_ = 	snop  }
0x6: {  	_ = 	snop  }
0x7: {  	_ = 	snop  }
__scs_overlays_trampoline_lowered:
0x8: {  	[smem:$0x3FAD] =	sst s0  }
0x9: {  	[smem:$0x3FAE] =	sst s1  }
0xa: {  	[smem:$0x3FAF] =	sst s2  }
0xb: {  	[smem:$0x3FB0] =	sst s3  }
0xc: {  	[smem:$0x3FB1] =	sst s4  }
0xd: {  	[smem:$0x3FB2] =	sst s5  }
0xe: {  	[smem:$0x3FB3] =	sst s6  }
0xf: {  	[smem:$0x3FB4] =	sst s7  }
0x10: {  	[smem:$0x3FB5] =	sst s8  }
0x11: {  	[smem:$0x3FB6] =	sst s9;
	s0 =	simm.s32 @!p0 $0x0  }
0x12: {  	s1 =	sld [smem:$0x3F9C];
	s0 =	simm.s32 @p0 $0x1  }
0x13: {  	[smem:$0x3FB7] =	sst s0;
	s0 =	simm.s32 @!p1 $0x0  }
0x14: {  	s2 =	sld [smem:$0x3F9B];
	s0 =	simm.s32 @p1 $0x1  }
0x15: {  	[smem:$0x3FB8] =	sst s0;
	s0 =	simm.s32 @!p2 $0x0  }
0x16: {  	s3 =	sld [smem:$0x3FDB];
	s0 =	simm.s32 @p2 $0x1  }
0x17: {  	s4 =	simm.s32 $0x1BF5;
	[smem:$0x3FBA] =	sst s0  }
0x18: {  	s0 =	sld [smem:$0x3F9D];
	_ =	swait.ge [sflag:s4], $0x0  }
0x19: {  	s7 =	sld [smem:$0x3F9E]  }
0x1a: {  	s8 =	sadd.s32 $0xFFFFE003, lr  }
0x1b: {  	s9 =	sadd.s32 $0xFFFFFEF7, lr;
	s5 =	simm.s32 $0xFFFFFFFF;
	p2 =	slt.u32 s8, $0xFFFFF086  }
0x1c: {  	p1 =	slt.u32 s9, $0xF7A;
	s5 =	simm.s32 @!p2 $0x0  }
0x1d: {  	s5 =	simm.s32 @p1 $0x1;
	p0 =	seq.s32 s7, s2  }
0x1e: {  	s7 =	smul.u32 @!p0 $0xF7A, s2;
	p2 =	seq.s32 @!p0 s5, $0x0  }
0x1f: {  	s9 =	smul.u32 $0xF7A, s1;
	s8 =	simm.s32 @!p0 $0x1BF5;
	p2 =	por !p2, p0  }
0x20: {  	[sflag:s8] =	ssyncset.s32 @!p0 $0xFFFFF086;
	s6 =	sadd.s32 @!p0 s3, s7;
	s7 =	simm.s32 @!p0 $0x108  }
0x21: {  	s3 =	sadd.s32 s3, s9;
	s6 =	sadd.s32 @!p0 $0x88, s6;
	s7 =	simm.s32 @p2 $0x1082  }
0x22: {  	[simem:s7], [sflag:s8] =	dma.local @!p0 [hbm:s6], $0xF7A  }
0x23: {  	s9 =	sor.u32 $0xD0000000, s2;
	s6 =	simm.s32 $0x108;
	_ =	swait.ge @!p0 [sflag:s8], $0x0  }
0x24: {  	s3 =	sadd.s32 $0x88, s3;
	s6 =	simm.s32 @!p1 $0x1082;
	[sflag:s4] =	ssyncset.s32 $0xFFFFF086  }
0x25: {  	[simem:s6], [sflag:s4] =	dma.local [hbm:s3], $0xF7A  }
0x26: {  	[smem:$0x3F9E] =	sst s1;
	(tag) =	ssettag s2;
	_ =	strace s9  }
0x27: {  	s1 =	sld [smem:$0x3FAE]  }
0x28: {  	s2 =	sld [smem:$0x3FAF]  }
0x29: {  	s4 =	sld [smem:$0x3FB1]  }
0x2a: {  	p0 =	seq.s32 s5, $0x0;
	s5 =	sld [smem:$0x3FB2]  }
0x2b: {  	s6 =	sld [smem:$0x3FB3]  }
0x2c: {  	s7 =	sld [smem:$0x3FB4]  }
0x2d: {  	s3 =	simm.s32 $0x108;
	s8 =	sld [smem:$0x3FB5]  }
0x2e: {  	s3 =	simm.s32 @!p0 $0x1082;
	s9 =	sld [smem:$0x3FB6]  }
0x2f: {  	lr =	sadd.s32 s0, s3;
	s0 =	sld [smem:$0x3FAD]  }
0x30: {  	s3 =	sld [smem:$0x3FB0]  }
0x31: {  	[smem:$0x3FB9] =	sst s10  }
0x32: {  	s10 =	sld [smem:$0x3FB7];
	_ =	sdelay $0x3  }
0x33: {  	p0 =	seq.s32 s10, $0x1;
	s10 =	sld [smem:$0x3FB9];
	_ =	sdelay $0x3  }
0x34: {  	[smem:$0x3FB9] =	sst s10  }
0x35: {  	s10 =	sld [smem:$0x3FB8];
	_ =	sdelay $0x3  }
0x36: {  	p1 =	seq.s32 s10, $0x1;
	s10 =	sld [smem:$0x3FB9];
	_ =	sdelay $0x3  }
0x37: {  	[smem:$0x3FB9] =	sst s10  }
0x38: {  	s10 =	sld [smem:$0x3FBA]  }
0x39: {  	_ = 	snop;
	(pc) =	sbr.ind lr, $3  }
0x3a: {  	_ = 	snop  }
0x3b: {  	_ = 	snop  }
0x3c: {  	p2 =	seq.s32 s10, $0x1;
	s10 =	sld [smem:$0x3FB9]  }
0x3d: {  	_ =	shalt  }
0x3e: {  	_ =	shalt  }
0x3f: {  	_ =	shalt  }
0x40: {  	_ =	shalt  }
0x41: {  	_ =	shalt  }
0x42: {  	_ =	shalt  }
0x43: {  	_ =	shalt  }
0x44: {  	_ =	shalt  }
0x45: {  	_ =	shalt  }
0x46: {  	_ =	shalt  }
0x47: {  	_ =	shalt  }
0x48: {  	_ =	shalt  }
0x49: {  	_ =	shalt  }
0x4a: {  	_ =	shalt  }
0x4b: {  	_ =	shalt  }
0x4c: {  	_ =	shalt  }
0x4d: {  	_ =	shalt  }
0x4e: {  	_ =	shalt  }
0x4f: {  	_ =	shalt  }
0x50: {  	_ =	shalt  }
0x51: {  	_ =	shalt  }
0x52: {  	_ =	shalt  }
0x53: {  	_ =	shalt  }
0x54: {  	_ =	shalt  }
0x55: {  	_ =	shalt  }
0x56: {  	_ =	shalt  }
0x57: {  	_ =	shalt  }
0x58: {  	_ =	shalt  }
0x59: {  	_ =	shalt  }
0x5a: {  	_ =	shalt  }
0x5b: {  	_ =	shalt  }
0x5c: {  	_ =	shalt  }
0x5d: {  	_ =	shalt  }
0x5e: {  	_ =	shalt  }
0x5f: {  	_ =	shalt  }
0x60: {  	_ =	shalt  }
0x61: {  	_ =	shalt  }
0x62: {  	_ =	shalt  }
0x63: {  	_ =	shalt  }
0x64: {  	_ =	shalt  }
0x65: {  	_ =	shalt  }
0x66: {  	_ =	shalt  }
0x67: {  	_ =	shalt  }
0x68: {  	_ =	shalt  }
0x69: {  	_ =	shalt  }
0x6a: {  	_ =	shalt  }
0x6b: {  	_ =	shalt  }
0x6c: {  	_ =	shalt  }
0x6d: {  	_ =	shalt  }
0x6e: {  	_ =	shalt  }
0x6f: {  	_ =	shalt  }
0x70: {  	_ =	shalt  }
0x71: {  	_ =	shalt  }
0x72: {  	_ =	shalt  }
0x73: {  	_ =	shalt  }
0x74: {  	_ =	shalt  }
0x75: {  	_ =	shalt  }
0x76: {  	_ =	shalt  }
0x77: {  	_ =	shalt  }
0x78: {  	_ =	shalt  }
0x79: {  	_ =	shalt  }
0x7a: {  	_ =	shalt  }
0x7b: {  	_ =	shalt  }
0x7c: {  	_ =	shalt  }
0x7d: {  	_ =	shalt  }
0x7e: {  	_ =	shalt  }
0x7f: {  	_ =	shalt  }
0x80: {  	_ =	shalt  }
0x81: {  	_ =	shalt  }
0x82: {  	_ =	shalt  }
0x83: {  	_ =	shalt  }
0x84: {  	_ =	shalt  }
0x85: {  	_ =	shalt  }
0x86: {  	_ =	shalt  }
0x87: {  	_ =	shalt  }
.Lfunc_end0:
.L_simem_size_0:
called_computation.1_lowered:
.L_overlay_start_0:
0x88: {  	s2 =	sld [smem:$0x3FD9]  }
0x89: {  	s3 =	sld [smem:$0x3FFE];
	_ =	sdelay $0x1  }
0x8a: {  	s1 =	srdreg.scid  }
0x8b: {  	s0 =	sand.u32 $0x1, s1  }
0x8c: {  	s17 =	sshll.u32 s0, $0xA;
	s2 =	sadd.s32 s3, s2  }
0x8d: {  	s2 =	sadd.s32 s2, s17  }
0x8e: {  	[smem:$0x3FC5] =	sst s2  }
0x8f: {  	_ = 	snop  }
0x90: {  	s2 =	sld [smem:$0x3FD0];
	(tm) =	ssettm $0x1  }
0x91: {  	s18 =	sld [smem:$0x3FFB];
	_ =	sdelay $0x3  }
0x92: {  	_ =	strace s18  }
0x93: {  	s3 =	sld [smem:$0x3FFC];
	_ =	sdelay $0x3  }
0x94: {  	_ =	strace s3  }
0x95: {  	s3 =	sld [smem:$0x3FFD];
	_ =	sdelay $0x3  }
0x96: {  	_ =	strace s3  }
0x97: {  	_ =	strace $0x8FFFFFFF  }
0x98: {  	s19 =	sld [smem:$0x3FDB];
	_ =	sdelay $0x1  }
0x99: {  	s4 =	simm.s32 $_scs_section_size  }
0x9a: {  	s5 =	simm.s32 $_size__tile_overlayer_lowered;
	s6 =	simm.s32 $_tile_overlayer_lowered  }
0x9b: {  	s22 =	simm.s32 $0x1BFF;
	s21 =	sshll.u32 s6, $0x1;
	s3 =	sadd.s32 s4, s19  }
0x9c: {  	s7 =	simm.s32 $0x0;
	s20 =	sshll.u32 s5, $0x1;
	s5 =	sadd.s32 s21, s3  }
0x9d: {  	[timem:s7], [sflag:s22] =	dma.local [hbm:s5], s20  }
0x9e: {  	_ =	swait.ge [sflag:s22], s20  }
0x9f: {  	s4 =	ssub.s32 $0x0, s20;
	[sflag:s22] =	ssyncset.done $0x0  }
0xa0: {  	[sflag:s22] =	ssyncadd.s32 s4;
	_ =	sdelay $0x1  }
0xa1: {  	s23 =	simm.s32 $0x1B8B  }
0xa2: {  	_ =	swait.ge [sflag:s23], $0x1  }
0xa3: {  	[sflag:s23] =	ssyncset.done $0x0  }
0xa4: {  	s25 =	simm.s32 $0x1B8E;
	s24 =	sld [smem:$0x3FFE];
	[sflag:s23] =	ssyncadd.s32 $0xFFFFFFFF  }
0xa5: {  	s26 =	simm.s32 $execute0_lowered;
	[smem:$0x3FD2] =	sst s25  }
0xa6: {  	s5 =	sshll.u32 s26, $0x1;
	_ =	strace $0x80000049;
	[dreg:$0x1] =	wrdreg $0xFFFFFFFF  }
0xa7: {  	s28 =	simm.s32 $_size_execute0_lowered;
	s3 =	sadd.s32 s3, s5;
	[dreg:$0x0] =	wrdreg $0x0  }
0xa8: {  	s5 =	sshll.u32 s28, $0x1;
	[dreg:$0x2] =	wrdreg s3  }
0xa9: {  	[dreg:$0x3] =	wrdreg s5  }
0xaa: {  	[dreg:$0x4] =	wrdreg $0xC0  }
0xab: {  	_ =	task [dreg:s7], $0x5FFFF  }
0xac: {  	[dreg:$0x1] =	wrdreg $0xFFFFFFFF  }
0xad: {  	[dreg:$0x0] =	wrdreg $0x60  }
0xae: {  	[dreg:$0x2] =	wrdreg s24  }
0xaf: {  	[dreg:$0x3] =	wrdreg s2  }
0xb0: {  	[dreg:$0x4] =	wrdreg $0xA8800  }
0xb1: {  	[dreg:$0x5] =	wrdreg $0x9  }
0xb2: {  	_ =	task.clear_ibuf [dreg:s7], $0x6FFFF;
	_ =	strace $0x90000049  }
0xb3: {  	s29 =	simm.s32 $0x9;
	_ =	strace $0x8000004B  }
0xb4: {  	_ =	swait.ge [sflag:s29], $0x1  }
0xb5: {  	[sflag:s29] =	ssyncadd.s32 $0xFFFFFFFF  }
0xb6: {  	_ =	strace $0x9000004B  }
0xb7: {  	_ =	sfence  }
0xb8: {  	s30 =	sld [smem:$0x0];
	_ =	sdelay $0x2  }
0xb9: {  	s31 =	sshll.u32 s1, $0xD;
	s1 =	sshrl.u32 s1, $0x2  }
0xba: {  	s3 =	sand.u32 $0x4000, s31;
	s1 =	sadd.s32 s1, s30  }
0xbb: {  	s0 =	sor.u32 s3, s0;
	s1 =	sshll.u32 s1, $0x11  }
0xbc: {  	s0 =	sor.u32 s1, s0  }
0xbd: {  	s0 =	sadd.s32 $0x8F2B, s0  }
0xbe: {  	[sflag:s0] =	ssyncadd.remote.s32 $0x1  }
0xbf: {  	_ =	sfence.sel $0xFFFF  }
0xc0: {  	[dreg:$0x0] =	wrdreg $0xFFFFFFFF;
	(pc) =	sbr.abs _section_cstart, $3  }
0xc1: {  	[dreg:$0x1] =	wrdreg $0xFFFFFFFF  }
0xc2: {  	_ =	task.clear_ibuf [dreg:s7], $0x2FFFF;
	_ =	strace $0x9FFFFFFF  }
0xc3: {  	(tm) =	ssettm $0x7FFFFFFF  }
tec
execute0_lowered:
.L_overlay_start_1:
0x0: {  	(tag) =	ssettag $0x1  }
0x1: {  	s0 =	rddreg [dreg:$0x0]  }
0x2: {  	s1 =	srdreg.scid;
	s8 =	rddreg [dreg:$0x1]  }
0x3: {  	s2 =	rddreg [dreg:$0x2];
	s16 =	stileid.u32;
	s3 =	simm.s32 $0x0  }
0x4: {  	s19 =	simm.s32 $0x5;
	s28 =	simm.s32 $0x1;
	s29 =	simm.s32 $0x3  }
0x5: {  	s30 =	simm.s32 $0x2;
	s31 =	simm.s32 $0x4;
	s1 =	sand.u32 $0x1, s1  }
0x6: {  	[smem:$0x7FF] =	sst s3;
	s9 =	smul.u32 $0x13C00, s16;
	s6 =	sadd.s32 $0xB2400, s0  }
0x7: {  	s7 =	sadd.s32 $0x2200, s0;
	s15 =	smul.u32 $0x4F000, s16;
	s4 =	sshll.u32 s1, $0x4  }
0x8: {  	_ =	strace $0x8000004A;
	s11 =	smul.u32 $0x3B4000, s1;
	s13 =	ssub.s32 $0x2, s1  }
0x9: {  	s1 =	smul.u32 $0x27800, s1;
	s4 =	sor.u32 s16, s4;
	s14 =	sshrl.u32 s13, $0x1  }
0xa: {  	s20 =	sshrl.u32 s9, $0x3;
	s5 =	smul.u32 $0x2780, s4;
	s4 =	sadd.s32 $0x100800, s0  }
0xb: {  	s11 =	sadd.s32 s9, s11;
	s13 =	ssub.s32 s13, s14;
	s8 =	sadd.s32 s8, s20  }
0xc: {  	s14 =	smul.u32 $0x2780, s16;
	s11 =	sshrl.u32 s11, $0x3;
	[dreg:$0x5] =	wrdreg s8  }
0xd: {  	s25 =	smax.u32 s13, $0x1;
	s10 =	sshrl.u32 s5, $0x3;
	s5 =	sadd.s32 $0xD9600, s0  }
0xe: {  	s1 =	sadd.s32 s14, s1;
	[dreg:$0x9] =	wrdreg s25;
	s25 =	simm.s32 $0x6880  }
0xf: {  	s12 =	sadd.s32 s10, s0;
	s0 =	sadd.s32 s11, s0;
	s9 =	sadd.s32 s7, s10  }
0x10: {  	s22 =	sadd.s32 $0x180, s1;
	s18 =	sadd.s32 $0x100, s1;
	s1 =	simm.s32 $0x0  }
0x11: {  	s26 =	sadd.s32 $0xC000, s12;
	s12 =	sshrl.u32 s15, $0x2;
	s11 =	sadd.s32 $0x10, s9  }
0x12: {  	s21 =	sadd.s32 $0x127A00, s0;
	s23 =	sadd.s32 $0x14F200, s0;
	[dreg:$0x4] =	wrdreg s26  }
0x13: {  	s0 =	sadd.s32 $0x176A00, s0;
	s24 =	sshrl.u32 s22, $0x3;
	[dreg:$0x6] =	wrdreg s21  }
0x14: {  	s22 =	simm.s32 $0x80;
	s15 =	sadd.s32 s12, s2;
	[dreg:$0x7] =	wrdreg s23  }
0x15: {  	s12 =	sadd.s32 $0x4E0, s9;
	[dreg:$0x8] =	wrdreg s0;
	s17 =	sadd.s32 s24, s7  }
0x16: {  	s26 =	sshll.u32 s16, $0x6;
	s23 =	simm.s32 $0x2880;
	s24 =	simm.s32 $0x2780  }
0x17: {  	s20 =	sor.u32 $0x1C05, s26;
	s21 =	sshrl.u32 s15, $0x3;
	s26 =	simm.s32 $0x2800  }
.LBB2_1:
0x18: {  	s0 =	rddreg [dreg:$0x4]  }
0x19: {  	[tilespmem:s3], [sflag:$0x5] =	stream.linear.gather [hbm4b:s0+s3], $0x2780, $0x38;
	[tilespmem:$0x1E480] =	vst v63  }
0x1a: {  	_ =	swait.ge [sflag:s19], $0x2780  }
0x1b: {  	[sflag:s19] =	ssyncset.done $0x0  }
0x1c: {  	s15 =	rddreg [dreg:$0x5];
	[sflag:s19] =	ssyncadd.s32 $0xFFFFD880  }
0x1d: {  	[spmem:s21], [sflag:s20] =	dma.local [hbm:s15], $0x2780  }
0x1e: {  	_ =	swait.ge [sflag:s19], $0x2780  }
0x1f: {  	[sflag:s19] =	ssyncset.done $0x0  }
0x20: {  	[sflag:s19] =	ssyncadd.s32 $0xFFFFD880  }
0x21: {  	[bflag:$0x0] =	sbarrier.arrive $0xFFFF  }
0x22: {  	[tilespmem:s23], [sflag:$0x1] =	stream.indirect.gather [hbm4b:s4+s22], $0x80, s3, s22, $0xb8;
	[tilespmem:$0x1E480] =	vst v63  }
0x23: {  	_ = 	snop  }
0x24: {  	[tilespmem:s24], [sflag:$0x3] =	stream.linear.gather [hbm4b:s9+s3], $0x80, $0x38;
	[tilespmem:$0x1E480] =	vst v63  }
0x25: {  	_ = 	snop  }
0x26: {  	[tilespmem:s25], [sflag:$0x2] =	stream.indirect.gather [hbm4b:s4+s22], $0x80, s22, s22, $0xb8;
	[tilespmem:$0x1E480] =	vst v63  }
0x27: {  	_ = 	snop  }
0x28: {  	[tilespmem:s26], [sflag:$0x4] =	stream.linear.gather [hbm4b:s11+s3], $0x80, $0x38;
	[tilespmem:$0x1E480] =	vst v63  }
0x29: {  	_ =	swait.ge [sflag:s28], $0x4000  }
0x2a: {  	[sflag:s28] =	ssyncset.done $0x0  }
0x2b: {  	[sflag:s28] =	ssyncadd.s32 $0xFFFFC000  }
0x2c: {  	_ =	swait.ge [sflag:s29], $0x80  }
0x2d: {  	[sflag:s29] =	ssyncset.done $0x0  }
0x2e: {  	[sflag:s29] =	ssyncadd.s32 $0xFFFFFF80  }
0x2f: {  	[spmem:s2] =	stream.indirect.scatter.add.f32 [tilespmem:s23], [sflag:$0x5], $0x80, s24, s22, $0xb8;
	[tilespmem:$0x1E480] =	vst v63  }
0x30: {  	_ =	swait.ge [sflag:s19], $0x4000  }
0x31: {  	[sflag:s19] =	ssyncset.done $0x0  }
0x32: {  	s8 =	simm.s32 $0x100;
	s13 =	sshrl.u32 s18, $0x3;
	[sflag:s19] =	ssyncadd.s32 $0xFFFFC000  }
0x33: {  	[tilespmem:s23], [sflag:$0x1] =	stream.indirect.gather [hbm4b:s4+s22], $0x80, s8, s22, $0xb8;
	[tilespmem:$0x1E480] =	vst v63  }
0x34: {  	s8 =	sadd.s32 s7, s13  }
0x35: {  	[tilespmem:s24], [sflag:$0x3] =	stream.linear.gather [hbm4b:s8+s3], $0x80, $0x38;
	[tilespmem:$0x1E480] =	vst v63  }
0x36: {  	_ =	swait.ge [sflag:s30], $0x4000  }
0x37: {  	[sflag:s30] =	ssyncset.done $0x0  }
0x38: {  	[sflag:s30] =	ssyncadd.s32 $0xFFFFC000  }
0x39: {  	_ =	swait.ge [sflag:s31], $0x80  }
0x3a: {  	[sflag:s31] =	ssyncset.done $0x0  }
0x3b: {  	[sflag:s31] =	ssyncadd.s32 $0xFFFFFF80  }
0x3c: {  	[spmem:s2] =	stream.indirect.scatter.add.f32 [tilespmem:s25], [sflag:$0x5], $0x80, s26, s22, $0xb8;
	[tilespmem:$0x1E480] =	vst v63  }
0x3d: {  	_ =	swait.ge [sflag:s19], $0x4000  }
0x3e: {  	[sflag:s19] =	ssyncset.done $0x0  }
0x3f: {  	s16 =	simm.s32 $0x180;
	s14 =	simm.s32 $0x280;
	[sflag:s19] =	ssyncadd.s32 $0xFFFFC000  }
0x40: {  	[tilespmem:s25], [sflag:$0x2] =	stream.indirect.gather [hbm4b:s4+s22], $0x80, s16, s22, $0xb8;
	[tilespmem:$0x1E480] =	vst v63  }
0x41: {  	s15 =	sadd.s32 $0x100, s18;
	s13 =	simm.s32 $0x20;
	s16 =	sadd.s32 $0x0, s17  }
.LBB2_2:
0x42: {  	[tilespmem:s26], [sflag:$0x4] =	stream.linear.gather [hbm4b:s16+s3], $0x80, $0x38;
	[tilespmem:$0x1E480] =	vst v63  }
0x43: {  	s16 =	smov.u32 s13  }
0x44: {  	p0 =	sne.s32 s13, $0x4A0;
	s13 =	sadd.s32 $0x20, s13;
	_ =	swait.ge [sflag:s28], $0x4000  }
0x45: {  	[sflag:s28] =	ssyncset.done $0x0  }
0x46: {  	[sflag:s28] =	ssyncadd.s32 $0xFFFFC000  }
0x47: {  	_ =	swait.ge [sflag:s29], $0x80  }
0x48: {  	[sflag:s29] =	ssyncset.done $0x0  }
0x49: {  	[sflag:s29] =	ssyncadd.s32 $0xFFFFFF80  }
0x4a: {  	[spmem:s2] =	stream.indirect.scatter.add.f32 [tilespmem:s23], [sflag:$0x5], $0x80, s24, s22, $0xb8;
	[tilespmem:$0x1E480] =	vst v63  }
0x4b: {  	_ =	swait.ge [sflag:s19], $0x4000  }
0x4c: {  	[sflag:s19] =	ssyncset.done $0x0  }
0x4d: {  	s0 =	sadd.s32 $0xFFFFFF80, s14;
	s10 =	sshrl.u32 s15, $0x3;
	[sflag:s19] =	ssyncadd.s32 $0xFFFFC000  }
0x4e: {  	[tilespmem:s23], [sflag:$0x1] =	stream.indirect.gather [hbm4b:s4+s22], $0x80, s0, s22, $0xb8;
	[tilespmem:$0x1E480] =	vst v63  }
0x4f: {  	s0 =	sadd.s32 s7, s10  }
0x50: {  	[tilespmem:s24], [sflag:$0x3] =	stream.linear.gather [hbm4b:s0+s3], $0x80, $0x38;
	[tilespmem:$0x1E480] =	vst v63  }
0x51: {  	_ =	swait.ge [sflag:s30], $0x4000  }
0x52: {  	[sflag:s30] =	ssyncset.done $0x0  }
0x53: {  	[sflag:s30] =	ssyncadd.s32 $0xFFFFC000  }
0x54: {  	_ =	swait.ge [sflag:s31], $0x80  }
0x55: {  	[sflag:s31] =	ssyncset.done $0x0  }
0x56: {  	[sflag:s31] =	ssyncadd.s32 $0xFFFFFF80  }
0x57: {  	[spmem:s2] =	stream.indirect.scatter.add.f32 [tilespmem:s25], [sflag:$0x5], $0x80, s26, s22, $0xb8;
	[tilespmem:$0x1E480] =	vst v63  }
.Ltmp0:
0x58: {  	_ =	swait.ge [sflag:s19], $0x4000;
	(pc) =	sbr.rel @p0 .LBB2_2-.Ltmp0, $4  }
0x59: {  	[sflag:s19] =	ssyncset.done $0x0  }
0x5a: {  	[sflag:s19] =	ssyncadd.s32 $0xFFFFC000  }
0x5b: {  	[tilespmem:s25], [sflag:$0x2] =	stream.indirect.gather [hbm4b:s4+s22], $0x80, s14, s22, $0xb8;
	[tilespmem:$0x1E480] =	vst v63  }
0x5c: {  	s15 =	sadd.s32 $0x100, s15;
	s16 =	sadd.s32 s16, s17;
	s14 =	sadd.s32 $0x100, s14  }
0x5d: {  	[tilespmem:s26], [sflag:$0x4] =	stream.linear.gather [hbm4b:s16+s3], $0x80, $0x38;
	[tilespmem:$0x1E480] =	vst v63  }
0x5e: {  	_ =	swait.ge [sflag:s28], $0x4000  }
0x5f: {  	[sflag:s28] =	ssyncset.done $0x0  }
0x60: {  	[sflag:s28] =	ssyncadd.s32 $0xFFFFC000  }
0x61: {  	_ =	swait.ge [sflag:s29], $0x80  }
0x62: {  	[sflag:s29] =	ssyncset.done $0x0  }
0x63: {  	[sflag:s29] =	ssyncadd.s32 $0xFFFFFF80  }
0x64: {  	[spmem:s2] =	stream.indirect.scatter.add.f32 [tilespmem:s23], [sflag:$0x5], $0x80, s24, s22, $0xb8;
	[tilespmem:$0x1E480] =	vst v63  }
0x65: {  	_ =	swait.ge [sflag:s19], $0x4000  }
0x66: {  	[sflag:s19] =	ssyncset.done $0x0  }
0x67: {  	s0 =	simm.s32 $0x2700;
	[sflag:s19] =	ssyncadd.s32 $0xFFFFC000  }
0x68: {  	[tilespmem:s23], [sflag:$0x1] =	stream.indirect.gather [hbm4b:s4+s22], $0x80, s0, s22, $0xb8;
	[tilespmem:$0x1E480] =	vst v63  }
0x69: {  	s13 =	simm.s32 $0x0  }
0x6a: {  	[tilespmem:s24], [sflag:$0x3] =	stream.linear.gather [hbm4b:s12+s13], $0x80, $0x38;
	[tilespmem:$0x1E480] =	vst v63  }
0x6b: {  	_ =	swait.ge [sflag:s30], $0x4000  }
0x6c: {  	[sflag:s30] =	ssyncset.done $0x0  }
0x6d: {  	[sflag:s30] =	ssyncadd.s32 $0xFFFFC000  }
0x6e: {  	_ =	swait.ge [sflag:s31], $0x80  }
0x6f: {  	[sflag:s31] =	ssyncset.done $0x0  }
0x70: {  	[sflag:s31] =	ssyncadd.s32 $0xFFFFFF80  }
0x71: {  	[spmem:s2] =	stream.indirect.scatter.add.f32 [tilespmem:s25], [sflag:$0x5], $0x80, s26, s22, $0xb8;
	[tilespmem:$0x1E480] =	vst v63  }
0x72: {  	_ =	swait.ge [sflag:s19], $0x4000  }
0x73: {  	[sflag:s19] =	ssyncset.done $0x0  }
0x74: {  	[sflag:s19] =	ssyncadd.s32 $0xFFFFC000  }
0x75: {  	_ =	swait.ge [sflag:s28], $0x4000  }
0x76: {  	[sflag:s28] =	ssyncset.done $0x0  }
0x77: {  	[sflag:s28] =	ssyncadd.s32 $0xFFFFC000  }
0x78: {  	_ =	swait.ge [sflag:s29], $0x80  }
0x79: {  	[sflag:s29] =	ssyncset.done $0x0  }
0x7a: {  	[sflag:s29] =	ssyncadd.s32 $0xFFFFFF80  }
0x7b: {  	[spmem:s2] =	stream.indirect.scatter.add.f32 [tilespmem:s23], [sflag:$0x5], $0x80, s24, s22, $0xb8;
	[tilespmem:$0x1E480] =	vst v63  }
0x7c: {  	_ =	swait.ge [sflag:s19], $0x4000  }
0x7d: {  	[sflag:s19] =	ssyncset.done $0x0  }
0x7e: {  	[sflag:s19] =	ssyncadd.s32 $0xFFFFC000  }
0x7f: {  	[bflag:$0x0] =	sbarrier.arrive $0xFFFF  }
0x80: {  	s10 =	rddreg [dreg:$0x6]  }
0x81: {  	[hbm:s10], [sflag:s20] =	dma.local [spmem:s21], $0x2780  }
0x82: {  	_ =	swait.ge [sflag:s19], $0x2780  }
0x83: {  	[sflag:s19] =	ssyncset.done $0x0  }
0x84: {  	[sflag:s19] =	ssyncadd.s32 $0xFFFFD880  }
0x85: {  	[bflag:$0x0] =	sbarrier.arrive $0xFFFF  }
0x86: {  	s14 =	rddreg [dreg:$0x5]  }
0x87: {  	[spmem:s21], [sflag:s20] =	dma.local [hbm:s14], $0x2780  }
0x88: {  	_ =	swait.ge [sflag:s19], $0x2780  }
0x89: {  	[sflag:s19] =	ssyncset.done $0x0  }
0x8a: {  	[sflag:s19] =	ssyncadd.s32 $0xFFFFD880  }
0x8b: {  	[bflag:$0x0] =	sbarrier.arrive $0xFFFF  }
0x8c: {  	[tilespmem:s23], [sflag:$0x1] =	stream.indirect.gather [hbm4b:s5+s22], $0x80, s13, s22, $0xb8;
	[tilespmem:$0x1E480] =	vst v63  }
0x8d: {  	_ = 	snop  }
0x8e: {  	[tilespmem:s24], [sflag:$0x3] =	stream.linear.gather [hbm4b:s9+s13], $0x80, $0x38;
	[tilespmem:$0x1E480] =	vst v63  }
0x8f: {  	_ = 	snop  }
0x90: {  	[tilespmem:s25], [sflag:$0x2] =	stream.indirect.gather [hbm4b:s5+s22], $0x80, s22, s22, $0xb8;
	[tilespmem:$0x1E480] =	vst v63  }
0x91: {  	_ = 	snop  }
0x92: {  	[tilespmem:s26], [sflag:$0x4] =	stream.linear.gather [hbm4b:s11+s13], $0x80, $0x38;
	[tilespmem:$0x1E480] =	vst v63  }
0x93: {  	_ =	swait.ge [sflag:s28], $0x4000  }
0x94: {  	[sflag:s28] =	ssyncset.done $0x0  }
0x95: {  	[sflag:s28] =	ssyncadd.s32 $0xFFFFC000  }
0x96: {  	_ =	swait.ge [sflag:s29], $0x80  }
0x97: {  	[sflag:s29] =	ssyncset.done $0x0  }
0x98: {  	[sflag:s29] =	ssyncadd.s32 $0xFFFFFF80  }
0x99: {  	[spmem:s2] =	stream.indirect.scatter.add.f32 [tilespmem:s23], [sflag:$0x5], $0x80, s24, s22, $0xb8;
	[tilespmem:$0x1E480] =	vst v63  }
0x9a: {  	_ =	swait.ge [sflag:s19], $0x4000  }
0x9b: {  	[sflag:s19] =	ssyncset.done $0x0  }
0x9c: {  	s15 =	simm.s32 $0x100;
	[sflag:s19] =	ssyncadd.s32 $0xFFFFC000  }
0x9d: {  	[tilespmem:s23], [sflag:$0x1] =	stream.indirect.gather [hbm4b:s5+s22], $0x80, s15, s22, $0xb8;
	[tilespmem:$0x1E480] =	vst v63  }
0x9e: {  	_ = 	snop  }
0x9f: {  	[tilespmem:s24], [sflag:$0x3] =	stream.linear.gather [hbm4b:s8+s3], $0x80, $0x38;
	[tilespmem:$0x1E480] =	vst v63  }
0xa0: {  	_ =	swait.ge [sflag:s30], $0x4000  }
0xa1: {  	[sflag:s30] =	ssyncset.done $0x0  }
0xa2: {  	[sflag:s30] =	ssyncadd.s32 $0xFFFFC000  }
0xa3: {  	_ =	swait.ge [sflag:s31], $0x80  }
0xa4: {  	[sflag:s31] =	ssyncset.done $0x0  }
0xa5: {  	[sflag:s31] =	ssyncadd.s32 $0xFFFFFF80  }
0xa6: {  	[spmem:s2] =	stream.indirect.scatter.add.f32 [tilespmem:s25], [sflag:$0x5], $0x80, s26, s22, $0xb8;
	[tilespmem:$0x1E480] =	vst v63  }
0xa7: {  	_ =	swait.ge [sflag:s19], $0x4000  }
0xa8: {  	[sflag:s19] =	ssyncset.done $0x0  }
0xa9: {  	s16 =	simm.s32 $0x180;
	s14 =	simm.s32 $0x280;
	[sflag:s19] =	ssyncadd.s32 $0xFFFFC000  }
0xaa: {  	[tilespmem:s25], [sflag:$0x2] =	stream.indirect.gather [hbm4b:s5+s22], $0x80, s16, s22, $0xb8;
	[tilespmem:$0x1E480] =	vst v63  }
0xab: {  	s13 =	simm.s32 $0x20;
	s15 =	sadd.s32 $0x100, s18;
	s16 =	sadd.s32 $0x0, s17  }
.LBB2_4:
0xac: {  	[tilespmem:s26], [sflag:$0x4] =	stream.linear.gather [hbm4b:s16+s3], $0x80, $0x38;
	[tilespmem:$0x1E480] =	vst v63  }
0xad: {  	s0 =	smov.u32 s13  }
0xae: {  	p0 =	sne.s32 s13, $0x4A0;
	s13 =	sadd.s32 $0x20, s13;
	_ =	swait.ge [sflag:s28], $0x4000  }
0xaf: {  	[sflag:s28] =	ssyncset.done $0x0  }
0xb0: {  	[sflag:s28] =	ssyncadd.s32 $0xFFFFC000  }
0xb1: {  	_ =	swait.ge [sflag:s29], $0x80  }
0xb2: {  	[sflag:s29] =	ssyncset.done $0x0  }
0xb3: {  	[sflag:s29] =	ssyncadd.s32 $0xFFFFFF80  }
0xb4: {  	[spmem:s2] =	stream.indirect.scatter.add.f32 [tilespmem:s23], [sflag:$0x5], $0x80, s24, s22, $0xb8;
	[tilespmem:$0x1E480] =	vst v63  }
0xb5: {  	_ =	swait.ge [sflag:s19], $0x4000  }
0xb6: {  	[sflag:s19] =	ssyncset.done $0x0  }
0xb7: {  	s10 =	sadd.s32 $0xFFFFFF80, s14;
	s16 =	sshrl.u32 s15, $0x3;
	[sflag:s19] =	ssyncadd.s32 $0xFFFFC000  }
0xb8: {  	[tilespmem:s23], [sflag:$0x1] =	stream.indirect.gather [hbm4b:s5+s22], $0x80, s10, s22, $0xb8;
	[tilespmem:$0x1E480] =	vst v63  }
0xb9: {  	s10 =	sadd.s32 s7, s16  }
0xba: {  	[tilespmem:s24], [sflag:$0x3] =	stream.linear.gather [hbm4b:s10+s3], $0x80, $0x38;
	[tilespmem:$0x1E480] =	vst v63  }
0xbb: {  	_ =	swait.ge [sflag:s30], $0x4000  }
0xbc: {  	[sflag:s30] =	ssyncset.done $0x0  }
0xbd: {  	[sflag:s30] =	ssyncadd.s32 $0xFFFFC000  }
0xbe: {  	_ =	swait.ge [sflag:s31], $0x80  }
0xbf: {  	[sflag:s31] =	ssyncset.done $0x0  }
0xc0: {  	[sflag:s31] =	ssyncadd.s32 $0xFFFFFF80  }
0xc1: {  	[spmem:s2] =	stream.indirect.scatter.add.f32 [tilespmem:s25], [sflag:$0x5], $0x80, s26, s22, $0xb8;
	[tilespmem:$0x1E480] =	vst v63  }
.Ltmp1:
0xc2: {  	_ =	swait.ge [sflag:s19], $0x4000;
	(pc) =	sbr.rel @p0 .LBB2_4-.Ltmp1, $4  }
0xc3: {  	[sflag:s19] =	ssyncset.done $0x0  }
0xc4: {  	[sflag:s19] =	ssyncadd.s32 $0xFFFFC000  }
0xc5: {  	[tilespmem:s25], [sflag:$0x2] =	stream.indirect.gather [hbm4b:s5+s22], $0x80, s14, s22, $0xb8;
	[tilespmem:$0x1E480] =	vst v63  }
0xc6: {  	s15 =	sadd.s32 $0x100, s15;
	s16 =	sadd.s32 s0, s17;
	s14 =	sadd.s32 $0x100, s14  }
0xc7: {  	[tilespmem:s26], [sflag:$0x4] =	stream.linear.gather [hbm4b:s16+s3], $0x80, $0x38;
	[tilespmem:$0x1E480] =	vst v63  }
0xc8: {  	_ =	swait.ge [sflag:s28], $0x4000  }
0xc9: {  	[sflag:s28] =	ssyncset.done $0x0  }
0xca: {  	[sflag:s28] =	ssyncadd.s32 $0xFFFFC000  }
0xcb: {  	_ =	swait.ge [sflag:s29], $0x80  }
0xcc: {  	[sflag:s29] =	ssyncset.done $0x0  }
0xcd: {  	[sflag:s29] =	ssyncadd.s32 $0xFFFFFF80  }
0xce: {  	[spmem:s2] =	stream.indirect.scatter.add.f32 [tilespmem:s23], [sflag:$0x5], $0x80, s24, s22, $0xb8;
	[tilespmem:$0x1E480] =	vst v63  }
0xcf: {  	_ =	swait.ge [sflag:s19], $0x4000  }
0xd0: {  	[sflag:s19] =	ssyncset.done $0x0  }
0xd1: {  	s0 =	simm.s32 $0x2700;
	[sflag:s19] =	ssyncadd.s32 $0xFFFFC000  }
0xd2: {  	[tilespmem:s23], [sflag:$0x1] =	stream.indirect.gather [hbm4b:s5+s22], $0x80, s0, s22, $0xb8;
	[tilespmem:$0x1E480] =	vst v63  }
0xd3: {  	s13 =	simm.s32 $0x0  }
0xd4: {  	[tilespmem:s24], [sflag:$0x3] =	stream.linear.gather [hbm4b:s12+s13], $0x80, $0x38;
	[tilespmem:$0x1E480] =	vst v63  }
0xd5: {  	_ =	swait.ge [sflag:s30], $0x4000  }
0xd6: {  	[sflag:s30] =	ssyncset.done $0x0  }
0xd7: {  	[sflag:s30] =	ssyncadd.s32 $0xFFFFC000  }
0xd8: {  	_ =	swait.ge [sflag:s31], $0x80  }
0xd9: {  	[sflag:s31] =	ssyncset.done $0x0  }
0xda: {  	[sflag:s31] =	ssyncadd.s32 $0xFFFFFF80  }
0xdb: {  	[spmem:s2] =	stream.indirect.scatter.add.f32 [tilespmem:s25], [sflag:$0x5], $0x80, s26, s22, $0xb8;
	[tilespmem:$0x1E480] =	vst v63  }
0xdc: {  	_ =	swait.ge [sflag:s19], $0x4000  }
0xdd: {  	[sflag:s19] =	ssyncset.done $0x0  }
0xde: {  	[sflag:s19] =	ssyncadd.s32 $0xFFFFC000  }
0xdf: {  	_ =	swait.ge [sflag:s28], $0x4000  }
0xe0: {  	[sflag:s28] =	ssyncset.done $0x0  }
0xe1: {  	[sflag:s28] =	ssyncadd.s32 $0xFFFFC000  }
0xe2: {  	_ =	swait.ge [sflag:s29], $0x80  }
0xe3: {  	[sflag:s29] =	ssyncset.done $0x0  }
0xe4: {  	[sflag:s29] =	ssyncadd.s32 $0xFFFFFF80  }
0xe5: {  	[spmem:s2] =	stream.indirect.scatter.add.f32 [tilespmem:s23], [sflag:$0x5], $0x80, s24, s22, $0xb8;
	[tilespmem:$0x1E480] =	vst v63  }
0xe6: {  	_ =	swait.ge [sflag:s19], $0x4000  }
0xe7: {  	[sflag:s19] =	ssyncset.done $0x0  }
0xe8: {  	[sflag:s19] =	ssyncadd.s32 $0xFFFFC000  }
0xe9: {  	[bflag:$0x0] =	sbarrier.arrive $0xFFFF  }
0xea: {  	s10 =	rddreg [dreg:$0x7]  }
0xeb: {  	[hbm:s10], [sflag:s20] =	dma.local [spmem:s21], $0x2780  }
0xec: {  	_ =	swait.ge [sflag:s19], $0x2780  }
0xed: {  	[sflag:s19] =	ssyncset.done $0x0  }
0xee: {  	[sflag:s19] =	ssyncadd.s32 $0xFFFFD880  }
0xef: {  	[bflag:$0x0] =	sbarrier.arrive $0xFFFF  }
0xf0: {  	s14 =	rddreg [dreg:$0x5]  }
0xf1: {  	[spmem:s21], [sflag:s20] =	dma.local [hbm:s14], $0x2780  }
0xf2: {  	_ =	swait.ge [sflag:s19], $0x2780  }
0xf3: {  	[sflag:s19] =	ssyncset.done $0x0  }
0xf4: {  	[sflag:s19] =	ssyncadd.s32 $0xFFFFD880  }
0xf5: {  	[bflag:$0x0] =	sbarrier.arrive $0xFFFF  }
0xf6: {  	[tilespmem:s23], [sflag:$0x1] =	stream.indirect.gather [hbm4b:s6+s22], $0x80, s13, s22, $0xb8;
	[tilespmem:$0x1E480] =	vst v63  }
0xf7: {  	_ = 	snop  }
0xf8: {  	[tilespmem:s24], [sflag:$0x3] =	stream.linear.gather [hbm4b:s9+s13], $0x80, $0x38;
	[tilespmem:$0x1E480] =	vst v63  }
0xf9: {  	_ = 	snop  }
0xfa: {  	[tilespmem:s25], [sflag:$0x2] =	stream.indirect.gather [hbm4b:s6+s22], $0x80, s22, s22, $0xb8;
	[tilespmem:$0x1E480] =	vst v63  }
0xfb: {  	_ = 	snop  }
0xfc: {  	[tilespmem:s26], [sflag:$0x4] =	stream.linear.gather [hbm4b:s11+s13], $0x80, $0x38;
	[tilespmem:$0x1E480] =	vst v63  }
0xfd: {  	_ =	swait.ge [sflag:s28], $0x4000  }
0xfe: {  	[sflag:s28] =	ssyncset.done $0x0  }
0xff: {  	[sflag:s28] =	ssyncadd.s32 $0xFFFFC000  }
0x100: {  	_ =	swait.ge [sflag:s29], $0x80  }
0x101: {  	[sflag:s29] =	ssyncset.done $0x0  }
0x102: {  	[sflag:s29] =	ssyncadd.s32 $0xFFFFFF80  }
0x103: {  	[spmem:s2] =	stream.indirect.scatter.add.f32 [tilespmem:s23], [sflag:$0x5], $0x80, s24, s22, $0xb8;
	[tilespmem:$0x1E480] =	vst v63  }
0x104: {  	_ =	swait.ge [sflag:s19], $0x4000  }
0x105: {  	[sflag:s19] =	ssyncset.done $0x0  }
0x106: {  	s15 =	simm.s32 $0x100;
	[sflag:s19] =	ssyncadd.s32 $0xFFFFC000  }
0x107: {  	[tilespmem:s23], [sflag:$0x1] =	stream.indirect.gather [hbm4b:s6+s22], $0x80, s15, s22, $0xb8;
	[tilespmem:$0x1E480] =	vst v63  }
0x108: {  	_ = 	snop  }
0x109: {  	[tilespmem:s24], [sflag:$0x3] =	stream.linear.gather [hbm4b:s8+s3], $0x80, $0x38;
	[tilespmem:$0x1E480] =	vst v63  }
0x10a: {  	_ =	swait.ge [sflag:s30], $0x4000  }
0x10b: {  	[sflag:s30] =	ssyncset.done $0x0  }
0x10c: {  	[sflag:s30] =	ssyncadd.s32 $0xFFFFC000  }
0x10d: {  	_ =	swait.ge [sflag:s31], $0x80  }
0x10e: {  	[sflag:s31] =	ssyncset.done $0x0  }
0x10f: {  	[sflag:s31] =	ssyncadd.s32 $0xFFFFFF80  }
0x110: {  	[spmem:s2] =	stream.indirect.scatter.add.f32 [tilespmem:s25], [sflag:$0x5], $0x80, s26, s22, $0xb8;
	[tilespmem:$0x1E480] =	vst v63  }
0x111: {  	s16 =	simm.s32 $0x180;
	_ =	swait.ge [sflag:s19], $0x4000  }
0x112: {  	s14 =	sadd.s32 $0x100, s18;
	s13 =	simm.s32 $0x280;
	[sflag:s19] =	ssyncset.done $0x0  }
0x113: {  	s15 =	sadd.s32 $0x0, s17;
	s8 =	simm.s32 $0x20;
	[sflag:s19] =	ssyncadd.s32 $0xFFFFC000  }
0x114: {  	[tilespmem:s25], [sflag:$0x2] =	stream.indirect.gather [hbm4b:s6+s22], $0x80, s16, s22, $0xb8;
	[tilespmem:$0x1E480] =	vst v63  }
.LBB2_6:
0x115: {  	[tilespmem:s26], [sflag:$0x4] =	stream.linear.gather [hbm4b:s15+s3], $0x80, $0x38;
	[tilespmem:$0x1E480] =	vst v63  }
0x116: {  	s0 =	smov.u32 s8  }
0x117: {  	p0 =	sne.s32 s8, $0x4A0;
	s8 =	sadd.s32 $0x20, s8;
	_ =	swait.ge [sflag:s28], $0x4000  }
0x118: {  	[sflag:s28] =	ssyncset.done $0x0  }
0x119: {  	[sflag:s28] =	ssyncadd.s32 $0xFFFFC000  }
0x11a: {  	_ =	swait.ge [sflag:s29], $0x80  }
0x11b: {  	[sflag:s29] =	ssyncset.done $0x0  }
0x11c: {  	[sflag:s29] =	ssyncadd.s32 $0xFFFFFF80  }
0x11d: {  	[spmem:s2] =	stream.indirect.scatter.add.f32 [tilespmem:s23], [sflag:$0x5], $0x80, s24, s22, $0xb8;
	[tilespmem:$0x1E480] =	vst v63  }
0x11e: {  	_ =	swait.ge [sflag:s19], $0x4000  }
0x11f: {  	[sflag:s19] =	ssyncset.done $0x0  }
0x120: {  	s10 =	sadd.s32 $0xFFFFFF80, s13;
	s15 =	sshrl.u32 s14, $0x3;
	[sflag:s19] =	ssyncadd.s32 $0xFFFFC000  }
0x121: {  	[tilespmem:s23], [sflag:$0x1] =	stream.indirect.gather [hbm4b:s6+s22], $0x80, s10, s22, $0xb8;
	[tilespmem:$0x1E480] =	vst v63  }
0x122: {  	s10 =	sadd.s32 s7, s15  }
0x123: {  	[tilespmem:s24], [sflag:$0x3] =	stream.linear.gather [hbm4b:s10+s3], $0x80, $0x38;
	[tilespmem:$0x1E480] =	vst v63  }
0x124: {  	_ =	swait.ge [sflag:s30], $0x4000  }
0x125: {  	[sflag:s30] =	ssyncset.done $0x0  }
0x126: {  	[sflag:s30] =	ssyncadd.s32 $0xFFFFC000  }
0x127: {  	_ =	swait.ge [sflag:s31], $0x80  }
0x128: {  	[sflag:s31] =	ssyncset.done $0x0  }
0x129: {  	[sflag:s31] =	ssyncadd.s32 $0xFFFFFF80  }
0x12a: {  	[spmem:s2] =	stream.indirect.scatter.add.f32 [tilespmem:s25], [sflag:$0x5], $0x80, s26, s22, $0xb8;
	[tilespmem:$0x1E480] =	vst v63  }
.Ltmp2:
0x12b: {  	_ =	swait.ge [sflag:s19], $0x4000;
	(pc) =	sbr.rel @p0 .LBB2_6-.Ltmp2, $4  }
0x12c: {  	[sflag:s19] =	ssyncset.done $0x0  }
0x12d: {  	[sflag:s19] =	ssyncadd.s32 $0xFFFFC000  }
0x12e: {  	[tilespmem:s25], [sflag:$0x2] =	stream.indirect.gather [hbm4b:s6+s22], $0x80, s13, s22, $0xb8;
	[tilespmem:$0x1E480] =	vst v63  }
0x12f: {  	s14 =	sadd.s32 $0x100, s14;
	s15 =	sadd.s32 s0, s17;
	s13 =	sadd.s32 $0x100, s13  }
0x130: {  	[tilespmem:s26], [sflag:$0x4] =	stream.linear.gather [hbm4b:s15+s3], $0x80, $0x38;
	[tilespmem:$0x1E480] =	vst v63  }
0x131: {  	_ =	swait.ge [sflag:s28], $0x4000  }
0x132: {  	[sflag:s28] =	ssyncset.done $0x0  }
0x133: {  	[sflag:s28] =	ssyncadd.s32 $0xFFFFC000  }
0x134: {  	_ =	swait.ge [sflag:s29], $0x80  }
0x135: {  	[sflag:s29] =	ssyncset.done $0x0  }
0x136: {  	[sflag:s29] =	ssyncadd.s32 $0xFFFFFF80  }
0x137: {  	[spmem:s2] =	stream.indirect.scatter.add.f32 [tilespmem:s23], [sflag:$0x5], $0x80, s24, s22, $0xb8;
	[tilespmem:$0x1E480] =	vst v63  }
0x138: {  	_ =	swait.ge [sflag:s19], $0x4000  }
0x139: {  	[sflag:s19] =	ssyncset.done $0x0  }
0x13a: {  	s0 =	simm.s32 $0x2700;
	[sflag:s19] =	ssyncadd.s32 $0xFFFFC000  }
0x13b: {  	[tilespmem:s23], [sflag:$0x1] =	stream.indirect.gather [hbm4b:s6+s22], $0x80, s0, s22, $0xb8;
	[tilespmem:$0x1E480] =	vst v63  }
0x13c: {  	_ = 	snop  }
0x13d: {  	[tilespmem:s24], [sflag:$0x3] =	stream.linear.gather [hbm4b:s12+s3], $0x80, $0x38;
	[tilespmem:$0x1E480] =	vst v63  }
0x13e: {  	_ =	swait.ge [sflag:s30], $0x4000  }
0x13f: {  	[sflag:s30] =	ssyncset.done $0x0  }
0x140: {  	[sflag:s30] =	ssyncadd.s32 $0xFFFFC000  }
0x141: {  	_ =	swait.ge [sflag:s31], $0x80  }
0x142: {  	[sflag:s31] =	ssyncset.done $0x0  }
0x143: {  	[sflag:s31] =	ssyncadd.s32 $0xFFFFFF80  }
0x144: {  	[spmem:s2] =	stream.indirect.scatter.add.f32 [tilespmem:s25], [sflag:$0x5], $0x80, s26, s22, $0xb8;
	[tilespmem:$0x1E480] =	vst v63  }
0x145: {  	_ =	swait.ge [sflag:s19], $0x4000  }
0x146: {  	[sflag:s19] =	ssyncset.done $0x0  }
0x147: {  	[sflag:s19] =	ssyncadd.s32 $0xFFFFC000  }
0x148: {  	_ =	swait.ge [sflag:s28], $0x4000  }
0x149: {  	[sflag:s28] =	ssyncset.done $0x0  }
0x14a: {  	[sflag:s28] =	ssyncadd.s32 $0xFFFFC000  }
0x14b: {  	_ =	swait.ge [sflag:s29], $0x80  }
0x14c: {  	[sflag:s29] =	ssyncset.done $0x0  }
0x14d: {  	[sflag:s29] =	ssyncadd.s32 $0xFFFFFF80  }
0x14e: {  	[spmem:s2] =	stream.indirect.scatter.add.f32 [tilespmem:s23], [sflag:$0x5], $0x80, s24, s22, $0xb8;
	[tilespmem:$0x1E480] =	vst v63  }
0x14f: {  	_ =	swait.ge [sflag:s19], $0x4000  }
0x150: {  	[sflag:s19] =	ssyncset.done $0x0  }
0x151: {  	[sflag:s19] =	ssyncadd.s32 $0xFFFFC000  }
0x152: {  	[bflag:$0x0] =	sbarrier.arrive $0xFFFF  }
0x153: {  	s15 =	rddreg [dreg:$0x8]  }
0x154: {  	[hbm:s15], [sflag:s20] =	dma.local [spmem:s21], $0x2780  }
0x155: {  	_ =	swait.ge [sflag:s19], $0x2780  }
0x156: {  	s1 =	sadd.s32 $0x1, s1;
	s16 =	rddreg [dreg:$0x9]  }
0x157: {  	p0 =	sne.s32 s1, s16  }
.Ltmp3:
0x158: {  	_ = 	snop;
	(pc) =	sbr.rel @p0 .LBB2_1-.Ltmp3, $3  }
0x159: {  	[sflag:s19] =	ssyncset.done $0x0  }
0x15a: {  	[sflag:s19] =	ssyncadd.s32 $0xFFFFD880  }
0x15b: {  	[bflag:$0x0] =	sbarrier.arrive $0xFFFF;
	_ =	sdelay $0x1  }
0x15c: {  	_ =	sfence.sel $0x180000  }
0x15d: {  	[bflag:$0x0] =	sbarrier.arrive $0xFFFF  }
0x15e: {  	_ =	strace $0x9000004A  }
0x15f: {  	s0 =	stileid.u32;
	[bflag:$0x2] =	sbarrier.arrive $0xFFFF  }
0x160: {  	p0 =	sne.s32 s0, $0x0;
	s0 =	rddreg [dreg:$0x3]  }
0x161: {  	s0 =	sadd.s32 @!p0 $0x100000, s0  }
0x162: {  	[sflag:s0] =	ssyncadd.tile.s32 @!p0 $0x1;
	_ =	shalt  }
.Lfunc_end2:
_tile_overlayer_lowered:
.L_overlay_start_2:
0x163: {  	(tag) =	ssettag $0x2  }
0x164: {  	s0 =	rddreg [dreg:$0x0];
	s2 =	stileid.u32  }
0x165: {  	s1 =	rddreg [dreg:$0x1];
	p0 =	sne.s32 s2, $0x0  }
0x166: {  	s3 =	rddreg [dreg:$0x2];
	[bflag:$0x3] =	sbarrier.arrive $0xFFFF;
	s2 =	simm.s32 @!p0 $0x1C05  }
0x167: {  	[timem:s3], [sflag:s2] =	dma.local @!p0 [hbm:s0], s1  }
0x168: {  	s0 =	simm.s32 @!p0 $0x5  }
0x169: {  	_ =	swait.ge @!p0 [sflag:s0], s1  }
0x16a: {  	s1 =	ssub.s32 @!p0 $0x0, s1;
	[sflag:s0] =	ssyncset.done @!p0 $0x0  }
0x16b: {  	[sflag:s0] =	ssyncadd.s32 @!p0 s1  }
0x16c: {  	[bflag:$0x3] =	sbarrier.arrive $0xFFFF  }
0x16d: {  	_ =	shalt  }

// kernel: kernel.7.cloned.1.call-start
scs
__scs_entry_jumppad:
0x0: {  	(pc) =	sbr.rel $0x88, $3  }
0x1: {  	(tag) =	ssettag $0x0;
	lr =	simm.s32 $0x1  }
0x2: {  	[smem:$0x3F9E] =	sst lr;
	_ =	strace $0xD0000000  }
0x3: {  	_ = 	snop  }
0x4: {  	_ = 	snop  }
0x5: {  	_ = 	snop  }
0x6: {  	_ = 	snop  }
0x7: {  	_ = 	snop  }
__scs_overlays_trampoline_lowered:
0x8: {  	[smem:$0x3FAD] =	sst s0  }
0x9: {  	[smem:$0x3FAE] =	sst s1  }
0xa: {  	[smem:$0x3FAF] =	sst s2  }
0xb: {  	[smem:$0x3FB0] =	sst s3  }
0xc: {  	[smem:$0x3FB1] =	sst s4  }
0xd: {  	[smem:$0x3FB2] =	sst s5  }
0xe: {  	[smem:$0x3FB3] =	sst s6  }
0xf: {  	[smem:$0x3FB4] =	sst s7  }
0x10: {  	[smem:$0x3FB5] =	sst s8  }
0x11: {  	[smem:$0x3FB6] =	sst s9;
	s0 =	simm.s32 @!p0 $0x0  }
0x12: {  	s1 =	sld [smem:$0x3F9C];
	s0 =	simm.s32 @p0 $0x1  }
0x13: {  	[smem:$0x3FB7] =	sst s0;
	s0 =	simm.s32 @!p1 $0x0  }
0x14: {  	s2 =	sld [smem:$0x3F9B];
	s0 =	simm.s32 @p1 $0x1  }
0x15: {  	[smem:$0x3FB8] =	sst s0;
	s0 =	simm.s32 @!p2 $0x0  }
0x16: {  	s3 =	sld [smem:$0x3FDB];
	s0 =	simm.s32 @p2 $0x1  }
0x17: {  	s4 =	simm.s32 $0x1BF5;
	[smem:$0x3FBA] =	sst s0  }
0x18: {  	s0 =	sld [smem:$0x3F9D];
	_ =	swait.ge [sflag:s4], $0x0  }
0x19: {  	s7 =	sld [smem:$0x3F9E]  }
0x1a: {  	s8 =	sadd.s32 $0xFFFFE003, lr  }
0x1b: {  	s9 =	sadd.s32 $0xFFFFFEF7, lr;
	s5 =	simm.s32 $0xFFFFFFFF;
	p2 =	slt.u32 s8, $0xFFFFF086  }
0x1c: {  	p1 =	slt.u32 s9, $0xF7A;
	s5 =	simm.s32 @!p2 $0x0  }
0x1d: {  	s5 =	simm.s32 @p1 $0x1;
	p0 =	seq.s32 s7, s2  }
0x1e: {  	s7 =	smul.u32 @!p0 $0xF7A, s2;
	p2 =	seq.s32 @!p0 s5, $0x0  }
0x1f: {  	s9 =	smul.u32 $0xF7A, s1;
	s8 =	simm.s32 @!p0 $0x1BF5;
	p2 =	por !p2, p0  }
0x20: {  	[sflag:s8] =	ssyncset.s32 @!p0 $0xFFFFF086;
	s6 =	sadd.s32 @!p0 s3, s7;
	s7 =	simm.s32 @!p0 $0x108  }
0x21: {  	s3 =	sadd.s32 s3, s9;
	s6 =	sadd.s32 @!p0 $0x88, s6;
	s7 =	simm.s32 @p2 $0x1082  }
0x22: {  	[simem:s7], [sflag:s8] =	dma.local @!p0 [hbm:s6], $0xF7A  }
0x23: {  	s9 =	sor.u32 $0xD0000000, s2;
	s6 =	simm.s32 $0x108;
	_ =	swait.ge @!p0 [sflag:s8], $0x0  }
0x24: {  	s3 =	sadd.s32 $0x88, s3;
	s6 =	simm.s32 @!p1 $0x1082;
	[sflag:s4] =	ssyncset.s32 $0xFFFFF086  }
0x25: {  	[simem:s6], [sflag:s4] =	dma.local [hbm:s3], $0xF7A  }
0x26: {  	[smem:$0x3F9E] =	sst s1;
	(tag) =	ssettag s2;
	_ =	strace s9  }
0x27: {  	s1 =	sld [smem:$0x3FAE]  }
0x28: {  	s2 =	sld [smem:$0x3FAF]  }
0x29: {  	s4 =	sld [smem:$0x3FB1]  }
0x2a: {  	p0 =	seq.s32 s5, $0x0;
	s5 =	sld [smem:$0x3FB2]  }
0x2b: {  	s6 =	sld [smem:$0x3FB3]  }
0x2c: {  	s7 =	sld [smem:$0x3FB4]  }
0x2d: {  	s3 =	simm.s32 $0x108;
	s8 =	sld [smem:$0x3FB5]  }
0x2e: {  	s3 =	simm.s32 @!p0 $0x1082;
	s9 =	sld [smem:$0x3FB6]  }
0x2f: {  	lr =	sadd.s32 s0, s3;
	s0 =	sld [smem:$0x3FAD]  }
0x30: {  	s3 =	sld [smem:$0x3FB0]  }
0x31: {  	[smem:$0x3FB9] =	sst s10  }
0x32: {  	s10 =	sld [smem:$0x3FB7];
	_ =	sdelay $0x3  }
0x33: {  	p0 =	seq.s32 s10, $0x1;
	s10 =	sld [smem:$0x3FB9];
	_ =	sdelay $0x3  }
0x34: {  	[smem:$0x3FB9] =	sst s10  }
0x35: {  	s10 =	sld [smem:$0x3FB8];
	_ =	sdelay $0x3  }
0x36: {  	p1 =	seq.s32 s10, $0x1;
	s10 =	sld [smem:$0x3FB9];
	_ =	sdelay $0x3  }
0x37: {  	[smem:$0x3FB9] =	sst s10  }
0x38: {  	s10 =	sld [smem:$0x3FBA]  }
0x39: {  	_ = 	snop;
	(pc) =	sbr.ind lr, $3  }
0x3a: {  	_ = 	snop  }
0x3b: {  	_ = 	snop  }
0x3c: {  	p2 =	seq.s32 s10, $0x1;
	s10 =	sld [smem:$0x3FB9]  }
0x3d: {  	_ =	shalt  }
0x3e: {  	_ =	shalt  }
0x3f: {  	_ =	shalt  }
0x40: {  	_ =	shalt  }
0x41: {  	_ =	shalt  }
0x42: {  	_ =	shalt  }
0x43: {  	_ =	shalt  }
0x44: {  	_ =	shalt  }
0x45: {  	_ =	shalt  }
0x46: {  	_ =	shalt  }
0x47: {  	_ =	shalt  }
0x48: {  	_ =	shalt  }
0x49: {  	_ =	shalt  }
0x4a: {  	_ =	shalt  }
0x4b: {  	_ =	shalt  }
0x4c: {  	_ =	shalt  }
0x4d: {  	_ =	shalt  }
0x4e: {  	_ =	shalt  }
0x4f: {  	_ =	shalt  }
0x50: {  	_ =	shalt  }
0x51: {  	_ =	shalt  }
0x52: {  	_ =	shalt  }
0x53: {  	_ =	shalt  }
0x54: {  	_ =	shalt  }
0x55: {  	_ =	shalt  }
0x56: {  	_ =	shalt  }
0x57: {  	_ =	shalt  }
0x58: {  	_ =	shalt  }
0x59: {  	_ =	shalt  }
0x5a: {  	_ =	shalt  }
0x5b: {  	_ =	shalt  }
0x5c: {  	_ =	shalt  }
0x5d: {  	_ =	shalt  }
0x5e: {  	_ =	shalt  }
0x5f: {  	_ =	shalt  }
0x60: {  	_ =	shalt  }
0x61: {  	_ =	shalt  }
0x62: {  	_ =	shalt  }
0x63: {  	_ =	shalt  }
0x64: {  	_ =	shalt  }
0x65: {  	_ =	shalt  }
0x66: {  	_ =	shalt  }
0x67: {  	_ =	shalt  }
0x68: {  	_ =	shalt  }
0x69: {  	_ =	shalt  }
0x6a: {  	_ =	shalt  }
0x6b: {  	_ =	shalt  }
0x6c: {  	_ =	shalt  }
0x6d: {  	_ =	shalt  }
0x6e: {  	_ =	shalt  }
0x6f: {  	_ =	shalt  }
0x70: {  	_ =	shalt  }
0x71: {  	_ =	shalt  }
0x72: {  	_ =	shalt  }
0x73: {  	_ =	shalt  }
0x74: {  	_ =	shalt  }
0x75: {  	_ =	shalt  }
0x76: {  	_ =	shalt  }
0x77: {  	_ =	shalt  }
0x78: {  	_ =	shalt  }
0x79: {  	_ =	shalt  }
0x7a: {  	_ =	shalt  }
0x7b: {  	_ =	shalt  }
0x7c: {  	_ =	shalt  }
0x7d: {  	_ =	shalt  }
0x7e: {  	_ =	shalt  }
0x7f: {  	_ =	shalt  }
0x80: {  	_ =	shalt  }
0x81: {  	_ =	shalt  }
0x82: {  	_ =	shalt  }
0x83: {  	_ =	shalt  }
0x84: {  	_ =	shalt  }
0x85: {  	_ =	shalt  }
0x86: {  	_ =	shalt  }
0x87: {  	_ =	shalt  }
.Lfunc_end0:
.L_simem_size_0:
called_computation_lowered:
.L_overlay_start_0:
0x88: {  	s2 =	sld [smem:$0x3FD9]  }
0x89: {  	s3 =	sld [smem:$0x3FFE];
	_ =	sdelay $0x1  }
0x8a: {  	s1 =	srdreg.scid  }
0x8b: {  	s0 =	sand.u32 $0x1, s1  }
0x8c: {  	s17 =	sshll.u32 s0, $0xA;
	s2 =	sadd.s32 s3, s2  }
0x8d: {  	s2 =	sadd.s32 s2, s17  }
0x8e: {  	[smem:$0x3FC5] =	sst s2  }
0x8f: {  	_ = 	snop  }
0x90: {  	s2 =	sld [smem:$0x3FC9]  }
0x91: {  	s18 =	sld [smem:$0x3FD0];
	(tm) =	ssettm $0x1  }
0x92: {  	s4 =	sld [smem:$0x3FFB];
	_ =	sdelay $0x3  }
0x93: {  	_ =	strace s4  }
0x94: {  	s4 =	sld [smem:$0x3FFC];
	_ =	sdelay $0x3  }
0x95: {  	_ =	strace s4  }
0x96: {  	s4 =	sld [smem:$0x3FFD];
	_ =	sdelay $0x3  }
0x97: {  	_ =	strace s4  }
0x98: {  	_ =	strace $0x8FFFFFFF  }
0x99: {  	s19 =	sld [smem:$0x3FDB];
	_ =	sdelay $0x1  }
0x9a: {  	s5 =	simm.s32 $_scs_section_size  }
0x9b: {  	s6 =	simm.s32 $_size__tile_overlayer_lowered;
	s7 =	simm.s32 $_tile_overlayer_lowered  }
0x9c: {  	s22 =	simm.s32 $0x1BFF;
	s21 =	sshll.u32 s7, $0x1;
	s4 =	sadd.s32 s5, s19  }
0x9d: {  	s8 =	simm.s32 $0x0;
	s20 =	sshll.u32 s6, $0x1;
	s6 =	sadd.s32 s21, s4  }
0x9e: {  	[timem:s8], [sflag:s22] =	dma.local [hbm:s6], s20  }
0x9f: {  	_ =	swait.ge [sflag:s22], s20  }
0xa0: {  	s5 =	ssub.s32 $0x0, s20;
	[sflag:s22] =	ssyncset.done $0x0  }
0xa1: {  	[sflag:s22] =	ssyncadd.s32 s5;
	_ =	sdelay $0x1  }
0xa2: {  	s23 =	simm.s32 $0x1B8B  }
0xa3: {  	_ =	swait.ge [sflag:s23], $0x1  }
0xa4: {  	[sflag:s23] =	ssyncset.done $0x0  }
0xa5: {  	s25 =	simm.s32 $0x1B8E;
	s24 =	sld [smem:$0x3FFE];
	[sflag:s23] =	ssyncadd.s32 $0xFFFFFFFF  }
0xa6: {  	s26 =	simm.s32 $execute0_lowered;
	[smem:$0x3FD2] =	sst s25  }
0xa7: {  	s6 =	sshll.u32 s26, $0x1;
	_ =	strace $0x80000046;
	[dreg:$0x1] =	wrdreg $0xFFFFFFFF  }
0xa8: {  	s28 =	simm.s32 $_size_execute0_lowered;
	s4 =	sadd.s32 s4, s6;
	[dreg:$0x0] =	wrdreg $0x0  }
0xa9: {  	s6 =	sshll.u32 s28, $0x1;
	[dreg:$0x2] =	wrdreg s4  }
0xaa: {  	[dreg:$0x3] =	wrdreg s6  }
0xab: {  	[dreg:$0x4] =	wrdreg $0xC0  }
0xac: {  	_ =	task [dreg:s8], $0x5FFFF  }
0xad: {  	[dreg:$0x1] =	wrdreg $0xFFFFFFFF  }
0xae: {  	[dreg:$0x0] =	wrdreg $0x60  }
0xaf: {  	[dreg:$0x2] =	wrdreg s2  }
0xb0: {  	[dreg:$0x3] =	wrdreg s24  }
0xb1: {  	[dreg:$0x4] =	wrdreg s18  }
0xb2: {  	[dreg:$0x5] =	wrdreg $0xA8800  }
0xb3: {  	[dreg:$0x6] =	wrdreg $0x9  }
0xb4: {  	_ =	task.clear_ibuf [dreg:s8], $0x7FFFF;
	_ =	strace $0x90000046  }
0xb5: {  	s29 =	simm.s32 $0x9;
	_ =	strace $0x80000048  }
0xb6: {  	_ =	swait.ge [sflag:s29], $0x1  }
0xb7: {  	[sflag:s29] =	ssyncadd.s32 $0xFFFFFFFF  }
0xb8: {  	_ =	strace $0x90000048  }
0xb9: {  	_ =	sfence  }
0xba: {  	s30 =	sld [smem:$0x0];
	_ =	sdelay $0x2  }
0xbb: {  	s31 =	sshll.u32 s1, $0xD;
	s1 =	sshrl.u32 s1, $0x2  }
0xbc: {  	s3 =	sand.u32 $0x4000, s31;
	s1 =	sadd.s32 s1, s30  }
0xbd: {  	s0 =	sor.u32 s3, s0;
	s1 =	sshll.u32 s1, $0x11  }
0xbe: {  	s0 =	sor.u32 s1, s0  }
0xbf: {  	s0 =	sadd.s32 $0x8F2B, s0  }
0xc0: {  	[sflag:s0] =	ssyncadd.remote.s32 $0x1  }
0xc1: {  	_ =	sfence.sel $0xFFFF  }
0xc2: {  	[dreg:$0x0] =	wrdreg $0xFFFFFFFF;
	(pc) =	sbr.abs _section_cstart, $3  }
0xc3: {  	[dreg:$0x1] =	wrdreg $0xFFFFFFFF  }
0xc4: {  	_ =	task.clear_ibuf [dreg:s8], $0x2FFFF;
	_ =	strace $0x9FFFFFFF  }
0xc5: {  	(tm) =	ssettm $0x7FFFFFFF  }
tec
execute0_lowered:
.L_overlay_start_1:
0x0: {  	(tag) =	ssettag $0x1  }
0x1: {  	s0 =	rddreg [dreg:$0x0]  }
0x2: {  	s2 =	rddreg [dreg:$0x1]  }
0x3: {  	s1 =	srdreg.scid;
	s8 =	rddreg [dreg:$0x2]  }
0x4: {  	s16 =	stileid.u32;
	s3 =	rddreg [dreg:$0x3]  }
0x5: {  	s19 =	simm.s32 $0x5;
	s28 =	simm.s32 $0x1;
	s29 =	simm.s32 $0x3  }
0x6: {  	s30 =	simm.s32 $0x2;
	s31 =	simm.s32 $0x4;
	s9 =	smul.u32 $0x13C00, s16  }
0x7: {  	s1 =	sand.u32 $0x1, s1;
	s6 =	sadd.s32 $0x3D000, s2;
	s15 =	smul.u32 $0x4F000, s16  }
0x8: {  	s7 =	sadd.s32 $0x2200, s2;
	s4 =	sshll.u32 s1, $0x4;
	s11 =	smul.u32 $0x3B4000, s1  }
0x9: {  	s13 =	ssub.s32 $0x2, s1;
	s1 =	smul.u32 $0x27800, s1;
	s5 =	sor.u32 s16, s4  }
0xa: {  	s4 =	simm.s32 $0x0;
	s14 =	sshrl.u32 s13, $0x1;
	s20 =	sshrl.u32 s9, $0x3  }
0xb: {  	s5 =	smul.u32 $0x2780, s5;
	[smem:$0x7FF] =	sst s4;
	s11 =	sadd.s32 s9, s11  }
0xc: {  	s13 =	ssub.s32 s13, s14;
	s14 =	smul.u32 $0x2780, s16;
	s8 =	sadd.s32 s8, s20  }
0xd: {  	_ =	strace $0x80000047;
	s11 =	sshrl.u32 s11, $0x3;
	[dreg:$0x6] =	wrdreg s8  }
0xe: {  	s25 =	smax.u32 s13, $0x1;
	s10 =	sshrl.u32 s5, $0x3;
	s5 =	sadd.s32 $0x64200, s2  }
0xf: {  	s1 =	sadd.s32 s14, s1;
	[dreg:$0xa] =	wrdreg s25;
	s25 =	simm.s32 $0x6880  }
0x10: {  	s12 =	sadd.s32 s10, s2;
	s2 =	sadd.s32 s11, s2;
	s9 =	sadd.s32 s7, s10  }
0x11: {  	s22 =	sadd.s32 $0x180, s1;
	s18 =	sadd.s32 $0x100, s1;
	s1 =	simm.s32 $0x0  }
0x12: {  	s26 =	sadd.s32 $0xC000, s12;
	s12 =	sshrl.u32 s15, $0x2;
	s11 =	sadd.s32 $0x10, s9  }
0x13: {  	s21 =	sadd.s32 $0x8B400, s2;
	s23 =	sadd.s32 $0xB2C00, s2;
	[dreg:$0x5] =	wrdreg s26  }
0x14: {  	s2 =	sadd.s32 $0xDA400, s2;
	s24 =	sshrl.u32 s22, $0x3;
	[dreg:$0x7] =	wrdreg s21  }
0x15: {  	s22 =	simm.s32 $0x80;
	s15 =	sadd.s32 s12, s3;
	[dreg:$0x8] =	wrdreg s23  }
0x16: {  	s12 =	sadd.s32 $0x4E0, s9;
	[dreg:$0x9] =	wrdreg s2;
	s17 =	sadd.s32 s24, s7  }
0x17: {  	s26 =	sshll.u32 s16, $0x6;
	s23 =	simm.s32 $0x2880;
	s24 =	simm.s32 $0x2780  }
0x18: {  	s20 =	sor.u32 $0x1C05, s26;
	s21 =	sshrl.u32 s15, $0x3;
	s26 =	simm.s32 $0x2800  }
.LBB2_1:
0x19: {  	s2 =	rddreg [dreg:$0x5]  }
0x1a: {  	[tilespmem:s4], [sflag:$0x5] =	stream.linear.gather [hbm4b:s2+s4], $0x2780, $0x38;
	[tilespmem:$0x1E480] =	vst v63  }
0x1b: {  	_ =	swait.ge [sflag:s19], $0x2780  }
0x1c: {  	[sflag:s19] =	ssyncset.done $0x0  }
0x1d: {  	s15 =	rddreg [dreg:$0x6];
	[sflag:s19] =	ssyncadd.s32 $0xFFFFD880  }
0x1e: {  	[spmem:s21], [sflag:s20] =	dma.local [hbm:s15], $0x2780  }
0x1f: {  	_ =	swait.ge [sflag:s19], $0x2780  }
0x20: {  	[sflag:s19] =	ssyncset.done $0x0  }
0x21: {  	[sflag:s19] =	ssyncadd.s32 $0xFFFFD880  }
0x22: {  	[bflag:$0x0] =	sbarrier.arrive $0xFFFF  }
0x23: {  	[tilespmem:s23], [sflag:$0x1] =	stream.indirect.gather [hbm4b:s0+s22], $0x80, s4, s22, $0xb8;
	[tilespmem:$0x1E480] =	vst v63  }
0x24: {  	_ = 	snop  }
0x25: {  	[tilespmem:s24], [sflag:$0x3] =	stream.linear.gather [hbm4b:s9+s4], $0x80, $0x38;
	[tilespmem:$0x1E480] =	vst v63  }
0x26: {  	_ = 	snop  }
0x27: {  	[tilespmem:s25], [sflag:$0x2] =	stream.indirect.gather [hbm4b:s0+s22], $0x80, s22, s22, $0xb8;
	[tilespmem:$0x1E480] =	vst v63  }
0x28: {  	_ = 	snop  }
0x29: {  	[tilespmem:s26], [sflag:$0x4] =	stream.linear.gather [hbm4b:s11+s4], $0x80, $0x38;
	[tilespmem:$0x1E480] =	vst v63  }
0x2a: {  	_ =	swait.ge [sflag:s28], $0x4000  }
0x2b: {  	[sflag:s28] =	ssyncset.done $0x0  }
0x2c: {  	[sflag:s28] =	ssyncadd.s32 $0xFFFFC000  }
0x2d: {  	_ =	swait.ge [sflag:s29], $0x80  }
0x2e: {  	[sflag:s29] =	ssyncset.done $0x0  }
0x2f: {  	[sflag:s29] =	ssyncadd.s32 $0xFFFFFF80  }
0x30: {  	[spmem:s3] =	stream.indirect.scatter.add.f32 [tilespmem:s23], [sflag:$0x5], $0x80, s24, s22, $0xb8;
	[tilespmem:$0x1E480] =	vst v63  }
0x31: {  	_ =	swait.ge [sflag:s19], $0x4000  }
0x32: {  	[sflag:s19] =	ssyncset.done $0x0  }
0x33: {  	s8 =	simm.s32 $0x100;
	s13 =	sshrl.u32 s18, $0x3;
	[sflag:s19] =	ssyncadd.s32 $0xFFFFC000  }
0x34: {  	[tilespmem:s23], [sflag:$0x1] =	stream.indirect.gather [hbm4b:s0+s22], $0x80, s8, s22, $0xb8;
	[tilespmem:$0x1E480] =	vst v63  }
0x35: {  	s8 =	sadd.s32 s7, s13  }
0x36: {  	[tilespmem:s24], [sflag:$0x3] =	stream.linear.gather [hbm4b:s8+s4], $0x80, $0x38;
	[tilespmem:$0x1E480] =	vst v63  }
0x37: {  	_ =	swait.ge [sflag:s30], $0x4000  }
0x38: {  	[sflag:s30] =	ssyncset.done $0x0  }
0x39: {  	[sflag:s30] =	ssyncadd.s32 $0xFFFFC000  }
0x3a: {  	_ =	swait.ge [sflag:s31], $0x80  }
0x3b: {  	[sflag:s31] =	ssyncset.done $0x0  }
0x3c: {  	[sflag:s31] =	ssyncadd.s32 $0xFFFFFF80  }
0x3d: {  	[spmem:s3] =	stream.indirect.scatter.add.f32 [tilespmem:s25], [sflag:$0x5], $0x80, s26, s22, $0xb8;
	[tilespmem:$0x1E480] =	vst v63  }
0x3e: {  	_ =	swait.ge [sflag:s19], $0x4000  }
0x3f: {  	[sflag:s19] =	ssyncset.done $0x0  }
0x40: {  	s16 =	simm.s32 $0x180;
	s14 =	simm.s32 $0x280;
	[sflag:s19] =	ssyncadd.s32 $0xFFFFC000  }
0x41: {  	[tilespmem:s25], [sflag:$0x2] =	stream.indirect.gather [hbm4b:s0+s22], $0x80, s16, s22, $0xb8;
	[tilespmem:$0x1E480] =	vst v63  }
0x42: {  	s15 =	sadd.s32 $0x100, s18;
	s13 =	simm.s32 $0x20;
	s16 =	sadd.s32 $0x0, s17  }
.LBB2_2:
0x43: {  	[tilespmem:s26], [sflag:$0x4] =	stream.linear.gather [hbm4b:s16+s4], $0x80, $0x38;
	[tilespmem:$0x1E480] =	vst v63  }
0x44: {  	s16 =	smov.u32 s13  }
0x45: {  	p0 =	sne.s32 s13, $0x4A0;
	s13 =	sadd.s32 $0x20, s13;
	_ =	swait.ge [sflag:s28], $0x4000  }
0x46: {  	[sflag:s28] =	ssyncset.done $0x0  }
0x47: {  	[sflag:s28] =	ssyncadd.s32 $0xFFFFC000  }
0x48: {  	_ =	swait.ge [sflag:s29], $0x80  }
0x49: {  	[sflag:s29] =	ssyncset.done $0x0  }
0x4a: {  	[sflag:s29] =	ssyncadd.s32 $0xFFFFFF80  }
0x4b: {  	[spmem:s3] =	stream.indirect.scatter.add.f32 [tilespmem:s23], [sflag:$0x5], $0x80, s24, s22, $0xb8;
	[tilespmem:$0x1E480] =	vst v63  }
0x4c: {  	_ =	swait.ge [sflag:s19], $0x4000  }
0x4d: {  	[sflag:s19] =	ssyncset.done $0x0  }
0x4e: {  	s2 =	sadd.s32 $0xFFFFFF80, s14;
	s10 =	sshrl.u32 s15, $0x3;
	[sflag:s19] =	ssyncadd.s32 $0xFFFFC000  }
0x4f: {  	[tilespmem:s23], [sflag:$0x1] =	stream.indirect.gather [hbm4b:s0+s22], $0x80, s2, s22, $0xb8;
	[tilespmem:$0x1E480] =	vst v63  }
0x50: {  	s2 =	sadd.s32 s7, s10  }
0x51: {  	[tilespmem:s24], [sflag:$0x3] =	stream.linear.gather [hbm4b:s2+s4], $0x80, $0x38;
	[tilespmem:$0x1E480] =	vst v63  }
0x52: {  	_ =	swait.ge [sflag:s30], $0x4000  }
0x53: {  	[sflag:s30] =	ssyncset.done $0x0  }
0x54: {  	[sflag:s30] =	ssyncadd.s32 $0xFFFFC000  }
0x55: {  	_ =	swait.ge [sflag:s31], $0x80  }
0x56: {  	[sflag:s31] =	ssyncset.done $0x0  }
0x57: {  	[sflag:s31] =	ssyncadd.s32 $0xFFFFFF80  }
0x58: {  	[spmem:s3] =	stream.indirect.scatter.add.f32 [tilespmem:s25], [sflag:$0x5], $0x80, s26, s22, $0xb8;
	[tilespmem:$0x1E480] =	vst v63  }
.Ltmp0:
0x59: {  	_ =	swait.ge [sflag:s19], $0x4000;
	(pc) =	sbr.rel @p0 .LBB2_2-.Ltmp0, $4  }
0x5a: {  	[sflag:s19] =	ssyncset.done $0x0  }
0x5b: {  	[sflag:s19] =	ssyncadd.s32 $0xFFFFC000  }
0x5c: {  	[tilespmem:s25], [sflag:$0x2] =	stream.indirect.gather [hbm4b:s0+s22], $0x80, s14, s22, $0xb8;
	[tilespmem:$0x1E480] =	vst v63  }
0x5d: {  	s15 =	sadd.s32 $0x100, s15;
	s16 =	sadd.s32 s16, s17;
	s14 =	sadd.s32 $0x100, s14  }
0x5e: {  	[tilespmem:s26], [sflag:$0x4] =	stream.linear.gather [hbm4b:s16+s4], $0x80, $0x38;
	[tilespmem:$0x1E480] =	vst v63  }
0x5f: {  	_ =	swait.ge [sflag:s28], $0x4000  }
0x60: {  	[sflag:s28] =	ssyncset.done $0x0  }
0x61: {  	[sflag:s28] =	ssyncadd.s32 $0xFFFFC000  }
0x62: {  	_ =	swait.ge [sflag:s29], $0x80  }
0x63: {  	[sflag:s29] =	ssyncset.done $0x0  }
0x64: {  	[sflag:s29] =	ssyncadd.s32 $0xFFFFFF80  }
0x65: {  	[spmem:s3] =	stream.indirect.scatter.add.f32 [tilespmem:s23], [sflag:$0x5], $0x80, s24, s22, $0xb8;
	[tilespmem:$0x1E480] =	vst v63  }
0x66: {  	_ =	swait.ge [sflag:s19], $0x4000  }
0x67: {  	[sflag:s19] =	ssyncset.done $0x0  }
0x68: {  	s2 =	simm.s32 $0x2700;
	[sflag:s19] =	ssyncadd.s32 $0xFFFFC000  }
0x69: {  	[tilespmem:s23], [sflag:$0x1] =	stream.indirect.gather [hbm4b:s0+s22], $0x80, s2, s22, $0xb8;
	[tilespmem:$0x1E480] =	vst v63  }
0x6a: {  	s13 =	simm.s32 $0x0  }
0x6b: {  	[tilespmem:s24], [sflag:$0x3] =	stream.linear.gather [hbm4b:s12+s13], $0x80, $0x38;
	[tilespmem:$0x1E480] =	vst v63  }
0x6c: {  	_ =	swait.ge [sflag:s30], $0x4000  }
0x6d: {  	[sflag:s30] =	ssyncset.done $0x0  }
0x6e: {  	[sflag:s30] =	ssyncadd.s32 $0xFFFFC000  }
0x6f: {  	_ =	swait.ge [sflag:s31], $0x80  }
0x70: {  	[sflag:s31] =	ssyncset.done $0x0  }
0x71: {  	[sflag:s31] =	ssyncadd.s32 $0xFFFFFF80  }
0x72: {  	[spmem:s3] =	stream.indirect.scatter.add.f32 [tilespmem:s25], [sflag:$0x5], $0x80, s26, s22, $0xb8;
	[tilespmem:$0x1E480] =	vst v63  }
0x73: {  	_ =	swait.ge [sflag:s19], $0x4000  }
0x74: {  	[sflag:s19] =	ssyncset.done $0x0  }
0x75: {  	[sflag:s19] =	ssyncadd.s32 $0xFFFFC000  }
0x76: {  	_ =	swait.ge [sflag:s28], $0x4000  }
0x77: {  	[sflag:s28] =	ssyncset.done $0x0  }
0x78: {  	[sflag:s28] =	ssyncadd.s32 $0xFFFFC000  }
0x79: {  	_ =	swait.ge [sflag:s29], $0x80  }
0x7a: {  	[sflag:s29] =	ssyncset.done $0x0  }
0x7b: {  	[sflag:s29] =	ssyncadd.s32 $0xFFFFFF80  }
0x7c: {  	[spmem:s3] =	stream.indirect.scatter.add.f32 [tilespmem:s23], [sflag:$0x5], $0x80, s24, s22, $0xb8;
	[tilespmem:$0x1E480] =	vst v63  }
0x7d: {  	_ =	swait.ge [sflag:s19], $0x4000  }
0x7e: {  	[sflag:s19] =	ssyncset.done $0x0  }
0x7f: {  	[sflag:s19] =	ssyncadd.s32 $0xFFFFC000  }
0x80: {  	[bflag:$0x0] =	sbarrier.arrive $0xFFFF  }
0x81: {  	s10 =	rddreg [dreg:$0x7]  }
0x82: {  	[hbm:s10], [sflag:s20] =	dma.local [spmem:s21], $0x2780  }
0x83: {  	_ =	swait.ge [sflag:s19], $0x2780  }
0x84: {  	[sflag:s19] =	ssyncset.done $0x0  }
0x85: {  	[sflag:s19] =	ssyncadd.s32 $0xFFFFD880  }
0x86: {  	[bflag:$0x0] =	sbarrier.arrive $0xFFFF  }
0x87: {  	s14 =	rddreg [dreg:$0x6]  }
0x88: {  	[spmem:s21], [sflag:s20] =	dma.local [hbm:s14], $0x2780  }
0x89: {  	_ =	swait.ge [sflag:s19], $0x2780  }
0x8a: {  	[sflag:s19] =	ssyncset.done $0x0  }
0x8b: {  	[sflag:s19] =	ssyncadd.s32 $0xFFFFD880  }
0x8c: {  	[bflag:$0x0] =	sbarrier.arrive $0xFFFF  }
0x8d: {  	[tilespmem:s23], [sflag:$0x1] =	stream.indirect.gather [hbm4b:s5+s22], $0x80, s13, s22, $0xb8;
	[tilespmem:$0x1E480] =	vst v63  }
0x8e: {  	_ = 	snop  }
0x8f: {  	[tilespmem:s24], [sflag:$0x3] =	stream.linear.gather [hbm4b:s9+s13], $0x80, $0x38;
	[tilespmem:$0x1E480] =	vst v63  }
0x90: {  	_ = 	snop  }
0x91: {  	[tilespmem:s25], [sflag:$0x2] =	stream.indirect.gather [hbm4b:s5+s22], $0x80, s22, s22, $0xb8;
	[tilespmem:$0x1E480] =	vst v63  }
0x92: {  	_ = 	snop  }
0x93: {  	[tilespmem:s26], [sflag:$0x4] =	stream.linear.gather [hbm4b:s11+s13], $0x80, $0x38;
	[tilespmem:$0x1E480] =	vst v63  }
0x94: {  	_ =	swait.ge [sflag:s28], $0x4000  }
0x95: {  	[sflag:s28] =	ssyncset.done $0x0  }
0x96: {  	[sflag:s28] =	ssyncadd.s32 $0xFFFFC000  }
0x97: {  	_ =	swait.ge [sflag:s29], $0x80  }
0x98: {  	[sflag:s29] =	ssyncset.done $0x0  }
0x99: {  	[sflag:s29] =	ssyncadd.s32 $0xFFFFFF80  }
0x9a: {  	[spmem:s3] =	stream.indirect.scatter.add.f32 [tilespmem:s23], [sflag:$0x5], $0x80, s24, s22, $0xb8;
	[tilespmem:$0x1E480] =	vst v63  }
0x9b: {  	_ =	swait.ge [sflag:s19], $0x4000  }
0x9c: {  	[sflag:s19] =	ssyncset.done $0x0  }
0x9d: {  	s15 =	simm.s32 $0x100;
	[sflag:s19] =	ssyncadd.s32 $0xFFFFC000  }
0x9e: {  	[tilespmem:s23], [sflag:$0x1] =	stream.indirect.gather [hbm4b:s5+s22], $0x80, s15, s22, $0xb8;
	[tilespmem:$0x1E480] =	vst v63  }
0x9f: {  	_ = 	snop  }
0xa0: {  	[tilespmem:s24], [sflag:$0x3] =	stream.linear.gather [hbm4b:s8+s4], $0x80, $0x38;
	[tilespmem:$0x1E480] =	vst v63  }
0xa1: {  	_ =	swait.ge [sflag:s30], $0x4000  }
0xa2: {  	[sflag:s30] =	ssyncset.done $0x0  }
0xa3: {  	[sflag:s30] =	ssyncadd.s32 $0xFFFFC000  }
0xa4: {  	_ =	swait.ge [sflag:s31], $0x80  }
0xa5: {  	[sflag:s31] =	ssyncset.done $0x0  }
0xa6: {  	[sflag:s31] =	ssyncadd.s32 $0xFFFFFF80  }
0xa7: {  	[spmem:s3] =	stream.indirect.scatter.add.f32 [tilespmem:s25], [sflag:$0x5], $0x80, s26, s22, $0xb8;
	[tilespmem:$0x1E480] =	vst v63  }
0xa8: {  	_ =	swait.ge [sflag:s19], $0x4000  }
0xa9: {  	[sflag:s19] =	ssyncset.done $0x0  }
0xaa: {  	s16 =	simm.s32 $0x180;
	s14 =	simm.s32 $0x280;
	[sflag:s19] =	ssyncadd.s32 $0xFFFFC000  }
0xab: {  	[tilespmem:s25], [sflag:$0x2] =	stream.indirect.gather [hbm4b:s5+s22], $0x80, s16, s22, $0xb8;
	[tilespmem:$0x1E480] =	vst v63  }
0xac: {  	s13 =	simm.s32 $0x20;
	s15 =	sadd.s32 $0x100, s18;
	s16 =	sadd.s32 $0x0, s17  }
.LBB2_4:
0xad: {  	[tilespmem:s26], [sflag:$0x4] =	stream.linear.gather [hbm4b:s16+s4], $0x80, $0x38;
	[tilespmem:$0x1E480] =	vst v63  }
0xae: {  	s2 =	smov.u32 s13  }
0xaf: {  	p0 =	sne.s32 s13, $0x4A0;
	s13 =	sadd.s32 $0x20, s13;
	_ =	swait.ge [sflag:s28], $0x4000  }
0xb0: {  	[sflag:s28] =	ssyncset.done $0x0  }
0xb1: {  	[sflag:s28] =	ssyncadd.s32 $0xFFFFC000  }
0xb2: {  	_ =	swait.ge [sflag:s29], $0x80  }
0xb3: {  	[sflag:s29] =	ssyncset.done $0x0  }
0xb4: {  	[sflag:s29] =	ssyncadd.s32 $0xFFFFFF80  }
0xb5: {  	[spmem:s3] =	stream.indirect.scatter.add.f32 [tilespmem:s23], [sflag:$0x5], $0x80, s24, s22, $0xb8;
	[tilespmem:$0x1E480] =	vst v63  }
0xb6: {  	_ =	swait.ge [sflag:s19], $0x4000  }
0xb7: {  	[sflag:s19] =	ssyncset.done $0x0  }
0xb8: {  	s10 =	sadd.s32 $0xFFFFFF80, s14;
	s16 =	sshrl.u32 s15, $0x3;
	[sflag:s19] =	ssyncadd.s32 $0xFFFFC000  }
0xb9: {  	[tilespmem:s23], [sflag:$0x1] =	stream.indirect.gather [hbm4b:s5+s22], $0x80, s10, s22, $0xb8;
	[tilespmem:$0x1E480] =	vst v63  }
0xba: {  	s10 =	sadd.s32 s7, s16  }
0xbb: {  	[tilespmem:s24], [sflag:$0x3] =	stream.linear.gather [hbm4b:s10+s4], $0x80, $0x38;
	[tilespmem:$0x1E480] =	vst v63  }
0xbc: {  	_ =	swait.ge [sflag:s30], $0x4000  }
0xbd: {  	[sflag:s30] =	ssyncset.done $0x0  }
0xbe: {  	[sflag:s30] =	ssyncadd.s32 $0xFFFFC000  }
0xbf: {  	_ =	swait.ge [sflag:s31], $0x80  }
0xc0: {  	[sflag:s31] =	ssyncset.done $0x0  }
0xc1: {  	[sflag:s31] =	ssyncadd.s32 $0xFFFFFF80  }
0xc2: {  	[spmem:s3] =	stream.indirect.scatter.add.f32 [tilespmem:s25], [sflag:$0x5], $0x80, s26, s22, $0xb8;
	[tilespmem:$0x1E480] =	vst v63  }
.Ltmp1:
0xc3: {  	_ =	swait.ge [sflag:s19], $0x4000;
	(pc) =	sbr.rel @p0 .LBB2_4-.Ltmp1, $4  }
0xc4: {  	[sflag:s19] =	ssyncset.done $0x0  }
0xc5: {  	[sflag:s19] =	ssyncadd.s32 $0xFFFFC000  }
0xc6: {  	[tilespmem:s25], [sflag:$0x2] =	stream.indirect.gather [hbm4b:s5+s22], $0x80, s14, s22, $0xb8;
	[tilespmem:$0x1E480] =	vst v63  }
0xc7: {  	s15 =	sadd.s32 $0x100, s15;
	s16 =	sadd.s32 s2, s17;
	s14 =	sadd.s32 $0x100, s14  }
0xc8: {  	[tilespmem:s26], [sflag:$0x4] =	stream.linear.gather [hbm4b:s16+s4], $0x80, $0x38;
	[tilespmem:$0x1E480] =	vst v63  }
0xc9: {  	_ =	swait.ge [sflag:s28], $0x4000  }
0xca: {  	[sflag:s28] =	ssyncset.done $0x0  }
0xcb: {  	[sflag:s28] =	ssyncadd.s32 $0xFFFFC000  }
0xcc: {  	_ =	swait.ge [sflag:s29], $0x80  }
0xcd: {  	[sflag:s29] =	ssyncset.done $0x0  }
0xce: {  	[sflag:s29] =	ssyncadd.s32 $0xFFFFFF80  }
0xcf: {  	[spmem:s3] =	stream.indirect.scatter.add.f32 [tilespmem:s23], [sflag:$0x5], $0x80, s24, s22, $0xb8;
	[tilespmem:$0x1E480] =	vst v63  }
0xd0: {  	_ =	swait.ge [sflag:s19], $0x4000  }
0xd1: {  	[sflag:s19] =	ssyncset.done $0x0  }
0xd2: {  	s2 =	simm.s32 $0x2700;
	[sflag:s19] =	ssyncadd.s32 $0xFFFFC000  }
0xd3: {  	[tilespmem:s23], [sflag:$0x1] =	stream.indirect.gather [hbm4b:s5+s22], $0x80, s2, s22, $0xb8;
	[tilespmem:$0x1E480] =	vst v63  }
0xd4: {  	s13 =	simm.s32 $0x0  }
0xd5: {  	[tilespmem:s24], [sflag:$0x3] =	stream.linear.gather [hbm4b:s12+s13], $0x80, $0x38;
	[tilespmem:$0x1E480] =	vst v63  }
0xd6: {  	_ =	swait.ge [sflag:s30], $0x4000  }
0xd7: {  	[sflag:s30] =	ssyncset.done $0x0  }
0xd8: {  	[sflag:s30] =	ssyncadd.s32 $0xFFFFC000  }
0xd9: {  	_ =	swait.ge [sflag:s31], $0x80  }
0xda: {  	[sflag:s31] =	ssyncset.done $0x0  }
0xdb: {  	[sflag:s31] =	ssyncadd.s32 $0xFFFFFF80  }
0xdc: {  	[spmem:s3] =	stream.indirect.scatter.add.f32 [tilespmem:s25], [sflag:$0x5], $0x80, s26, s22, $0xb8;
	[tilespmem:$0x1E480] =	vst v63  }
0xdd: {  	_ =	swait.ge [sflag:s19], $0x4000  }
0xde: {  	[sflag:s19] =	ssyncset.done $0x0  }
0xdf: {  	[sflag:s19] =	ssyncadd.s32 $0xFFFFC000  }
0xe0: {  	_ =	swait.ge [sflag:s28], $0x4000  }
0xe1: {  	[sflag:s28] =	ssyncset.done $0x0  }
0xe2: {  	[sflag:s28] =	ssyncadd.s32 $0xFFFFC000  }
0xe3: {  	_ =	swait.ge [sflag:s29], $0x80  }
0xe4: {  	[sflag:s29] =	ssyncset.done $0x0  }
0xe5: {  	[sflag:s29] =	ssyncadd.s32 $0xFFFFFF80  }
0xe6: {  	[spmem:s3] =	stream.indirect.scatter.add.f32 [tilespmem:s23], [sflag:$0x5], $0x80, s24, s22, $0xb8;
	[tilespmem:$0x1E480] =	vst v63  }
0xe7: {  	_ =	swait.ge [sflag:s19], $0x4000  }
0xe8: {  	[sflag:s19] =	ssyncset.done $0x0  }
0xe9: {  	[sflag:s19] =	ssyncadd.s32 $0xFFFFC000  }
0xea: {  	[bflag:$0x0] =	sbarrier.arrive $0xFFFF  }
0xeb: {  	s10 =	rddreg [dreg:$0x8]  }
0xec: {  	[hbm:s10], [sflag:s20] =	dma.local [spmem:s21], $0x2780  }
0xed: {  	_ =	swait.ge [sflag:s19], $0x2780  }
0xee: {  	[sflag:s19] =	ssyncset.done $0x0  }
0xef: {  	[sflag:s19] =	ssyncadd.s32 $0xFFFFD880  }
0xf0: {  	[bflag:$0x0] =	sbarrier.arrive $0xFFFF  }
0xf1: {  	s14 =	rddreg [dreg:$0x6]  }
0xf2: {  	[spmem:s21], [sflag:s20] =	dma.local [hbm:s14], $0x2780  }
0xf3: {  	_ =	swait.ge [sflag:s19], $0x2780  }
0xf4: {  	[sflag:s19] =	ssyncset.done $0x0  }
0xf5: {  	[sflag:s19] =	ssyncadd.s32 $0xFFFFD880  }
0xf6: {  	[bflag:$0x0] =	sbarrier.arrive $0xFFFF  }
0xf7: {  	[tilespmem:s23], [sflag:$0x1] =	stream.indirect.gather [hbm4b:s6+s22], $0x80, s13, s22, $0xb8;
	[tilespmem:$0x1E480] =	vst v63  }
0xf8: {  	_ = 	snop  }
0xf9: {  	[tilespmem:s24], [sflag:$0x3] =	stream.linear.gather [hbm4b:s9+s13], $0x80, $0x38;
	[tilespmem:$0x1E480] =	vst v63  }
0xfa: {  	_ = 	snop  }
0xfb: {  	[tilespmem:s25], [sflag:$0x2] =	stream.indirect.gather [hbm4b:s6+s22], $0x80, s22, s22, $0xb8;
	[tilespmem:$0x1E480] =	vst v63  }
0xfc: {  	_ = 	snop  }
0xfd: {  	[tilespmem:s26], [sflag:$0x4] =	stream.linear.gather [hbm4b:s11+s13], $0x80, $0x38;
	[tilespmem:$0x1E480] =	vst v63  }
0xfe: {  	_ =	swait.ge [sflag:s28], $0x4000  }
0xff: {  	[sflag:s28] =	ssyncset.done $0x0  }
0x100: {  	[sflag:s28] =	ssyncadd.s32 $0xFFFFC000  }
0x101: {  	_ =	swait.ge [sflag:s29], $0x80  }
0x102: {  	[sflag:s29] =	ssyncset.done $0x0  }
0x103: {  	[sflag:s29] =	ssyncadd.s32 $0xFFFFFF80  }
0x104: {  	[spmem:s3] =	stream.indirect.scatter.add.f32 [tilespmem:s23], [sflag:$0x5], $0x80, s24, s22, $0xb8;
	[tilespmem:$0x1E480] =	vst v63  }
0x105: {  	_ =	swait.ge [sflag:s19], $0x4000  }
0x106: {  	[sflag:s19] =	ssyncset.done $0x0  }
0x107: {  	s15 =	simm.s32 $0x100;
	[sflag:s19] =	ssyncadd.s32 $0xFFFFC000  }
0x108: {  	[tilespmem:s23], [sflag:$0x1] =	stream.indirect.gather [hbm4b:s6+s22], $0x80, s15, s22, $0xb8;
	[tilespmem:$0x1E480] =	vst v63  }
0x109: {  	_ = 	snop  }
0x10a: {  	[tilespmem:s24], [sflag:$0x3] =	stream.linear.gather [hbm4b:s8+s4], $0x80, $0x38;
	[tilespmem:$0x1E480] =	vst v63  }
0x10b: {  	_ =	swait.ge [sflag:s30], $0x4000  }
0x10c: {  	[sflag:s30] =	ssyncset.done $0x0  }
0x10d: {  	[sflag:s30] =	ssyncadd.s32 $0xFFFFC000  }
0x10e: {  	_ =	swait.ge [sflag:s31], $0x80  }
0x10f: {  	[sflag:s31] =	ssyncset.done $0x0  }
0x110: {  	[sflag:s31] =	ssyncadd.s32 $0xFFFFFF80  }
0x111: {  	[spmem:s3] =	stream.indirect.scatter.add.f32 [tilespmem:s25], [sflag:$0x5], $0x80, s26, s22, $0xb8;
	[tilespmem:$0x1E480] =	vst v63  }
0x112: {  	s16 =	simm.s32 $0x180;
	_ =	swait.ge [sflag:s19], $0x4000  }
0x113: {  	s14 =	sadd.s32 $0x100, s18;
	s13 =	simm.s32 $0x280;
	[sflag:s19] =	ssyncset.done $0x0  }
0x114: {  	s15 =	sadd.s32 $0x0, s17;
	s8 =	simm.s32 $0x20;
	[sflag:s19] =	ssyncadd.s32 $0xFFFFC000  }
0x115: {  	[tilespmem:s25], [sflag:$0x2] =	stream.indirect.gather [hbm4b:s6+s22], $0x80, s16, s22, $0xb8;
	[tilespmem:$0x1E480] =	vst v63  }
.LBB2_6:
0x116: {  	[tilespmem:s26], [sflag:$0x4] =	stream.linear.gather [hbm4b:s15+s4], $0x80, $0x38;
	[tilespmem:$0x1E480] =	vst v63  }
0x117: {  	s2 =	smov.u32 s8  }
0x118: {  	p0 =	sne.s32 s8, $0x4A0;
	s8 =	sadd.s32 $0x20, s8;
	_ =	swait.ge [sflag:s28], $0x4000  }
0x119: {  	[sflag:s28] =	ssyncset.done $0x0  }
0x11a: {  	[sflag:s28] =	ssyncadd.s32 $0xFFFFC000  }
0x11b: {  	_ =	swait.ge [sflag:s29], $0x80  }
0x11c: {  	[sflag:s29] =	ssyncset.done $0x0  }
0x11d: {  	[sflag:s29] =	ssyncadd.s32 $0xFFFFFF80  }
0x11e: {  	[spmem:s3] =	stream.indirect.scatter.add.f32 [tilespmem:s23], [sflag:$0x5], $0x80, s24, s22, $0xb8;
	[tilespmem:$0x1E480] =	vst v63  }
0x11f: {  	_ =	swait.ge [sflag:s19], $0x4000  }
0x120: {  	[sflag:s19] =	ssyncset.done $0x0  }
0x121: {  	s10 =	sadd.s32 $0xFFFFFF80, s13;
	s15 =	sshrl.u32 s14, $0x3;
	[sflag:s19] =	ssyncadd.s32 $0xFFFFC000  }
0x122: {  	[tilespmem:s23], [sflag:$0x1] =	stream.indirect.gather [hbm4b:s6+s22], $0x80, s10, s22, $0xb8;
	[tilespmem:$0x1E480] =	vst v63  }
0x123: {  	s10 =	sadd.s32 s7, s15  }
0x124: {  	[tilespmem:s24], [sflag:$0x3] =	stream.linear.gather [hbm4b:s10+s4], $0x80, $0x38;
	[tilespmem:$0x1E480] =	vst v63  }
0x125: {  	_ =	swait.ge [sflag:s30], $0x4000  }
0x126: {  	[sflag:s30] =	ssyncset.done $0x0  }
0x127: {  	[sflag:s30] =	ssyncadd.s32 $0xFFFFC000  }
0x128: {  	_ =	swait.ge [sflag:s31], $0x80  }
0x129: {  	[sflag:s31] =	ssyncset.done $0x0  }
0x12a: {  	[sflag:s31] =	ssyncadd.s32 $0xFFFFFF80  }
0x12b: {  	[spmem:s3] =	stream.indirect.scatter.add.f32 [tilespmem:s25], [sflag:$0x5], $0x80, s26, s22, $0xb8;
	[tilespmem:$0x1E480] =	vst v63  }
.Ltmp2:
0x12c: {  	_ =	swait.ge [sflag:s19], $0x4000;
	(pc) =	sbr.rel @p0 .LBB2_6-.Ltmp2, $4  }
0x12d: {  	[sflag:s19] =	ssyncset.done $0x0  }
0x12e: {  	[sflag:s19] =	ssyncadd.s32 $0xFFFFC000  }
0x12f: {  	[tilespmem:s25], [sflag:$0x2] =	stream.indirect.gather [hbm4b:s6+s22], $0x80, s13, s22, $0xb8;
	[tilespmem:$0x1E480] =	vst v63  }
0x130: {  	s14 =	sadd.s32 $0x100, s14;
	s15 =	sadd.s32 s2, s17;
	s13 =	sadd.s32 $0x100, s13  }
0x131: {  	[tilespmem:s26], [sflag:$0x4] =	stream.linear.gather [hbm4b:s15+s4], $0x80, $0x38;
	[tilespmem:$0x1E480] =	vst v63  }
0x132: {  	_ =	swait.ge [sflag:s28], $0x4000  }
0x133: {  	[sflag:s28] =	ssyncset.done $0x0  }
0x134: {  	[sflag:s28] =	ssyncadd.s32 $0xFFFFC000  }
0x135: {  	_ =	swait.ge [sflag:s29], $0x80  }
0x136: {  	[sflag:s29] =	ssyncset.done $0x0  }
0x137: {  	[sflag:s29] =	ssyncadd.s32 $0xFFFFFF80  }
0x138: {  	[spmem:s3] =	stream.indirect.scatter.add.f32 [tilespmem:s23], [sflag:$0x5], $0x80, s24, s22, $0xb8;
	[tilespmem:$0x1E480] =	vst v63  }
0x139: {  	_ =	swait.ge [sflag:s19], $0x4000  }
0x13a: {  	[sflag:s19] =	ssyncset.done $0x0  }
0x13b: {  	s2 =	simm.s32 $0x2700;
	[sflag:s19] =	ssyncadd.s32 $0xFFFFC000  }
0x13c: {  	[tilespmem:s23], [sflag:$0x1] =	stream.indirect.gather [hbm4b:s6+s22], $0x80, s2, s22, $0xb8;
	[tilespmem:$0x1E480] =	vst v63  }
0x13d: {  	_ = 	snop  }
0x13e: {  	[tilespmem:s24], [sflag:$0x3] =	stream.linear.gather [hbm4b:s12+s4], $0x80, $0x38;
	[tilespmem:$0x1E480] =	vst v63  }
0x13f: {  	_ =	swait.ge [sflag:s30], $0x4000  }
0x140: {  	[sflag:s30] =	ssyncset.done $0x0  }
0x141: {  	[sflag:s30] =	ssyncadd.s32 $0xFFFFC000  }
0x142: {  	_ =	swait.ge [sflag:s31], $0x80  }
0x143: {  	[sflag:s31] =	ssyncset.done $0x0  }
0x144: {  	[sflag:s31] =	ssyncadd.s32 $0xFFFFFF80  }
0x145: {  	[spmem:s3] =	stream.indirect.scatter.add.f32 [tilespmem:s25], [sflag:$0x5], $0x80, s26, s22, $0xb8;
	[tilespmem:$0x1E480] =	vst v63  }
0x146: {  	_ =	swait.ge [sflag:s19], $0x4000  }
0x147: {  	[sflag:s19] =	ssyncset.done $0x0  }
0x148: {  	[sflag:s19] =	ssyncadd.s32 $0xFFFFC000  }
0x149: {  	_ =	swait.ge [sflag:s28], $0x4000  }
0x14a: {  	[sflag:s28] =	ssyncset.done $0x0  }
0x14b: {  	[sflag:s28] =	ssyncadd.s32 $0xFFFFC000  }
0x14c: {  	_ =	swait.ge [sflag:s29], $0x80  }
0x14d: {  	[sflag:s29] =	ssyncset.done $0x0  }
0x14e: {  	[sflag:s29] =	ssyncadd.s32 $0xFFFFFF80  }
0x14f: {  	[spmem:s3] =	stream.indirect.scatter.add.f32 [tilespmem:s23], [sflag:$0x5], $0x80, s24, s22, $0xb8;
	[tilespmem:$0x1E480] =	vst v63  }
0x150: {  	_ =	swait.ge [sflag:s19], $0x4000  }
0x151: {  	[sflag:s19] =	ssyncset.done $0x0  }
0x152: {  	[sflag:s19] =	ssyncadd.s32 $0xFFFFC000  }
0x153: {  	[bflag:$0x0] =	sbarrier.arrive $0xFFFF  }
0x154: {  	s15 =	rddreg [dreg:$0x9]  }
0x155: {  	[hbm:s15], [sflag:s20] =	dma.local [spmem:s21], $0x2780  }
0x156: {  	_ =	swait.ge [sflag:s19], $0x2780  }
0x157: {  	s1 =	sadd.s32 $0x1, s1;
	s16 =	rddreg [dreg:$0xa]  }
0x158: {  	p0 =	sne.s32 s1, s16  }
.Ltmp3:
0x159: {  	_ = 	snop;
	(pc) =	sbr.rel @p0 .LBB2_1-.Ltmp3, $3  }
0x15a: {  	[sflag:s19] =	ssyncset.done $0x0  }
0x15b: {  	[sflag:s19] =	ssyncadd.s32 $0xFFFFD880  }
0x15c: {  	[bflag:$0x0] =	sbarrier.arrive $0xFFFF;
	_ =	sdelay $0x1  }
0x15d: {  	_ =	sfence.sel $0x180000  }
0x15e: {  	[bflag:$0x0] =	sbarrier.arrive $0xFFFF  }
0x15f: {  	_ =	strace $0x90000047  }
0x160: {  	s0 =	stileid.u32;
	[bflag:$0x2] =	sbarrier.arrive $0xFFFF  }
0x161: {  	p0 =	sne.s32 s0, $0x0;
	s0 =	rddreg [dreg:$0x4]  }
0x162: {  	s0 =	sadd.s32 @!p0 $0x100000, s0  }
0x163: {  	[sflag:s0] =	ssyncadd.tile.s32 @!p0 $0x1;
	_ =	shalt  }
.Lfunc_end2:
_tile_overlayer_lowered:
.L_overlay_start_2:
0x164: {  	(tag) =	ssettag $0x2  }
0x165: {  	s0 =	rddreg [dreg:$0x0];
	s2 =	stileid.u32  }
0x166: {  	s1 =	rddreg [dreg:$0x1];
	p0 =	sne.s32 s2, $0x0  }
0x167: {  	s3 =	rddreg [dreg:$0x2];
	[bflag:$0x3] =	sbarrier.arrive $0xFFFF;
	s2 =	simm.s32 @!p0 $0x1C05  }
0x168: {  	[timem:s3], [sflag:s2] =	dma.local @!p0 [hbm:s0], s1  }
0x169: {  	s0 =	simm.s32 @!p0 $0x5  }
0x16a: {  	_ =	swait.ge @!p0 [sflag:s0], s1  }
0x16b: {  	s1 =	ssub.s32 @!p0 $0x0, s1;
	[sflag:s0] =	ssyncset.done @!p0 $0x0  }
0x16c: {  	[sflag:s0] =	ssyncadd.s32 @!p0 s1  }
0x16d: {  	[bflag:$0x3] =	sbarrier.arrive $0xFFFF  }
0x16e: {  	_ =	shalt  }

</sc_bundles>
